<compile_context>
chip_gen: v7x
topology: tpu7x:2x2x1
jax: 0.10.2.dev20260603
libtpu: 0.0.44.dev20260713+nightly
codegen_flags: <defaults>
</compile_context>

<pallas_src>
import functools

import jax
import jax.numpy as jnp
from jax import lax
from jax.experimental import pallas as pl
from jax.experimental.pallas import tpu as pltpu
from jax.experimental.pallas import tpu_sc as plsc

N = 10000
E = 320000
D = 128
DA = 144
NC, NS = 2, 16
NW = NC * NS
CHUNK = 128
CPW = -(-E // (NW * CHUNK))
EPAD = NW * CPW * CHUNK
NPAD = NW * 320
ROWS_PT = NPAD // NS


def _sc_agg_body(x_hbm, src_hbm, dst_hbm, agg_out, src_v, dst_v, rows_v,
                 zbuf, agg_sh, sem):
    cid = lax.axis_index("c")
    sid = lax.axis_index("s")
    wid = cid * NS + sid

    zeros16 = jnp.zeros((16,), jnp.float32)
    for r in range(16):
        for j in range(DA // 16):
            zbuf[r, pl.ds(j * 16, 16)] = zeros16

    base_row = sid * ROWS_PT
    for t in range(ROWS_PT // 16):
        pltpu.sync_copy(zbuf, agg_sh.at[pl.ds(base_row + t * 16, 16)])
    plsc.subcore_barrier()

    def step(i, carry):
        base = (wid * CPW + i) * CHUNK
        pltpu.sync_copy(src_hbm.at[pl.ds(base, CHUNK)], src_v)
        pltpu.sync_copy(dst_hbm.at[pl.ds(base, CHUNK)], dst_v)
        pltpu.async_copy(x_hbm.at[src_v], rows_v, sem).wait()
        pltpu.sync_copy(rows_v, agg_sh.at[dst_v], add=True)
        return carry

    lax.fori_loop(0, CPW, step, 0)
    plsc.subcore_barrier()

    for t in range(ROWS_PT // CHUNK):
        r0 = base_row + t * CHUNK
        pltpu.sync_copy(agg_sh.at[pl.ds(r0, CHUNK)], rows_v)
        pltpu.sync_copy(rows_v, agg_out.at[cid, pl.ds(r0, CHUNK)])


@functools.cache
def _get_sc_agg():
    return pl.kernel(
        _sc_agg_body,
        out_type=jax.ShapeDtypeStruct((NC, NPAD, DA), jnp.float32),
        mesh=plsc.VectorSubcoreMesh(core_axis_name="c", subcore_axis_name="s",
                                    num_cores=NC, num_subcores=NS),
        scratch_types=[
            pltpu.VMEM((CHUNK,), jnp.int32),
            pltpu.VMEM((CHUNK,), jnp.int32),
            pltpu.VMEM((CHUNK, DA), jnp.float32),
            pltpu.VMEM((16, DA), jnp.float32),
            pltpu.VMEM_SHARED((NPAD, DA), jnp.float32),
            pltpu.SemaphoreType.DMA,
        ],
        compiler_params=pltpu.CompilerParams(use_tc_tiling_on_sc=False),
    )


def _tc_body(agg0, agg1, x_ref, wl, wr, b, o_ref, *, relu):
    agg = agg0[...] + agg1[...]
    deg = jnp.maximum(agg[:, D:D + 1], 1.0)
    m = agg / deg
    acc = (jnp.dot(m, wl[...], preferred_element_type=jnp.float32)
           + jnp.dot(x_ref[...], wr[...], preferred_element_type=jnp.float32)
           + b[...])
    if relu:
        acc = jnp.maximum(acc, 0.0)
    o_ref[:, pl.ds(0, D)] = acc
    if o_ref.shape[1] == DA:
        R = o_ref.shape[0]
        aug = jnp.where(
            lax.broadcasted_iota(jnp.int32, (R, DA - D), 1) == 0, 1.0, 0.0)
        o_ref[:, pl.ds(D, DA - D)] = aug


def _tc_dense(agg0, agg1, x, wlT, wrT, b, relu, aug_out):
    R = 2000
    OW = DA if aug_out else D
    spec_ag = pl.BlockSpec((R, DA), lambda i: (i, 0))
    spec_w = pl.BlockSpec((DA, D), lambda i: (0, 0))
    spec_b = pl.BlockSpec((1, D), lambda i: (0, 0))
    return pl.pallas_call(
        functools.partial(_tc_body, relu=relu),
        grid=(N // R,),
        in_specs=[spec_ag, spec_ag, spec_ag, spec_w, spec_w, spec_b],
        out_specs=pl.BlockSpec((R, OW), lambda i: (i, 0)),
        out_shape=jax.ShapeDtypeStruct((N, OW), jnp.float32),
    )(agg0, agg1, x, wlT, wrT, b)


def _pad_w(wT):
    return jnp.zeros((DA, D), jnp.float32).at[:D].set(wT)


def kernel(x, edge_index, W_l1, b_l1, W_r1, W_l2, b_l2, W_r2):
    src = edge_index[0]
    dst = edge_index[1]
    pad = EPAD - E
    srcp = jnp.concatenate([src, jnp.zeros((pad,), jnp.int32)])
    dstp = jnp.concatenate([dst, jnp.full((pad,), NPAD - 1, jnp.int32)])
    aug = jnp.tile(jnp.asarray([[1.0] + [0.0] * (DA - D - 1)], jnp.float32),
                   (N, 1))
    xa = jnp.concatenate([x, aug], axis=1)

    agg1 = _get_sc_agg()(xa, srcp, dstp)
    ha = _tc_dense(agg1[0], agg1[1], xa, _pad_w(W_l1.T), _pad_w(W_r1.T),
                   b_l1.reshape(1, D), relu=True, aug_out=True)
    agg2 = _get_sc_agg()(ha, srcp, dstp)
    out = _tc_dense(agg2[0], agg2[1], ha, _pad_w(W_l2.T), _pad_w(W_r2.T),
                    b_l2.reshape(1, D), relu=False, aug_out=False)
    return out

# --- scband reference (transcript-rebuilt; emitter-appended) ---
"""Pipeline reference for scband-graph-sagewith-alloheads-76673756168897 (READ-ONLY COPY).

The authoritative reference and input builder live on the scoring server;
editing this copy changes nothing except your own understanding.
"""

import jax, jax.numpy as jnp
import numpy as np

N_NODES = 10000
N_EDGES = 320000
IN_CH = 128
HID = 128


def setup_inputs(seed: int = 0) -> dict:
    key = jax.random.key(seed)
    ks = jax.random.split(key, 9)
    x = jax.random.normal(ks[0], (N_NODES, IN_CH), dtype=jnp.float32)
    edge_index = jax.random.randint(ks[1], (2, N_EDGES), 0, N_NODES, dtype=jnp.int32)
    s1 = 1.0 / np.sqrt(IN_CH)
    s2 = 1.0 / np.sqrt(HID)
    # SAGEConv layer 1 (in_channels -> hidden): lin_l (neighbor aggr, with bias), lin_r (root, no bias)
    W_l1 = jax.random.uniform(ks[2], (HID, IN_CH), jnp.float32, -s1, s1)
    b_l1 = jax.random.uniform(ks[3], (HID,), jnp.float32, -s1, s1)
    W_r1 = jax.random.uniform(ks[4], (HID, IN_CH), jnp.float32, -s1, s1)
    # SAGEConv layer 2 (hidden -> hidden)
    W_l2 = jax.random.uniform(ks[5], (HID, HID), jnp.float32, -s2, s2)
    b_l2 = jax.random.uniform(ks[6], (HID,), jnp.float32, -s2, s2)
    W_r2 = jax.random.uniform(ks[7], (HID, HID), jnp.float32, -s2, s2)
    return {"x": x, "edge_index": edge_index, "W_l1": W_l1, "b_l1": b_l1, "W_r1": W_r1,
            "W_l2": W_l2, "b_l2": b_l2, "W_r2": W_r2}


def _sage_conv(x, edge_index, W_l, b_l, W_r):
    # PyG SAGEConv with mean aggregation:
    # out = lin_l(mean_{j in N(i)} x_j) + lin_r(x_i)
    src = edge_index[0]
    dst = edge_index[1]
    msgs = jnp.take(x, src, axis=0)                      # gather [E, d]
    agg = jax.ops.segment_sum(msgs, dst, num_segments=N_NODES)  # scatter-add
    deg = jax.ops.segment_sum(jnp.ones((msgs.shape[0],), dtype=x.dtype), dst,
                              num_segments=N_NODES)
    agg = agg / jnp.maximum(deg, 1.0)[:, None]
    return agg @ W_l.T + b_l + x @ W_r.T


def reference(x, edge_index, W_l1, b_l1, W_r1, W_l2, b_l2, W_r2):
    # GraphSAGE encoder (eval mode: dropout is identity)
    h = _sage_conv(x, edge_index, W_l1, b_l1, W_r1)
    h = jax.nn.relu(h)
    out = _sage_conv(h, edge_index, W_l2, b_l2, W_r2)
    return out

if __name__ == "__main__":
    import jax
    _d = setup_inputs()
    print(jax.jit(kernel)(*tuple(_d.values())))

</pallas_src>

<mosaic_0001>
#map = affine_map<(d0, d1) -> (0, 0)>
#map1 = affine_map<(d0, d1) -> (0)>
#map2 = affine_map<(d0, d1) -> (0, 0, 0)>
module attributes {stable_mosaic.version = 14 : i64} {
  func.func @_sc_agg_body(%arg0: i32, %arg1: i32, %arg2: memref<10000x144xf32, #tpu.memory_space<hbm>>, %arg3: memref<323584xi32, #tpu.memory_space<hbm>>, %arg4: memref<323584xi32, #tpu.memory_space<hbm>>, %arg5: memref<2x10240x144xf32, #tpu.memory_space<hbm>>, %arg6: memref<128xi32, #tpu.memory_space<vmem>>, %arg7: memref<128xi32, #tpu.memory_space<vmem>>, %arg8: memref<128x144xf32, #tpu.memory_space<vmem>>, %arg9: memref<16x144xf32, #tpu.memory_space<vmem>>, %arg10: memref<10240x144xf32, #tpu.memory_space<vmem_shared>>, %arg11: memref<!tpu.dma_semaphore, #tpu.memory_space<semaphore_mem>>) attributes {dimension_semantics = [#tpu.dimension_semantics<core_parallel>, #tpu.dimension_semantics<subcore_parallel>], iteration_bounds = array<i64: 2, 16>, scalar_prefetch = 0 : i64, scratch_operands = 6 : i64, tpu.core_type = #tpu.core_type<sc_vector_subcore>, window_params = [{transform_indices = #map}, {transform_indices = #map1}, {transform_indices = #map1}, {transform_indices = #map2}]} {
    %mul3A = arith.constant 16 : i32
    %mul3A_0 = arith.muli %arg0, %mul3A : i32
    %add3A = arith.addi %mul3A_0, %arg1 : i32
    %broadcast_in_dim3A = arith.constant 0.000000e+00 : f32
    %broadcast_in_dim3A_1 = vector.broadcast %broadcast_in_dim3A : f32 to vector<16xf32>
    %swap3A = arith.constant 0 : i32
    %swap3A_2 = arith.index_cast %swap3A : i32 to index
    %swap3A_3 = arith.constant 0 : index
    %swap3A_4 = tpu.vector_load %arg9[%swap3A_2, %swap3A_3] {strides = array<i32>} : memref<16x144xf32, #tpu.memory_space<vmem>>, vector<1x16xf32>,
    %swap3A_5 = vector.shape_cast %swap3A_4 : vector<1x16xf32> to vector<16xf32>
    %swap3A_6 = vector.shape_cast %broadcast_in_dim3A_1 : vector<16xf32> to vector<1x16xf32>
    tpu.vector_store %arg9[%swap3A_2, %swap3A_3], %swap3A_6 {strides = array<i32>} : memref<16x144xf32, #tpu.memory_space<vmem>>, vector<1x16xf32>,
    %swap3A_7 = arith.constant 0 : i32
    %swap3A_8 = arith.index_cast %swap3A_7 : i32 to index
    %swap3A_9 = arith.constant 16 : index
    %swap3A_10 = tpu.vector_load %arg9[%swap3A_8, %swap3A_9] {strides = array<i32>} : memref<16x144xf32, #tpu.memory_space<vmem>>, vector<1x16xf32>,
    %swap3A_11 = vector.shape_cast %swap3A_10 : vector<1x16xf32> to vector<16xf32>
    %swap3A_12 = vector.shape_cast %broadcast_in_dim3A_1 : vector<16xf32> to vector<1x16xf32>
    tpu.vector_store %arg9[%swap3A_8, %swap3A_9], %swap3A_12 {strides = array<i32>} : memref<16x144xf32, #tpu.memory_space<vmem>>, vector<1x16xf32>,
    %swap3A_13 = arith.constant 0 : i32
    %swap3A_14 = arith.index_cast %swap3A_13 : i32 to index
    %swap3A_15 = arith.constant 32 : index
    %swap3A_16 = tpu.vector_load %arg9[%swap3A_14, %swap3A_15] {strides = array<i32>} : memref<16x144xf32, #tpu.memory_space<vmem>>, vector<1x16xf32>,
    %swap3A_17 = vector.shape_cast %swap3A_16 : vector<1x16xf32> to vector<16xf32>
    %swap3A_18 = vector.shape_cast %broadcast_in_dim3A_1 : vector<16xf32> to vector<1x16xf32>
    tpu.vector_store %arg9[%swap3A_14, %swap3A_15], %swap3A_18 {strides = array<i32>} : memref<16x144xf32, #tpu.memory_space<vmem>>, vector<1x16xf32>,
    %swap3A_19 = arith.constant 0 : i32
    %swap3A_20 = arith.index_cast %swap3A_19 : i32 to index
    %swap3A_21 = arith.constant 48 : index
    %swap3A_22 = tpu.vector_load %arg9[%swap3A_20, %swap3A_21] {strides = array<i32>} : memref<16x144xf32, #tpu.memory_space<vmem>>, vector<1x16xf32>,
    %swap3A_23 = vector.shape_cast %swap3A_22 : vector<1x16xf32> to vector<16xf32>
    %swap3A_24 = vector.shape_cast %broadcast_in_dim3A_1 : vector<16xf32> to vector<1x16xf32>
    tpu.vector_store %arg9[%swap3A_20, %swap3A_21], %swap3A_24 {strides = array<i32>} : memref<16x144xf32, #tpu.memory_space<vmem>>, vector<1x16xf32>,
    %swap3A_25 = arith.constant 0 : i32
    %swap3A_26 = arith.index_cast %swap3A_25 : i32 to index
    %swap3A_27 = arith.constant 64 : index
    %swap3A_28 = tpu.vector_load %arg9[%swap3A_26, %swap3A_27] {strides = array<i32>} : memref<16x144xf32, #tpu.memory_space<vmem>>, vector<1x16xf32>,
    %swap3A_29 = vector.shape_cast %swap3A_28 : vector<1x16xf32> to vector<16xf32>
    %swap3A_30 = vector.shape_cast %broadcast_in_dim3A_1 : vector<16xf32> to vector<1x16xf32>
    tpu.vector_store %arg9[%swap3A_26, %swap3A_27], %swap3A_30 {strides = array<i32>} : memref<16x144xf32, #tpu.memory_space<vmem>>, vector<1x16xf32>,
    %swap3A_31 = arith.constant 0 : i32
    %swap3A_32 = arith.index_cast %swap3A_31 : i32 to index
    %swap3A_33 = arith.constant 80 : index
    %swap3A_34 = tpu.vector_load %arg9[%swap3A_32, %swap3A_33] {strides = array<i32>} : memref<16x144xf32, #tpu.memory_space<vmem>>, vector<1x16xf32>,
    %swap3A_35 = vector.shape_cast %swap3A_34 : vector<1x16xf32> to vector<16xf32>
    %swap3A_36 = vector.shape_cast %broadcast_in_dim3A_1 : vector<16xf32> to vector<1x16xf32>
    tpu.vector_store %arg9[%swap3A_32, %swap3A_33], %swap3A_36 {strides = array<i32>} : memref<16x144xf32, #tpu.memory_space<vmem>>, vector<1x16xf32>,
    %swap3A_37 = arith.constant 0 : i32
    %swap3A_38 = arith.index_cast %swap3A_37 : i32 to index
    %swap3A_39 = arith.constant 96 : index
    %swap3A_40 = tpu.vector_load %arg9[%swap3A_38, %swap3A_39] {strides = array<i32>} : memref<16x144xf32, #tpu.memory_space<vmem>>, vector<1x16xf32>,
    %swap3A_41 = vector.shape_cast %swap3A_40 : vector<1x16xf32> to vector<16xf32>
    %swap3A_42 = vector.shape_cast %broadcast_in_dim3A_1 : vector<16xf32> to vector<1x16xf32>
    tpu.vector_store %arg9[%swap3A_38, %swap3A_39], %swap3A_42 {strides = array<i32>} : memref<16x144xf32, #tpu.memory_space<vmem>>, vector<1x16xf32>,
    %swap3A_43 = arith.constant 0 : i32
    %swap3A_44 = arith.index_cast %swap3A_43 : i32 to index
    %swap3A_45 = arith.constant 112 : index
    %swap3A_46 = tpu.vector_load %arg9[%swap3A_44, %swap3A_45] {strides = array<i32>} : memref<16x144xf32, #tpu.memory_space<vmem>>, vector<1x16xf32>,
    %swap3A_47 = vector.shape_cast %swap3A_46 : vector<1x16xf32> to vector<16xf32>
    %swap3A_48 = vector.shape_cast %broadcast_in_dim3A_1 : vector<16xf32> to vector<1x16xf32>
    tpu.vector_store %arg9[%swap3A_44, %swap3A_45], %swap3A_48 {strides = array<i32>} : memref<16x144xf32, #tpu.memory_space<vmem>>, vector<1x16xf32>,
    %swap3A_49 = arith.constant 0 : i32
    %swap3A_50 = arith.index_cast %swap3A_49 : i32 to index
    %swap3A_51 = arith.constant 128 : index
    %swap3A_52 = tpu.vector_load %arg9[%swap3A_50, %swap3A_51] {strides = array<i32>} : memref<16x144xf32, #tpu.memory_space<vmem>>, vector<1x16xf32>,
    %swap3A_53 = vector.shape_cast %swap3A_52 : vector<1x16xf32> to vector<16xf32>
    %swap3A_54 = vector.shape_cast %broadcast_in_dim3A_1 : vector<16xf32> to vector<1x16xf32>
    tpu.vector_store %arg9[%swap3A_50, %swap3A_51], %swap3A_54 {strides = array<i32>} : memref<16x144xf32, #tpu.memory_space<vmem>>, vector<1x16xf32>,
    %swap3A_55 = arith.constant 1 : i32
    %swap3A_56 = arith.index_cast %swap3A_55 : i32 to index
    %swap3A_57 = arith.constant 0 : index
    %swap3A_58 = tpu.vector_load %arg9[%swap3A_56, %swap3A_57] {strides = array<i32>} : memref<16x144xf32, #tpu.memory_space<vmem>>, vector<1x16xf32>,
    %swap3A_59 = vector.shape_cast %swap3A_58 : vector<1x16xf32> to vector<16xf32>
    %swap3A_60 = vector.shape_cast %broadcast_in_dim3A_1 : vector<16xf32> to vector<1x16xf32>
    tpu.vector_store %arg9[%swap3A_56, %swap3A_57], %swap3A_60 {strides = array<i32>} : memref<16x144xf32, #tpu.memory_space<vmem>>, vector<1x16xf32>,
    %swap3A_61 = arith.constant 1 : i32
    %swap3A_62 = arith.index_cast %swap3A_61 : i32 to index
    %swap3A_63 = arith.constant 16 : index
    %swap3A_64 = tpu.vector_load %arg9[%swap3A_62, %swap3A_63] {strides = array<i32>} : memref<16x144xf32, #tpu.memory_space<vmem>>, vector<1x16xf32>,
    %swap3A_65 = vector.shape_cast %swap3A_64 : vector<1x16xf32> to vector<16xf32>
    %swap3A_66 = vector.shape_cast %broadcast_in_dim3A_1 : vector<16xf32> to vector<1x16xf32>
    tpu.vector_store %arg9[%swap3A_62, %swap3A_63], %swap3A_66 {strides = array<i32>} : memref<16x144xf32, #tpu.memory_space<vmem>>, vector<1x16xf32>,
    %swap3A_67 = arith.constant 1 : i32
    %swap3A_68 = arith.index_cast %swap3A_67 : i32 to index
    %swap3A_69 = arith.constant 32 : index
    %swap3A_70 = tpu.vector_load %arg9[%swap3A_68, %swap3A_69] {strides = array<i32>} : memref<16x144xf32, #tpu.memory_space<vmem>>, vector<1x16xf32>,
    %swap3A_71 = vector.shape_cast %swap3A_70 : vector<1x16xf32> to vector<16xf32>
    %swap3A_72 = vector.shape_cast %broadcast_in_dim3A_1 : vector<16xf32> to vector<1x16xf32>
    tpu.vector_store %arg9[%swap3A_68, %swap3A_69], %swap3A_72 {strides = array<i32>} : memref<16x144xf32, #tpu.memory_space<vmem>>, vector<1x16xf32>,
    %swap3A_73 = arith.constant 1 : i32
    %swap3A_74 = arith.index_cast %swap3A_73 : i32 to index
    %swap3A_75 = arith.constant 48 : index
    %swap3A_76 = tpu.vector_load %arg9[%swap3A_74, %swap3A_75] {strides = array<i32>} : memref<16x144xf32, #tpu.memory_space<vmem>>, vector<1x16xf32>,
    %swap3A_77 = vector.shape_cast %swap3A_76 : vector<1x16xf32> to vector<16xf32>
    %swap3A_78 = vector.shape_cast %broadcast_in_dim3A_1 : vector<16xf32> to vector<1x16xf32>
    tpu.vector_store %arg9[%swap3A_74, %swap3A_75], %swap3A_78 {strides = array<i32>} : memref<16x144xf32, #tpu.memory_space<vmem>>, vector<1x16xf32>,
    %swap3A_79 = arith.constant 1 : i32
    %swap3A_80 = arith.index_cast %swap3A_79 : i32 to index
    %swap3A_81 = arith.constant 64 : index
    %swap3A_82 = tpu.vector_load %arg9[%swap3A_80, %swap3A_81] {strides = array<i32>} : memref<16x144xf32, #tpu.memory_space<vmem>>, vector<1x16xf32>,
    %swap3A_83 = vector.shape_cast %swap3A_82 : vector<1x16xf32> to vector<16xf32>
    %swap3A_84 = vector.shape_cast %broadcast_in_dim3A_1 : vector<16xf32> to vector<1x16xf32>
    tpu.vector_store %arg9[%swap3A_80, %swap3A_81], %swap3A_84 {strides = array<i32>} : memref<16x144xf32, #tpu.memory_space<vmem>>, vector<1x16xf32>,
    %swap3A_85 = arith.constant 1 : i32
    %swap3A_86 = arith.index_cast %swap3A_85 : i32 to index
    %swap3A_87 = arith.constant 80 : index
    %swap3A_88 = tpu.vector_load %arg9[%swap3A_86, %swap3A_87] {strides = array<i32>} : memref<16x144xf32, #tpu.memory_space<vmem>>, vector<1x16xf32>,
    %swap3A_89 = vector.shape_cast %swap3A_88 : vector<1x16xf32> to vector<16xf32>
    %swap3A_90 = vector.shape_cast %broadcast_in_dim3A_1 : vector<16xf32> to vector<1x16xf32>
    tpu.vector_store %arg9[%swap3A_86, %swap3A_87], %swap3A_90 {strides = array<i32>} : memref<16x144xf32, #tpu.memory_space<vmem>>, vector<1x16xf32>,
    %swap3A_91 = arith.constant 1 : i32
    %swap3A_92 = arith.index_cast %swap3A_91 : i32 to index
    %swap3A_93 = arith.constant 96 : index
    %swap3A_94 = tpu.vector_load %arg9[%swap3A_92, %swap3A_93] {strides = array<i32>} : memref<16x144xf32, #tpu.memory_space<vmem>>, vector<1x16xf32>,
    %swap3A_95 = vector.shape_cast %swap3A_94 : vector<1x16xf32> to vector<16xf32>
    %swap3A_96 = vector.shape_cast %broadcast_in_dim3A_1 : vector<16xf32> to vector<1x16xf32>
    tpu.vector_store %arg9[%swap3A_92, %swap3A_93], %swap3A_96 {strides = array<i32>} : memref<16x144xf32, #tpu.memory_space<vmem>>, vector<1x16xf32>,
    %swap3A_97 = arith.constant 1 : i32
    %swap3A_98 = arith.index_cast %swap3A_97 : i32 to index
    %swap3A_99 = arith.constant 112 : index
    %swap3A_100 = tpu.vector_load %arg9[%swap3A_98, %swap3A_99] {strides = array<i32>} : memref<16x144xf32, #tpu.memory_space<vmem>>, vector<1x16xf32>,
    %swap3A_101 = vector.shape_cast %swap3A_100 : vector<1x16xf32> to vector<16xf32>
    %swap3A_102 = vector.shape_cast %broadcast_in_dim3A_1 : vector<16xf32> to vector<1x16xf32>
    tpu.vector_store %arg9[%swap3A_98, %swap3A_99], %swap3A_102 {strides = array<i32>} : memref<16x144xf32, #tpu.memory_space<vmem>>, vector<1x16xf32>,
    %swap3A_103 = arith.constant 1 : i32
    %swap3A_104 = arith.index_cast %swap3A_103 : i32 to index
    %swap3A_105 = arith.constant 128 : index
    %swap3A_106 = tpu.vector_load %arg9[%swap3A_104, %swap3A_105] {strides = array<i32>} : memref<16x144xf32, #tpu.memory_space<vmem>>, vector<1x16xf32>,
    %swap3A_107 = vector.shape_cast %swap3A_106 : vector<1x16xf32> to vector<16xf32>
    %swap3A_108 = vector.shape_cast %broadcast_in_dim3A_1 : vector<16xf32> to vector<1x16xf32>
    tpu.vector_store %arg9[%swap3A_104, %swap3A_105], %swap3A_108 {strides = array<i32>} : memref<16x144xf32, #tpu.memory_space<vmem>>, vector<1x16xf32>,
    %swap3A_109 = arith.constant 2 : i32
    %swap3A_110 = arith.index_cast %swap3A_109 : i32 to index
    %swap3A_111 = arith.constant 0 : index
    %swap3A_112 = tpu.vector_load %arg9[%swap3A_110, %swap3A_111] {strides = array<i32>} : memref<16x144xf32, #tpu.memory_space<vmem>>, vector<1x16xf32>,
    %swap3A_113 = vector.shape_cast %swap3A_112 : vector<1x16xf32> to vector<16xf32>
    %swap3A_114 = vector.shape_cast %broadcast_in_dim3A_1 : vector<16xf32> to vector<1x16xf32>
    tpu.vector_store %arg9[%swap3A_110, %swap3A_111], %swap3A_114 {strides = array<i32>} : memref<16x144xf32, #tpu.memory_space<vmem>>, vector<1x16xf32>,
    %swap3A_115 = arith.constant 2 : i32
    %swap3A_116 = arith.index_cast %swap3A_115 : i32 to index
    %swap3A_117 = arith.constant 16 : index
    %swap3A_118 = tpu.vector_load %arg9[%swap3A_116, %swap3A_117] {strides = array<i32>} : memref<16x144xf32, #tpu.memory_space<vmem>>, vector<1x16xf32>,
    %swap3A_119 = vector.shape_cast %swap3A_118 : vector<1x16xf32> to vector<16xf32>
    %swap3A_120 = vector.shape_cast %broadcast_in_dim3A_1 : vector<16xf32> to vector<1x16xf32>
    tpu.vector_store %arg9[%swap3A_116, %swap3A_117], %swap3A_120 {strides = array<i32>} : memref<16x144xf32, #tpu.memory_space<vmem>>, vector<1x16xf32>,
    %swap3A_121 = arith.constant 2 : i32
    %swap3A_122 = arith.index_cast %swap3A_121 : i32 to index
    %swap3A_123 = arith.constant 32 : index
    %swap3A_124 = tpu.vector_load %arg9[%swap3A_122, %swap3A_123] {strides = array<i32>} : memref<16x144xf32, #tpu.memory_space<vmem>>, vector<1x16xf32>,
    %swap3A_125 = vector.shape_cast %swap3A_124 : vector<1x16xf32> to vector<16xf32>
    %swap3A_126 = vector.shape_cast %broadcast_in_dim3A_1 : vector<16xf32> to vector<1x16xf32>
    tpu.vector_store %arg9[%swap3A_122, %swap3A_123], %swap3A_126 {strides = array<i32>} : memref<16x144xf32, #tpu.memory_space<vmem>>, vector<1x16xf32>,
    %swap3A_127 = arith.constant 2 : i32
    %swap3A_128 = arith.index_cast %swap3A_127 : i32 to index
    %swap3A_129 = arith.constant 48 : index
    %swap3A_130 = tpu.vector_load %arg9[%swap3A_128, %swap3A_129] {strides = array<i32>} : memref<16x144xf32, #tpu.memory_space<vmem>>, vector<1x16xf32>,
    %swap3A_131 = vector.shape_cast %swap3A_130 : vector<1x16xf32> to vector<16xf32>
    %swap3A_132 = vector.shape_cast %broadcast_in_dim3A_1 : vector<16xf32> to vector<1x16xf32>
    tpu.vector_store %arg9[%swap3A_128, %swap3A_129], %swap3A_132 {strides = array<i32>} : memref<16x144xf32, #tpu.memory_space<vmem>>, vector<1x16xf32>,
    %swap3A_133 = arith.constant 2 : i32
    %swap3A_134 = arith.index_cast %swap3A_133 : i32 to index
    %swap3A_135 = arith.constant 64 : index
    %swap3A_136 = tpu.vector_load %arg9[%swap3A_134, %swap3A_135] {strides = array<i32>} : memref<16x144xf32, #tpu.memory_space<vmem>>, vector<1x16xf32>,
    %swap3A_137 = vector.shape_cast %swap3A_136 : vector<1x16xf32> to vector<16xf32>
    %swap3A_138 = vector.shape_cast %broadcast_in_dim3A_1 : vector<16xf32> to vector<1x16xf32>
    tpu.vector_store %arg9[%swap3A_134, %swap3A_135], %swap3A_138 {strides = array<i32>} : memref<16x144xf32, #tpu.memory_space<vmem>>, vector<1x16xf32>,
    %swap3A_139 = arith.constant 2 : i32
    %swap3A_140 = arith.index_cast %swap3A_139 : i32 to index
    %swap3A_141 = arith.constant 80 : index
    %swap3A_142 = tpu.vector_load %arg9[%swap3A_140, %swap3A_141] {strides = array<i32>} : memref<16x144xf32, #tpu.memory_space<vmem>>, vector<1x16xf32>,
    %swap3A_143 = vector.shape_cast %swap3A_142 : vector<1x16xf32> to vector<16xf32>
    %swap3A_144 = vector.shape_cast %broadcast_in_dim3A_1 : vector<16xf32> to vector<1x16xf32>
    tpu.vector_store %arg9[%swap3A_140, %swap3A_141], %swap3A_144 {strides = array<i32>} : memref<16x144xf32, #tpu.memory_space<vmem>>, vector<1x16xf32>,
    %swap3A_145 = arith.constant 2 : i32
    %swap3A_146 = arith.index_cast %swap3A_145 : i32 to index
    %swap3A_147 = arith.constant 96 : index
    %swap3A_148 = tpu.vector_load %arg9[%swap3A_146, %swap3A_147] {strides = array<i32>} : memref<16x144xf32, #tpu.memory_space<vmem>>, vector<1x16xf32>,
    %swap3A_149 = vector.shape_cast %swap3A_148 : vector<1x16xf32> to vector<16xf32>
    %swap3A_150 = vector.shape_cast %broadcast_in_dim3A_1 : vector<16xf32> to vector<1x16xf32>
    tpu.vector_store %arg9[%swap3A_146, %swap3A_147], %swap3A_150 {strides = array<i32>} : memref<16x144xf32, #tpu.memory_space<vmem>>, vector<1x16xf32>,
    %swap3A_151 = arith.constant 2 : i32
    %swap3A_152 = arith.index_cast %swap3A_151 : i32 to index
    %swap3A_153 = arith.constant 112 : index
    %swap3A_154 = tpu.vector_load %arg9[%swap3A_152, %swap3A_153] {strides = array<i32>} : memref<16x144xf32, #tpu.memory_space<vmem>>, vector<1x16xf32>,
    %swap3A_155 = vector.shape_cast %swap3A_154 : vector<1x16xf32> to vector<16xf32>
    %swap3A_156 = vector.shape_cast %broadcast_in_dim3A_1 : vector<16xf32> to vector<1x16xf32>
    tpu.vector_store %arg9[%swap3A_152, %swap3A_153], %swap3A_156 {strides = array<i32>} : memref<16x144xf32, #tpu.memory_space<vmem>>, vector<1x16xf32>,
    %swap3A_157 = arith.constant 2 : i32
    %swap3A_158 = arith.index_cast %swap3A_157 : i32 to index
    %swap3A_159 = arith.constant 128 : index
    %swap3A_160 = tpu.vector_load %arg9[%swap3A_158, %swap3A_159] {strides = array<i32>} : memref<16x144xf32, #tpu.memory_space<vmem>>, vector<1x16xf32>,
    %swap3A_161 = vector.shape_cast %swap3A_160 : vector<1x16xf32> to vector<16xf32>
    %swap3A_162 = vector.shape_cast %broadcast_in_dim3A_1 : vector<16xf32> to vector<1x16xf32>
    tpu.vector_store %arg9[%swap3A_158, %swap3A_159], %swap3A_162 {strides = array<i32>} : memref<16x144xf32, #tpu.memory_space<vmem>>, vector<1x16xf32>,
    %swap3A_163 = arith.constant 3 : i32
    %swap3A_164 = arith.index_cast %swap3A_163 : i32 to index
    %swap3A_165 = arith.constant 0 : index
    %swap3A_166 = tpu.vector_load %arg9[%swap3A_164, %swap3A_165] {strides = array<i32>} : memref<16x144xf32, #tpu.memory_space<vmem>>, vector<1x16xf32>,
    %swap3A_167 = vector.shape_cast %swap3A_166 : vector<1x16xf32> to vector<16xf32>
    %swap3A_168 = vector.shape_cast %broadcast_in_dim3A_1 : vector<16xf32> to vector<1x16xf32>
    tpu.vector_store %arg9[%swap3A_164, %swap3A_165], %swap3A_168 {strides = array<i32>} : memref<16x144xf32, #tpu.memory_space<vmem>>, vector<1x16xf32>,
    %swap3A_169 = arith.constant 3 : i32
    %swap3A_170 = arith.index_cast %swap3A_169 : i32 to index
    %swap3A_171 = arith.constant 16 : index
    %swap3A_172 = tpu.vector_load %arg9[%swap3A_170, %swap3A_171] {strides = array<i32>} : memref<16x144xf32, #tpu.memory_space<vmem>>, vector<1x16xf32>,
    %swap3A_173 = vector.shape_cast %swap3A_172 : vector<1x16xf32> to vector<16xf32>
    %swap3A_174 = vector.shape_cast %broadcast_in_dim3A_1 : vector<16xf32> to vector<1x16xf32>
    tpu.vector_store %arg9[%swap3A_170, %swap3A_171], %swap3A_174 {strides = array<i32>} : memref<16x144xf32, #tpu.memory_space<vmem>>, vector<1x16xf32>,
    %swap3A_175 = arith.constant 3 : i32
    %swap3A_176 = arith.index_cast %swap3A_175 : i32 to index
    %swap3A_177 = arith.constant 32 : index
    %swap3A_178 = tpu.vector_load %arg9[%swap3A_176, %swap3A_177] {strides = array<i32>} : memref<16x144xf32, #tpu.memory_space<vmem>>, vector<1x16xf32>,
    %swap3A_179 = vector.shape_cast %swap3A_178 : vector<1x16xf32> to vector<16xf32>
    %swap3A_180 = vector.shape_cast %broadcast_in_dim3A_1 : vector<16xf32> to vector<1x16xf32>
    tpu.vector_store %arg9[%swap3A_176, %swap3A_177], %swap3A_180 {strides = array<i32>} : memref<16x144xf32, #tpu.memory_space<vmem>>, vector<1x16xf32>,
    %swap3A_181 = arith.constant 3 : i32
    %swap3A_182 = arith.index_cast %swap3A_181 : i32 to index
    %swap3A_183 = arith.constant 48 : index
    %swap3A_184 = tpu.vector_load %arg9[%swap3A_182, %swap3A_183] {strides = array<i32>} : memref<16x144xf32, #tpu.memory_space<vmem>>, vector<1x16xf32>,
    %swap3A_185 = vector.shape_cast %swap3A_184 : vector<1x16xf32> to vector<16xf32>
    %swap3A_186 = vector.shape_cast %broadcast_in_dim3A_1 : vector<16xf32> to vector<1x16xf32>
    tpu.vector_store %arg9[%swap3A_182, %swap3A_183], %swap3A_186 {strides = array<i32>} : memref<16x144xf32, #tpu.memory_space<vmem>>, vector<1x16xf32>,
    %swap3A_187 = arith.constant 3 : i32
    %swap3A_188 = arith.index_cast %swap3A_187 : i32 to index
    %swap3A_189 = arith.constant 64 : index
    %swap3A_190 = tpu.vector_load %arg9[%swap3A_188, %swap3A_189] {strides = array<i32>} : memref<16x144xf32, #tpu.memory_space<vmem>>, vector<1x16xf32>,
    %swap3A_191 = vector.shape_cast %swap3A_190 : vector<1x16xf32> to vector<16xf32>
    %swap3A_192 = vector.shape_cast %broadcast_in_dim3A_1 : vector<16xf32> to vector<1x16xf32>
    tpu.vector_store %arg9[%swap3A_188, %swap3A_189], %swap3A_192 {strides = array<i32>} : memref<16x144xf32, #tpu.memory_space<vmem>>, vector<1x16xf32>,
    %swap3A_193 = arith.constant 3 : i32
    %swap3A_194 = arith.index_cast %swap3A_193 : i32 to index
    %swap3A_195 = arith.constant 80 : index
    %swap3A_196 = tpu.vector_load %arg9[%swap3A_194, %swap3A_195] {strides = array<i32>} : memref<16x144xf32, #tpu.memory_space<vmem>>, vector<1x16xf32>,
    %swap3A_197 = vector.shape_cast %swap3A_196 : vector<1x16xf32> to vector<16xf32>
    %swap3A_198 = vector.shape_cast %broadcast_in_dim3A_1 : vector<16xf32> to vector<1x16xf32>
    tpu.vector_store %arg9[%swap3A_194, %swap3A_195], %swap3A_198 {strides = array<i32>} : memref<16x144xf32, #tpu.memory_space<vmem>>, vector<1x16xf32>,
    %swap3A_199 = arith.constant 3 : i32
    %swap3A_200 = arith.index_cast %swap3A_199 : i32 to index
    %swap3A_201 = arith.constant 96 : index
    %swap3A_202 = tpu.vector_load %arg9[%swap3A_200, %swap3A_201] {strides = array<i32>} : memref<16x144xf32, #tpu.memory_space<vmem>>, vector<1x16xf32>,
    %swap3A_203 = vector.shape_cast %swap3A_202 : vector<1x16xf32> to vector<16xf32>
    %swap3A_204 = vector.shape_cast %broadcast_in_dim3A_1 : vector<16xf32> to vector<1x16xf32>
    tpu.vector_store %arg9[%swap3A_200, %swap3A_201], %swap3A_204 {strides = array<i32>} : memref<16x144xf32, #tpu.memory_space<vmem>>, vector<1x16xf32>,
    %swap3A_205 = arith.constant 3 : i32
    %swap3A_206 = arith.index_cast %swap3A_205 : i32 to index
    %swap3A_207 = arith.constant 112 : index
    %swap3A_208 = tpu.vector_load %arg9[%swap3A_206, %swap3A_207] {strides = array<i32>} : memref<16x144xf32, #tpu.memory_space<vmem>>, vector<1x16xf32>,
    %swap3A_209 = vector.shape_cast %swap3A_208 : vector<1x16xf32> to vector<16xf32>
    %swap3A_210 = vector.shape_cast %broadcast_in_dim3A_1 : vector<16xf32> to vector<1x16xf32>
    tpu.vector_store %arg9[%swap3A_206, %swap3A_207], %swap3A_210 {strides = array<i32>} : memref<16x144xf32, #tpu.memory_space<vmem>>, vector<1x16xf32>,
    %swap3A_211 = arith.constant 3 : i32
    %swap3A_212 = arith.index_cast %swap3A_211 : i32 to index
    %swap3A_213 = arith.constant 128 : index
    %swap3A_214 = tpu.vector_load %arg9[%swap3A_212, %swap3A_213] {strides = array<i32>} : memref<16x144xf32, #tpu.memory_space<vmem>>, vector<1x16xf32>,
    %swap3A_215 = vector.shape_cast %swap3A_214 : vector<1x16xf32> to vector<16xf32>
    %swap3A_216 = vector.shape_cast %broadcast_in_dim3A_1 : vector<16xf32> to vector<1x16xf32>
    tpu.vector_store %arg9[%swap3A_212, %swap3A_213], %swap3A_216 {strides = array<i32>} : memref<16x144xf32, #tpu.memory_space<vmem>>, vector<1x16xf32>,
    %swap3A_217 = arith.constant 4 : i32
    %swap3A_218 = arith.index_cast %swap3A_217 : i32 to index
    %swap3A_219 = arith.constant 0 : index
    %swap3A_220 = tpu.vector_load %arg9[%swap3A_218, %swap3A_219] {strides = array<i32>} : memref<16x144xf32, #tpu.memory_space<vmem>>, vector<1x16xf32>,
    %swap3A_221 = vector.shape_cast %swap3A_220 : vector<1x16xf32> to vector<16xf32>
    %swap3A_222 = vector.shape_cast %broadcast_in_dim3A_1 : vector<16xf32> to vector<1x16xf32>
    tpu.vector_store %arg9[%swap3A_218, %swap3A_219], %swap3A_222 {strides = array<i32>} : memref<16x144xf32, #tpu.memory_space<vmem>>, vector<1x16xf32>,
    %swap3A_223 = arith.constant 4 : i32
    %swap3A_224 = arith.index_cast %swap3A_223 : i32 to index
    %swap3A_225 = arith.constant 16 : index
    %swap3A_226 = tpu.vector_load %arg9[%swap3A_224, %swap3A_225] {strides = array<i32>} : memref<16x144xf32, #tpu.memory_space<vmem>>, vector<1x16xf32>,
    %swap3A_227 = vector.shape_cast %swap3A_226 : vector<1x16xf32> to vector<16xf32>
    %swap3A_228 = vector.shape_cast %broadcast_in_dim3A_1 : vector<16xf32> to vector<1x16xf32>
    tpu.vector_store %arg9[%swap3A_224, %swap3A_225], %swap3A_228 {strides = array<i32>} : memref<16x144xf32, #tpu.memory_space<vmem>>, vector<1x16xf32>,
    %swap3A_229 = arith.constant 4 : i32
    %swap3A_230 = arith.index_cast %swap3A_229 : i32 to index
    %swap3A_231 = arith.constant 32 : index
    %swap3A_232 = tpu.vector_load %arg9[%swap3A_230, %swap3A_231] {strides = array<i32>} : memref<16x144xf32, #tpu.memory_space<vmem>>, vector<1x16xf32>,
    %swap3A_233 = vector.shape_cast %swap3A_232 : vector<1x16xf32> to vector<16xf32>
    %swap3A_234 = vector.shape_cast %broadcast_in_dim3A_1 : vector<16xf32> to vector<1x16xf32>
    tpu.vector_store %arg9[%swap3A_230, %swap3A_231], %swap3A_234 {strides = array<i32>} : memref<16x144xf32, #tpu.memory_space<vmem>>, vector<1x16xf32>,
    %swap3A_235 = arith.constant 4 : i32
    %swap3A_236 = arith.index_cast %swap3A_235 : i32 to index
    %swap3A_237 = arith.constant 48 : index
    %swap3A_238 = tpu.vector_load %arg9[%swap3A_236, %swap3A_237] {strides = array<i32>} : memref<16x144xf32, #tpu.memory_space<vmem>>, vector<1x16xf32>,
    %swap3A_239 = vector.shape_cast %swap3A_238 : vector<1x16xf32> to vector<16xf32>
    %swap3A_240 = vector.shape_cast %broadcast_in_dim3A_1 : vector<16xf32> to vector<1x16xf32>
    tpu.vector_store %arg9[%swap3A_236, %swap3A_237], %swap3A_240 {strides = array<i32>} : memref<16x144xf32, #tpu.memory_space<vmem>>, vector<1x16xf32>,
    %swap3A_241 = arith.constant 4 : i32
    %swap3A_242 = arith.index_cast %swap3A_241 : i32 to index
    %swap3A_243 = arith.constant 64 : index
    %swap3A_244 = tpu.vector_load %arg9[%swap3A_242, %swap3A_243] {strides = array<i32>} : memref<16x144xf32, #tpu.memory_space<vmem>>, vector<1x16xf32>,
    %swap3A_245 = vector.shape_cast %swap3A_244 : vector<1x16xf32> to vector<16xf32>
    %swap3A_246 = vector.shape_cast %broadcast_in_dim3A_1 : vector<16xf32> to vector<1x16xf32>
    tpu.vector_store %arg9[%swap3A_242, %swap3A_243], %swap3A_246 {strides = array<i32>} : memref<16x144xf32, #tpu.memory_space<vmem>>, vector<1x16xf32>,
    %swap3A_247 = arith.constant 4 : i32
    %swap3A_248 = arith.index_cast %swap3A_247 : i32 to index
    %swap3A_249 = arith.constant 80 : index
    %swap3A_250 = tpu.vector_load %arg9[%swap3A_248, %swap3A_249] {strides = array<i32>} : memref<16x144xf32, #tpu.memory_space<vmem>>, vector<1x16xf32>,
    %swap3A_251 = vector.shape_cast %swap3A_250 : vector<1x16xf32> to vector<16xf32>
    %swap3A_252 = vector.shape_cast %broadcast_in_dim3A_1 : vector<16xf32> to vector<1x16xf32>
    tpu.vector_store %arg9[%swap3A_248, %swap3A_249], %swap3A_252 {strides = array<i32>} : memref<16x144xf32, #tpu.memory_space<vmem>>, vector<1x16xf32>,
    %swap3A_253 = arith.constant 4 : i32
    %swap3A_254 = arith.index_cast %swap3A_253 : i32 to index
    %swap3A_255 = arith.constant 96 : index
    %swap3A_256 = tpu.vector_load %arg9[%swap3A_254, %swap3A_255] {strides = array<i32>} : memref<16x144xf32, #tpu.memory_space<vmem>>, vector<1x16xf32>,
    %swap3A_257 = vector.shape_cast %swap3A_256 : vector<1x16xf32> to vector<16xf32>
    %swap3A_258 = vector.shape_cast %broadcast_in_dim3A_1 : vector<16xf32> to vector<1x16xf32>
    tpu.vector_store %arg9[%swap3A_254, %swap3A_255], %swap3A_258 {strides = array<i32>} : memref<16x144xf32, #tpu.memory_space<vmem>>, vector<1x16xf32>,
    %swap3A_259 = arith.constant 4 : i32
    %swap3A_260 = arith.index_cast %swap3A_259 : i32 to index
    %swap3A_261 = arith.constant 112 : index
    %swap3A_262 = tpu.vector_load %arg9[%swap3A_260, %swap3A_261] {strides = array<i32>} : memref<16x144xf32, #tpu.memory_space<vmem>>, vector<1x16xf32>,
    %swap3A_263 = vector.shape_cast %swap3A_262 : vector<1x16xf32> to vector<16xf32>
    %swap3A_264 = vector.shape_cast %broadcast_in_dim3A_1 : vector<16xf32> to vector<1x16xf32>
    tpu.vector_store %arg9[%swap3A_260, %swap3A_261], %swap3A_264 {strides = array<i32>} : memref<16x144xf32, #tpu.memory_space<vmem>>, vector<1x16xf32>,
    %swap3A_265 = arith.constant 4 : i32
    %swap3A_266 = arith.index_cast %swap3A_265 : i32 to index
    %swap3A_267 = arith.constant 128 : index
    %swap3A_268 = tpu.vector_load %arg9[%swap3A_266, %swap3A_267] {strides = array<i32>} : memref<16x144xf32, #tpu.memory_space<vmem>>, vector<1x16xf32>,
    %swap3A_269 = vector.shape_cast %swap3A_268 : vector<1x16xf32> to vector<16xf32>
    %swap3A_270 = vector.shape_cast %broadcast_in_dim3A_1 : vector<16xf32> to vector<1x16xf32>
    tpu.vector_store %arg9[%swap3A_266, %swap3A_267], %swap3A_270 {strides = array<i32>} : memref<16x144xf32, #tpu.memory_space<vmem>>, vector<1x16xf32>,
    %swap3A_271 = arith.constant 5 : i32
    %swap3A_272 = arith.index_cast %swap3A_271 : i32 to index
    %swap3A_273 = arith.constant 0 : index
    %swap3A_274 = tpu.vector_load %arg9[%swap3A_272, %swap3A_273] {strides = array<i32>} : memref<16x144xf32, #tpu.memory_space<vmem>>, vector<1x16xf32>,
    %swap3A_275 = vector.shape_cast %swap3A_274 : vector<1x16xf32> to vector<16xf32>
    %swap3A_276 = vector.shape_cast %broadcast_in_dim3A_1 : vector<16xf32> to vector<1x16xf32>
    tpu.vector_store %arg9[%swap3A_272, %swap3A_273], %swap3A_276 {strides = array<i32>} : memref<16x144xf32, #tpu.memory_space<vmem>>, vector<1x16xf32>,
    %swap3A_277 = arith.constant 5 : i32
    %swap3A_278 = arith.index_cast %swap3A_277 : i32 to index
    %swap3A_279 = arith.constant 16 : index
    %swap3A_280 = tpu.vector_load %arg9[%swap3A_278, %swap3A_279] {strides = array<i32>} : memref<16x144xf32, #tpu.memory_space<vmem>>, vector<1x16xf32>,
    %swap3A_281 = vector.shape_cast %swap3A_280 : vector<1x16xf32> to vector<16xf32>
    %swap3A_282 = vector.shape_cast %broadcast_in_dim3A_1 : vector<16xf32> to vector<1x16xf32>
    tpu.vector_store %arg9[%swap3A_278, %swap3A_279], %swap3A_282 {strides = array<i32>} : memref<16x144xf32, #tpu.memory_space<vmem>>, vector<1x16xf32>,
    %swap3A_283 = arith.constant 5 : i32
    %swap3A_284 = arith.index_cast %swap3A_283 : i32 to index
    %swap3A_285 = arith.constant 32 : index
    %swap3A_286 = tpu.vector_load %arg9[%swap3A_284, %swap3A_285] {strides = array<i32>} : memref<16x144xf32, #tpu.memory_space<vmem>>, vector<1x16xf32>,
    %swap3A_287 = vector.shape_cast %swap3A_286 : vector<1x16xf32> to vector<16xf32>
    %swap3A_288 = vector.shape_cast %broadcast_in_dim3A_1 : vector<16xf32> to vector<1x16xf32>
    tpu.vector_store %arg9[%swap3A_284, %swap3A_285], %swap3A_288 {strides = array<i32>} : memref<16x144xf32, #tpu.memory_space<vmem>>, vector<1x16xf32>,
    %swap3A_289 = arith.constant 5 : i32
    %swap3A_290 = arith.index_cast %swap3A_289 : i32 to index
    %swap3A_291 = arith.constant 48 : index
    %swap3A_292 = tpu.vector_load %arg9[%swap3A_290, %swap3A_291] {strides = array<i32>} : memref<16x144xf32, #tpu.memory_space<vmem>>, vector<1x16xf32>,
    %swap3A_293 = vector.shape_cast %swap3A_292 : vector<1x16xf32> to vector<16xf32>
    %swap3A_294 = vector.shape_cast %broadcast_in_dim3A_1 : vector<16xf32> to vector<1x16xf32>
    tpu.vector_store %arg9[%swap3A_290, %swap3A_291], %swap3A_294 {strides = array<i32>} : memref<16x144xf32, #tpu.memory_space<vmem>>, vector<1x16xf32>,
    %swap3A_295 = arith.constant 5 : i32
    %swap3A_296 = arith.index_cast %swap3A_295 : i32 to index
    %swap3A_297 = arith.constant 64 : index
    %swap3A_298 = tpu.vector_load %arg9[%swap3A_296, %swap3A_297] {strides = array<i32>} : memref<16x144xf32, #tpu.memory_space<vmem>>, vector<1x16xf32>,
    %swap3A_299 = vector.shape_cast %swap3A_298 : vector<1x16xf32> to vector<16xf32>
    %swap3A_300 = vector.shape_cast %broadcast_in_dim3A_1 : vector<16xf32> to vector<1x16xf32>
    tpu.vector_store %arg9[%swap3A_296, %swap3A_297], %swap3A_300 {strides = array<i32>} : memref<16x144xf32, #tpu.memory_space<vmem>>, vector<1x16xf32>,
    %swap3A_301 = arith.constant 5 : i32
    %swap3A_302 = arith.index_cast %swap3A_301 : i32 to index
    %swap3A_303 = arith.constant 80 : index
    %swap3A_304 = tpu.vector_load %arg9[%swap3A_302, %swap3A_303] {strides = array<i32>} : memref<16x144xf32, #tpu.memory_space<vmem>>, vector<1x16xf32>,
    %swap3A_305 = vector.shape_cast %swap3A_304 : vector<1x16xf32> to vector<16xf32>
    %swap3A_306 = vector.shape_cast %broadcast_in_dim3A_1 : vector<16xf32> to vector<1x16xf32>
    tpu.vector_store %arg9[%swap3A_302, %swap3A_303], %swap3A_306 {strides = array<i32>} : memref<16x144xf32, #tpu.memory_space<vmem>>, vector<1x16xf32>,
    %swap3A_307 = arith.constant 5 : i32
    %swap3A_308 = arith.index_cast %swap3A_307 : i32 to index
    %swap3A_309 = arith.constant 96 : index
    %swap3A_310 = tpu.vector_load %arg9[%swap3A_308, %swap3A_309] {strides = array<i32>} : memref<16x144xf32, #tpu.memory_space<vmem>>, vector<1x16xf32>,
    %swap3A_311 = vector.shape_cast %swap3A_310 : vector<1x16xf32> to vector<16xf32>
    %swap3A_312 = vector.shape_cast %broadcast_in_dim3A_1 : vector<16xf32> to vector<1x16xf32>
    tpu.vector_store %arg9[%swap3A_308, %swap3A_309], %swap3A_312 {strides = array<i32>} : memref<16x144xf32, #tpu.memory_space<vmem>>, vector<1x16xf32>,
    %swap3A_313 = arith.constant 5 : i32
    %swap3A_314 = arith.index_cast %swap3A_313 : i32 to index
    %swap3A_315 = arith.constant 112 : index
    %swap3A_316 = tpu.vector_load %arg9[%swap3A_314, %swap3A_315] {strides = array<i32>} : memref<16x144xf32, #tpu.memory_space<vmem>>, vector<1x16xf32>,
    %swap3A_317 = vector.shape_cast %swap3A_316 : vector<1x16xf32> to vector<16xf32>
    %swap3A_318 = vector.shape_cast %broadcast_in_dim3A_1 : vector<16xf32> to vector<1x16xf32>
    tpu.vector_store %arg9[%swap3A_314, %swap3A_315], %swap3A_318 {strides = array<i32>} : memref<16x144xf32, #tpu.memory_space<vmem>>, vector<1x16xf32>,
    %swap3A_319 = arith.constant 5 : i32
    %swap3A_320 = arith.index_cast %swap3A_319 : i32 to index
    %swap3A_321 = arith.constant 128 : index
    %swap3A_322 = tpu.vector_load %arg9[%swap3A_320, %swap3A_321] {strides = array<i32>} : memref<16x144xf32, #tpu.memory_space<vmem>>, vector<1x16xf32>,
    %swap3A_323 = vector.shape_cast %swap3A_322 : vector<1x16xf32> to vector<16xf32>
    %swap3A_324 = vector.shape_cast %broadcast_in_dim3A_1 : vector<16xf32> to vector<1x16xf32>
    tpu.vector_store %arg9[%swap3A_320, %swap3A_321], %swap3A_324 {strides = array<i32>} : memref<16x144xf32, #tpu.memory_space<vmem>>, vector<1x16xf32>,
    %swap3A_325 = arith.constant 6 : i32
    %swap3A_326 = arith.index_cast %swap3A_325 : i32 to index
    %swap3A_327 = arith.constant 0 : index
    %swap3A_328 = tpu.vector_load %arg9[%swap3A_326, %swap3A_327] {strides = array<i32>} : memref<16x144xf32, #tpu.memory_space<vmem>>, vector<1x16xf32>,
    %swap3A_329 = vector.shape_cast %swap3A_328 : vector<1x16xf32> to vector<16xf32>
    %swap3A_330 = vector.shape_cast %broadcast_in_dim3A_1 : vector<16xf32> to vector<1x16xf32>
    tpu.vector_store %arg9[%swap3A_326, %swap3A_327], %swap3A_330 {strides = array<i32>} : memref<16x144xf32, #tpu.memory_space<vmem>>, vector<1x16xf32>,
    %swap3A_331 = arith.constant 6 : i32
    %swap3A_332 = arith.index_cast %swap3A_331 : i32 to index
    %swap3A_333 = arith.constant 16 : index
    %swap3A_334 = tpu.vector_load %arg9[%swap3A_332, %swap3A_333] {strides = array<i32>} : memref<16x144xf32, #tpu.memory_space<vmem>>, vector<1x16xf32>,
    %swap3A_335 = vector.shape_cast %swap3A_334 : vector<1x16xf32> to vector<16xf32>
    %swap3A_336 = vector.shape_cast %broadcast_in_dim3A_1 : vector<16xf32> to vector<1x16xf32>
    tpu.vector_store %arg9[%swap3A_332, %swap3A_333], %swap3A_336 {strides = array<i32>} : memref<16x144xf32, #tpu.memory_space<vmem>>, vector<1x16xf32>,
    %swap3A_337 = arith.constant 6 : i32
    %swap3A_338 = arith.index_cast %swap3A_337 : i32 to index
    %swap3A_339 = arith.constant 32 : index
    %swap3A_340 = tpu.vector_load %arg9[%swap3A_338, %swap3A_339] {strides = array<i32>} : memref<16x144xf32, #tpu.memory_space<vmem>>, vector<1x16xf32>,
    %swap3A_341 = vector.shape_cast %swap3A_340 : vector<1x16xf32> to vector<16xf32>
    %swap3A_342 = vector.shape_cast %broadcast_in_dim3A_1 : vector<16xf32> to vector<1x16xf32>
    tpu.vector_store %arg9[%swap3A_338, %swap3A_339], %swap3A_342 {strides = array<i32>} : memref<16x144xf32, #tpu.memory_space<vmem>>, vector<1x16xf32>,
    %swap3A_343 = arith.constant 6 : i32
    %swap3A_344 = arith.index_cast %swap3A_343 : i32 to index
    %swap3A_345 = arith.constant 48 : index
    %swap3A_346 = tpu.vector_load %arg9[%swap3A_344, %swap3A_345] {strides = array<i32>} : memref<16x144xf32, #tpu.memory_space<vmem>>, vector<1x16xf32>,
    %swap3A_347 = vector.shape_cast %swap3A_346 : vector<1x16xf32> to vector<16xf32>
    %swap3A_348 = vector.shape_cast %broadcast_in_dim3A_1 : vector<16xf32> to vector<1x16xf32>
    tpu.vector_store %arg9[%swap3A_344, %swap3A_345], %swap3A_348 {strides = array<i32>} : memref<16x144xf32, #tpu.memory_space<vmem>>, vector<1x16xf32>,
    %swap3A_349 = arith.constant 6 : i32
    %swap3A_350 = arith.index_cast %swap3A_349 : i32 to index
    %swap3A_351 = arith.constant 64 : index
    %swap3A_352 = tpu.vector_load %arg9[%swap3A_350, %swap3A_351] {strides = array<i32>} : memref<16x144xf32, #tpu.memory_space<vmem>>, vector<1x16xf32>,
    %swap3A_353 = vector.shape_cast %swap3A_352 : vector<1x16xf32> to vector<16xf32>
    %swap3A_354 = vector.shape_cast %broadcast_in_dim3A_1 : vector<16xf32> to vector<1x16xf32>
    tpu.vector_store %arg9[%swap3A_350, %swap3A_351], %swap3A_354 {strides = array<i32>} : memref<16x144xf32, #tpu.memory_space<vmem>>, vector<1x16xf32>,
    %swap3A_355 = arith.constant 6 : i32
    %swap3A_356 = arith.index_cast %swap3A_355 : i32 to index
    %swap3A_357 = arith.constant 80 : index
    %swap3A_358 = tpu.vector_load %arg9[%swap3A_356, %swap3A_357] {strides = array<i32>} : memref<16x144xf32, #tpu.memory_space<vmem>>, vector<1x16xf32>,
    %swap3A_359 = vector.shape_cast %swap3A_358 : vector<1x16xf32> to vector<16xf32>
    %swap3A_360 = vector.shape_cast %broadcast_in_dim3A_1 : vector<16xf32> to vector<1x16xf32>
    tpu.vector_store %arg9[%swap3A_356, %swap3A_357], %swap3A_360 {strides = array<i32>} : memref<16x144xf32, #tpu.memory_space<vmem>>, vector<1x16xf32>,
    %swap3A_361 = arith.constant 6 : i32
    %swap3A_362 = arith.index_cast %swap3A_361 : i32 to index
    %swap3A_363 = arith.constant 96 : index
    %swap3A_364 = tpu.vector_load %arg9[%swap3A_362, %swap3A_363] {strides = array<i32>} : memref<16x144xf32, #tpu.memory_space<vmem>>, vector<1x16xf32>,
    %swap3A_365 = vector.shape_cast %swap3A_364 : vector<1x16xf32> to vector<16xf32>
    %swap3A_366 = vector.shape_cast %broadcast_in_dim3A_1 : vector<16xf32> to vector<1x16xf32>
    tpu.vector_store %arg9[%swap3A_362, %swap3A_363], %swap3A_366 {strides = array<i32>} : memref<16x144xf32, #tpu.memory_space<vmem>>, vector<1x16xf32>,
    %swap3A_367 = arith.constant 6 : i32
    %swap3A_368 = arith.index_cast %swap3A_367 : i32 to index
    %swap3A_369 = arith.constant 112 : index
    %swap3A_370 = tpu.vector_load %arg9[%swap3A_368, %swap3A_369] {strides = array<i32>} : memref<16x144xf32, #tpu.memory_space<vmem>>, vector<1x16xf32>,
    %swap3A_371 = vector.shape_cast %swap3A_370 : vector<1x16xf32> to vector<16xf32>
    %swap3A_372 = vector.shape_cast %broadcast_in_dim3A_1 : vector<16xf32> to vector<1x16xf32>
    tpu.vector_store %arg9[%swap3A_368, %swap3A_369], %swap3A_372 {strides = array<i32>} : memref<16x144xf32, #tpu.memory_space<vmem>>, vector<1x16xf32>,
    %swap3A_373 = arith.constant 6 : i32
    %swap3A_374 = arith.index_cast %swap3A_373 : i32 to index
    %swap3A_375 = arith.constant 128 : index
    %swap3A_376 = tpu.vector_load %arg9[%swap3A_374, %swap3A_375] {strides = array<i32>} : memref<16x144xf32, #tpu.memory_space<vmem>>, vector<1x16xf32>,
    %swap3A_377 = vector.shape_cast %swap3A_376 : vector<1x16xf32> to vector<16xf32>
    %swap3A_378 = vector.shape_cast %broadcast_in_dim3A_1 : vector<16xf32> to vector<1x16xf32>
    tpu.vector_store %arg9[%swap3A_374, %swap3A_375], %swap3A_378 {strides = array<i32>} : memref<16x144xf32, #tpu.memory_space<vmem>>, vector<1x16xf32>,
    %swap3A_379 = arith.constant 7 : i32
    %swap3A_380 = arith.index_cast %swap3A_379 : i32 to index
    %swap3A_381 = arith.constant 0 : index
    %swap3A_382 = tpu.vector_load %arg9[%swap3A_380, %swap3A_381] {strides = array<i32>} : memref<16x144xf32, #tpu.memory_space<vmem>>, vector<1x16xf32>,
    %swap3A_383 = vector.shape_cast %swap3A_382 : vector<1x16xf32> to vector<16xf32>
    %swap3A_384 = vector.shape_cast %broadcast_in_dim3A_1 : vector<16xf32> to vector<1x16xf32>
    tpu.vector_store %arg9[%swap3A_380, %swap3A_381], %swap3A_384 {strides = array<i32>} : memref<16x144xf32, #tpu.memory_space<vmem>>, vector<1x16xf32>,
    %swap3A_385 = arith.constant 7 : i32
    %swap3A_386 = arith.index_cast %swap3A_385 : i32 to index
    %swap3A_387 = arith.constant 16 : index
    %swap3A_388 = tpu.vector_load %arg9[%swap3A_386, %swap3A_387] {strides = array<i32>} : memref<16x144xf32, #tpu.memory_space<vmem>>, vector<1x16xf32>,
    %swap3A_389 = vector.shape_cast %swap3A_388 : vector<1x16xf32> to vector<16xf32>
    %swap3A_390 = vector.shape_cast %broadcast_in_dim3A_1 : vector<16xf32> to vector<1x16xf32>
    tpu.vector_store %arg9[%swap3A_386, %swap3A_387], %swap3A_390 {strides = array<i32>} : memref<16x144xf32, #tpu.memory_space<vmem>>, vector<1x16xf32>,
    %swap3A_391 = arith.constant 7 : i32
    %swap3A_392 = arith.index_cast %swap3A_391 : i32 to index
    %swap3A_393 = arith.constant 32 : index
    %swap3A_394 = tpu.vector_load %arg9[%swap3A_392, %swap3A_393] {strides = array<i32>} : memref<16x144xf32, #tpu.memory_space<vmem>>, vector<1x16xf32>,
    %swap3A_395 = vector.shape_cast %swap3A_394 : vector<1x16xf32> to vector<16xf32>
    %swap3A_396 = vector.shape_cast %broadcast_in_dim3A_1 : vector<16xf32> to vector<1x16xf32>
    tpu.vector_store %arg9[%swap3A_392, %swap3A_393], %swap3A_396 {strides = array<i32>} : memref<16x144xf32, #tpu.memory_space<vmem>>, vector<1x16xf32>,
    %swap3A_397 = arith.constant 7 : i32
    %swap3A_398 = arith.index_cast %swap3A_397 : i32 to index
    %swap3A_399 = arith.constant 48 : index
    %swap3A_400 = tpu.vector_load %arg9[%swap3A_398, %swap3A_399] {strides = array<i32>} : memref<16x144xf32, #tpu.memory_space<vmem>>, vector<1x16xf32>,
    %swap3A_401 = vector.shape_cast %swap3A_400 : vector<1x16xf32> to vector<16xf32>
    %swap3A_402 = vector.shape_cast %broadcast_in_dim3A_1 : vector<16xf32> to vector<1x16xf32>
    tpu.vector_store %arg9[%swap3A_398, %swap3A_399], %swap3A_402 {strides = array<i32>} : memref<16x144xf32, #tpu.memory_space<vmem>>, vector<1x16xf32>,
    %swap3A_403 = arith.constant 7 : i32
    %swap3A_404 = arith.index_cast %swap3A_403 : i32 to index
    %swap3A_405 = arith.constant 64 : index
    %swap3A_406 = tpu.vector_load %arg9[%swap3A_404, %swap3A_405] {strides = array<i32>} : memref<16x144xf32, #tpu.memory_space<vmem>>, vector<1x16xf32>,
    %swap3A_407 = vector.shape_cast %swap3A_406 : vector<1x16xf32> to vector<16xf32>
    %swap3A_408 = vector.shape_cast %broadcast_in_dim3A_1 : vector<16xf32> to vector<1x16xf32>
    tpu.vector_store %arg9[%swap3A_404, %swap3A_405], %swap3A_408 {strides = array<i32>} : memref<16x144xf32, #tpu.memory_space<vmem>>, vector<1x16xf32>,
    %swap3A_409 = arith.constant 7 : i32
    %swap3A_410 = arith.index_cast %swap3A_409 : i32 to index
    %swap3A_411 = arith.constant 80 : index
    %swap3A_412 = tpu.vector_load %arg9[%swap3A_410, %swap3A_411] {strides = array<i32>} : memref<16x144xf32, #tpu.memory_space<vmem>>, vector<1x16xf32>,
    %swap3A_413 = vector.shape_cast %swap3A_412 : vector<1x16xf32> to vector<16xf32>
    %swap3A_414 = vector.shape_cast %broadcast_in_dim3A_1 : vector<16xf32> to vector<1x16xf32>
    tpu.vector_store %arg9[%swap3A_410, %swap3A_411], %swap3A_414 {strides = array<i32>} : memref<16x144xf32, #tpu.memory_space<vmem>>, vector<1x16xf32>,
    %swap3A_415 = arith.constant 7 : i32
    %swap3A_416 = arith.index_cast %swap3A_415 : i32 to index
    %swap3A_417 = arith.constant 96 : index
    %swap3A_418 = tpu.vector_load %arg9[%swap3A_416, %swap3A_417] {strides = array<i32>} : memref<16x144xf32, #tpu.memory_space<vmem>>, vector<1x16xf32>,
    %swap3A_419 = vector.shape_cast %swap3A_418 : vector<1x16xf32> to vector<16xf32>
    %swap3A_420 = vector.shape_cast %broadcast_in_dim3A_1 : vector<16xf32> to vector<1x16xf32>
    tpu.vector_store %arg9[%swap3A_416, %swap3A_417], %swap3A_420 {strides = array<i32>} : memref<16x144xf32, #tpu.memory_space<vmem>>, vector<1x16xf32>,
    %swap3A_421 = arith.constant 7 : i32
    %swap3A_422 = arith.index_cast %swap3A_421 : i32 to index
    %swap3A_423 = arith.constant 112 : index
    %swap3A_424 = tpu.vector_load %arg9[%swap3A_422, %swap3A_423] {strides = array<i32>} : memref<16x144xf32, #tpu.memory_space<vmem>>, vector<1x16xf32>,
    %swap3A_425 = vector.shape_cast %swap3A_424 : vector<1x16xf32> to vector<16xf32>
    %swap3A_426 = vector.shape_cast %broadcast_in_dim3A_1 : vector<16xf32> to vector<1x16xf32>
    tpu.vector_store %arg9[%swap3A_422, %swap3A_423], %swap3A_426 {strides = array<i32>} : memref<16x144xf32, #tpu.memory_space<vmem>>, vector<1x16xf32>,
    %swap3A_427 = arith.constant 7 : i32
    %swap3A_428 = arith.index_cast %swap3A_427 : i32 to index
    %swap3A_429 = arith.constant 128 : index
    %swap3A_430 = tpu.vector_load %arg9[%swap3A_428, %swap3A_429] {strides = array<i32>} : memref<16x144xf32, #tpu.memory_space<vmem>>, vector<1x16xf32>,
    %swap3A_431 = vector.shape_cast %swap3A_430 : vector<1x16xf32> to vector<16xf32>
    %swap3A_432 = vector.shape_cast %broadcast_in_dim3A_1 : vector<16xf32> to vector<1x16xf32>
    tpu.vector_store %arg9[%swap3A_428, %swap3A_429], %swap3A_432 {strides = array<i32>} : memref<16x144xf32, #tpu.memory_space<vmem>>, vector<1x16xf32>,
    %swap3A_433 = arith.constant 8 : i32
    %swap3A_434 = arith.index_cast %swap3A_433 : i32 to index
    %swap3A_435 = arith.constant 0 : index
    %swap3A_436 = tpu.vector_load %arg9[%swap3A_434, %swap3A_435] {strides = array<i32>} : memref<16x144xf32, #tpu.memory_space<vmem>>, vector<1x16xf32>,
    %swap3A_437 = vector.shape_cast %swap3A_436 : vector<1x16xf32> to vector<16xf32>
    %swap3A_438 = vector.shape_cast %broadcast_in_dim3A_1 : vector<16xf32> to vector<1x16xf32>
    tpu.vector_store %arg9[%swap3A_434, %swap3A_435], %swap3A_438 {strides = array<i32>} : memref<16x144xf32, #tpu.memory_space<vmem>>, vector<1x16xf32>,
    %swap3A_439 = arith.constant 8 : i32
    %swap3A_440 = arith.index_cast %swap3A_439 : i32 to index
    %swap3A_441 = arith.constant 16 : index
    %swap3A_442 = tpu.vector_load %arg9[%swap3A_440, %swap3A_441] {strides = array<i32>} : memref<16x144xf32, #tpu.memory_space<vmem>>, vector<1x16xf32>,
    %swap3A_443 = vector.shape_cast %swap3A_442 : vector<1x16xf32> to vector<16xf32>
    %swap3A_444 = vector.shape_cast %broadcast_in_dim3A_1 : vector<16xf32> to vector<1x16xf32>
    tpu.vector_store %arg9[%swap3A_440, %swap3A_441], %swap3A_444 {strides = array<i32>} : memref<16x144xf32, #tpu.memory_space<vmem>>, vector<1x16xf32>,
    %swap3A_445 = arith.constant 8 : i32
    %swap3A_446 = arith.index_cast %swap3A_445 : i32 to index
    %swap3A_447 = arith.constant 32 : index
    %swap3A_448 = tpu.vector_load %arg9[%swap3A_446, %swap3A_447] {strides = array<i32>} : memref<16x144xf32, #tpu.memory_space<vmem>>, vector<1x16xf32>,
    %swap3A_449 = vector.shape_cast %swap3A_448 : vector<1x16xf32> to vector<16xf32>
    %swap3A_450 = vector.shape_cast %broadcast_in_dim3A_1 : vector<16xf32> to vector<1x16xf32>
    tpu.vector_store %arg9[%swap3A_446, %swap3A_447], %swap3A_450 {strides = array<i32>} : memref<16x144xf32, #tpu.memory_space<vmem>>, vector<1x16xf32>,
    %swap3A_451 = arith.constant 8 : i32
    %swap3A_452 = arith.index_cast %swap3A_451 : i32 to index
    %swap3A_453 = arith.constant 48 : index
    %swap3A_454 = tpu.vector_load %arg9[%swap3A_452, %swap3A_453] {strides = array<i32>} : memref<16x144xf32, #tpu.memory_space<vmem>>, vector<1x16xf32>,
    %swap3A_455 = vector.shape_cast %swap3A_454 : vector<1x16xf32> to vector<16xf32>
    %swap3A_456 = vector.shape_cast %broadcast_in_dim3A_1 : vector<16xf32> to vector<1x16xf32>
    tpu.vector_store %arg9[%swap3A_452, %swap3A_453], %swap3A_456 {strides = array<i32>} : memref<16x144xf32, #tpu.memory_space<vmem>>, vector<1x16xf32>,
    %swap3A_457 = arith.constant 8 : i32
    %swap3A_458 = arith.index_cast %swap3A_457 : i32 to index
    %swap3A_459 = arith.constant 64 : index
    %swap3A_460 = tpu.vector_load %arg9[%swap3A_458, %swap3A_459] {strides = array<i32>} : memref<16x144xf32, #tpu.memory_space<vmem>>, vector<1x16xf32>,
    %swap3A_461 = vector.shape_cast %swap3A_460 : vector<1x16xf32> to vector<16xf32>
    %swap3A_462 = vector.shape_cast %broadcast_in_dim3A_1 : vector<16xf32> to vector<1x16xf32>
    tpu.vector_store %arg9[%swap3A_458, %swap3A_459], %swap3A_462 {strides = array<i32>} : memref<16x144xf32, #tpu.memory_space<vmem>>, vector<1x16xf32>,
    %swap3A_463 = arith.constant 8 : i32
    %swap3A_464 = arith.index_cast %swap3A_463 : i32 to index
    %swap3A_465 = arith.constant 80 : index
    %swap3A_466 = tpu.vector_load %arg9[%swap3A_464, %swap3A_465] {strides = array<i32>} : memref<16x144xf32, #tpu.memory_space<vmem>>, vector<1x16xf32>,
    %swap3A_467 = vector.shape_cast %swap3A_466 : vector<1x16xf32> to vector<16xf32>
    %swap3A_468 = vector.shape_cast %broadcast_in_dim3A_1 : vector<16xf32> to vector<1x16xf32>
    tpu.vector_store %arg9[%swap3A_464, %swap3A_465], %swap3A_468 {strides = array<i32>} : memref<16x144xf32, #tpu.memory_space<vmem>>, vector<1x16xf32>,
    %swap3A_469 = arith.constant 8 : i32
    %swap3A_470 = arith.index_cast %swap3A_469 : i32 to index
    %swap3A_471 = arith.constant 96 : index
    %swap3A_472 = tpu.vector_load %arg9[%swap3A_470, %swap3A_471] {strides = array<i32>} : memref<16x144xf32, #tpu.memory_space<vmem>>, vector<1x16xf32>,
    %swap3A_473 = vector.shape_cast %swap3A_472 : vector<1x16xf32> to vector<16xf32>
    %swap3A_474 = vector.shape_cast %broadcast_in_dim3A_1 : vector<16xf32> to vector<1x16xf32>
    tpu.vector_store %arg9[%swap3A_470, %swap3A_471], %swap3A_474 {strides = array<i32>} : memref<16x144xf32, #tpu.memory_space<vmem>>, vector<1x16xf32>,
    %swap3A_475 = arith.constant 8 : i32
    %swap3A_476 = arith.index_cast %swap3A_475 : i32 to index
    %swap3A_477 = arith.constant 112 : index
    %swap3A_478 = tpu.vector_load %arg9[%swap3A_476, %swap3A_477] {strides = array<i32>} : memref<16x144xf32, #tpu.memory_space<vmem>>, vector<1x16xf32>,
    %swap3A_479 = vector.shape_cast %swap3A_478 : vector<1x16xf32> to vector<16xf32>
    %swap3A_480 = vector.shape_cast %broadcast_in_dim3A_1 : vector<16xf32> to vector<1x16xf32>
    tpu.vector_store %arg9[%swap3A_476, %swap3A_477], %swap3A_480 {strides = array<i32>} : memref<16x144xf32, #tpu.memory_space<vmem>>, vector<1x16xf32>,
    %swap3A_481 = arith.constant 8 : i32
    %swap3A_482 = arith.index_cast %swap3A_481 : i32 to index
    %swap3A_483 = arith.constant 128 : index
    %swap3A_484 = tpu.vector_load %arg9[%swap3A_482, %swap3A_483] {strides = array<i32>} : memref<16x144xf32, #tpu.memory_space<vmem>>, vector<1x16xf32>,
    %swap3A_485 = vector.shape_cast %swap3A_484 : vector<1x16xf32> to vector<16xf32>
    %swap3A_486 = vector.shape_cast %broadcast_in_dim3A_1 : vector<16xf32> to vector<1x16xf32>
    tpu.vector_store %arg9[%swap3A_482, %swap3A_483], %swap3A_486 {strides = array<i32>} : memref<16x144xf32, #tpu.memory_space<vmem>>, vector<1x16xf32>,
    %swap3A_487 = arith.constant 9 : i32
    %swap3A_488 = arith.index_cast %swap3A_487 : i32 to index
    %swap3A_489 = arith.constant 0 : index
    %swap3A_490 = tpu.vector_load %arg9[%swap3A_488, %swap3A_489] {strides = array<i32>} : memref<16x144xf32, #tpu.memory_space<vmem>>, vector<1x16xf32>,
    %swap3A_491 = vector.shape_cast %swap3A_490 : vector<1x16xf32> to vector<16xf32>
    %swap3A_492 = vector.shape_cast %broadcast_in_dim3A_1 : vector<16xf32> to vector<1x16xf32>
    tpu.vector_store %arg9[%swap3A_488, %swap3A_489], %swap3A_492 {strides = array<i32>} : memref<16x144xf32, #tpu.memory_space<vmem>>, vector<1x16xf32>,
    %swap3A_493 = arith.constant 9 : i32
    %swap3A_494 = arith.index_cast %swap3A_493 : i32 to index
    %swap3A_495 = arith.constant 16 : index
    %swap3A_496 = tpu.vector_load %arg9[%swap3A_494, %swap3A_495] {strides = array<i32>} : memref<16x144xf32, #tpu.memory_space<vmem>>, vector<1x16xf32>,
    %swap3A_497 = vector.shape_cast %swap3A_496 : vector<1x16xf32> to vector<16xf32>
    %swap3A_498 = vector.shape_cast %broadcast_in_dim3A_1 : vector<16xf32> to vector<1x16xf32>
    tpu.vector_store %arg9[%swap3A_494, %swap3A_495], %swap3A_498 {strides = array<i32>} : memref<16x144xf32, #tpu.memory_space<vmem>>, vector<1x16xf32>,
    %swap3A_499 = arith.constant 9 : i32
    %swap3A_500 = arith.index_cast %swap3A_499 : i32 to index
    %swap3A_501 = arith.constant 32 : index
    %swap3A_502 = tpu.vector_load %arg9[%swap3A_500, %swap3A_501] {strides = array<i32>} : memref<16x144xf32, #tpu.memory_space<vmem>>, vector<1x16xf32>,
    %swap3A_503 = vector.shape_cast %swap3A_502 : vector<1x16xf32> to vector<16xf32>
    %swap3A_504 = vector.shape_cast %broadcast_in_dim3A_1 : vector<16xf32> to vector<1x16xf32>
    tpu.vector_store %arg9[%swap3A_500, %swap3A_501], %swap3A_504 {strides = array<i32>} : memref<16x144xf32, #tpu.memory_space<vmem>>, vector<1x16xf32>,
    %swap3A_505 = arith.constant 9 : i32
    %swap3A_506 = arith.index_cast %swap3A_505 : i32 to index
    %swap3A_507 = arith.constant 48 : index
    %swap3A_508 = tpu.vector_load %arg9[%swap3A_506, %swap3A_507] {strides = array<i32>} : memref<16x144xf32, #tpu.memory_space<vmem>>, vector<1x16xf32>,
    %swap3A_509 = vector.shape_cast %swap3A_508 : vector<1x16xf32> to vector<16xf32>
    %swap3A_510 = vector.shape_cast %broadcast_in_dim3A_1 : vector<16xf32> to vector<1x16xf32>
    tpu.vector_store %arg9[%swap3A_506, %swap3A_507], %swap3A_510 {strides = array<i32>} : memref<16x144xf32, #tpu.memory_space<vmem>>, vector<1x16xf32>,
    %swap3A_511 = arith.constant 9 : i32
    %swap3A_512 = arith.index_cast %swap3A_511 : i32 to index
    %swap3A_513 = arith.constant 64 : index
    %swap3A_514 = tpu.vector_load %arg9[%swap3A_512, %swap3A_513] {strides = array<i32>} : memref<16x144xf32, #tpu.memory_space<vmem>>, vector<1x16xf32>,
    %swap3A_515 = vector.shape_cast %swap3A_514 : vector<1x16xf32> to vector<16xf32>
    %swap3A_516 = vector.shape_cast %broadcast_in_dim3A_1 : vector<16xf32> to vector<1x16xf32>
    tpu.vector_store %arg9[%swap3A_512, %swap3A_513], %swap3A_516 {strides = array<i32>} : memref<16x144xf32, #tpu.memory_space<vmem>>, vector<1x16xf32>,
    %swap3A_517 = arith.constant 9 : i32
    %swap3A_518 = arith.index_cast %swap3A_517 : i32 to index
    %swap3A_519 = arith.constant 80 : index
    %swap3A_520 = tpu.vector_load %arg9[%swap3A_518, %swap3A_519] {strides = array<i32>} : memref<16x144xf32, #tpu.memory_space<vmem>>, vector<1x16xf32>,
    %swap3A_521 = vector.shape_cast %swap3A_520 : vector<1x16xf32> to vector<16xf32>
    %swap3A_522 = vector.shape_cast %broadcast_in_dim3A_1 : vector<16xf32> to vector<1x16xf32>
    tpu.vector_store %arg9[%swap3A_518, %swap3A_519], %swap3A_522 {strides = array<i32>} : memref<16x144xf32, #tpu.memory_space<vmem>>, vector<1x16xf32>,
    %swap3A_523 = arith.constant 9 : i32
    %swap3A_524 = arith.index_cast %swap3A_523 : i32 to index
    %swap3A_525 = arith.constant 96 : index
    %swap3A_526 = tpu.vector_load %arg9[%swap3A_524, %swap3A_525] {strides = array<i32>} : memref<16x144xf32, #tpu.memory_space<vmem>>, vector<1x16xf32>,
    %swap3A_527 = vector.shape_cast %swap3A_526 : vector<1x16xf32> to vector<16xf32>
    %swap3A_528 = vector.shape_cast %broadcast_in_dim3A_1 : vector<16xf32> to vector<1x16xf32>
    tpu.vector_store %arg9[%swap3A_524, %swap3A_525], %swap3A_528 {strides = array<i32>} : memref<16x144xf32, #tpu.memory_space<vmem>>, vector<1x16xf32>,
    %swap3A_529 = arith.constant 9 : i32
    %swap3A_530 = arith.index_cast %swap3A_529 : i32 to index
    %swap3A_531 = arith.constant 112 : index
    %swap3A_532 = tpu.vector_load %arg9[%swap3A_530, %swap3A_531] {strides = array<i32>} : memref<16x144xf32, #tpu.memory_space<vmem>>, vector<1x16xf32>,
    %swap3A_533 = vector.shape_cast %swap3A_532 : vector<1x16xf32> to vector<16xf32>
    %swap3A_534 = vector.shape_cast %broadcast_in_dim3A_1 : vector<16xf32> to vector<1x16xf32>
    tpu.vector_store %arg9[%swap3A_530, %swap3A_531], %swap3A_534 {strides = array<i32>} : memref<16x144xf32, #tpu.memory_space<vmem>>, vector<1x16xf32>,
    %swap3A_535 = arith.constant 9 : i32
    %swap3A_536 = arith.index_cast %swap3A_535 : i32 to index
    %swap3A_537 = arith.constant 128 : index
    %swap3A_538 = tpu.vector_load %arg9[%swap3A_536, %swap3A_537] {strides = array<i32>} : memref<16x144xf32, #tpu.memory_space<vmem>>, vector<1x16xf32>,
    %swap3A_539 = vector.shape_cast %swap3A_538 : vector<1x16xf32> to vector<16xf32>
    %swap3A_540 = vector.shape_cast %broadcast_in_dim3A_1 : vector<16xf32> to vector<1x16xf32>
    tpu.vector_store %arg9[%swap3A_536, %swap3A_537], %swap3A_540 {strides = array<i32>} : memref<16x144xf32, #tpu.memory_space<vmem>>, vector<1x16xf32>,
    %swap3A_541 = arith.constant 10 : i32
    %swap3A_542 = arith.index_cast %swap3A_541 : i32 to index
    %swap3A_543 = arith.constant 0 : index
    %swap3A_544 = tpu.vector_load %arg9[%swap3A_542, %swap3A_543] {strides = array<i32>} : memref<16x144xf32, #tpu.memory_space<vmem>>, vector<1x16xf32>,
    %swap3A_545 = vector.shape_cast %swap3A_544 : vector<1x16xf32> to vector<16xf32>
    %swap3A_546 = vector.shape_cast %broadcast_in_dim3A_1 : vector<16xf32> to vector<1x16xf32>
    tpu.vector_store %arg9[%swap3A_542, %swap3A_543], %swap3A_546 {strides = array<i32>} : memref<16x144xf32, #tpu.memory_space<vmem>>, vector<1x16xf32>,
    %swap3A_547 = arith.constant 10 : i32
    %swap3A_548 = arith.index_cast %swap3A_547 : i32 to index
    %swap3A_549 = arith.constant 16 : index
    %swap3A_550 = tpu.vector_load %arg9[%swap3A_548, %swap3A_549] {strides = array<i32>} : memref<16x144xf32, #tpu.memory_space<vmem>>, vector<1x16xf32>,
    %swap3A_551 = vector.shape_cast %swap3A_550 : vector<1x16xf32> to vector<16xf32>
    %swap3A_552 = vector.shape_cast %broadcast_in_dim3A_1 : vector<16xf32> to vector<1x16xf32>
    tpu.vector_store %arg9[%swap3A_548, %swap3A_549], %swap3A_552 {strides = array<i32>} : memref<16x144xf32, #tpu.memory_space<vmem>>, vector<1x16xf32>,
    %swap3A_553 = arith.constant 10 : i32
    %swap3A_554 = arith.index_cast %swap3A_553 : i32 to index
    %swap3A_555 = arith.constant 32 : index
    %swap3A_556 = tpu.vector_load %arg9[%swap3A_554, %swap3A_555] {strides = array<i32>} : memref<16x144xf32, #tpu.memory_space<vmem>>, vector<1x16xf32>,
    %swap3A_557 = vector.shape_cast %swap3A_556 : vector<1x16xf32> to vector<16xf32>
    %swap3A_558 = vector.shape_cast %broadcast_in_dim3A_1 : vector<16xf32> to vector<1x16xf32>
    tpu.vector_store %arg9[%swap3A_554, %swap3A_555], %swap3A_558 {strides = array<i32>} : memref<16x144xf32, #tpu.memory_space<vmem>>, vector<1x16xf32>,
    %swap3A_559 = arith.constant 10 : i32
    %swap3A_560 = arith.index_cast %swap3A_559 : i32 to index
    %swap3A_561 = arith.constant 48 : index
    %swap3A_562 = tpu.vector_load %arg9[%swap3A_560, %swap3A_561] {strides = array<i32>} : memref<16x144xf32, #tpu.memory_space<vmem>>, vector<1x16xf32>,
    %swap3A_563 = vector.shape_cast %swap3A_562 : vector<1x16xf32> to vector<16xf32>
    %swap3A_564 = vector.shape_cast %broadcast_in_dim3A_1 : vector<16xf32> to vector<1x16xf32>
    tpu.vector_store %arg9[%swap3A_560, %swap3A_561], %swap3A_564 {strides = array<i32>} : memref<16x144xf32, #tpu.memory_space<vmem>>, vector<1x16xf32>,
    %swap3A_565 = arith.constant 10 : i32
    %swap3A_566 = arith.index_cast %swap3A_565 : i32 to index
    %swap3A_567 = arith.constant 64 : index
    %swap3A_568 = tpu.vector_load %arg9[%swap3A_566, %swap3A_567] {strides = array<i32>} : memref<16x144xf32, #tpu.memory_space<vmem>>, vector<1x16xf32>,
    %swap3A_569 = vector.shape_cast %swap3A_568 : vector<1x16xf32> to vector<16xf32>
    %swap3A_570 = vector.shape_cast %broadcast_in_dim3A_1 : vector<16xf32> to vector<1x16xf32>
    tpu.vector_store %arg9[%swap3A_566, %swap3A_567], %swap3A_570 {strides = array<i32>} : memref<16x144xf32, #tpu.memory_space<vmem>>, vector<1x16xf32>,
    %swap3A_571 = arith.constant 10 : i32
    %swap3A_572 = arith.index_cast %swap3A_571 : i32 to index
    %swap3A_573 = arith.constant 80 : index
    %swap3A_574 = tpu.vector_load %arg9[%swap3A_572, %swap3A_573] {strides = array<i32>} : memref<16x144xf32, #tpu.memory_space<vmem>>, vector<1x16xf32>,
    %swap3A_575 = vector.shape_cast %swap3A_574 : vector<1x16xf32> to vector<16xf32>
    %swap3A_576 = vector.shape_cast %broadcast_in_dim3A_1 : vector<16xf32> to vector<1x16xf32>
    tpu.vector_store %arg9[%swap3A_572, %swap3A_573], %swap3A_576 {strides = array<i32>} : memref<16x144xf32, #tpu.memory_space<vmem>>, vector<1x16xf32>,
    %swap3A_577 = arith.constant 10 : i32
    %swap3A_578 = arith.index_cast %swap3A_577 : i32 to index
    %swap3A_579 = arith.constant 96 : index
    %swap3A_580 = tpu.vector_load %arg9[%swap3A_578, %swap3A_579] {strides = array<i32>} : memref<16x144xf32, #tpu.memory_space<vmem>>, vector<1x16xf32>,
    %swap3A_581 = vector.shape_cast %swap3A_580 : vector<1x16xf32> to vector<16xf32>
    %swap3A_582 = vector.shape_cast %broadcast_in_dim3A_1 : vector<16xf32> to vector<1x16xf32>
    tpu.vector_store %arg9[%swap3A_578, %swap3A_579], %swap3A_582 {strides = array<i32>} : memref<16x144xf32, #tpu.memory_space<vmem>>, vector<1x16xf32>,
    %swap3A_583 = arith.constant 10 : i32
    %swap3A_584 = arith.index_cast %swap3A_583 : i32 to index
    %swap3A_585 = arith.constant 112 : index
    %swap3A_586 = tpu.vector_load %arg9[%swap3A_584, %swap3A_585] {strides = array<i32>} : memref<16x144xf32, #tpu.memory_space<vmem>>, vector<1x16xf32>,
    %swap3A_587 = vector.shape_cast %swap3A_586 : vector<1x16xf32> to vector<16xf32>
    %swap3A_588 = vector.shape_cast %broadcast_in_dim3A_1 : vector<16xf32> to vector<1x16xf32>
    tpu.vector_store %arg9[%swap3A_584, %swap3A_585], %swap3A_588 {strides = array<i32>} : memref<16x144xf32, #tpu.memory_space<vmem>>, vector<1x16xf32>,
    %swap3A_589 = arith.constant 10 : i32
    %swap3A_590 = arith.index_cast %swap3A_589 : i32 to index
    %swap3A_591 = arith.constant 128 : index
    %swap3A_592 = tpu.vector_load %arg9[%swap3A_590, %swap3A_591] {strides = array<i32>} : memref<16x144xf32, #tpu.memory_space<vmem>>, vector<1x16xf32>,
    %swap3A_593 = vector.shape_cast %swap3A_592 : vector<1x16xf32> to vector<16xf32>
    %swap3A_594 = vector.shape_cast %broadcast_in_dim3A_1 : vector<16xf32> to vector<1x16xf32>
    tpu.vector_store %arg9[%swap3A_590, %swap3A_591], %swap3A_594 {strides = array<i32>} : memref<16x144xf32, #tpu.memory_space<vmem>>, vector<1x16xf32>,
    %swap3A_595 = arith.constant 11 : i32
    %swap3A_596 = arith.index_cast %swap3A_595 : i32 to index
    %swap3A_597 = arith.constant 0 : index
    %swap3A_598 = tpu.vector_load %arg9[%swap3A_596, %swap3A_597] {strides = array<i32>} : memref<16x144xf32, #tpu.memory_space<vmem>>, vector<1x16xf32>,
    %swap3A_599 = vector.shape_cast %swap3A_598 : vector<1x16xf32> to vector<16xf32>
    %swap3A_600 = vector.shape_cast %broadcast_in_dim3A_1 : vector<16xf32> to vector<1x16xf32>
    tpu.vector_store %arg9[%swap3A_596, %swap3A_597], %swap3A_600 {strides = array<i32>} : memref<16x144xf32, #tpu.memory_space<vmem>>, vector<1x16xf32>,
    %swap3A_601 = arith.constant 11 : i32
    %swap3A_602 = arith.index_cast %swap3A_601 : i32 to index
    %swap3A_603 = arith.constant 16 : index
    %swap3A_604 = tpu.vector_load %arg9[%swap3A_602, %swap3A_603] {strides = array<i32>} : memref<16x144xf32, #tpu.memory_space<vmem>>, vector<1x16xf32>,
    %swap3A_605 = vector.shape_cast %swap3A_604 : vector<1x16xf32> to vector<16xf32>
    %swap3A_606 = vector.shape_cast %broadcast_in_dim3A_1 : vector<16xf32> to vector<1x16xf32>
    tpu.vector_store %arg9[%swap3A_602, %swap3A_603], %swap3A_606 {strides = array<i32>} : memref<16x144xf32, #tpu.memory_space<vmem>>, vector<1x16xf32>,
    %swap3A_607 = arith.constant 11 : i32
    %swap3A_608 = arith.index_cast %swap3A_607 : i32 to index
    %swap3A_609 = arith.constant 32 : index
    %swap3A_610 = tpu.vector_load %arg9[%swap3A_608, %swap3A_609] {strides = array<i32>} : memref<16x144xf32, #tpu.memory_space<vmem>>, vector<1x16xf32>,
    %swap3A_611 = vector.shape_cast %swap3A_610 : vector<1x16xf32> to vector<16xf32>
    %swap3A_612 = vector.shape_cast %broadcast_in_dim3A_1 : vector<16xf32> to vector<1x16xf32>
    tpu.vector_store %arg9[%swap3A_608, %swap3A_609], %swap3A_612 {strides = array<i32>} : memref<16x144xf32, #tpu.memory_space<vmem>>, vector<1x16xf32>,
    %swap3A_613 = arith.constant 11 : i32
    %swap3A_614 = arith.index_cast %swap3A_613 : i32 to index
    %swap3A_615 = arith.constant 48 : index
    %swap3A_616 = tpu.vector_load %arg9[%swap3A_614, %swap3A_615] {strides = array<i32>} : memref<16x144xf32, #tpu.memory_space<vmem>>, vector<1x16xf32>,
    %swap3A_617 = vector.shape_cast %swap3A_616 : vector<1x16xf32> to vector<16xf32>
    %swap3A_618 = vector.shape_cast %broadcast_in_dim3A_1 : vector<16xf32> to vector<1x16xf32>
    tpu.vector_store %arg9[%swap3A_614, %swap3A_615], %swap3A_618 {strides = array<i32>} : memref<16x144xf32, #tpu.memory_space<vmem>>, vector<1x16xf32>,
    %swap3A_619 = arith.constant 11 : i32
    %swap3A_620 = arith.index_cast %swap3A_619 : i32 to index
    %swap3A_621 = arith.constant 64 : index
    %swap3A_622 = tpu.vector_load %arg9[%swap3A_620, %swap3A_621] {strides = array<i32>} : memref<16x144xf32, #tpu.memory_space<vmem>>, vector<1x16xf32>,
    %swap3A_623 = vector.shape_cast %swap3A_622 : vector<1x16xf32> to vector<16xf32>
    %swap3A_624 = vector.shape_cast %broadcast_in_dim3A_1 : vector<16xf32> to vector<1x16xf32>
    tpu.vector_store %arg9[%swap3A_620, %swap3A_621], %swap3A_624 {strides = array<i32>} : memref<16x144xf32, #tpu.memory_space<vmem>>, vector<1x16xf32>,
    %swap3A_625 = arith.constant 11 : i32
    %swap3A_626 = arith.index_cast %swap3A_625 : i32 to index
    %swap3A_627 = arith.constant 80 : index
    %swap3A_628 = tpu.vector_load %arg9[%swap3A_626, %swap3A_627] {strides = array<i32>} : memref<16x144xf32, #tpu.memory_space<vmem>>, vector<1x16xf32>,
    %swap3A_629 = vector.shape_cast %swap3A_628 : vector<1x16xf32> to vector<16xf32>
    %swap3A_630 = vector.shape_cast %broadcast_in_dim3A_1 : vector<16xf32> to vector<1x16xf32>
    tpu.vector_store %arg9[%swap3A_626, %swap3A_627], %swap3A_630 {strides = array<i32>} : memref<16x144xf32, #tpu.memory_space<vmem>>, vector<1x16xf32>,
    %swap3A_631 = arith.constant 11 : i32
    %swap3A_632 = arith.index_cast %swap3A_631 : i32 to index
    %swap3A_633 = arith.constant 96 : index
    %swap3A_634 = tpu.vector_load %arg9[%swap3A_632, %swap3A_633] {strides = array<i32>} : memref<16x144xf32, #tpu.memory_space<vmem>>, vector<1x16xf32>,
    %swap3A_635 = vector.shape_cast %swap3A_634 : vector<1x16xf32> to vector<16xf32>
    %swap3A_636 = vector.shape_cast %broadcast_in_dim3A_1 : vector<16xf32> to vector<1x16xf32>
    tpu.vector_store %arg9[%swap3A_632, %swap3A_633], %swap3A_636 {strides = array<i32>} : memref<16x144xf32, #tpu.memory_space<vmem>>, vector<1x16xf32>,
    %swap3A_637 = arith.constant 11 : i32
    %swap3A_638 = arith.index_cast %swap3A_637 : i32 to index
    %swap3A_639 = arith.constant 112 : index
    %swap3A_640 = tpu.vector_load %arg9[%swap3A_638, %swap3A_639] {strides = array<i32>} : memref<16x144xf32, #tpu.memory_space<vmem>>, vector<1x16xf32>,
    %swap3A_641 = vector.shape_cast %swap3A_640 : vector<1x16xf32> to vector<16xf32>
    %swap3A_642 = vector.shape_cast %broadcast_in_dim3A_1 : vector<16xf32> to vector<1x16xf32>
    tpu.vector_store %arg9[%swap3A_638, %swap3A_639], %swap3A_642 {strides = array<i32>} : memref<16x144xf32, #tpu.memory_space<vmem>>, vector<1x16xf32>,
    %swap3A_643 = arith.constant 11 : i32
    %swap3A_644 = arith.index_cast %swap3A_643 : i32 to index
    %swap3A_645 = arith.constant 128 : index
    %swap3A_646 = tpu.vector_load %arg9[%swap3A_644, %swap3A_645] {strides = array<i32>} : memref<16x144xf32, #tpu.memory_space<vmem>>, vector<1x16xf32>,
    %swap3A_647 = vector.shape_cast %swap3A_646 : vector<1x16xf32> to vector<16xf32>
    %swap3A_648 = vector.shape_cast %broadcast_in_dim3A_1 : vector<16xf32> to vector<1x16xf32>
    tpu.vector_store %arg9[%swap3A_644, %swap3A_645], %swap3A_648 {strides = array<i32>} : memref<16x144xf32, #tpu.memory_space<vmem>>, vector<1x16xf32>,
    %swap3A_649 = arith.constant 12 : i32
    %swap3A_650 = arith.index_cast %swap3A_649 : i32 to index
    %swap3A_651 = arith.constant 0 : index
    %swap3A_652 = tpu.vector_load %arg9[%swap3A_650, %swap3A_651] {strides = array<i32>} : memref<16x144xf32, #tpu.memory_space<vmem>>, vector<1x16xf32>,
    %swap3A_653 = vector.shape_cast %swap3A_652 : vector<1x16xf32> to vector<16xf32>
    %swap3A_654 = vector.shape_cast %broadcast_in_dim3A_1 : vector<16xf32> to vector<1x16xf32>
    tpu.vector_store %arg9[%swap3A_650, %swap3A_651], %swap3A_654 {strides = array<i32>} : memref<16x144xf32, #tpu.memory_space<vmem>>, vector<1x16xf32>,
    %swap3A_655 = arith.constant 12 : i32
    %swap3A_656 = arith.index_cast %swap3A_655 : i32 to index
    %swap3A_657 = arith.constant 16 : index
    %swap3A_658 = tpu.vector_load %arg9[%swap3A_656, %swap3A_657] {strides = array<i32>} : memref<16x144xf32, #tpu.memory_space<vmem>>, vector<1x16xf32>,
    %swap3A_659 = vector.shape_cast %swap3A_658 : vector<1x16xf32> to vector<16xf32>
    %swap3A_660 = vector.shape_cast %broadcast_in_dim3A_1 : vector<16xf32> to vector<1x16xf32>
    tpu.vector_store %arg9[%swap3A_656, %swap3A_657], %swap3A_660 {strides = array<i32>} : memref<16x144xf32, #tpu.memory_space<vmem>>, vector<1x16xf32>,
    %swap3A_661 = arith.constant 12 : i32
    %swap3A_662 = arith.index_cast %swap3A_661 : i32 to index
    %swap3A_663 = arith.constant 32 : index
    %swap3A_664 = tpu.vector_load %arg9[%swap3A_662, %swap3A_663] {strides = array<i32>} : memref<16x144xf32, #tpu.memory_space<vmem>>, vector<1x16xf32>,
    %swap3A_665 = vector.shape_cast %swap3A_664 : vector<1x16xf32> to vector<16xf32>
    %swap3A_666 = vector.shape_cast %broadcast_in_dim3A_1 : vector<16xf32> to vector<1x16xf32>
    tpu.vector_store %arg9[%swap3A_662, %swap3A_663], %swap3A_666 {strides = array<i32>} : memref<16x144xf32, #tpu.memory_space<vmem>>, vector<1x16xf32>,
    %swap3A_667 = arith.constant 12 : i32
    %swap3A_668 = arith.index_cast %swap3A_667 : i32 to index
    %swap3A_669 = arith.constant 48 : index
    %swap3A_670 = tpu.vector_load %arg9[%swap3A_668, %swap3A_669] {strides = array<i32>} : memref<16x144xf32, #tpu.memory_space<vmem>>, vector<1x16xf32>,
    %swap3A_671 = vector.shape_cast %swap3A_670 : vector<1x16xf32> to vector<16xf32>
    %swap3A_672 = vector.shape_cast %broadcast_in_dim3A_1 : vector<16xf32> to vector<1x16xf32>
    tpu.vector_store %arg9[%swap3A_668, %swap3A_669], %swap3A_672 {strides = array<i32>} : memref<16x144xf32, #tpu.memory_space<vmem>>, vector<1x16xf32>,
    %swap3A_673 = arith.constant 12 : i32
    %swap3A_674 = arith.index_cast %swap3A_673 : i32 to index
    %swap3A_675 = arith.constant 64 : index
    %swap3A_676 = tpu.vector_load %arg9[%swap3A_674, %swap3A_675] {strides = array<i32>} : memref<16x144xf32, #tpu.memory_space<vmem>>, vector<1x16xf32>,
    %swap3A_677 = vector.shape_cast %swap3A_676 : vector<1x16xf32> to vector<16xf32>
    %swap3A_678 = vector.shape_cast %broadcast_in_dim3A_1 : vector<16xf32> to vector<1x16xf32>
    tpu.vector_store %arg9[%swap3A_674, %swap3A_675], %swap3A_678 {strides = array<i32>} : memref<16x144xf32, #tpu.memory_space<vmem>>, vector<1x16xf32>,
    %swap3A_679 = arith.constant 12 : i32
    %swap3A_680 = arith.index_cast %swap3A_679 : i32 to index
    %swap3A_681 = arith.constant 80 : index
    %swap3A_682 = tpu.vector_load %arg9[%swap3A_680, %swap3A_681] {strides = array<i32>} : memref<16x144xf32, #tpu.memory_space<vmem>>, vector<1x16xf32>,
    %swap3A_683 = vector.shape_cast %swap3A_682 : vector<1x16xf32> to vector<16xf32>
    %swap3A_684 = vector.shape_cast %broadcast_in_dim3A_1 : vector<16xf32> to vector<1x16xf32>
    tpu.vector_store %arg9[%swap3A_680, %swap3A_681], %swap3A_684 {strides = array<i32>} : memref<16x144xf32, #tpu.memory_space<vmem>>, vector<1x16xf32>,
    %swap3A_685 = arith.constant 12 : i32
    %swap3A_686 = arith.index_cast %swap3A_685 : i32 to index
    %swap3A_687 = arith.constant 96 : index
    %swap3A_688 = tpu.vector_load %arg9[%swap3A_686, %swap3A_687] {strides = array<i32>} : memref<16x144xf32, #tpu.memory_space<vmem>>, vector<1x16xf32>,
    %swap3A_689 = vector.shape_cast %swap3A_688 : vector<1x16xf32> to vector<16xf32>
    %swap3A_690 = vector.shape_cast %broadcast_in_dim3A_1 : vector<16xf32> to vector<1x16xf32>
    tpu.vector_store %arg9[%swap3A_686, %swap3A_687], %swap3A_690 {strides = array<i32>} : memref<16x144xf32, #tpu.memory_space<vmem>>, vector<1x16xf32>,
    %swap3A_691 = arith.constant 12 : i32
    %swap3A_692 = arith.index_cast %swap3A_691 : i32 to index
    %swap3A_693 = arith.constant 112 : index
    %swap3A_694 = tpu.vector_load %arg9[%swap3A_692, %swap3A_693] {strides = array<i32>} : memref<16x144xf32, #tpu.memory_space<vmem>>, vector<1x16xf32>,
    %swap3A_695 = vector.shape_cast %swap3A_694 : vector<1x16xf32> to vector<16xf32>
    %swap3A_696 = vector.shape_cast %broadcast_in_dim3A_1 : vector<16xf32> to vector<1x16xf32>
    tpu.vector_store %arg9[%swap3A_692, %swap3A_693], %swap3A_696 {strides = array<i32>} : memref<16x144xf32, #tpu.memory_space<vmem>>, vector<1x16xf32>,
    %swap3A_697 = arith.constant 12 : i32
    %swap3A_698 = arith.index_cast %swap3A_697 : i32 to index
    %swap3A_699 = arith.constant 128 : index
    %swap3A_700 = tpu.vector_load %arg9[%swap3A_698, %swap3A_699] {strides = array<i32>} : memref<16x144xf32, #tpu.memory_space<vmem>>, vector<1x16xf32>,
    %swap3A_701 = vector.shape_cast %swap3A_700 : vector<1x16xf32> to vector<16xf32>
    %swap3A_702 = vector.shape_cast %broadcast_in_dim3A_1 : vector<16xf32> to vector<1x16xf32>
    tpu.vector_store %arg9[%swap3A_698, %swap3A_699], %swap3A_702 {strides = array<i32>} : memref<16x144xf32, #tpu.memory_space<vmem>>, vector<1x16xf32>,
    %swap3A_703 = arith.constant 13 : i32
    %swap3A_704 = arith.index_cast %swap3A_703 : i32 to index
    %swap3A_705 = arith.constant 0 : index
    %swap3A_706 = tpu.vector_load %arg9[%swap3A_704, %swap3A_705] {strides = array<i32>} : memref<16x144xf32, #tpu.memory_space<vmem>>, vector<1x16xf32>,
    %swap3A_707 = vector.shape_cast %swap3A_706 : vector<1x16xf32> to vector<16xf32>
    %swap3A_708 = vector.shape_cast %broadcast_in_dim3A_1 : vector<16xf32> to vector<1x16xf32>
    tpu.vector_store %arg9[%swap3A_704, %swap3A_705], %swap3A_708 {strides = array<i32>} : memref<16x144xf32, #tpu.memory_space<vmem>>, vector<1x16xf32>,
    %swap3A_709 = arith.constant 13 : i32
    %swap3A_710 = arith.index_cast %swap3A_709 : i32 to index
    %swap3A_711 = arith.constant 16 : index
    %swap3A_712 = tpu.vector_load %arg9[%swap3A_710, %swap3A_711] {strides = array<i32>} : memref<16x144xf32, #tpu.memory_space<vmem>>, vector<1x16xf32>,
    %swap3A_713 = vector.shape_cast %swap3A_712 : vector<1x16xf32> to vector<16xf32>
    %swap3A_714 = vector.shape_cast %broadcast_in_dim3A_1 : vector<16xf32> to vector<1x16xf32>
    tpu.vector_store %arg9[%swap3A_710, %swap3A_711], %swap3A_714 {strides = array<i32>} : memref<16x144xf32, #tpu.memory_space<vmem>>, vector<1x16xf32>,
    %swap3A_715 = arith.constant 13 : i32
    %swap3A_716 = arith.index_cast %swap3A_715 : i32 to index
    %swap3A_717 = arith.constant 32 : index
    %swap3A_718 = tpu.vector_load %arg9[%swap3A_716, %swap3A_717] {strides = array<i32>} : memref<16x144xf32, #tpu.memory_space<vmem>>, vector<1x16xf32>,
    %swap3A_719 = vector.shape_cast %swap3A_718 : vector<1x16xf32> to vector<16xf32>
    %swap3A_720 = vector.shape_cast %broadcast_in_dim3A_1 : vector<16xf32> to vector<1x16xf32>
    tpu.vector_store %arg9[%swap3A_716, %swap3A_717], %swap3A_720 {strides = array<i32>} : memref<16x144xf32, #tpu.memory_space<vmem>>, vector<1x16xf32>,
    %swap3A_721 = arith.constant 13 : i32
    %swap3A_722 = arith.index_cast %swap3A_721 : i32 to index
    %swap3A_723 = arith.constant 48 : index
    %swap3A_724 = tpu.vector_load %arg9[%swap3A_722, %swap3A_723] {strides = array<i32>} : memref<16x144xf32, #tpu.memory_space<vmem>>, vector<1x16xf32>,
    %swap3A_725 = vector.shape_cast %swap3A_724 : vector<1x16xf32> to vector<16xf32>
    %swap3A_726 = vector.shape_cast %broadcast_in_dim3A_1 : vector<16xf32> to vector<1x16xf32>
    tpu.vector_store %arg9[%swap3A_722, %swap3A_723], %swap3A_726 {strides = array<i32>} : memref<16x144xf32, #tpu.memory_space<vmem>>, vector<1x16xf32>,
    %swap3A_727 = arith.constant 13 : i32
    %swap3A_728 = arith.index_cast %swap3A_727 : i32 to index
    %swap3A_729 = arith.constant 64 : index
    %swap3A_730 = tpu.vector_load %arg9[%swap3A_728, %swap3A_729] {strides = array<i32>} : memref<16x144xf32, #tpu.memory_space<vmem>>, vector<1x16xf32>,
    %swap3A_731 = vector.shape_cast %swap3A_730 : vector<1x16xf32> to vector<16xf32>
    %swap3A_732 = vector.shape_cast %broadcast_in_dim3A_1 : vector<16xf32> to vector<1x16xf32>
    tpu.vector_store %arg9[%swap3A_728, %swap3A_729], %swap3A_732 {strides = array<i32>} : memref<16x144xf32, #tpu.memory_space<vmem>>, vector<1x16xf32>,
    %swap3A_733 = arith.constant 13 : i32
    %swap3A_734 = arith.index_cast %swap3A_733 : i32 to index
    %swap3A_735 = arith.constant 80 : index
    %swap3A_736 = tpu.vector_load %arg9[%swap3A_734, %swap3A_735] {strides = array<i32>} : memref<16x144xf32, #tpu.memory_space<vmem>>, vector<1x16xf32>,
    %swap3A_737 = vector.shape_cast %swap3A_736 : vector<1x16xf32> to vector<16xf32>
    %swap3A_738 = vector.shape_cast %broadcast_in_dim3A_1 : vector<16xf32> to vector<1x16xf32>
    tpu.vector_store %arg9[%swap3A_734, %swap3A_735], %swap3A_738 {strides = array<i32>} : memref<16x144xf32, #tpu.memory_space<vmem>>, vector<1x16xf32>,
    %swap3A_739 = arith.constant 13 : i32
    %swap3A_740 = arith.index_cast %swap3A_739 : i32 to index
    %swap3A_741 = arith.constant 96 : index
    %swap3A_742 = tpu.vector_load %arg9[%swap3A_740, %swap3A_741] {strides = array<i32>} : memref<16x144xf32, #tpu.memory_space<vmem>>, vector<1x16xf32>,
    %swap3A_743 = vector.shape_cast %swap3A_742 : vector<1x16xf32> to vector<16xf32>
    %swap3A_744 = vector.shape_cast %broadcast_in_dim3A_1 : vector<16xf32> to vector<1x16xf32>
    tpu.vector_store %arg9[%swap3A_740, %swap3A_741], %swap3A_744 {strides = array<i32>} : memref<16x144xf32, #tpu.memory_space<vmem>>, vector<1x16xf32>,
    %swap3A_745 = arith.constant 13 : i32
    %swap3A_746 = arith.index_cast %swap3A_745 : i32 to index
    %swap3A_747 = arith.constant 112 : index
    %swap3A_748 = tpu.vector_load %arg9[%swap3A_746, %swap3A_747] {strides = array<i32>} : memref<16x144xf32, #tpu.memory_space<vmem>>, vector<1x16xf32>,
    %swap3A_749 = vector.shape_cast %swap3A_748 : vector<1x16xf32> to vector<16xf32>
    %swap3A_750 = vector.shape_cast %broadcast_in_dim3A_1 : vector<16xf32> to vector<1x16xf32>
    tpu.vector_store %arg9[%swap3A_746, %swap3A_747], %swap3A_750 {strides = array<i32>} : memref<16x144xf32, #tpu.memory_space<vmem>>, vector<1x16xf32>,
    %swap3A_751 = arith.constant 13 : i32
    %swap3A_752 = arith.index_cast %swap3A_751 : i32 to index
    %swap3A_753 = arith.constant 128 : index
    %swap3A_754 = tpu.vector_load %arg9[%swap3A_752, %swap3A_753] {strides = array<i32>} : memref<16x144xf32, #tpu.memory_space<vmem>>, vector<1x16xf32>,
    %swap3A_755 = vector.shape_cast %swap3A_754 : vector<1x16xf32> to vector<16xf32>
    %swap3A_756 = vector.shape_cast %broadcast_in_dim3A_1 : vector<16xf32> to vector<1x16xf32>
    tpu.vector_store %arg9[%swap3A_752, %swap3A_753], %swap3A_756 {strides = array<i32>} : memref<16x144xf32, #tpu.memory_space<vmem>>, vector<1x16xf32>,
    %swap3A_757 = arith.constant 14 : i32
    %swap3A_758 = arith.index_cast %swap3A_757 : i32 to index
    %swap3A_759 = arith.constant 0 : index
    %swap3A_760 = tpu.vector_load %arg9[%swap3A_758, %swap3A_759] {strides = array<i32>} : memref<16x144xf32, #tpu.memory_space<vmem>>, vector<1x16xf32>,
    %swap3A_761 = vector.shape_cast %swap3A_760 : vector<1x16xf32> to vector<16xf32>
    %swap3A_762 = vector.shape_cast %broadcast_in_dim3A_1 : vector<16xf32> to vector<1x16xf32>
    tpu.vector_store %arg9[%swap3A_758, %swap3A_759], %swap3A_762 {strides = array<i32>} : memref<16x144xf32, #tpu.memory_space<vmem>>, vector<1x16xf32>,
    %swap3A_763 = arith.constant 14 : i32
    %swap3A_764 = arith.index_cast %swap3A_763 : i32 to index
    %swap3A_765 = arith.constant 16 : index
    %swap3A_766 = tpu.vector_load %arg9[%swap3A_764, %swap3A_765] {strides = array<i32>} : memref<16x144xf32, #tpu.memory_space<vmem>>, vector<1x16xf32>,
    %swap3A_767 = vector.shape_cast %swap3A_766 : vector<1x16xf32> to vector<16xf32>
    %swap3A_768 = vector.shape_cast %broadcast_in_dim3A_1 : vector<16xf32> to vector<1x16xf32>
    tpu.vector_store %arg9[%swap3A_764, %swap3A_765], %swap3A_768 {strides = array<i32>} : memref<16x144xf32, #tpu.memory_space<vmem>>, vector<1x16xf32>,
    %swap3A_769 = arith.constant 14 : i32
    %swap3A_770 = arith.index_cast %swap3A_769 : i32 to index
    %swap3A_771 = arith.constant 32 : index
    %swap3A_772 = tpu.vector_load %arg9[%swap3A_770, %swap3A_771] {strides = array<i32>} : memref<16x144xf32, #tpu.memory_space<vmem>>, vector<1x16xf32>,
    %swap3A_773 = vector.shape_cast %swap3A_772 : vector<1x16xf32> to vector<16xf32>
    %swap3A_774 = vector.shape_cast %broadcast_in_dim3A_1 : vector<16xf32> to vector<1x16xf32>
    tpu.vector_store %arg9[%swap3A_770, %swap3A_771], %swap3A_774 {strides = array<i32>} : memref<16x144xf32, #tpu.memory_space<vmem>>, vector<1x16xf32>,
    %swap3A_775 = arith.constant 14 : i32
    %swap3A_776 = arith.index_cast %swap3A_775 : i32 to index
    %swap3A_777 = arith.constant 48 : index
    %swap3A_778 = tpu.vector_load %arg9[%swap3A_776, %swap3A_777] {strides = array<i32>} : memref<16x144xf32, #tpu.memory_space<vmem>>, vector<1x16xf32>,
    %swap3A_779 = vector.shape_cast %swap3A_778 : vector<1x16xf32> to vector<16xf32>
    %swap3A_780 = vector.shape_cast %broadcast_in_dim3A_1 : vector<16xf32> to vector<1x16xf32>
    tpu.vector_store %arg9[%swap3A_776, %swap3A_777], %swap3A_780 {strides = array<i32>} : memref<16x144xf32, #tpu.memory_space<vmem>>, vector<1x16xf32>,
    %swap3A_781 = arith.constant 14 : i32
    %swap3A_782 = arith.index_cast %swap3A_781 : i32 to index
    %swap3A_783 = arith.constant 64 : index
    %swap3A_784 = tpu.vector_load %arg9[%swap3A_782, %swap3A_783] {strides = array<i32>} : memref<16x144xf32, #tpu.memory_space<vmem>>, vector<1x16xf32>,
    %swap3A_785 = vector.shape_cast %swap3A_784 : vector<1x16xf32> to vector<16xf32>
    %swap3A_786 = vector.shape_cast %broadcast_in_dim3A_1 : vector<16xf32> to vector<1x16xf32>
    tpu.vector_store %arg9[%swap3A_782, %swap3A_783], %swap3A_786 {strides = array<i32>} : memref<16x144xf32, #tpu.memory_space<vmem>>, vector<1x16xf32>,
    %swap3A_787 = arith.constant 14 : i32
    %swap3A_788 = arith.index_cast %swap3A_787 : i32 to index
    %swap3A_789 = arith.constant 80 : index
    %swap3A_790 = tpu.vector_load %arg9[%swap3A_788, %swap3A_789] {strides = array<i32>} : memref<16x144xf32, #tpu.memory_space<vmem>>, vector<1x16xf32>,
    %swap3A_791 = vector.shape_cast %swap3A_790 : vector<1x16xf32> to vector<16xf32>
    %swap3A_792 = vector.shape_cast %broadcast_in_dim3A_1 : vector<16xf32> to vector<1x16xf32>
    tpu.vector_store %arg9[%swap3A_788, %swap3A_789], %swap3A_792 {strides = array<i32>} : memref<16x144xf32, #tpu.memory_space<vmem>>, vector<1x16xf32>,
    %swap3A_793 = arith.constant 14 : i32
    %swap3A_794 = arith.index_cast %swap3A_793 : i32 to index
    %swap3A_795 = arith.constant 96 : index
    %swap3A_796 = tpu.vector_load %arg9[%swap3A_794, %swap3A_795] {strides = array<i32>} : memref<16x144xf32, #tpu.memory_space<vmem>>, vector<1x16xf32>,
    %swap3A_797 = vector.shape_cast %swap3A_796 : vector<1x16xf32> to vector<16xf32>
    %swap3A_798 = vector.shape_cast %broadcast_in_dim3A_1 : vector<16xf32> to vector<1x16xf32>
    tpu.vector_store %arg9[%swap3A_794, %swap3A_795], %swap3A_798 {strides = array<i32>} : memref<16x144xf32, #tpu.memory_space<vmem>>, vector<1x16xf32>,
    %swap3A_799 = arith.constant 14 : i32
    %swap3A_800 = arith.index_cast %swap3A_799 : i32 to index
    %swap3A_801 = arith.constant 112 : index
    %swap3A_802 = tpu.vector_load %arg9[%swap3A_800, %swap3A_801] {strides = array<i32>} : memref<16x144xf32, #tpu.memory_space<vmem>>, vector<1x16xf32>,
    %swap3A_803 = vector.shape_cast %swap3A_802 : vector<1x16xf32> to vector<16xf32>
    %swap3A_804 = vector.shape_cast %broadcast_in_dim3A_1 : vector<16xf32> to vector<1x16xf32>
    tpu.vector_store %arg9[%swap3A_800, %swap3A_801], %swap3A_804 {strides = array<i32>} : memref<16x144xf32, #tpu.memory_space<vmem>>, vector<1x16xf32>,
    %swap3A_805 = arith.constant 14 : i32
    %swap3A_806 = arith.index_cast %swap3A_805 : i32 to index
    %swap3A_807 = arith.constant 128 : index
    %swap3A_808 = tpu.vector_load %arg9[%swap3A_806, %swap3A_807] {strides = array<i32>} : memref<16x144xf32, #tpu.memory_space<vmem>>, vector<1x16xf32>,
    %swap3A_809 = vector.shape_cast %swap3A_808 : vector<1x16xf32> to vector<16xf32>
    %swap3A_810 = vector.shape_cast %broadcast_in_dim3A_1 : vector<16xf32> to vector<1x16xf32>
    tpu.vector_store %arg9[%swap3A_806, %swap3A_807], %swap3A_810 {strides = array<i32>} : memref<16x144xf32, #tpu.memory_space<vmem>>, vector<1x16xf32>,
    %swap3A_811 = arith.constant 15 : i32
    %swap3A_812 = arith.index_cast %swap3A_811 : i32 to index
    %swap3A_813 = arith.constant 0 : index
    %swap3A_814 = tpu.vector_load %arg9[%swap3A_812, %swap3A_813] {strides = array<i32>} : memref<16x144xf32, #tpu.memory_space<vmem>>, vector<1x16xf32>,
    %swap3A_815 = vector.shape_cast %swap3A_814 : vector<1x16xf32> to vector<16xf32>
    %swap3A_816 = vector.shape_cast %broadcast_in_dim3A_1 : vector<16xf32> to vector<1x16xf32>
    tpu.vector_store %arg9[%swap3A_812, %swap3A_813], %swap3A_816 {strides = array<i32>} : memref<16x144xf32, #tpu.memory_space<vmem>>, vector<1x16xf32>,
    %swap3A_817 = arith.constant 15 : i32
    %swap3A_818 = arith.index_cast %swap3A_817 : i32 to index
    %swap3A_819 = arith.constant 16 : index
    %swap3A_820 = tpu.vector_load %arg9[%swap3A_818, %swap3A_819] {strides = array<i32>} : memref<16x144xf32, #tpu.memory_space<vmem>>, vector<1x16xf32>,
    %swap3A_821 = vector.shape_cast %swap3A_820 : vector<1x16xf32> to vector<16xf32>
    %swap3A_822 = vector.shape_cast %broadcast_in_dim3A_1 : vector<16xf32> to vector<1x16xf32>
    tpu.vector_store %arg9[%swap3A_818, %swap3A_819], %swap3A_822 {strides = array<i32>} : memref<16x144xf32, #tpu.memory_space<vmem>>, vector<1x16xf32>,
    %swap3A_823 = arith.constant 15 : i32
    %swap3A_824 = arith.index_cast %swap3A_823 : i32 to index
    %swap3A_825 = arith.constant 32 : index
    %swap3A_826 = tpu.vector_load %arg9[%swap3A_824, %swap3A_825] {strides = array<i32>} : memref<16x144xf32, #tpu.memory_space<vmem>>, vector<1x16xf32>,
    %swap3A_827 = vector.shape_cast %swap3A_826 : vector<1x16xf32> to vector<16xf32>
    %swap3A_828 = vector.shape_cast %broadcast_in_dim3A_1 : vector<16xf32> to vector<1x16xf32>
    tpu.vector_store %arg9[%swap3A_824, %swap3A_825], %swap3A_828 {strides = array<i32>} : memref<16x144xf32, #tpu.memory_space<vmem>>, vector<1x16xf32>,
    %swap3A_829 = arith.constant 15 : i32
    %swap3A_830 = arith.index_cast %swap3A_829 : i32 to index
    %swap3A_831 = arith.constant 48 : index
    %swap3A_832 = tpu.vector_load %arg9[%swap3A_830, %swap3A_831] {strides = array<i32>} : memref<16x144xf32, #tpu.memory_space<vmem>>, vector<1x16xf32>,
    %swap3A_833 = vector.shape_cast %swap3A_832 : vector<1x16xf32> to vector<16xf32>
    %swap3A_834 = vector.shape_cast %broadcast_in_dim3A_1 : vector<16xf32> to vector<1x16xf32>
    tpu.vector_store %arg9[%swap3A_830, %swap3A_831], %swap3A_834 {strides = array<i32>} : memref<16x144xf32, #tpu.memory_space<vmem>>, vector<1x16xf32>,
    %swap3A_835 = arith.constant 15 : i32
    %swap3A_836 = arith.index_cast %swap3A_835 : i32 to index
    %swap3A_837 = arith.constant 64 : index
    %swap3A_838 = tpu.vector_load %arg9[%swap3A_836, %swap3A_837] {strides = array<i32>} : memref<16x144xf32, #tpu.memory_space<vmem>>, vector<1x16xf32>,
    %swap3A_839 = vector.shape_cast %swap3A_838 : vector<1x16xf32> to vector<16xf32>
    %swap3A_840 = vector.shape_cast %broadcast_in_dim3A_1 : vector<16xf32> to vector<1x16xf32>
    tpu.vector_store %arg9[%swap3A_836, %swap3A_837], %swap3A_840 {strides = array<i32>} : memref<16x144xf32, #tpu.memory_space<vmem>>, vector<1x16xf32>,
    %swap3A_841 = arith.constant 15 : i32
    %swap3A_842 = arith.index_cast %swap3A_841 : i32 to index
    %swap3A_843 = arith.constant 80 : index
    %swap3A_844 = tpu.vector_load %arg9[%swap3A_842, %swap3A_843] {strides = array<i32>} : memref<16x144xf32, #tpu.memory_space<vmem>>, vector<1x16xf32>,
    %swap3A_845 = vector.shape_cast %swap3A_844 : vector<1x16xf32> to vector<16xf32>
    %swap3A_846 = vector.shape_cast %broadcast_in_dim3A_1 : vector<16xf32> to vector<1x16xf32>
    tpu.vector_store %arg9[%swap3A_842, %swap3A_843], %swap3A_846 {strides = array<i32>} : memref<16x144xf32, #tpu.memory_space<vmem>>, vector<1x16xf32>,
    %swap3A_847 = arith.constant 15 : i32
    %swap3A_848 = arith.index_cast %swap3A_847 : i32 to index
    %swap3A_849 = arith.constant 96 : index
    %swap3A_850 = tpu.vector_load %arg9[%swap3A_848, %swap3A_849] {strides = array<i32>} : memref<16x144xf32, #tpu.memory_space<vmem>>, vector<1x16xf32>,
    %swap3A_851 = vector.shape_cast %swap3A_850 : vector<1x16xf32> to vector<16xf32>
    %swap3A_852 = vector.shape_cast %broadcast_in_dim3A_1 : vector<16xf32> to vector<1x16xf32>
    tpu.vector_store %arg9[%swap3A_848, %swap3A_849], %swap3A_852 {strides = array<i32>} : memref<16x144xf32, #tpu.memory_space<vmem>>, vector<1x16xf32>,
    %swap3A_853 = arith.constant 15 : i32
    %swap3A_854 = arith.index_cast %swap3A_853 : i32 to index
    %swap3A_855 = arith.constant 112 : index
    %swap3A_856 = tpu.vector_load %arg9[%swap3A_854, %swap3A_855] {strides = array<i32>} : memref<16x144xf32, #tpu.memory_space<vmem>>, vector<1x16xf32>,
    %swap3A_857 = vector.shape_cast %swap3A_856 : vector<1x16xf32> to vector<16xf32>
    %swap3A_858 = vector.shape_cast %broadcast_in_dim3A_1 : vector<16xf32> to vector<1x16xf32>
    tpu.vector_store %arg9[%swap3A_854, %swap3A_855], %swap3A_858 {strides = array<i32>} : memref<16x144xf32, #tpu.memory_space<vmem>>, vector<1x16xf32>,
    %swap3A_859 = arith.constant 15 : i32
    %swap3A_860 = arith.index_cast %swap3A_859 : i32 to index
    %swap3A_861 = arith.constant 128 : index
    %swap3A_862 = tpu.vector_load %arg9[%swap3A_860, %swap3A_861] {strides = array<i32>} : memref<16x144xf32, #tpu.memory_space<vmem>>, vector<1x16xf32>,
    %swap3A_863 = vector.shape_cast %swap3A_862 : vector<1x16xf32> to vector<16xf32>
    %swap3A_864 = vector.shape_cast %broadcast_in_dim3A_1 : vector<16xf32> to vector<1x16xf32>
    tpu.vector_store %arg9[%swap3A_860, %swap3A_861], %swap3A_864 {strides = array<i32>} : memref<16x144xf32, #tpu.memory_space<vmem>>, vector<1x16xf32>,
    %mul3A_865 = arith.constant 640 : i32
    %mul3A_866 = arith.muli %arg1, %mul3A_865 : i32
    %add3A_867 = arith.constant 0 : i32
    %add3A_868 = arith.addi %mul3A_866, %add3A_867 : i32
    "tpu.region"() ({
      %run_scoped3A = tpu.sem_alloc : memref<!tpu.dma_semaphore, #tpu.memory_space<semaphore_mem>>
      %dma_start3A = arith.constant 0 : i32
      %dma_start3A_963 = tpu.memref_slice %arg10[%add3A_868, %dma_start3A] : memref<10240x144xf32, #tpu.memory_space<vmem_shared>> -> memref<16x144xf32, #tpu.memory_space<vmem_shared>>
      %dma_start3A_964 = arith.constant 0 : i32
      %dma_start3A_965 = tpu.memref_slice %arg10[%add3A_868, %dma_start3A_964] : memref<10240x144xf32, #tpu.memory_space<vmem_shared>> -> memref<16x144xf32, #tpu.memory_space<vmem_shared>>
      tpu.enqueue_dma source(%arg9 : memref<16x144xf32, #tpu.memory_space<vmem>>) target(%dma_start3A_965 : memref<16x144xf32, #tpu.memory_space<vmem_shared>>) target_semaphore(%run_scoped3A : memref<!tpu.dma_semaphore, #tpu.memory_space<semaphore_mem>>)
      %dma_wait3A = arith.constant 0 : i32
      %dma_wait3A_966 = tpu.memref_slice %arg10[%add3A_868, %dma_wait3A] : memref<10240x144xf32, #tpu.memory_space<vmem_shared>> -> memref<16x144xf32, #tpu.memory_space<vmem_shared>>
      %dma_wait3A_967 = arith.constant 0 : i32
      %dma_wait3A_968 = tpu.memref_slice %arg10[%add3A_868, %dma_wait3A_967] : memref<10240x144xf32, #tpu.memory_space<vmem_shared>> -> memref<16x144xf32, #tpu.memory_space<vmem_shared>>
      tpu.wait_dma2 semaphore(%run_scoped3A : memref<!tpu.dma_semaphore, #tpu.memory_space<semaphore_mem>>) src(%arg9 : memref<16x144xf32, #tpu.memory_space<vmem>>) dst(%dma_wait3A_968 : memref<16x144xf32, #tpu.memory_space<vmem_shared>>)
      tpu.yield
    }) : () -> ()
    %add3A_869 = arith.constant 16 : i32
    %add3A_870 = arith.addi %mul3A_866, %add3A_869 : i32
    "tpu.region"() ({
      %run_scoped3A = tpu.sem_alloc : memref<!tpu.dma_semaphore, #tpu.memory_space<semaphore_mem>>
      %dma_start3A = arith.constant 0 : i32
      %dma_start3A_963 = tpu.memref_slice %arg10[%add3A_870, %dma_start3A] : memref<10240x144xf32, #tpu.memory_space<vmem_shared>> -> memref<16x144xf32, #tpu.memory_space<vmem_shared>>
      %dma_start3A_964 = arith.constant 0 : i32
      %dma_start3A_965 = tpu.memref_slice %arg10[%add3A_870, %dma_start3A_964] : memref<10240x144xf32, #tpu.memory_space<vmem_shared>> -> memref<16x144xf32, #tpu.memory_space<vmem_shared>>
      tpu.enqueue_dma source(%arg9 : memref<16x144xf32, #tpu.memory_space<vmem>>) target(%dma_start3A_965 : memref<16x144xf32, #tpu.memory_space<vmem_shared>>) target_semaphore(%run_scoped3A : memref<!tpu.dma_semaphore, #tpu.memory_space<semaphore_mem>>)
      %dma_wait3A = arith.constant 0 : i32
      %dma_wait3A_966 = tpu.memref_slice %arg10[%add3A_870, %dma_wait3A] : memref<10240x144xf32, #tpu.memory_space<vmem_shared>> -> memref<16x144xf32, #tpu.memory_space<vmem_shared>>
      %dma_wait3A_967 = arith.constant 0 : i32
      %dma_wait3A_968 = tpu.memref_slice %arg10[%add3A_870, %dma_wait3A_967] : memref<10240x144xf32, #tpu.memory_space<vmem_shared>> -> memref<16x144xf32, #tpu.memory_space<vmem_shared>>
      tpu.wait_dma2 semaphore(%run_scoped3A : memref<!tpu.dma_semaphore, #tpu.memory_space<semaphore_mem>>) src(%arg9 : memref<16x144xf32, #tpu.memory_space<vmem>>) dst(%dma_wait3A_968 : memref<16x144xf32, #tpu.memory_space<vmem_shared>>)
      tpu.yield
    }) : () -> ()
    %add3A_871 = arith.constant 32 : i32
    %add3A_872 = arith.addi %mul3A_866, %add3A_871 : i32
    "tpu.region"() ({
      %run_scoped3A = tpu.sem_alloc : memref<!tpu.dma_semaphore, #tpu.memory_space<semaphore_mem>>
      %dma_start3A = arith.constant 0 : i32
      %dma_start3A_963 = tpu.memref_slice %arg10[%add3A_872, %dma_start3A] : memref<10240x144xf32, #tpu.memory_space<vmem_shared>> -> memref<16x144xf32, #tpu.memory_space<vmem_shared>>
      %dma_start3A_964 = arith.constant 0 : i32
      %dma_start3A_965 = tpu.memref_slice %arg10[%add3A_872, %dma_start3A_964] : memref<10240x144xf32, #tpu.memory_space<vmem_shared>> -> memref<16x144xf32, #tpu.memory_space<vmem_shared>>
      tpu.enqueue_dma source(%arg9 : memref<16x144xf32, #tpu.memory_space<vmem>>) target(%dma_start3A_965 : memref<16x144xf32, #tpu.memory_space<vmem_shared>>) target_semaphore(%run_scoped3A : memref<!tpu.dma_semaphore, #tpu.memory_space<semaphore_mem>>)
      %dma_wait3A = arith.constant 0 : i32
      %dma_wait3A_966 = tpu.memref_slice %arg10[%add3A_872, %dma_wait3A] : memref<10240x144xf32, #tpu.memory_space<vmem_shared>> -> memref<16x144xf32, #tpu.memory_space<vmem_shared>>
      %dma_wait3A_967 = arith.constant 0 : i32
      %dma_wait3A_968 = tpu.memref_slice %arg10[%add3A_872, %dma_wait3A_967] : memref<10240x144xf32, #tpu.memory_space<vmem_shared>> -> memref<16x144xf32, #tpu.memory_space<vmem_shared>>
      tpu.wait_dma2 semaphore(%run_scoped3A : memref<!tpu.dma_semaphore, #tpu.memory_space<semaphore_mem>>) src(%arg9 : memref<16x144xf32, #tpu.memory_space<vmem>>) dst(%dma_wait3A_968 : memref<16x144xf32, #tpu.memory_space<vmem_shared>>)
      tpu.yield
    }) : () -> ()
    %add3A_873 = arith.constant 48 : i32
    %add3A_874 = arith.addi %mul3A_866, %add3A_873 : i32
    "tpu.region"() ({
      %run_scoped3A = tpu.sem_alloc : memref<!tpu.dma_semaphore, #tpu.memory_space<semaphore_mem>>
      %dma_start3A = arith.constant 0 : i32
      %dma_start3A_963 = tpu.memref_slice %arg10[%add3A_874, %dma_start3A] : memref<10240x144xf32, #tpu.memory_space<vmem_shared>> -> memref<16x144xf32, #tpu.memory_space<vmem_shared>>
      %dma_start3A_964 = arith.constant 0 : i32
      %dma_start3A_965 = tpu.memref_slice %arg10[%add3A_874, %dma_start3A_964] : memref<10240x144xf32, #tpu.memory_space<vmem_shared>> -> memref<16x144xf32, #tpu.memory_space<vmem_shared>>
      tpu.enqueue_dma source(%arg9 : memref<16x144xf32, #tpu.memory_space<vmem>>) target(%dma_start3A_965 : memref<16x144xf32, #tpu.memory_space<vmem_shared>>) target_semaphore(%run_scoped3A : memref<!tpu.dma_semaphore, #tpu.memory_space<semaphore_mem>>)
      %dma_wait3A = arith.constant 0 : i32
      %dma_wait3A_966 = tpu.memref_slice %arg10[%add3A_874, %dma_wait3A] : memref<10240x144xf32, #tpu.memory_space<vmem_shared>> -> memref<16x144xf32, #tpu.memory_space<vmem_shared>>
      %dma_wait3A_967 = arith.constant 0 : i32
      %dma_wait3A_968 = tpu.memref_slice %arg10[%add3A_874, %dma_wait3A_967] : memref<10240x144xf32, #tpu.memory_space<vmem_shared>> -> memref<16x144xf32, #tpu.memory_space<vmem_shared>>
      tpu.wait_dma2 semaphore(%run_scoped3A : memref<!tpu.dma_semaphore, #tpu.memory_space<semaphore_mem>>) src(%arg9 : memref<16x144xf32, #tpu.memory_space<vmem>>) dst(%dma_wait3A_968 : memref<16x144xf32, #tpu.memory_space<vmem_shared>>)
      tpu.yield
    }) : () -> ()
    %add3A_875 = arith.constant 64 : i32
    %add3A_876 = arith.addi %mul3A_866, %add3A_875 : i32
    "tpu.region"() ({
      %run_scoped3A = tpu.sem_alloc : memref<!tpu.dma_semaphore, #tpu.memory_space<semaphore_mem>>
      %dma_start3A = arith.constant 0 : i32
      %dma_start3A_963 = tpu.memref_slice %arg10[%add3A_876, %dma_start3A] : memref<10240x144xf32, #tpu.memory_space<vmem_shared>> -> memref<16x144xf32, #tpu.memory_space<vmem_shared>>
      %dma_start3A_964 = arith.constant 0 : i32
      %dma_start3A_965 = tpu.memref_slice %arg10[%add3A_876, %dma_start3A_964] : memref<10240x144xf32, #tpu.memory_space<vmem_shared>> -> memref<16x144xf32, #tpu.memory_space<vmem_shared>>
      tpu.enqueue_dma source(%arg9 : memref<16x144xf32, #tpu.memory_space<vmem>>) target(%dma_start3A_965 : memref<16x144xf32, #tpu.memory_space<vmem_shared>>) target_semaphore(%run_scoped3A : memref<!tpu.dma_semaphore, #tpu.memory_space<semaphore_mem>>)
      %dma_wait3A = arith.constant 0 : i32
      %dma_wait3A_966 = tpu.memref_slice %arg10[%add3A_876, %dma_wait3A] : memref<10240x144xf32, #tpu.memory_space<vmem_shared>> -> memref<16x144xf32, #tpu.memory_space<vmem_shared>>
      %dma_wait3A_967 = arith.constant 0 : i32
      %dma_wait3A_968 = tpu.memref_slice %arg10[%add3A_876, %dma_wait3A_967] : memref<10240x144xf32, #tpu.memory_space<vmem_shared>> -> memref<16x144xf32, #tpu.memory_space<vmem_shared>>
      tpu.wait_dma2 semaphore(%run_scoped3A : memref<!tpu.dma_semaphore, #tpu.memory_space<semaphore_mem>>) src(%arg9 : memref<16x144xf32, #tpu.memory_space<vmem>>) dst(%dma_wait3A_968 : memref<16x144xf32, #tpu.memory_space<vmem_shared>>)
      tpu.yield
    }) : () -> ()
    %add3A_877 = arith.constant 80 : i32
    %add3A_878 = arith.addi %mul3A_866, %add3A_877 : i32
    "tpu.region"() ({
      %run_scoped3A = tpu.sem_alloc : memref<!tpu.dma_semaphore, #tpu.memory_space<semaphore_mem>>
      %dma_start3A = arith.constant 0 : i32
      %dma_start3A_963 = tpu.memref_slice %arg10[%add3A_878, %dma_start3A] : memref<10240x144xf32, #tpu.memory_space<vmem_shared>> -> memref<16x144xf32, #tpu.memory_space<vmem_shared>>
      %dma_start3A_964 = arith.constant 0 : i32
      %dma_start3A_965 = tpu.memref_slice %arg10[%add3A_878, %dma_start3A_964] : memref<10240x144xf32, #tpu.memory_space<vmem_shared>> -> memref<16x144xf32, #tpu.memory_space<vmem_shared>>
      tpu.enqueue_dma source(%arg9 : memref<16x144xf32, #tpu.memory_space<vmem>>) target(%dma_start3A_965 : memref<16x144xf32, #tpu.memory_space<vmem_shared>>) target_semaphore(%run_scoped3A : memref<!tpu.dma_semaphore, #tpu.memory_space<semaphore_mem>>)
      %dma_wait3A = arith.constant 0 : i32
      %dma_wait3A_966 = tpu.memref_slice %arg10[%add3A_878, %dma_wait3A] : memref<10240x144xf32, #tpu.memory_space<vmem_shared>> -> memref<16x144xf32, #tpu.memory_space<vmem_shared>>
      %dma_wait3A_967 = arith.constant 0 : i32
      %dma_wait3A_968 = tpu.memref_slice %arg10[%add3A_878, %dma_wait3A_967] : memref<10240x144xf32, #tpu.memory_space<vmem_shared>> -> memref<16x144xf32, #tpu.memory_space<vmem_shared>>
      tpu.wait_dma2 semaphore(%run_scoped3A : memref<!tpu.dma_semaphore, #tpu.memory_space<semaphore_mem>>) src(%arg9 : memref<16x144xf32, #tpu.memory_space<vmem>>) dst(%dma_wait3A_968 : memref<16x144xf32, #tpu.memory_space<vmem_shared>>)
      tpu.yield
    }) : () -> ()
    %add3A_879 = arith.constant 96 : i32
    %add3A_880 = arith.addi %mul3A_866, %add3A_879 : i32
    "tpu.region"() ({
      %run_scoped3A = tpu.sem_alloc : memref<!tpu.dma_semaphore, #tpu.memory_space<semaphore_mem>>
      %dma_start3A = arith.constant 0 : i32
      %dma_start3A_963 = tpu.memref_slice %arg10[%add3A_880, %dma_start3A] : memref<10240x144xf32, #tpu.memory_space<vmem_shared>> -> memref<16x144xf32, #tpu.memory_space<vmem_shared>>
      %dma_start3A_964 = arith.constant 0 : i32
      %dma_start3A_965 = tpu.memref_slice %arg10[%add3A_880, %dma_start3A_964] : memref<10240x144xf32, #tpu.memory_space<vmem_shared>> -> memref<16x144xf32, #tpu.memory_space<vmem_shared>>
      tpu.enqueue_dma source(%arg9 : memref<16x144xf32, #tpu.memory_space<vmem>>) target(%dma_start3A_965 : memref<16x144xf32, #tpu.memory_space<vmem_shared>>) target_semaphore(%run_scoped3A : memref<!tpu.dma_semaphore, #tpu.memory_space<semaphore_mem>>)
      %dma_wait3A = arith.constant 0 : i32
      %dma_wait3A_966 = tpu.memref_slice %arg10[%add3A_880, %dma_wait3A] : memref<10240x144xf32, #tpu.memory_space<vmem_shared>> -> memref<16x144xf32, #tpu.memory_space<vmem_shared>>
      %dma_wait3A_967 = arith.constant 0 : i32
      %dma_wait3A_968 = tpu.memref_slice %arg10[%add3A_880, %dma_wait3A_967] : memref<10240x144xf32, #tpu.memory_space<vmem_shared>> -> memref<16x144xf32, #tpu.memory_space<vmem_shared>>
      tpu.wait_dma2 semaphore(%run_scoped3A : memref<!tpu.dma_semaphore, #tpu.memory_space<semaphore_mem>>) src(%arg9 : memref<16x144xf32, #tpu.memory_space<vmem>>) dst(%dma_wait3A_968 : memref<16x144xf32, #tpu.memory_space<vmem_shared>>)
      tpu.yield
    }) : () -> ()
    %add3A_881 = arith.constant 112 : i32
    %add3A_882 = arith.addi %mul3A_866, %add3A_881 : i32
    "tpu.region"() ({
      %run_scoped3A = tpu.sem_alloc : memref<!tpu.dma_semaphore, #tpu.memory_space<semaphore_mem>>
      %dma_start3A = arith.constant 0 : i32
      %dma_start3A_963 = tpu.memref_slice %arg10[%add3A_882, %dma_start3A] : memref<10240x144xf32, #tpu.memory_space<vmem_shared>> -> memref<16x144xf32, #tpu.memory_space<vmem_shared>>
      %dma_start3A_964 = arith.constant 0 : i32
      %dma_start3A_965 = tpu.memref_slice %arg10[%add3A_882, %dma_start3A_964] : memref<10240x144xf32, #tpu.memory_space<vmem_shared>> -> memref<16x144xf32, #tpu.memory_space<vmem_shared>>
      tpu.enqueue_dma source(%arg9 : memref<16x144xf32, #tpu.memory_space<vmem>>) target(%dma_start3A_965 : memref<16x144xf32, #tpu.memory_space<vmem_shared>>) target_semaphore(%run_scoped3A : memref<!tpu.dma_semaphore, #tpu.memory_space<semaphore_mem>>)
      %dma_wait3A = arith.constant 0 : i32
      %dma_wait3A_966 = tpu.memref_slice %arg10[%add3A_882, %dma_wait3A] : memref<10240x144xf32, #tpu.memory_space<vmem_shared>> -> memref<16x144xf32, #tpu.memory_space<vmem_shared>>
      %dma_wait3A_967 = arith.constant 0 : i32
      %dma_wait3A_968 = tpu.memref_slice %arg10[%add3A_882, %dma_wait3A_967] : memref<10240x144xf32, #tpu.memory_space<vmem_shared>> -> memref<16x144xf32, #tpu.memory_space<vmem_shared>>
      tpu.wait_dma2 semaphore(%run_scoped3A : memref<!tpu.dma_semaphore, #tpu.memory_space<semaphore_mem>>) src(%arg9 : memref<16x144xf32, #tpu.memory_space<vmem>>) dst(%dma_wait3A_968 : memref<16x144xf32, #tpu.memory_space<vmem_shared>>)
      tpu.yield
    }) : () -> ()
    %add3A_883 = arith.constant 128 : i32
    %add3A_884 = arith.addi %mul3A_866, %add3A_883 : i32
    "tpu.region"() ({
      %run_scoped3A = tpu.sem_alloc : memref<!tpu.dma_semaphore, #tpu.memory_space<semaphore_mem>>
      %dma_start3A = arith.constant 0 : i32
      %dma_start3A_963 = tpu.memref_slice %arg10[%add3A_884, %dma_start3A] : memref<10240x144xf32, #tpu.memory_space<vmem_shared>> -> memref<16x144xf32, #tpu.memory_space<vmem_shared>>
      %dma_start3A_964 = arith.constant 0 : i32
      %dma_start3A_965 = tpu.memref_slice %arg10[%add3A_884, %dma_start3A_964] : memref<10240x144xf32, #tpu.memory_space<vmem_shared>> -> memref<16x144xf32, #tpu.memory_space<vmem_shared>>
      tpu.enqueue_dma source(%arg9 : memref<16x144xf32, #tpu.memory_space<vmem>>) target(%dma_start3A_965 : memref<16x144xf32, #tpu.memory_space<vmem_shared>>) target_semaphore(%run_scoped3A : memref<!tpu.dma_semaphore, #tpu.memory_space<semaphore_mem>>)
      %dma_wait3A = arith.constant 0 : i32
      %dma_wait3A_966 = tpu.memref_slice %arg10[%add3A_884, %dma_wait3A] : memref<10240x144xf32, #tpu.memory_space<vmem_shared>> -> memref<16x144xf32, #tpu.memory_space<vmem_shared>>
      %dma_wait3A_967 = arith.constant 0 : i32
      %dma_wait3A_968 = tpu.memref_slice %arg10[%add3A_884, %dma_wait3A_967] : memref<10240x144xf32, #tpu.memory_space<vmem_shared>> -> memref<16x144xf32, #tpu.memory_space<vmem_shared>>
      tpu.wait_dma2 semaphore(%run_scoped3A : memref<!tpu.dma_semaphore, #tpu.memory_space<semaphore_mem>>) src(%arg9 : memref<16x144xf32, #tpu.memory_space<vmem>>) dst(%dma_wait3A_968 : memref<16x144xf32, #tpu.memory_space<vmem_shared>>)
      tpu.yield
    }) : () -> ()
    %add3A_885 = arith.constant 144 : i32
    %add3A_886 = arith.addi %mul3A_866, %add3A_885 : i32
    "tpu.region"() ({
      %run_scoped3A = tpu.sem_alloc : memref<!tpu.dma_semaphore, #tpu.memory_space<semaphore_mem>>
      %dma_start3A = arith.constant 0 : i32
      %dma_start3A_963 = tpu.memref_slice %arg10[%add3A_886, %dma_start3A] : memref<10240x144xf32, #tpu.memory_space<vmem_shared>> -> memref<16x144xf32, #tpu.memory_space<vmem_shared>>
      %dma_start3A_964 = arith.constant 0 : i32
      %dma_start3A_965 = tpu.memref_slice %arg10[%add3A_886, %dma_start3A_964] : memref<10240x144xf32, #tpu.memory_space<vmem_shared>> -> memref<16x144xf32, #tpu.memory_space<vmem_shared>>
      tpu.enqueue_dma source(%arg9 : memref<16x144xf32, #tpu.memory_space<vmem>>) target(%dma_start3A_965 : memref<16x144xf32, #tpu.memory_space<vmem_shared>>) target_semaphore(%run_scoped3A : memref<!tpu.dma_semaphore, #tpu.memory_space<semaphore_mem>>)
      %dma_wait3A = arith.constant 0 : i32
      %dma_wait3A_966 = tpu.memref_slice %arg10[%add3A_886, %dma_wait3A] : memref<10240x144xf32, #tpu.memory_space<vmem_shared>> -> memref<16x144xf32, #tpu.memory_space<vmem_shared>>
      %dma_wait3A_967 = arith.constant 0 : i32
      %dma_wait3A_968 = tpu.memref_slice %arg10[%add3A_886, %dma_wait3A_967] : memref<10240x144xf32, #tpu.memory_space<vmem_shared>> -> memref<16x144xf32, #tpu.memory_space<vmem_shared>>
      tpu.wait_dma2 semaphore(%run_scoped3A : memref<!tpu.dma_semaphore, #tpu.memory_space<semaphore_mem>>) src(%arg9 : memref<16x144xf32, #tpu.memory_space<vmem>>) dst(%dma_wait3A_968 : memref<16x144xf32, #tpu.memory_space<vmem_shared>>)
      tpu.yield
    }) : () -> ()
    %add3A_887 = arith.constant 160 : i32
    %add3A_888 = arith.addi %mul3A_866, %add3A_887 : i32
    "tpu.region"() ({
      %run_scoped3A = tpu.sem_alloc : memref<!tpu.dma_semaphore, #tpu.memory_space<semaphore_mem>>
      %dma_start3A = arith.constant 0 : i32
      %dma_start3A_963 = tpu.memref_slice %arg10[%add3A_888, %dma_start3A] : memref<10240x144xf32, #tpu.memory_space<vmem_shared>> -> memref<16x144xf32, #tpu.memory_space<vmem_shared>>
      %dma_start3A_964 = arith.constant 0 : i32
      %dma_start3A_965 = tpu.memref_slice %arg10[%add3A_888, %dma_start3A_964] : memref<10240x144xf32, #tpu.memory_space<vmem_shared>> -> memref<16x144xf32, #tpu.memory_space<vmem_shared>>
      tpu.enqueue_dma source(%arg9 : memref<16x144xf32, #tpu.memory_space<vmem>>) target(%dma_start3A_965 : memref<16x144xf32, #tpu.memory_space<vmem_shared>>) target_semaphore(%run_scoped3A : memref<!tpu.dma_semaphore, #tpu.memory_space<semaphore_mem>>)
      %dma_wait3A = arith.constant 0 : i32
      %dma_wait3A_966 = tpu.memref_slice %arg10[%add3A_888, %dma_wait3A] : memref<10240x144xf32, #tpu.memory_space<vmem_shared>> -> memref<16x144xf32, #tpu.memory_space<vmem_shared>>
      %dma_wait3A_967 = arith.constant 0 : i32
      %dma_wait3A_968 = tpu.memref_slice %arg10[%add3A_888, %dma_wait3A_967] : memref<10240x144xf32, #tpu.memory_space<vmem_shared>> -> memref<16x144xf32, #tpu.memory_space<vmem_shared>>
      tpu.wait_dma2 semaphore(%run_scoped3A : memref<!tpu.dma_semaphore, #tpu.memory_space<semaphore_mem>>) src(%arg9 : memref<16x144xf32, #tpu.memory_space<vmem>>) dst(%dma_wait3A_968 : memref<16x144xf32, #tpu.memory_space<vmem_shared>>)
      tpu.yield
    }) : () -> ()
    %add3A_889 = arith.constant 176 : i32
    %add3A_890 = arith.addi %mul3A_866, %add3A_889 : i32
    "tpu.region"() ({
      %run_scoped3A = tpu.sem_alloc : memref<!tpu.dma_semaphore, #tpu.memory_space<semaphore_mem>>
      %dma_start3A = arith.constant 0 : i32
      %dma_start3A_963 = tpu.memref_slice %arg10[%add3A_890, %dma_start3A] : memref<10240x144xf32, #tpu.memory_space<vmem_shared>> -> memref<16x144xf32, #tpu.memory_space<vmem_shared>>
      %dma_start3A_964 = arith.constant 0 : i32
      %dma_start3A_965 = tpu.memref_slice %arg10[%add3A_890, %dma_start3A_964] : memref<10240x144xf32, #tpu.memory_space<vmem_shared>> -> memref<16x144xf32, #tpu.memory_space<vmem_shared>>
      tpu.enqueue_dma source(%arg9 : memref<16x144xf32, #tpu.memory_space<vmem>>) target(%dma_start3A_965 : memref<16x144xf32, #tpu.memory_space<vmem_shared>>) target_semaphore(%run_scoped3A : memref<!tpu.dma_semaphore, #tpu.memory_space<semaphore_mem>>)
      %dma_wait3A = arith.constant 0 : i32
      %dma_wait3A_966 = tpu.memref_slice %arg10[%add3A_890, %dma_wait3A] : memref<10240x144xf32, #tpu.memory_space<vmem_shared>> -> memref<16x144xf32, #tpu.memory_space<vmem_shared>>
      %dma_wait3A_967 = arith.constant 0 : i32
      %dma_wait3A_968 = tpu.memref_slice %arg10[%add3A_890, %dma_wait3A_967] : memref<10240x144xf32, #tpu.memory_space<vmem_shared>> -> memref<16x144xf32, #tpu.memory_space<vmem_shared>>
      tpu.wait_dma2 semaphore(%run_scoped3A : memref<!tpu.dma_semaphore, #tpu.memory_space<semaphore_mem>>) src(%arg9 : memref<16x144xf32, #tpu.memory_space<vmem>>) dst(%dma_wait3A_968 : memref<16x144xf32, #tpu.memory_space<vmem_shared>>)
      tpu.yield
    }) : () -> ()
    %add3A_891 = arith.constant 192 : i32
    %add3A_892 = arith.addi %mul3A_866, %add3A_891 : i32
    "tpu.region"() ({
      %run_scoped3A = tpu.sem_alloc : memref<!tpu.dma_semaphore, #tpu.memory_space<semaphore_mem>>
      %dma_start3A = arith.constant 0 : i32
      %dma_start3A_963 = tpu.memref_slice %arg10[%add3A_892, %dma_start3A] : memref<10240x144xf32, #tpu.memory_space<vmem_shared>> -> memref<16x144xf32, #tpu.memory_space<vmem_shared>>
      %dma_start3A_964 = arith.constant 0 : i32
      %dma_start3A_965 = tpu.memref_slice %arg10[%add3A_892, %dma_start3A_964] : memref<10240x144xf32, #tpu.memory_space<vmem_shared>> -> memref<16x144xf32, #tpu.memory_space<vmem_shared>>
      tpu.enqueue_dma source(%arg9 : memref<16x144xf32, #tpu.memory_space<vmem>>) target(%dma_start3A_965 : memref<16x144xf32, #tpu.memory_space<vmem_shared>>) target_semaphore(%run_scoped3A : memref<!tpu.dma_semaphore, #tpu.memory_space<semaphore_mem>>)
      %dma_wait3A = arith.constant 0 : i32
      %dma_wait3A_966 = tpu.memref_slice %arg10[%add3A_892, %dma_wait3A] : memref<10240x144xf32, #tpu.memory_space<vmem_shared>> -> memref<16x144xf32, #tpu.memory_space<vmem_shared>>
      %dma_wait3A_967 = arith.constant 0 : i32
      %dma_wait3A_968 = tpu.memref_slice %arg10[%add3A_892, %dma_wait3A_967] : memref<10240x144xf32, #tpu.memory_space<vmem_shared>> -> memref<16x144xf32, #tpu.memory_space<vmem_shared>>
      tpu.wait_dma2 semaphore(%run_scoped3A : memref<!tpu.dma_semaphore, #tpu.memory_space<semaphore_mem>>) src(%arg9 : memref<16x144xf32, #tpu.memory_space<vmem>>) dst(%dma_wait3A_968 : memref<16x144xf32, #tpu.memory_space<vmem_shared>>)
      tpu.yield
    }) : () -> ()
    %add3A_893 = arith.constant 208 : i32
    %add3A_894 = arith.addi %mul3A_866, %add3A_893 : i32
    "tpu.region"() ({
      %run_scoped3A = tpu.sem_alloc : memref<!tpu.dma_semaphore, #tpu.memory_space<semaphore_mem>>
      %dma_start3A = arith.constant 0 : i32
      %dma_start3A_963 = tpu.memref_slice %arg10[%add3A_894, %dma_start3A] : memref<10240x144xf32, #tpu.memory_space<vmem_shared>> -> memref<16x144xf32, #tpu.memory_space<vmem_shared>>
      %dma_start3A_964 = arith.constant 0 : i32
      %dma_start3A_965 = tpu.memref_slice %arg10[%add3A_894, %dma_start3A_964] : memref<10240x144xf32, #tpu.memory_space<vmem_shared>> -> memref<16x144xf32, #tpu.memory_space<vmem_shared>>
      tpu.enqueue_dma source(%arg9 : memref<16x144xf32, #tpu.memory_space<vmem>>) target(%dma_start3A_965 : memref<16x144xf32, #tpu.memory_space<vmem_shared>>) target_semaphore(%run_scoped3A : memref<!tpu.dma_semaphore, #tpu.memory_space<semaphore_mem>>)
      %dma_wait3A = arith.constant 0 : i32
      %dma_wait3A_966 = tpu.memref_slice %arg10[%add3A_894, %dma_wait3A] : memref<10240x144xf32, #tpu.memory_space<vmem_shared>> -> memref<16x144xf32, #tpu.memory_space<vmem_shared>>
      %dma_wait3A_967 = arith.constant 0 : i32
      %dma_wait3A_968 = tpu.memref_slice %arg10[%add3A_894, %dma_wait3A_967] : memref<10240x144xf32, #tpu.memory_space<vmem_shared>> -> memref<16x144xf32, #tpu.memory_space<vmem_shared>>
      tpu.wait_dma2 semaphore(%run_scoped3A : memref<!tpu.dma_semaphore, #tpu.memory_space<semaphore_mem>>) src(%arg9 : memref<16x144xf32, #tpu.memory_space<vmem>>) dst(%dma_wait3A_968 : memref<16x144xf32, #tpu.memory_space<vmem_shared>>)
      tpu.yield
    }) : () -> ()
    %add3A_895 = arith.constant 224 : i32
    %add3A_896 = arith.addi %mul3A_866, %add3A_895 : i32
    "tpu.region"() ({
      %run_scoped3A = tpu.sem_alloc : memref<!tpu.dma_semaphore, #tpu.memory_space<semaphore_mem>>
      %dma_start3A = arith.constant 0 : i32
      %dma_start3A_963 = tpu.memref_slice %arg10[%add3A_896, %dma_start3A] : memref<10240x144xf32, #tpu.memory_space<vmem_shared>> -> memref<16x144xf32, #tpu.memory_space<vmem_shared>>
      %dma_start3A_964 = arith.constant 0 : i32
      %dma_start3A_965 = tpu.memref_slice %arg10[%add3A_896, %dma_start3A_964] : memref<10240x144xf32, #tpu.memory_space<vmem_shared>> -> memref<16x144xf32, #tpu.memory_space<vmem_shared>>
      tpu.enqueue_dma source(%arg9 : memref<16x144xf32, #tpu.memory_space<vmem>>) target(%dma_start3A_965 : memref<16x144xf32, #tpu.memory_space<vmem_shared>>) target_semaphore(%run_scoped3A : memref<!tpu.dma_semaphore, #tpu.memory_space<semaphore_mem>>)
      %dma_wait3A = arith.constant 0 : i32
      %dma_wait3A_966 = tpu.memref_slice %arg10[%add3A_896, %dma_wait3A] : memref<10240x144xf32, #tpu.memory_space<vmem_shared>> -> memref<16x144xf32, #tpu.memory_space<vmem_shared>>
      %dma_wait3A_967 = arith.constant 0 : i32
      %dma_wait3A_968 = tpu.memref_slice %arg10[%add3A_896, %dma_wait3A_967] : memref<10240x144xf32, #tpu.memory_space<vmem_shared>> -> memref<16x144xf32, #tpu.memory_space<vmem_shared>>
      tpu.wait_dma2 semaphore(%run_scoped3A : memref<!tpu.dma_semaphore, #tpu.memory_space<semaphore_mem>>) src(%arg9 : memref<16x144xf32, #tpu.memory_space<vmem>>) dst(%dma_wait3A_968 : memref<16x144xf32, #tpu.memory_space<vmem_shared>>)
      tpu.yield
    }) : () -> ()
    %add3A_897 = arith.constant 240 : i32
    %add3A_898 = arith.addi %mul3A_866, %add3A_897 : i32
    "tpu.region"() ({
      %run_scoped3A = tpu.sem_alloc : memref<!tpu.dma_semaphore, #tpu.memory_space<semaphore_mem>>
      %dma_start3A = arith.constant 0 : i32
      %dma_start3A_963 = tpu.memref_slice %arg10[%add3A_898, %dma_start3A] : memref<10240x144xf32, #tpu.memory_space<vmem_shared>> -> memref<16x144xf32, #tpu.memory_space<vmem_shared>>
      %dma_start3A_964 = arith.constant 0 : i32
      %dma_start3A_965 = tpu.memref_slice %arg10[%add3A_898, %dma_start3A_964] : memref<10240x144xf32, #tpu.memory_space<vmem_shared>> -> memref<16x144xf32, #tpu.memory_space<vmem_shared>>
      tpu.enqueue_dma source(%arg9 : memref<16x144xf32, #tpu.memory_space<vmem>>) target(%dma_start3A_965 : memref<16x144xf32, #tpu.memory_space<vmem_shared>>) target_semaphore(%run_scoped3A : memref<!tpu.dma_semaphore, #tpu.memory_space<semaphore_mem>>)
      %dma_wait3A = arith.constant 0 : i32
      %dma_wait3A_966 = tpu.memref_slice %arg10[%add3A_898, %dma_wait3A] : memref<10240x144xf32, #tpu.memory_space<vmem_shared>> -> memref<16x144xf32, #tpu.memory_space<vmem_shared>>
      %dma_wait3A_967 = arith.constant 0 : i32
      %dma_wait3A_968 = tpu.memref_slice %arg10[%add3A_898, %dma_wait3A_967] : memref<10240x144xf32, #tpu.memory_space<vmem_shared>> -> memref<16x144xf32, #tpu.memory_space<vmem_shared>>
      tpu.wait_dma2 semaphore(%run_scoped3A : memref<!tpu.dma_semaphore, #tpu.memory_space<semaphore_mem>>) src(%arg9 : memref<16x144xf32, #tpu.memory_space<vmem>>) dst(%dma_wait3A_968 : memref<16x144xf32, #tpu.memory_space<vmem_shared>>)
      tpu.yield
    }) : () -> ()
    %add3A_899 = arith.constant 256 : i32
    %add3A_900 = arith.addi %mul3A_866, %add3A_899 : i32
    "tpu.region"() ({
      %run_scoped3A = tpu.sem_alloc : memref<!tpu.dma_semaphore, #tpu.memory_space<semaphore_mem>>
      %dma_start3A = arith.constant 0 : i32
      %dma_start3A_963 = tpu.memref_slice %arg10[%add3A_900, %dma_start3A] : memref<10240x144xf32, #tpu.memory_space<vmem_shared>> -> memref<16x144xf32, #tpu.memory_space<vmem_shared>>
      %dma_start3A_964 = arith.constant 0 : i32
      %dma_start3A_965 = tpu.memref_slice %arg10[%add3A_900, %dma_start3A_964] : memref<10240x144xf32, #tpu.memory_space<vmem_shared>> -> memref<16x144xf32, #tpu.memory_space<vmem_shared>>
      tpu.enqueue_dma source(%arg9 : memref<16x144xf32, #tpu.memory_space<vmem>>) target(%dma_start3A_965 : memref<16x144xf32, #tpu.memory_space<vmem_shared>>) target_semaphore(%run_scoped3A : memref<!tpu.dma_semaphore, #tpu.memory_space<semaphore_mem>>)
      %dma_wait3A = arith.constant 0 : i32
      %dma_wait3A_966 = tpu.memref_slice %arg10[%add3A_900, %dma_wait3A] : memref<10240x144xf32, #tpu.memory_space<vmem_shared>> -> memref<16x144xf32, #tpu.memory_space<vmem_shared>>
      %dma_wait3A_967 = arith.constant 0 : i32
      %dma_wait3A_968 = tpu.memref_slice %arg10[%add3A_900, %dma_wait3A_967] : memref<10240x144xf32, #tpu.memory_space<vmem_shared>> -> memref<16x144xf32, #tpu.memory_space<vmem_shared>>
      tpu.wait_dma2 semaphore(%run_scoped3A : memref<!tpu.dma_semaphore, #tpu.memory_space<semaphore_mem>>) src(%arg9 : memref<16x144xf32, #tpu.memory_space<vmem>>) dst(%dma_wait3A_968 : memref<16x144xf32, #tpu.memory_space<vmem_shared>>)
      tpu.yield
    }) : () -> ()
    %add3A_901 = arith.constant 272 : i32
    %add3A_902 = arith.addi %mul3A_866, %add3A_901 : i32
    "tpu.region"() ({
      %run_scoped3A = tpu.sem_alloc : memref<!tpu.dma_semaphore, #tpu.memory_space<semaphore_mem>>
      %dma_start3A = arith.constant 0 : i32
      %dma_start3A_963 = tpu.memref_slice %arg10[%add3A_902, %dma_start3A] : memref<10240x144xf32, #tpu.memory_space<vmem_shared>> -> memref<16x144xf32, #tpu.memory_space<vmem_shared>>
      %dma_start3A_964 = arith.constant 0 : i32
      %dma_start3A_965 = tpu.memref_slice %arg10[%add3A_902, %dma_start3A_964] : memref<10240x144xf32, #tpu.memory_space<vmem_shared>> -> memref<16x144xf32, #tpu.memory_space<vmem_shared>>
      tpu.enqueue_dma source(%arg9 : memref<16x144xf32, #tpu.memory_space<vmem>>) target(%dma_start3A_965 : memref<16x144xf32, #tpu.memory_space<vmem_shared>>) target_semaphore(%run_scoped3A : memref<!tpu.dma_semaphore, #tpu.memory_space<semaphore_mem>>)
      %dma_wait3A = arith.constant 0 : i32
      %dma_wait3A_966 = tpu.memref_slice %arg10[%add3A_902, %dma_wait3A] : memref<10240x144xf32, #tpu.memory_space<vmem_shared>> -> memref<16x144xf32, #tpu.memory_space<vmem_shared>>
      %dma_wait3A_967 = arith.constant 0 : i32
      %dma_wait3A_968 = tpu.memref_slice %arg10[%add3A_902, %dma_wait3A_967] : memref<10240x144xf32, #tpu.memory_space<vmem_shared>> -> memref<16x144xf32, #tpu.memory_space<vmem_shared>>
      tpu.wait_dma2 semaphore(%run_scoped3A : memref<!tpu.dma_semaphore, #tpu.memory_space<semaphore_mem>>) src(%arg9 : memref<16x144xf32, #tpu.memory_space<vmem>>) dst(%dma_wait3A_968 : memref<16x144xf32, #tpu.memory_space<vmem_shared>>)
      tpu.yield
    }) : () -> ()
    %add3A_903 = arith.constant 288 : i32
    %add3A_904 = arith.addi %mul3A_866, %add3A_903 : i32
    "tpu.region"() ({
      %run_scoped3A = tpu.sem_alloc : memref<!tpu.dma_semaphore, #tpu.memory_space<semaphore_mem>>
      %dma_start3A = arith.constant 0 : i32
      %dma_start3A_963 = tpu.memref_slice %arg10[%add3A_904, %dma_start3A] : memref<10240x144xf32, #tpu.memory_space<vmem_shared>> -> memref<16x144xf32, #tpu.memory_space<vmem_shared>>
      %dma_start3A_964 = arith.constant 0 : i32
      %dma_start3A_965 = tpu.memref_slice %arg10[%add3A_904, %dma_start3A_964] : memref<10240x144xf32, #tpu.memory_space<vmem_shared>> -> memref<16x144xf32, #tpu.memory_space<vmem_shared>>
      tpu.enqueue_dma source(%arg9 : memref<16x144xf32, #tpu.memory_space<vmem>>) target(%dma_start3A_965 : memref<16x144xf32, #tpu.memory_space<vmem_shared>>) target_semaphore(%run_scoped3A : memref<!tpu.dma_semaphore, #tpu.memory_space<semaphore_mem>>)
      %dma_wait3A = arith.constant 0 : i32
      %dma_wait3A_966 = tpu.memref_slice %arg10[%add3A_904, %dma_wait3A] : memref<10240x144xf32, #tpu.memory_space<vmem_shared>> -> memref<16x144xf32, #tpu.memory_space<vmem_shared>>
      %dma_wait3A_967 = arith.constant 0 : i32
      %dma_wait3A_968 = tpu.memref_slice %arg10[%add3A_904, %dma_wait3A_967] : memref<10240x144xf32, #tpu.memory_space<vmem_shared>> -> memref<16x144xf32, #tpu.memory_space<vmem_shared>>
      tpu.wait_dma2 semaphore(%run_scoped3A : memref<!tpu.dma_semaphore, #tpu.memory_space<semaphore_mem>>) src(%arg9 : memref<16x144xf32, #tpu.memory_space<vmem>>) dst(%dma_wait3A_968 : memref<16x144xf32, #tpu.memory_space<vmem_shared>>)
      tpu.yield
    }) : () -> ()
    %add3A_905 = arith.constant 304 : i32
    %add3A_906 = arith.addi %mul3A_866, %add3A_905 : i32
    "tpu.region"() ({
      %run_scoped3A = tpu.sem_alloc : memref<!tpu.dma_semaphore, #tpu.memory_space<semaphore_mem>>
      %dma_start3A = arith.constant 0 : i32
      %dma_start3A_963 = tpu.memref_slice %arg10[%add3A_906, %dma_start3A] : memref<10240x144xf32, #tpu.memory_space<vmem_shared>> -> memref<16x144xf32, #tpu.memory_space<vmem_shared>>
      %dma_start3A_964 = arith.constant 0 : i32
      %dma_start3A_965 = tpu.memref_slice %arg10[%add3A_906, %dma_start3A_964] : memref<10240x144xf32, #tpu.memory_space<vmem_shared>> -> memref<16x144xf32, #tpu.memory_space<vmem_shared>>
      tpu.enqueue_dma source(%arg9 : memref<16x144xf32, #tpu.memory_space<vmem>>) target(%dma_start3A_965 : memref<16x144xf32, #tpu.memory_space<vmem_shared>>) target_semaphore(%run_scoped3A : memref<!tpu.dma_semaphore, #tpu.memory_space<semaphore_mem>>)
      %dma_wait3A = arith.constant 0 : i32
      %dma_wait3A_966 = tpu.memref_slice %arg10[%add3A_906, %dma_wait3A] : memref<10240x144xf32, #tpu.memory_space<vmem_shared>> -> memref<16x144xf32, #tpu.memory_space<vmem_shared>>
      %dma_wait3A_967 = arith.constant 0 : i32
      %dma_wait3A_968 = tpu.memref_slice %arg10[%add3A_906, %dma_wait3A_967] : memref<10240x144xf32, #tpu.memory_space<vmem_shared>> -> memref<16x144xf32, #tpu.memory_space<vmem_shared>>
      tpu.wait_dma2 semaphore(%run_scoped3A : memref<!tpu.dma_semaphore, #tpu.memory_space<semaphore_mem>>) src(%arg9 : memref<16x144xf32, #tpu.memory_space<vmem>>) dst(%dma_wait3A_968 : memref<16x144xf32, #tpu.memory_space<vmem_shared>>)
      tpu.yield
    }) : () -> ()
    %add3A_907 = arith.constant 320 : i32
    %add3A_908 = arith.addi %mul3A_866, %add3A_907 : i32
    "tpu.region"() ({
      %run_scoped3A = tpu.sem_alloc : memref<!tpu.dma_semaphore, #tpu.memory_space<semaphore_mem>>
      %dma_start3A = arith.constant 0 : i32
      %dma_start3A_963 = tpu.memref_slice %arg10[%add3A_908, %dma_start3A] : memref<10240x144xf32, #tpu.memory_space<vmem_shared>> -> memref<16x144xf32, #tpu.memory_space<vmem_shared>>
      %dma_start3A_964 = arith.constant 0 : i32
      %dma_start3A_965 = tpu.memref_slice %arg10[%add3A_908, %dma_start3A_964] : memref<10240x144xf32, #tpu.memory_space<vmem_shared>> -> memref<16x144xf32, #tpu.memory_space<vmem_shared>>
      tpu.enqueue_dma source(%arg9 : memref<16x144xf32, #tpu.memory_space<vmem>>) target(%dma_start3A_965 : memref<16x144xf32, #tpu.memory_space<vmem_shared>>) target_semaphore(%run_scoped3A : memref<!tpu.dma_semaphore, #tpu.memory_space<semaphore_mem>>)
      %dma_wait3A = arith.constant 0 : i32
      %dma_wait3A_966 = tpu.memref_slice %arg10[%add3A_908, %dma_wait3A] : memref<10240x144xf32, #tpu.memory_space<vmem_shared>> -> memref<16x144xf32, #tpu.memory_space<vmem_shared>>
      %dma_wait3A_967 = arith.constant 0 : i32
      %dma_wait3A_968 = tpu.memref_slice %arg10[%add3A_908, %dma_wait3A_967] : memref<10240x144xf32, #tpu.memory_space<vmem_shared>> -> memref<16x144xf32, #tpu.memory_space<vmem_shared>>
      tpu.wait_dma2 semaphore(%run_scoped3A : memref<!tpu.dma_semaphore, #tpu.memory_space<semaphore_mem>>) src(%arg9 : memref<16x144xf32, #tpu.memory_space<vmem>>) dst(%dma_wait3A_968 : memref<16x144xf32, #tpu.memory_space<vmem_shared>>)
      tpu.yield
    }) : () -> ()
    %add3A_909 = arith.constant 336 : i32
    %add3A_910 = arith.addi %mul3A_866, %add3A_909 : i32
    "tpu.region"() ({
      %run_scoped3A = tpu.sem_alloc : memref<!tpu.dma_semaphore, #tpu.memory_space<semaphore_mem>>
      %dma_start3A = arith.constant 0 : i32
      %dma_start3A_963 = tpu.memref_slice %arg10[%add3A_910, %dma_start3A] : memref<10240x144xf32, #tpu.memory_space<vmem_shared>> -> memref<16x144xf32, #tpu.memory_space<vmem_shared>>
      %dma_start3A_964 = arith.constant 0 : i32
      %dma_start3A_965 = tpu.memref_slice %arg10[%add3A_910, %dma_start3A_964] : memref<10240x144xf32, #tpu.memory_space<vmem_shared>> -> memref<16x144xf32, #tpu.memory_space<vmem_shared>>
      tpu.enqueue_dma source(%arg9 : memref<16x144xf32, #tpu.memory_space<vmem>>) target(%dma_start3A_965 : memref<16x144xf32, #tpu.memory_space<vmem_shared>>) target_semaphore(%run_scoped3A : memref<!tpu.dma_semaphore, #tpu.memory_space<semaphore_mem>>)
      %dma_wait3A = arith.constant 0 : i32
      %dma_wait3A_966 = tpu.memref_slice %arg10[%add3A_910, %dma_wait3A] : memref<10240x144xf32, #tpu.memory_space<vmem_shared>> -> memref<16x144xf32, #tpu.memory_space<vmem_shared>>
      %dma_wait3A_967 = arith.constant 0 : i32
      %dma_wait3A_968 = tpu.memref_slice %arg10[%add3A_910, %dma_wait3A_967] : memref<10240x144xf32, #tpu.memory_space<vmem_shared>> -> memref<16x144xf32, #tpu.memory_space<vmem_shared>>
      tpu.wait_dma2 semaphore(%run_scoped3A : memref<!tpu.dma_semaphore, #tpu.memory_space<semaphore_mem>>) src(%arg9 : memref<16x144xf32, #tpu.memory_space<vmem>>) dst(%dma_wait3A_968 : memref<16x144xf32, #tpu.memory_space<vmem_shared>>)
      tpu.yield
    }) : () -> ()
    %add3A_911 = arith.constant 352 : i32
    %add3A_912 = arith.addi %mul3A_866, %add3A_911 : i32
    "tpu.region"() ({
      %run_scoped3A = tpu.sem_alloc : memref<!tpu.dma_semaphore, #tpu.memory_space<semaphore_mem>>
      %dma_start3A = arith.constant 0 : i32
      %dma_start3A_963 = tpu.memref_slice %arg10[%add3A_912, %dma_start3A] : memref<10240x144xf32, #tpu.memory_space<vmem_shared>> -> memref<16x144xf32, #tpu.memory_space<vmem_shared>>
      %dma_start3A_964 = arith.constant 0 : i32
      %dma_start3A_965 = tpu.memref_slice %arg10[%add3A_912, %dma_start3A_964] : memref<10240x144xf32, #tpu.memory_space<vmem_shared>> -> memref<16x144xf32, #tpu.memory_space<vmem_shared>>
      tpu.enqueue_dma source(%arg9 : memref<16x144xf32, #tpu.memory_space<vmem>>) target(%dma_start3A_965 : memref<16x144xf32, #tpu.memory_space<vmem_shared>>) target_semaphore(%run_scoped3A : memref<!tpu.dma_semaphore, #tpu.memory_space<semaphore_mem>>)
      %dma_wait3A = arith.constant 0 : i32
      %dma_wait3A_966 = tpu.memref_slice %arg10[%add3A_912, %dma_wait3A] : memref<10240x144xf32, #tpu.memory_space<vmem_shared>> -> memref<16x144xf32, #tpu.memory_space<vmem_shared>>
      %dma_wait3A_967 = arith.constant 0 : i32
      %dma_wait3A_968 = tpu.memref_slice %arg10[%add3A_912, %dma_wait3A_967] : memref<10240x144xf32, #tpu.memory_space<vmem_shared>> -> memref<16x144xf32, #tpu.memory_space<vmem_shared>>
      tpu.wait_dma2 semaphore(%run_scoped3A : memref<!tpu.dma_semaphore, #tpu.memory_space<semaphore_mem>>) src(%arg9 : memref<16x144xf32, #tpu.memory_space<vmem>>) dst(%dma_wait3A_968 : memref<16x144xf32, #tpu.memory_space<vmem_shared>>)
      tpu.yield
    }) : () -> ()
    %add3A_913 = arith.constant 368 : i32
    %add3A_914 = arith.addi %mul3A_866, %add3A_913 : i32
    "tpu.region"() ({
      %run_scoped3A = tpu.sem_alloc : memref<!tpu.dma_semaphore, #tpu.memory_space<semaphore_mem>>
      %dma_start3A = arith.constant 0 : i32
      %dma_start3A_963 = tpu.memref_slice %arg10[%add3A_914, %dma_start3A] : memref<10240x144xf32, #tpu.memory_space<vmem_shared>> -> memref<16x144xf32, #tpu.memory_space<vmem_shared>>
      %dma_start3A_964 = arith.constant 0 : i32
      %dma_start3A_965 = tpu.memref_slice %arg10[%add3A_914, %dma_start3A_964] : memref<10240x144xf32, #tpu.memory_space<vmem_shared>> -> memref<16x144xf32, #tpu.memory_space<vmem_shared>>
      tpu.enqueue_dma source(%arg9 : memref<16x144xf32, #tpu.memory_space<vmem>>) target(%dma_start3A_965 : memref<16x144xf32, #tpu.memory_space<vmem_shared>>) target_semaphore(%run_scoped3A : memref<!tpu.dma_semaphore, #tpu.memory_space<semaphore_mem>>)
      %dma_wait3A = arith.constant 0 : i32
      %dma_wait3A_966 = tpu.memref_slice %arg10[%add3A_914, %dma_wait3A] : memref<10240x144xf32, #tpu.memory_space<vmem_shared>> -> memref<16x144xf32, #tpu.memory_space<vmem_shared>>
      %dma_wait3A_967 = arith.constant 0 : i32
      %dma_wait3A_968 = tpu.memref_slice %arg10[%add3A_914, %dma_wait3A_967] : memref<10240x144xf32, #tpu.memory_space<vmem_shared>> -> memref<16x144xf32, #tpu.memory_space<vmem_shared>>
      tpu.wait_dma2 semaphore(%run_scoped3A : memref<!tpu.dma_semaphore, #tpu.memory_space<semaphore_mem>>) src(%arg9 : memref<16x144xf32, #tpu.memory_space<vmem>>) dst(%dma_wait3A_968 : memref<16x144xf32, #tpu.memory_space<vmem_shared>>)
      tpu.yield
    }) : () -> ()
    %add3A_915 = arith.constant 384 : i32
    %add3A_916 = arith.addi %mul3A_866, %add3A_915 : i32
    "tpu.region"() ({
      %run_scoped3A = tpu.sem_alloc : memref<!tpu.dma_semaphore, #tpu.memory_space<semaphore_mem>>
      %dma_start3A = arith.constant 0 : i32
      %dma_start3A_963 = tpu.memref_slice %arg10[%add3A_916, %dma_start3A] : memref<10240x144xf32, #tpu.memory_space<vmem_shared>> -> memref<16x144xf32, #tpu.memory_space<vmem_shared>>
      %dma_start3A_964 = arith.constant 0 : i32
      %dma_start3A_965 = tpu.memref_slice %arg10[%add3A_916, %dma_start3A_964] : memref<10240x144xf32, #tpu.memory_space<vmem_shared>> -> memref<16x144xf32, #tpu.memory_space<vmem_shared>>
      tpu.enqueue_dma source(%arg9 : memref<16x144xf32, #tpu.memory_space<vmem>>) target(%dma_start3A_965 : memref<16x144xf32, #tpu.memory_space<vmem_shared>>) target_semaphore(%run_scoped3A : memref<!tpu.dma_semaphore, #tpu.memory_space<semaphore_mem>>)
      %dma_wait3A = arith.constant 0 : i32
      %dma_wait3A_966 = tpu.memref_slice %arg10[%add3A_916, %dma_wait3A] : memref<10240x144xf32, #tpu.memory_space<vmem_shared>> -> memref<16x144xf32, #tpu.memory_space<vmem_shared>>
      %dma_wait3A_967 = arith.constant 0 : i32
      %dma_wait3A_968 = tpu.memref_slice %arg10[%add3A_916, %dma_wait3A_967] : memref<10240x144xf32, #tpu.memory_space<vmem_shared>> -> memref<16x144xf32, #tpu.memory_space<vmem_shared>>
      tpu.wait_dma2 semaphore(%run_scoped3A : memref<!tpu.dma_semaphore, #tpu.memory_space<semaphore_mem>>) src(%arg9 : memref<16x144xf32, #tpu.memory_space<vmem>>) dst(%dma_wait3A_968 : memref<16x144xf32, #tpu.memory_space<vmem_shared>>)
      tpu.yield
    }) : () -> ()
    %add3A_917 = arith.constant 400 : i32
    %add3A_918 = arith.addi %mul3A_866, %add3A_917 : i32
    "tpu.region"() ({
      %run_scoped3A = tpu.sem_alloc : memref<!tpu.dma_semaphore, #tpu.memory_space<semaphore_mem>>
      %dma_start3A = arith.constant 0 : i32
      %dma_start3A_963 = tpu.memref_slice %arg10[%add3A_918, %dma_start3A] : memref<10240x144xf32, #tpu.memory_space<vmem_shared>> -> memref<16x144xf32, #tpu.memory_space<vmem_shared>>
      %dma_start3A_964 = arith.constant 0 : i32
      %dma_start3A_965 = tpu.memref_slice %arg10[%add3A_918, %dma_start3A_964] : memref<10240x144xf32, #tpu.memory_space<vmem_shared>> -> memref<16x144xf32, #tpu.memory_space<vmem_shared>>
      tpu.enqueue_dma source(%arg9 : memref<16x144xf32, #tpu.memory_space<vmem>>) target(%dma_start3A_965 : memref<16x144xf32, #tpu.memory_space<vmem_shared>>) target_semaphore(%run_scoped3A : memref<!tpu.dma_semaphore, #tpu.memory_space<semaphore_mem>>)
      %dma_wait3A = arith.constant 0 : i32
      %dma_wait3A_966 = tpu.memref_slice %arg10[%add3A_918, %dma_wait3A] : memref<10240x144xf32, #tpu.memory_space<vmem_shared>> -> memref<16x144xf32, #tpu.memory_space<vmem_shared>>
      %dma_wait3A_967 = arith.constant 0 : i32
      %dma_wait3A_968 = tpu.memref_slice %arg10[%add3A_918, %dma_wait3A_967] : memref<10240x144xf32, #tpu.memory_space<vmem_shared>> -> memref<16x144xf32, #tpu.memory_space<vmem_shared>>
      tpu.wait_dma2 semaphore(%run_scoped3A : memref<!tpu.dma_semaphore, #tpu.memory_space<semaphore_mem>>) src(%arg9 : memref<16x144xf32, #tpu.memory_space<vmem>>) dst(%dma_wait3A_968 : memref<16x144xf32, #tpu.memory_space<vmem_shared>>)
      tpu.yield
    }) : () -> ()
    %add3A_919 = arith.constant 416 : i32
    %add3A_920 = arith.addi %mul3A_866, %add3A_919 : i32
    "tpu.region"() ({
      %run_scoped3A = tpu.sem_alloc : memref<!tpu.dma_semaphore, #tpu.memory_space<semaphore_mem>>
      %dma_start3A = arith.constant 0 : i32
      %dma_start3A_963 = tpu.memref_slice %arg10[%add3A_920, %dma_start3A] : memref<10240x144xf32, #tpu.memory_space<vmem_shared>> -> memref<16x144xf32, #tpu.memory_space<vmem_shared>>
      %dma_start3A_964 = arith.constant 0 : i32
      %dma_start3A_965 = tpu.memref_slice %arg10[%add3A_920, %dma_start3A_964] : memref<10240x144xf32, #tpu.memory_space<vmem_shared>> -> memref<16x144xf32, #tpu.memory_space<vmem_shared>>
      tpu.enqueue_dma source(%arg9 : memref<16x144xf32, #tpu.memory_space<vmem>>) target(%dma_start3A_965 : memref<16x144xf32, #tpu.memory_space<vmem_shared>>) target_semaphore(%run_scoped3A : memref<!tpu.dma_semaphore, #tpu.memory_space<semaphore_mem>>)
      %dma_wait3A = arith.constant 0 : i32
      %dma_wait3A_966 = tpu.memref_slice %arg10[%add3A_920, %dma_wait3A] : memref<10240x144xf32, #tpu.memory_space<vmem_shared>> -> memref<16x144xf32, #tpu.memory_space<vmem_shared>>
      %dma_wait3A_967 = arith.constant 0 : i32
      %dma_wait3A_968 = tpu.memref_slice %arg10[%add3A_920, %dma_wait3A_967] : memref<10240x144xf32, #tpu.memory_space<vmem_shared>> -> memref<16x144xf32, #tpu.memory_space<vmem_shared>>
      tpu.wait_dma2 semaphore(%run_scoped3A : memref<!tpu.dma_semaphore, #tpu.memory_space<semaphore_mem>>) src(%arg9 : memref<16x144xf32, #tpu.memory_space<vmem>>) dst(%dma_wait3A_968 : memref<16x144xf32, #tpu.memory_space<vmem_shared>>)
      tpu.yield
    }) : () -> ()
    %add3A_921 = arith.constant 432 : i32
    %add3A_922 = arith.addi %mul3A_866, %add3A_921 : i32
    "tpu.region"() ({
      %run_scoped3A = tpu.sem_alloc : memref<!tpu.dma_semaphore, #tpu.memory_space<semaphore_mem>>
      %dma_start3A = arith.constant 0 : i32
      %dma_start3A_963 = tpu.memref_slice %arg10[%add3A_922, %dma_start3A] : memref<10240x144xf32, #tpu.memory_space<vmem_shared>> -> memref<16x144xf32, #tpu.memory_space<vmem_shared>>
      %dma_start3A_964 = arith.constant 0 : i32
      %dma_start3A_965 = tpu.memref_slice %arg10[%add3A_922, %dma_start3A_964] : memref<10240x144xf32, #tpu.memory_space<vmem_shared>> -> memref<16x144xf32, #tpu.memory_space<vmem_shared>>
      tpu.enqueue_dma source(%arg9 : memref<16x144xf32, #tpu.memory_space<vmem>>) target(%dma_start3A_965 : memref<16x144xf32, #tpu.memory_space<vmem_shared>>) target_semaphore(%run_scoped3A : memref<!tpu.dma_semaphore, #tpu.memory_space<semaphore_mem>>)
      %dma_wait3A = arith.constant 0 : i32
      %dma_wait3A_966 = tpu.memref_slice %arg10[%add3A_922, %dma_wait3A] : memref<10240x144xf32, #tpu.memory_space<vmem_shared>> -> memref<16x144xf32, #tpu.memory_space<vmem_shared>>
      %dma_wait3A_967 = arith.constant 0 : i32
      %dma_wait3A_968 = tpu.memref_slice %arg10[%add3A_922, %dma_wait3A_967] : memref<10240x144xf32, #tpu.memory_space<vmem_shared>> -> memref<16x144xf32, #tpu.memory_space<vmem_shared>>
      tpu.wait_dma2 semaphore(%run_scoped3A : memref<!tpu.dma_semaphore, #tpu.memory_space<semaphore_mem>>) src(%arg9 : memref<16x144xf32, #tpu.memory_space<vmem>>) dst(%dma_wait3A_968 : memref<16x144xf32, #tpu.memory_space<vmem_shared>>)
      tpu.yield
    }) : () -> ()
    %add3A_923 = arith.constant 448 : i32
    %add3A_924 = arith.addi %mul3A_866, %add3A_923 : i32
    "tpu.region"() ({
      %run_scoped3A = tpu.sem_alloc : memref<!tpu.dma_semaphore, #tpu.memory_space<semaphore_mem>>
      %dma_start3A = arith.constant 0 : i32
      %dma_start3A_963 = tpu.memref_slice %arg10[%add3A_924, %dma_start3A] : memref<10240x144xf32, #tpu.memory_space<vmem_shared>> -> memref<16x144xf32, #tpu.memory_space<vmem_shared>>
      %dma_start3A_964 = arith.constant 0 : i32
      %dma_start3A_965 = tpu.memref_slice %arg10[%add3A_924, %dma_start3A_964] : memref<10240x144xf32, #tpu.memory_space<vmem_shared>> -> memref<16x144xf32, #tpu.memory_space<vmem_shared>>
      tpu.enqueue_dma source(%arg9 : memref<16x144xf32, #tpu.memory_space<vmem>>) target(%dma_start3A_965 : memref<16x144xf32, #tpu.memory_space<vmem_shared>>) target_semaphore(%run_scoped3A : memref<!tpu.dma_semaphore, #tpu.memory_space<semaphore_mem>>)
      %dma_wait3A = arith.constant 0 : i32
      %dma_wait3A_966 = tpu.memref_slice %arg10[%add3A_924, %dma_wait3A] : memref<10240x144xf32, #tpu.memory_space<vmem_shared>> -> memref<16x144xf32, #tpu.memory_space<vmem_shared>>
      %dma_wait3A_967 = arith.constant 0 : i32
      %dma_wait3A_968 = tpu.memref_slice %arg10[%add3A_924, %dma_wait3A_967] : memref<10240x144xf32, #tpu.memory_space<vmem_shared>> -> memref<16x144xf32, #tpu.memory_space<vmem_shared>>
      tpu.wait_dma2 semaphore(%run_scoped3A : memref<!tpu.dma_semaphore, #tpu.memory_space<semaphore_mem>>) src(%arg9 : memref<16x144xf32, #tpu.memory_space<vmem>>) dst(%dma_wait3A_968 : memref<16x144xf32, #tpu.memory_space<vmem_shared>>)
      tpu.yield
    }) : () -> ()
    %add3A_925 = arith.constant 464 : i32
    %add3A_926 = arith.addi %mul3A_866, %add3A_925 : i32
    "tpu.region"() ({
      %run_scoped3A = tpu.sem_alloc : memref<!tpu.dma_semaphore, #tpu.memory_space<semaphore_mem>>
      %dma_start3A = arith.constant 0 : i32
      %dma_start3A_963 = tpu.memref_slice %arg10[%add3A_926, %dma_start3A] : memref<10240x144xf32, #tpu.memory_space<vmem_shared>> -> memref<16x144xf32, #tpu.memory_space<vmem_shared>>
      %dma_start3A_964 = arith.constant 0 : i32
      %dma_start3A_965 = tpu.memref_slice %arg10[%add3A_926, %dma_start3A_964] : memref<10240x144xf32, #tpu.memory_space<vmem_shared>> -> memref<16x144xf32, #tpu.memory_space<vmem_shared>>
      tpu.enqueue_dma source(%arg9 : memref<16x144xf32, #tpu.memory_space<vmem>>) target(%dma_start3A_965 : memref<16x144xf32, #tpu.memory_space<vmem_shared>>) target_semaphore(%run_scoped3A : memref<!tpu.dma_semaphore, #tpu.memory_space<semaphore_mem>>)
      %dma_wait3A = arith.constant 0 : i32
      %dma_wait3A_966 = tpu.memref_slice %arg10[%add3A_926, %dma_wait3A] : memref<10240x144xf32, #tpu.memory_space<vmem_shared>> -> memref<16x144xf32, #tpu.memory_space<vmem_shared>>
      %dma_wait3A_967 = arith.constant 0 : i32
      %dma_wait3A_968 = tpu.memref_slice %arg10[%add3A_926, %dma_wait3A_967] : memref<10240x144xf32, #tpu.memory_space<vmem_shared>> -> memref<16x144xf32, #tpu.memory_space<vmem_shared>>
      tpu.wait_dma2 semaphore(%run_scoped3A : memref<!tpu.dma_semaphore, #tpu.memory_space<semaphore_mem>>) src(%arg9 : memref<16x144xf32, #tpu.memory_space<vmem>>) dst(%dma_wait3A_968 : memref<16x144xf32, #tpu.memory_space<vmem_shared>>)
      tpu.yield
    }) : () -> ()
    %add3A_927 = arith.constant 480 : i32
    %add3A_928 = arith.addi %mul3A_866, %add3A_927 : i32
    "tpu.region"() ({
      %run_scoped3A = tpu.sem_alloc : memref<!tpu.dma_semaphore, #tpu.memory_space<semaphore_mem>>
      %dma_start3A = arith.constant 0 : i32
      %dma_start3A_963 = tpu.memref_slice %arg10[%add3A_928, %dma_start3A] : memref<10240x144xf32, #tpu.memory_space<vmem_shared>> -> memref<16x144xf32, #tpu.memory_space<vmem_shared>>
      %dma_start3A_964 = arith.constant 0 : i32
      %dma_start3A_965 = tpu.memref_slice %arg10[%add3A_928, %dma_start3A_964] : memref<10240x144xf32, #tpu.memory_space<vmem_shared>> -> memref<16x144xf32, #tpu.memory_space<vmem_shared>>
      tpu.enqueue_dma source(%arg9 : memref<16x144xf32, #tpu.memory_space<vmem>>) target(%dma_start3A_965 : memref<16x144xf32, #tpu.memory_space<vmem_shared>>) target_semaphore(%run_scoped3A : memref<!tpu.dma_semaphore, #tpu.memory_space<semaphore_mem>>)
      %dma_wait3A = arith.constant 0 : i32
      %dma_wait3A_966 = tpu.memref_slice %arg10[%add3A_928, %dma_wait3A] : memref<10240x144xf32, #tpu.memory_space<vmem_shared>> -> memref<16x144xf32, #tpu.memory_space<vmem_shared>>
      %dma_wait3A_967 = arith.constant 0 : i32
      %dma_wait3A_968 = tpu.memref_slice %arg10[%add3A_928, %dma_wait3A_967] : memref<10240x144xf32, #tpu.memory_space<vmem_shared>> -> memref<16x144xf32, #tpu.memory_space<vmem_shared>>
      tpu.wait_dma2 semaphore(%run_scoped3A : memref<!tpu.dma_semaphore, #tpu.memory_space<semaphore_mem>>) src(%arg9 : memref<16x144xf32, #tpu.memory_space<vmem>>) dst(%dma_wait3A_968 : memref<16x144xf32, #tpu.memory_space<vmem_shared>>)
      tpu.yield
    }) : () -> ()
    %add3A_929 = arith.constant 496 : i32
    %add3A_930 = arith.addi %mul3A_866, %add3A_929 : i32
    "tpu.region"() ({
      %run_scoped3A = tpu.sem_alloc : memref<!tpu.dma_semaphore, #tpu.memory_space<semaphore_mem>>
      %dma_start3A = arith.constant 0 : i32
      %dma_start3A_963 = tpu.memref_slice %arg10[%add3A_930, %dma_start3A] : memref<10240x144xf32, #tpu.memory_space<vmem_shared>> -> memref<16x144xf32, #tpu.memory_space<vmem_shared>>
      %dma_start3A_964 = arith.constant 0 : i32
      %dma_start3A_965 = tpu.memref_slice %arg10[%add3A_930, %dma_start3A_964] : memref<10240x144xf32, #tpu.memory_space<vmem_shared>> -> memref<16x144xf32, #tpu.memory_space<vmem_shared>>
      tpu.enqueue_dma source(%arg9 : memref<16x144xf32, #tpu.memory_space<vmem>>) target(%dma_start3A_965 : memref<16x144xf32, #tpu.memory_space<vmem_shared>>) target_semaphore(%run_scoped3A : memref<!tpu.dma_semaphore, #tpu.memory_space<semaphore_mem>>)
      %dma_wait3A = arith.constant 0 : i32
      %dma_wait3A_966 = tpu.memref_slice %arg10[%add3A_930, %dma_wait3A] : memref<10240x144xf32, #tpu.memory_space<vmem_shared>> -> memref<16x144xf32, #tpu.memory_space<vmem_shared>>
      %dma_wait3A_967 = arith.constant 0 : i32
      %dma_wait3A_968 = tpu.memref_slice %arg10[%add3A_930, %dma_wait3A_967] : memref<10240x144xf32, #tpu.memory_space<vmem_shared>> -> memref<16x144xf32, #tpu.memory_space<vmem_shared>>
      tpu.wait_dma2 semaphore(%run_scoped3A : memref<!tpu.dma_semaphore, #tpu.memory_space<semaphore_mem>>) src(%arg9 : memref<16x144xf32, #tpu.memory_space<vmem>>) dst(%dma_wait3A_968 : memref<16x144xf32, #tpu.memory_space<vmem_shared>>)
      tpu.yield
    }) : () -> ()
    %add3A_931 = arith.constant 512 : i32
    %add3A_932 = arith.addi %mul3A_866, %add3A_931 : i32
    "tpu.region"() ({
      %run_scoped3A = tpu.sem_alloc : memref<!tpu.dma_semaphore, #tpu.memory_space<semaphore_mem>>
      %dma_start3A = arith.constant 0 : i32
      %dma_start3A_963 = tpu.memref_slice %arg10[%add3A_932, %dma_start3A] : memref<10240x144xf32, #tpu.memory_space<vmem_shared>> -> memref<16x144xf32, #tpu.memory_space<vmem_shared>>
      %dma_start3A_964 = arith.constant 0 : i32
      %dma_start3A_965 = tpu.memref_slice %arg10[%add3A_932, %dma_start3A_964] : memref<10240x144xf32, #tpu.memory_space<vmem_shared>> -> memref<16x144xf32, #tpu.memory_space<vmem_shared>>
      tpu.enqueue_dma source(%arg9 : memref<16x144xf32, #tpu.memory_space<vmem>>) target(%dma_start3A_965 : memref<16x144xf32, #tpu.memory_space<vmem_shared>>) target_semaphore(%run_scoped3A : memref<!tpu.dma_semaphore, #tpu.memory_space<semaphore_mem>>)
      %dma_wait3A = arith.constant 0 : i32
      %dma_wait3A_966 = tpu.memref_slice %arg10[%add3A_932, %dma_wait3A] : memref<10240x144xf32, #tpu.memory_space<vmem_shared>> -> memref<16x144xf32, #tpu.memory_space<vmem_shared>>
      %dma_wait3A_967 = arith.constant 0 : i32
      %dma_wait3A_968 = tpu.memref_slice %arg10[%add3A_932, %dma_wait3A_967] : memref<10240x144xf32, #tpu.memory_space<vmem_shared>> -> memref<16x144xf32, #tpu.memory_space<vmem_shared>>
      tpu.wait_dma2 semaphore(%run_scoped3A : memref<!tpu.dma_semaphore, #tpu.memory_space<semaphore_mem>>) src(%arg9 : memref<16x144xf32, #tpu.memory_space<vmem>>) dst(%dma_wait3A_968 : memref<16x144xf32, #tpu.memory_space<vmem_shared>>)
      tpu.yield
    }) : () -> ()
    %add3A_933 = arith.constant 528 : i32
    %add3A_934 = arith.addi %mul3A_866, %add3A_933 : i32
    "tpu.region"() ({
      %run_scoped3A = tpu.sem_alloc : memref<!tpu.dma_semaphore, #tpu.memory_space<semaphore_mem>>
      %dma_start3A = arith.constant 0 : i32
      %dma_start3A_963 = tpu.memref_slice %arg10[%add3A_934, %dma_start3A] : memref<10240x144xf32, #tpu.memory_space<vmem_shared>> -> memref<16x144xf32, #tpu.memory_space<vmem_shared>>
      %dma_start3A_964 = arith.constant 0 : i32
      %dma_start3A_965 = tpu.memref_slice %arg10[%add3A_934, %dma_start3A_964] : memref<10240x144xf32, #tpu.memory_space<vmem_shared>> -> memref<16x144xf32, #tpu.memory_space<vmem_shared>>
      tpu.enqueue_dma source(%arg9 : memref<16x144xf32, #tpu.memory_space<vmem>>) target(%dma_start3A_965 : memref<16x144xf32, #tpu.memory_space<vmem_shared>>) target_semaphore(%run_scoped3A : memref<!tpu.dma_semaphore, #tpu.memory_space<semaphore_mem>>)
      %dma_wait3A = arith.constant 0 : i32
      %dma_wait3A_966 = tpu.memref_slice %arg10[%add3A_934, %dma_wait3A] : memref<10240x144xf32, #tpu.memory_space<vmem_shared>> -> memref<16x144xf32, #tpu.memory_space<vmem_shared>>
      %dma_wait3A_967 = arith.constant 0 : i32
      %dma_wait3A_968 = tpu.memref_slice %arg10[%add3A_934, %dma_wait3A_967] : memref<10240x144xf32, #tpu.memory_space<vmem_shared>> -> memref<16x144xf32, #tpu.memory_space<vmem_shared>>
      tpu.wait_dma2 semaphore(%run_scoped3A : memref<!tpu.dma_semaphore, #tpu.memory_space<semaphore_mem>>) src(%arg9 : memref<16x144xf32, #tpu.memory_space<vmem>>) dst(%dma_wait3A_968 : memref<16x144xf32, #tpu.memory_space<vmem_shared>>)
      tpu.yield
    }) : () -> ()
    %add3A_935 = arith.constant 544 : i32
    %add3A_936 = arith.addi %mul3A_866, %add3A_935 : i32
    "tpu.region"() ({
      %run_scoped3A = tpu.sem_alloc : memref<!tpu.dma_semaphore, #tpu.memory_space<semaphore_mem>>
      %dma_start3A = arith.constant 0 : i32
      %dma_start3A_963 = tpu.memref_slice %arg10[%add3A_936, %dma_start3A] : memref<10240x144xf32, #tpu.memory_space<vmem_shared>> -> memref<16x144xf32, #tpu.memory_space<vmem_shared>>
      %dma_start3A_964 = arith.constant 0 : i32
      %dma_start3A_965 = tpu.memref_slice %arg10[%add3A_936, %dma_start3A_964] : memref<10240x144xf32, #tpu.memory_space<vmem_shared>> -> memref<16x144xf32, #tpu.memory_space<vmem_shared>>
      tpu.enqueue_dma source(%arg9 : memref<16x144xf32, #tpu.memory_space<vmem>>) target(%dma_start3A_965 : memref<16x144xf32, #tpu.memory_space<vmem_shared>>) target_semaphore(%run_scoped3A : memref<!tpu.dma_semaphore, #tpu.memory_space<semaphore_mem>>)
      %dma_wait3A = arith.constant 0 : i32
      %dma_wait3A_966 = tpu.memref_slice %arg10[%add3A_936, %dma_wait3A] : memref<10240x144xf32, #tpu.memory_space<vmem_shared>> -> memref<16x144xf32, #tpu.memory_space<vmem_shared>>
      %dma_wait3A_967 = arith.constant 0 : i32
      %dma_wait3A_968 = tpu.memref_slice %arg10[%add3A_936, %dma_wait3A_967] : memref<10240x144xf32, #tpu.memory_space<vmem_shared>> -> memref<16x144xf32, #tpu.memory_space<vmem_shared>>
      tpu.wait_dma2 semaphore(%run_scoped3A : memref<!tpu.dma_semaphore, #tpu.memory_space<semaphore_mem>>) src(%arg9 : memref<16x144xf32, #tpu.memory_space<vmem>>) dst(%dma_wait3A_968 : memref<16x144xf32, #tpu.memory_space<vmem_shared>>)
      tpu.yield
    }) : () -> ()
    %add3A_937 = arith.constant 560 : i32
    %add3A_938 = arith.addi %mul3A_866, %add3A_937 : i32
    "tpu.region"() ({
      %run_scoped3A = tpu.sem_alloc : memref<!tpu.dma_semaphore, #tpu.memory_space<semaphore_mem>>
      %dma_start3A = arith.constant 0 : i32
      %dma_start3A_963 = tpu.memref_slice %arg10[%add3A_938, %dma_start3A] : memref<10240x144xf32, #tpu.memory_space<vmem_shared>> -> memref<16x144xf32, #tpu.memory_space<vmem_shared>>
      %dma_start3A_964 = arith.constant 0 : i32
      %dma_start3A_965 = tpu.memref_slice %arg10[%add3A_938, %dma_start3A_964] : memref<10240x144xf32, #tpu.memory_space<vmem_shared>> -> memref<16x144xf32, #tpu.memory_space<vmem_shared>>
      tpu.enqueue_dma source(%arg9 : memref<16x144xf32, #tpu.memory_space<vmem>>) target(%dma_start3A_965 : memref<16x144xf32, #tpu.memory_space<vmem_shared>>) target_semaphore(%run_scoped3A : memref<!tpu.dma_semaphore, #tpu.memory_space<semaphore_mem>>)
      %dma_wait3A = arith.constant 0 : i32
      %dma_wait3A_966 = tpu.memref_slice %arg10[%add3A_938, %dma_wait3A] : memref<10240x144xf32, #tpu.memory_space<vmem_shared>> -> memref<16x144xf32, #tpu.memory_space<vmem_shared>>
      %dma_wait3A_967 = arith.constant 0 : i32
      %dma_wait3A_968 = tpu.memref_slice %arg10[%add3A_938, %dma_wait3A_967] : memref<10240x144xf32, #tpu.memory_space<vmem_shared>> -> memref<16x144xf32, #tpu.memory_space<vmem_shared>>
      tpu.wait_dma2 semaphore(%run_scoped3A : memref<!tpu.dma_semaphore, #tpu.memory_space<semaphore_mem>>) src(%arg9 : memref<16x144xf32, #tpu.memory_space<vmem>>) dst(%dma_wait3A_968 : memref<16x144xf32, #tpu.memory_space<vmem_shared>>)
      tpu.yield
    }) : () -> ()
    %add3A_939 = arith.constant 576 : i32
    %add3A_940 = arith.addi %mul3A_866, %add3A_939 : i32
    "tpu.region"() ({
      %run_scoped3A = tpu.sem_alloc : memref<!tpu.dma_semaphore, #tpu.memory_space<semaphore_mem>>
      %dma_start3A = arith.constant 0 : i32
      %dma_start3A_963 = tpu.memref_slice %arg10[%add3A_940, %dma_start3A] : memref<10240x144xf32, #tpu.memory_space<vmem_shared>> -> memref<16x144xf32, #tpu.memory_space<vmem_shared>>
      %dma_start3A_964 = arith.constant 0 : i32
      %dma_start3A_965 = tpu.memref_slice %arg10[%add3A_940, %dma_start3A_964] : memref<10240x144xf32, #tpu.memory_space<vmem_shared>> -> memref<16x144xf32, #tpu.memory_space<vmem_shared>>
      tpu.enqueue_dma source(%arg9 : memref<16x144xf32, #tpu.memory_space<vmem>>) target(%dma_start3A_965 : memref<16x144xf32, #tpu.memory_space<vmem_shared>>) target_semaphore(%run_scoped3A : memref<!tpu.dma_semaphore, #tpu.memory_space<semaphore_mem>>)
      %dma_wait3A = arith.constant 0 : i32
      %dma_wait3A_966 = tpu.memref_slice %arg10[%add3A_940, %dma_wait3A] : memref<10240x144xf32, #tpu.memory_space<vmem_shared>> -> memref<16x144xf32, #tpu.memory_space<vmem_shared>>
      %dma_wait3A_967 = arith.constant 0 : i32
      %dma_wait3A_968 = tpu.memref_slice %arg10[%add3A_940, %dma_wait3A_967] : memref<10240x144xf32, #tpu.memory_space<vmem_shared>> -> memref<16x144xf32, #tpu.memory_space<vmem_shared>>
      tpu.wait_dma2 semaphore(%run_scoped3A : memref<!tpu.dma_semaphore, #tpu.memory_space<semaphore_mem>>) src(%arg9 : memref<16x144xf32, #tpu.memory_space<vmem>>) dst(%dma_wait3A_968 : memref<16x144xf32, #tpu.memory_space<vmem_shared>>)
      tpu.yield
    }) : () -> ()
    %add3A_941 = arith.constant 592 : i32
    %add3A_942 = arith.addi %mul3A_866, %add3A_941 : i32
    "tpu.region"() ({
      %run_scoped3A = tpu.sem_alloc : memref<!tpu.dma_semaphore, #tpu.memory_space<semaphore_mem>>
      %dma_start3A = arith.constant 0 : i32
      %dma_start3A_963 = tpu.memref_slice %arg10[%add3A_942, %dma_start3A] : memref<10240x144xf32, #tpu.memory_space<vmem_shared>> -> memref<16x144xf32, #tpu.memory_space<vmem_shared>>
      %dma_start3A_964 = arith.constant 0 : i32
      %dma_start3A_965 = tpu.memref_slice %arg10[%add3A_942, %dma_start3A_964] : memref<10240x144xf32, #tpu.memory_space<vmem_shared>> -> memref<16x144xf32, #tpu.memory_space<vmem_shared>>
      tpu.enqueue_dma source(%arg9 : memref<16x144xf32, #tpu.memory_space<vmem>>) target(%dma_start3A_965 : memref<16x144xf32, #tpu.memory_space<vmem_shared>>) target_semaphore(%run_scoped3A : memref<!tpu.dma_semaphore, #tpu.memory_space<semaphore_mem>>)
      %dma_wait3A = arith.constant 0 : i32
      %dma_wait3A_966 = tpu.memref_slice %arg10[%add3A_942, %dma_wait3A] : memref<10240x144xf32, #tpu.memory_space<vmem_shared>> -> memref<16x144xf32, #tpu.memory_space<vmem_shared>>
      %dma_wait3A_967 = arith.constant 0 : i32
      %dma_wait3A_968 = tpu.memref_slice %arg10[%add3A_942, %dma_wait3A_967] : memref<10240x144xf32, #tpu.memory_space<vmem_shared>> -> memref<16x144xf32, #tpu.memory_space<vmem_shared>>
      tpu.wait_dma2 semaphore(%run_scoped3A : memref<!tpu.dma_semaphore, #tpu.memory_space<semaphore_mem>>) src(%arg9 : memref<16x144xf32, #tpu.memory_space<vmem>>) dst(%dma_wait3A_968 : memref<16x144xf32, #tpu.memory_space<vmem_shared>>)
      tpu.yield
    }) : () -> ()
    %add3A_943 = arith.constant 608 : i32
    %add3A_944 = arith.addi %mul3A_866, %add3A_943 : i32
    "tpu.region"() ({
      %run_scoped3A = tpu.sem_alloc : memref<!tpu.dma_semaphore, #tpu.memory_space<semaphore_mem>>
      %dma_start3A = arith.constant 0 : i32
      %dma_start3A_963 = tpu.memref_slice %arg10[%add3A_944, %dma_start3A] : memref<10240x144xf32, #tpu.memory_space<vmem_shared>> -> memref<16x144xf32, #tpu.memory_space<vmem_shared>>
      %dma_start3A_964 = arith.constant 0 : i32
      %dma_start3A_965 = tpu.memref_slice %arg10[%add3A_944, %dma_start3A_964] : memref<10240x144xf32, #tpu.memory_space<vmem_shared>> -> memref<16x144xf32, #tpu.memory_space<vmem_shared>>
      tpu.enqueue_dma source(%arg9 : memref<16x144xf32, #tpu.memory_space<vmem>>) target(%dma_start3A_965 : memref<16x144xf32, #tpu.memory_space<vmem_shared>>) target_semaphore(%run_scoped3A : memref<!tpu.dma_semaphore, #tpu.memory_space<semaphore_mem>>)
      %dma_wait3A = arith.constant 0 : i32
      %dma_wait3A_966 = tpu.memref_slice %arg10[%add3A_944, %dma_wait3A] : memref<10240x144xf32, #tpu.memory_space<vmem_shared>> -> memref<16x144xf32, #tpu.memory_space<vmem_shared>>
      %dma_wait3A_967 = arith.constant 0 : i32
      %dma_wait3A_968 = tpu.memref_slice %arg10[%add3A_944, %dma_wait3A_967] : memref<10240x144xf32, #tpu.memory_space<vmem_shared>> -> memref<16x144xf32, #tpu.memory_space<vmem_shared>>
      tpu.wait_dma2 semaphore(%run_scoped3A : memref<!tpu.dma_semaphore, #tpu.memory_space<semaphore_mem>>) src(%arg9 : memref<16x144xf32, #tpu.memory_space<vmem>>) dst(%dma_wait3A_968 : memref<16x144xf32, #tpu.memory_space<vmem_shared>>)
      tpu.yield
    }) : () -> ()
    %add3A_945 = arith.constant 624 : i32
    %add3A_946 = arith.addi %mul3A_866, %add3A_945 : i32
    "tpu.region"() ({
      %run_scoped3A = tpu.sem_alloc : memref<!tpu.dma_semaphore, #tpu.memory_space<semaphore_mem>>
      %dma_start3A = arith.constant 0 : i32
      %dma_start3A_963 = tpu.memref_slice %arg10[%add3A_946, %dma_start3A] : memref<10240x144xf32, #tpu.memory_space<vmem_shared>> -> memref<16x144xf32, #tpu.memory_space<vmem_shared>>
      %dma_start3A_964 = arith.constant 0 : i32
      %dma_start3A_965 = tpu.memref_slice %arg10[%add3A_946, %dma_start3A_964] : memref<10240x144xf32, #tpu.memory_space<vmem_shared>> -> memref<16x144xf32, #tpu.memory_space<vmem_shared>>
      tpu.enqueue_dma source(%arg9 : memref<16x144xf32, #tpu.memory_space<vmem>>) target(%dma_start3A_965 : memref<16x144xf32, #tpu.memory_space<vmem_shared>>) target_semaphore(%run_scoped3A : memref<!tpu.dma_semaphore, #tpu.memory_space<semaphore_mem>>)
      %dma_wait3A = arith.constant 0 : i32
      %dma_wait3A_966 = tpu.memref_slice %arg10[%add3A_946, %dma_wait3A] : memref<10240x144xf32, #tpu.memory_space<vmem_shared>> -> memref<16x144xf32, #tpu.memory_space<vmem_shared>>
      %dma_wait3A_967 = arith.constant 0 : i32
      %dma_wait3A_968 = tpu.memref_slice %arg10[%add3A_946, %dma_wait3A_967] : memref<10240x144xf32, #tpu.memory_space<vmem_shared>> -> memref<16x144xf32, #tpu.memory_space<vmem_shared>>
      tpu.wait_dma2 semaphore(%run_scoped3A : memref<!tpu.dma_semaphore, #tpu.memory_space<semaphore_mem>>) src(%arg9 : memref<16x144xf32, #tpu.memory_space<vmem>>) dst(%dma_wait3A_968 : memref<16x144xf32, #tpu.memory_space<vmem_shared>>)
      tpu.yield
    }) : () -> ()
    %barrier3A = arith.constant 0 : index
    tpu.barrier barrier_id(%barrier3A)
    %scan3A = arith.constant 0 : i32
    %scan3A_947 = arith.constant 0 : i32
    %scan3A_948 = arith.constant 79 : i32
    %scan3A_949 = arith.addi %scan3A_947, %scan3A_948 : i32
    %scan3A_950 = arith.constant 1 : i32
    scf.for %scan3A_963 = %scan3A_947 to %scan3A_949 step %scan3A_950  : i32 {
      %mul3A_964 = arith.constant 79 : i32
      %mul3A_965 = arith.muli %add3A, %mul3A_964 : i32
      %add3A_966 = arith.addi %mul3A_965, %scan3A_963 : i32
      %mul3A_967 = arith.constant 128 : i32
      %mul3A_968 = arith.muli %add3A_966, %mul3A_967 : i32
      "tpu.region"() ({
        %run_scoped3A = tpu.sem_alloc : memref<!tpu.dma_semaphore, #tpu.memory_space<semaphore_mem>>
        %dma_start3A_973 = tpu.memref_slice %arg3[%mul3A_968] : memref<323584xi32, #tpu.memory_space<hbm>> -> memref<128xi32, #tpu.memory_space<hbm>>
        %dma_start3A_974 = tpu.memref_slice %arg3[%mul3A_968] : memref<323584xi32, #tpu.memory_space<hbm>> -> memref<128xi32, #tpu.memory_space<hbm>>
        tpu.enqueue_dma source(%dma_start3A_974 : memref<128xi32, #tpu.memory_space<hbm>>) target(%arg6 : memref<128xi32, #tpu.memory_space<vmem>>) target_semaphore(%run_scoped3A : memref<!tpu.dma_semaphore, #tpu.memory_space<semaphore_mem>>)
        %dma_wait3A_975 = tpu.memref_slice %arg3[%mul3A_968] : memref<323584xi32, #tpu.memory_space<hbm>> -> memref<128xi32, #tpu.memory_space<hbm>>
        %dma_wait3A_976 = tpu.memref_slice %arg3[%mul3A_968] : memref<323584xi32, #tpu.memory_space<hbm>> -> memref<128xi32, #tpu.memory_space<hbm>>
        tpu.wait_dma2 semaphore(%run_scoped3A : memref<!tpu.dma_semaphore, #tpu.memory_space<semaphore_mem>>) src(%dma_wait3A_976 : memref<128xi32, #tpu.memory_space<hbm>>) dst(%arg6 : memref<128xi32, #tpu.memory_space<vmem>>)
        tpu.yield
      }) : () -> ()
      "tpu.region"() ({
        %run_scoped3A = tpu.sem_alloc : memref<!tpu.dma_semaphore, #tpu.memory_space<semaphore_mem>>
        %dma_start3A_973 = tpu.memref_slice %arg4[%mul3A_968] : memref<323584xi32, #tpu.memory_space<hbm>> -> memref<128xi32, #tpu.memory_space<hbm>>
        %dma_start3A_974 = tpu.memref_slice %arg4[%mul3A_968] : memref<323584xi32, #tpu.memory_space<hbm>> -> memref<128xi32, #tpu.memory_space<hbm>>
        tpu.enqueue_dma source(%dma_start3A_974 : memref<128xi32, #tpu.memory_space<hbm>>) target(%arg7 : memref<128xi32, #tpu.memory_space<vmem>>) target_semaphore(%run_scoped3A : memref<!tpu.dma_semaphore, #tpu.memory_space<semaphore_mem>>)
        %dma_wait3A_975 = tpu.memref_slice %arg4[%mul3A_968] : memref<323584xi32, #tpu.memory_space<hbm>> -> memref<128xi32, #tpu.memory_space<hbm>>
        %dma_wait3A_976 = tpu.memref_slice %arg4[%mul3A_968] : memref<323584xi32, #tpu.memory_space<hbm>> -> memref<128xi32, #tpu.memory_space<hbm>>
        tpu.wait_dma2 semaphore(%run_scoped3A : memref<!tpu.dma_semaphore, #tpu.memory_space<semaphore_mem>>) src(%dma_wait3A_976 : memref<128xi32, #tpu.memory_space<hbm>>) dst(%arg7 : memref<128xi32, #tpu.memory_space<vmem>>)
        tpu.yield
      }) : () -> ()
      %dma_start3A = arith.constant 0 : i32
      %dma_start3A_969 = arith.constant 0 : i32
      %dma_start3A_970 = tpu.memref_slice %arg2[%dma_start3A, %dma_start3A_969] : memref<10000x144xf32, #tpu.memory_space<hbm>> -> memref<10000x144xf32, #tpu.memory_space<hbm>>
      tpu.enqueue_indirect_dma source(%dma_start3A_970 : memref<10000x144xf32, #tpu.memory_space<hbm>>) target(%arg8 : memref<128x144xf32, #tpu.memory_space<vmem>>) offsets(%arg6 : memref<128xi32, #tpu.memory_space<vmem>>) semaphore(%arg11 : memref<!tpu.dma_semaphore, #tpu.memory_space<semaphore_mem>>)
      %dma_wait3A = arith.constant 0 : i32
      %dma_wait3A_971 = arith.constant 0 : i32
      %dma_wait3A_972 = tpu.memref_slice %arg2[%dma_wait3A, %dma_wait3A_971] : memref<10000x144xf32, #tpu.memory_space<hbm>> -> memref<10000x144xf32, #tpu.memory_space<hbm>>
      tpu.wait_indirect_dma semaphore(%arg11 : memref<!tpu.dma_semaphore, #tpu.memory_space<semaphore_mem>>) src(%dma_wait3A_972 : memref<10000x144xf32, #tpu.memory_space<hbm>>) dst(%arg8 : memref<128x144xf32, #tpu.memory_space<vmem>>)
      "tpu.region"() ({
        %run_scoped3A = tpu.sem_alloc : memref<!tpu.dma_semaphore, #tpu.memory_space<semaphore_mem>>
        %dma_start3A_973 = arith.constant 0 : i32
        %dma_start3A_974 = arith.constant 0 : i32
        %dma_start3A_975 = tpu.memref_slice %arg10[%dma_start3A_973, %dma_start3A_974] : memref<10240x144xf32, #tpu.memory_space<vmem_shared>> -> memref<10240x144xf32, #tpu.memory_space<vmem_shared>>
        tpu.enqueue_indirect_dma source(%arg8 : memref<128x144xf32, #tpu.memory_space<vmem>>) target(%dma_start3A_975 : memref<10240x144xf32, #tpu.memory_space<vmem_shared>>) offsets(%arg7 : memref<128xi32, #tpu.memory_space<vmem>>) semaphore(%run_scoped3A : memref<!tpu.dma_semaphore, #tpu.memory_space<semaphore_mem>>) {add = true}
        %dma_wait3A_976 = arith.constant 0 : i32
        %dma_wait3A_977 = arith.constant 0 : i32
        %dma_wait3A_978 = tpu.memref_slice %arg10[%dma_wait3A_976, %dma_wait3A_977] : memref<10240x144xf32, #tpu.memory_space<vmem_shared>> -> memref<10240x144xf32, #tpu.memory_space<vmem_shared>>
        tpu.wait_indirect_dma semaphore(%run_scoped3A : memref<!tpu.dma_semaphore, #tpu.memory_space<semaphore_mem>>) src(%arg8 : memref<128x144xf32, #tpu.memory_space<vmem>>) dst(%dma_wait3A_978 : memref<10240x144xf32, #tpu.memory_space<vmem_shared>>)
        tpu.yield
      }) : () -> ()
    }
    %scan3A_951 = arith.constant 79 : i32
    %barrier3A_952 = arith.constant 0 : index
    tpu.barrier barrier_id(%barrier3A_952)
    %add3A_953 = arith.constant 0 : i32
    %add3A_954 = arith.addi %mul3A_866, %add3A_953 : i32
    "tpu.region"() ({
      %run_scoped3A = tpu.sem_alloc : memref<!tpu.dma_semaphore, #tpu.memory_space<semaphore_mem>>
      %dma_start3A = arith.constant 0 : i32
      %dma_start3A_963 = tpu.memref_slice %arg10[%add3A_954, %dma_start3A] : memref<10240x144xf32, #tpu.memory_space<vmem_shared>> -> memref<128x144xf32, #tpu.memory_space<vmem_shared>>
      %dma_start3A_964 = arith.constant 0 : i32
      %dma_start3A_965 = tpu.memref_slice %arg10[%add3A_954, %dma_start3A_964] : memref<10240x144xf32, #tpu.memory_space<vmem_shared>> -> memref<128x144xf32, #tpu.memory_space<vmem_shared>>
      tpu.enqueue_dma source(%dma_start3A_965 : memref<128x144xf32, #tpu.memory_space<vmem_shared>>) target(%arg8 : memref<128x144xf32, #tpu.memory_space<vmem>>) target_semaphore(%run_scoped3A : memref<!tpu.dma_semaphore, #tpu.memory_space<semaphore_mem>>)
      %dma_wait3A = arith.constant 0 : i32
      %dma_wait3A_966 = tpu.memref_slice %arg10[%add3A_954, %dma_wait3A] : memref<10240x144xf32, #tpu.memory_space<vmem_shared>> -> memref<128x144xf32, #tpu.memory_space<vmem_shared>>
      %dma_wait3A_967 = arith.constant 0 : i32
      %dma_wait3A_968 = tpu.memref_slice %arg10[%add3A_954, %dma_wait3A_967] : memref<10240x144xf32, #tpu.memory_space<vmem_shared>> -> memref<128x144xf32, #tpu.memory_space<vmem_shared>>
      tpu.wait_dma2 semaphore(%run_scoped3A : memref<!tpu.dma_semaphore, #tpu.memory_space<semaphore_mem>>) src(%dma_wait3A_968 : memref<128x144xf32, #tpu.memory_space<vmem_shared>>) dst(%arg8 : memref<128x144xf32, #tpu.memory_space<vmem>>)
      tpu.yield
    }) : () -> ()
    "tpu.region"() ({
      %run_scoped3A = tpu.sem_alloc : memref<!tpu.dma_semaphore, #tpu.memory_space<semaphore_mem>>
      %dma_start3A = arith.constant 0 : i32
      %dma_start3A_963 = tpu.memref_slice %arg5[%arg0, %add3A_954, %dma_start3A] : memref<2x10240x144xf32, #tpu.memory_space<hbm>> -> memref<1x128x144xf32, #tpu.memory_space<hbm>>
      %dma_start3A_964 = tpu.memref_squeeze %dma_start3A_963 : memref<1x128x144xf32, #tpu.memory_space<hbm>> -> memref<128x144xf32, #tpu.memory_space<hbm>>
      %dma_start3A_965 = arith.constant 0 : i32
      %dma_start3A_966 = tpu.memref_slice %arg5[%arg0, %add3A_954, %dma_start3A_965] : memref<2x10240x144xf32, #tpu.memory_space<hbm>> -> memref<1x128x144xf32, #tpu.memory_space<hbm>>
      %dma_start3A_967 = tpu.memref_squeeze %dma_start3A_966 : memref<1x128x144xf32, #tpu.memory_space<hbm>> -> memref<128x144xf32, #tpu.memory_space<hbm>>
      tpu.enqueue_dma source(%arg8 : memref<128x144xf32, #tpu.memory_space<vmem>>) target(%dma_start3A_967 : memref<128x144xf32, #tpu.memory_space<hbm>>) target_semaphore(%run_scoped3A : memref<!tpu.dma_semaphore, #tpu.memory_space<semaphore_mem>>)
      %dma_wait3A = arith.constant 0 : i32
      %dma_wait3A_968 = tpu.memref_slice %arg5[%arg0, %add3A_954, %dma_wait3A] : memref<2x10240x144xf32, #tpu.memory_space<hbm>> -> memref<1x128x144xf32, #tpu.memory_space<hbm>>
      %dma_wait3A_969 = tpu.memref_squeeze %dma_wait3A_968 : memref<1x128x144xf32, #tpu.memory_space<hbm>> -> memref<128x144xf32, #tpu.memory_space<hbm>>
      %dma_wait3A_970 = arith.constant 0 : i32
      %dma_wait3A_971 = tpu.memref_slice %arg5[%arg0, %add3A_954, %dma_wait3A_970] : memref<2x10240x144xf32, #tpu.memory_space<hbm>> -> memref<1x128x144xf32, #tpu.memory_space<hbm>>
      %dma_wait3A_972 = tpu.memref_squeeze %dma_wait3A_971 : memref<1x128x144xf32, #tpu.memory_space<hbm>> -> memref<128x144xf32, #tpu.memory_space<hbm>>
      tpu.wait_dma2 semaphore(%run_scoped3A : memref<!tpu.dma_semaphore, #tpu.memory_space<semaphore_mem>>) src(%arg8 : memref<128x144xf32, #tpu.memory_space<vmem>>) dst(%dma_wait3A_972 : memref<128x144xf32, #tpu.memory_space<hbm>>)
      tpu.yield
    }) : () -> ()
    %add3A_955 = arith.constant 128 : i32
    %add3A_956 = arith.addi %mul3A_866, %add3A_955 : i32
    "tpu.region"() ({
      %run_scoped3A = tpu.sem_alloc : memref<!tpu.dma_semaphore, #tpu.memory_space<semaphore_mem>>
      %dma_start3A = arith.constant 0 : i32
      %dma_start3A_963 = tpu.memref_slice %arg10[%add3A_956, %dma_start3A] : memref<10240x144xf32, #tpu.memory_space<vmem_shared>> -> memref<128x144xf32, #tpu.memory_space<vmem_shared>>
      %dma_start3A_964 = arith.constant 0 : i32
      %dma_start3A_965 = tpu.memref_slice %arg10[%add3A_956, %dma_start3A_964] : memref<10240x144xf32, #tpu.memory_space<vmem_shared>> -> memref<128x144xf32, #tpu.memory_space<vmem_shared>>
      tpu.enqueue_dma source(%dma_start3A_965 : memref<128x144xf32, #tpu.memory_space<vmem_shared>>) target(%arg8 : memref<128x144xf32, #tpu.memory_space<vmem>>) target_semaphore(%run_scoped3A : memref<!tpu.dma_semaphore, #tpu.memory_space<semaphore_mem>>)
      %dma_wait3A = arith.constant 0 : i32
      %dma_wait3A_966 = tpu.memref_slice %arg10[%add3A_956, %dma_wait3A] : memref<10240x144xf32, #tpu.memory_space<vmem_shared>> -> memref<128x144xf32, #tpu.memory_space<vmem_shared>>
      %dma_wait3A_967 = arith.constant 0 : i32
      %dma_wait3A_968 = tpu.memref_slice %arg10[%add3A_956, %dma_wait3A_967] : memref<10240x144xf32, #tpu.memory_space<vmem_shared>> -> memref<128x144xf32, #tpu.memory_space<vmem_shared>>
      tpu.wait_dma2 semaphore(%run_scoped3A : memref<!tpu.dma_semaphore, #tpu.memory_space<semaphore_mem>>) src(%dma_wait3A_968 : memref<128x144xf32, #tpu.memory_space<vmem_shared>>) dst(%arg8 : memref<128x144xf32, #tpu.memory_space<vmem>>)
      tpu.yield
    }) : () -> ()
    "tpu.region"() ({
      %run_scoped3A = tpu.sem_alloc : memref<!tpu.dma_semaphore, #tpu.memory_space<semaphore_mem>>
      %dma_start3A = arith.constant 0 : i32
      %dma_start3A_963 = tpu.memref_slice %arg5[%arg0, %add3A_956, %dma_start3A] : memref<2x10240x144xf32, #tpu.memory_space<hbm>> -> memref<1x128x144xf32, #tpu.memory_space<hbm>>
      %dma_start3A_964 = tpu.memref_squeeze %dma_start3A_963 : memref<1x128x144xf32, #tpu.memory_space<hbm>> -> memref<128x144xf32, #tpu.memory_space<hbm>>
      %dma_start3A_965 = arith.constant 0 : i32
      %dma_start3A_966 = tpu.memref_slice %arg5[%arg0, %add3A_956, %dma_start3A_965] : memref<2x10240x144xf32, #tpu.memory_space<hbm>> -> memref<1x128x144xf32, #tpu.memory_space<hbm>>
      %dma_start3A_967 = tpu.memref_squeeze %dma_start3A_966 : memref<1x128x144xf32, #tpu.memory_space<hbm>> -> memref<128x144xf32, #tpu.memory_space<hbm>>
      tpu.enqueue_dma source(%arg8 : memref<128x144xf32, #tpu.memory_space<vmem>>) target(%dma_start3A_967 : memref<128x144xf32, #tpu.memory_space<hbm>>) target_semaphore(%run_scoped3A : memref<!tpu.dma_semaphore, #tpu.memory_space<semaphore_mem>>)
      %dma_wait3A = arith.constant 0 : i32
      %dma_wait3A_968 = tpu.memref_slice %arg5[%arg0, %add3A_956, %dma_wait3A] : memref<2x10240x144xf32, #tpu.memory_space<hbm>> -> memref<1x128x144xf32, #tpu.memory_space<hbm>>
      %dma_wait3A_969 = tpu.memref_squeeze %dma_wait3A_968 : memref<1x128x144xf32, #tpu.memory_space<hbm>> -> memref<128x144xf32, #tpu.memory_space<hbm>>
      %dma_wait3A_970 = arith.constant 0 : i32
      %dma_wait3A_971 = tpu.memref_slice %arg5[%arg0, %add3A_956, %dma_wait3A_970] : memref<2x10240x144xf32, #tpu.memory_space<hbm>> -> memref<1x128x144xf32, #tpu.memory_space<hbm>>
      %dma_wait3A_972 = tpu.memref_squeeze %dma_wait3A_971 : memref<1x128x144xf32, #tpu.memory_space<hbm>> -> memref<128x144xf32, #tpu.memory_space<hbm>>
      tpu.wait_dma2 semaphore(%run_scoped3A : memref<!tpu.dma_semaphore, #tpu.memory_space<semaphore_mem>>) src(%arg8 : memref<128x144xf32, #tpu.memory_space<vmem>>) dst(%dma_wait3A_972 : memref<128x144xf32, #tpu.memory_space<hbm>>)
      tpu.yield
    }) : () -> ()
    %add3A_957 = arith.constant 256 : i32
    %add3A_958 = arith.addi %mul3A_866, %add3A_957 : i32
    "tpu.region"() ({
      %run_scoped3A = tpu.sem_alloc : memref<!tpu.dma_semaphore, #tpu.memory_space<semaphore_mem>>
      %dma_start3A = arith.constant 0 : i32
      %dma_start3A_963 = tpu.memref_slice %arg10[%add3A_958, %dma_start3A] : memref<10240x144xf32, #tpu.memory_space<vmem_shared>> -> memref<128x144xf32, #tpu.memory_space<vmem_shared>>
      %dma_start3A_964 = arith.constant 0 : i32
      %dma_start3A_965 = tpu.memref_slice %arg10[%add3A_958, %dma_start3A_964] : memref<10240x144xf32, #tpu.memory_space<vmem_shared>> -> memref<128x144xf32, #tpu.memory_space<vmem_shared>>
      tpu.enqueue_dma source(%dma_start3A_965 : memref<128x144xf32, #tpu.memory_space<vmem_shared>>) target(%arg8 : memref<128x144xf32, #tpu.memory_space<vmem>>) target_semaphore(%run_scoped3A : memref<!tpu.dma_semaphore, #tpu.memory_space<semaphore_mem>>)
      %dma_wait3A = arith.constant 0 : i32
      %dma_wait3A_966 = tpu.memref_slice %arg10[%add3A_958, %dma_wait3A] : memref<10240x144xf32, #tpu.memory_space<vmem_shared>> -> memref<128x144xf32, #tpu.memory_space<vmem_shared>>
      %dma_wait3A_967 = arith.constant 0 : i32
      %dma_wait3A_968 = tpu.memref_slice %arg10[%add3A_958, %dma_wait3A_967] : memref<10240x144xf32, #tpu.memory_space<vmem_shared>> -> memref<128x144xf32, #tpu.memory_space<vmem_shared>>
      tpu.wait_dma2 semaphore(%run_scoped3A : memref<!tpu.dma_semaphore, #tpu.memory_space<semaphore_mem>>) src(%dma_wait3A_968 : memref<128x144xf32, #tpu.memory_space<vmem_shared>>) dst(%arg8 : memref<128x144xf32, #tpu.memory_space<vmem>>)
      tpu.yield
    }) : () -> ()
    "tpu.region"() ({
      %run_scoped3A = tpu.sem_alloc : memref<!tpu.dma_semaphore, #tpu.memory_space<semaphore_mem>>
      %dma_start3A = arith.constant 0 : i32
      %dma_start3A_963 = tpu.memref_slice %arg5[%arg0, %add3A_958, %dma_start3A] : memref<2x10240x144xf32, #tpu.memory_space<hbm>> -> memref<1x128x144xf32, #tpu.memory_space<hbm>>
      %dma_start3A_964 = tpu.memref_squeeze %dma_start3A_963 : memref<1x128x144xf32, #tpu.memory_space<hbm>> -> memref<128x144xf32, #tpu.memory_space<hbm>>
      %dma_start3A_965 = arith.constant 0 : i32
      %dma_start3A_966 = tpu.memref_slice %arg5[%arg0, %add3A_958, %dma_start3A_965] : memref<2x10240x144xf32, #tpu.memory_space<hbm>> -> memref<1x128x144xf32, #tpu.memory_space<hbm>>
      %dma_start3A_967 = tpu.memref_squeeze %dma_start3A_966 : memref<1x128x144xf32, #tpu.memory_space<hbm>> -> memref<128x144xf32, #tpu.memory_space<hbm>>
      tpu.enqueue_dma source(%arg8 : memref<128x144xf32, #tpu.memory_space<vmem>>) target(%dma_start3A_967 : memref<128x144xf32, #tpu.memory_space<hbm>>) target_semaphore(%run_scoped3A : memref<!tpu.dma_semaphore, #tpu.memory_space<semaphore_mem>>)
      %dma_wait3A = arith.constant 0 : i32
      %dma_wait3A_968 = tpu.memref_slice %arg5[%arg0, %add3A_958, %dma_wait3A] : memref<2x10240x144xf32, #tpu.memory_space<hbm>> -> memref<1x128x144xf32, #tpu.memory_space<hbm>>
      %dma_wait3A_969 = tpu.memref_squeeze %dma_wait3A_968 : memref<1x128x144xf32, #tpu.memory_space<hbm>> -> memref<128x144xf32, #tpu.memory_space<hbm>>
      %dma_wait3A_970 = arith.constant 0 : i32
      %dma_wait3A_971 = tpu.memref_slice %arg5[%arg0, %add3A_958, %dma_wait3A_970] : memref<2x10240x144xf32, #tpu.memory_space<hbm>> -> memref<1x128x144xf32, #tpu.memory_space<hbm>>
      %dma_wait3A_972 = tpu.memref_squeeze %dma_wait3A_971 : memref<1x128x144xf32, #tpu.memory_space<hbm>> -> memref<128x144xf32, #tpu.memory_space<hbm>>
      tpu.wait_dma2 semaphore(%run_scoped3A : memref<!tpu.dma_semaphore, #tpu.memory_space<semaphore_mem>>) src(%arg8 : memref<128x144xf32, #tpu.memory_space<vmem>>) dst(%dma_wait3A_972 : memref<128x144xf32, #tpu.memory_space<hbm>>)
      tpu.yield
    }) : () -> ()
    %add3A_959 = arith.constant 384 : i32
    %add3A_960 = arith.addi %mul3A_866, %add3A_959 : i32
    "tpu.region"() ({
      %run_scoped3A = tpu.sem_alloc : memref<!tpu.dma_semaphore, #tpu.memory_space<semaphore_mem>>
      %dma_start3A = arith.constant 0 : i32
      %dma_start3A_963 = tpu.memref_slice %arg10[%add3A_960, %dma_start3A] : memref<10240x144xf32, #tpu.memory_space<vmem_shared>> -> memref<128x144xf32, #tpu.memory_space<vmem_shared>>
      %dma_start3A_964 = arith.constant 0 : i32
      %dma_start3A_965 = tpu.memref_slice %arg10[%add3A_960, %dma_start3A_964] : memref<10240x144xf32, #tpu.memory_space<vmem_shared>> -> memref<128x144xf32, #tpu.memory_space<vmem_shared>>
      tpu.enqueue_dma source(%dma_start3A_965 : memref<128x144xf32, #tpu.memory_space<vmem_shared>>) target(%arg8 : memref<128x144xf32, #tpu.memory_space<vmem>>) target_semaphore(%run_scoped3A : memref<!tpu.dma_semaphore, #tpu.memory_space<semaphore_mem>>)
      %dma_wait3A = arith.constant 0 : i32
      %dma_wait3A_966 = tpu.memref_slice %arg10[%add3A_960, %dma_wait3A] : memref<10240x144xf32, #tpu.memory_space<vmem_shared>> -> memref<128x144xf32, #tpu.memory_space<vmem_shared>>
      %dma_wait3A_967 = arith.constant 0 : i32
      %dma_wait3A_968 = tpu.memref_slice %arg10[%add3A_960, %dma_wait3A_967] : memref<10240x144xf32, #tpu.memory_space<vmem_shared>> -> memref<128x144xf32, #tpu.memory_space<vmem_shared>>
      tpu.wait_dma2 semaphore(%run_scoped3A : memref<!tpu.dma_semaphore, #tpu.memory_space<semaphore_mem>>) src(%dma_wait3A_968 : memref<128x144xf32, #tpu.memory_space<vmem_shared>>) dst(%arg8 : memref<128x144xf32, #tpu.memory_space<vmem>>)
      tpu.yield
    }) : () -> ()
    "tpu.region"() ({
      %run_scoped3A = tpu.sem_alloc : memref<!tpu.dma_semaphore, #tpu.memory_space<semaphore_mem>>
      %dma_start3A = arith.constant 0 : i32
      %dma_start3A_963 = tpu.memref_slice %arg5[%arg0, %add3A_960, %dma_start3A] : memref<2x10240x144xf32, #tpu.memory_space<hbm>> -> memref<1x128x144xf32, #tpu.memory_space<hbm>>
      %dma_start3A_964 = tpu.memref_squeeze %dma_start3A_963 : memref<1x128x144xf32, #tpu.memory_space<hbm>> -> memref<128x144xf32, #tpu.memory_space<hbm>>
      %dma_start3A_965 = arith.constant 0 : i32
      %dma_start3A_966 = tpu.memref_slice %arg5[%arg0, %add3A_960, %dma_start3A_965] : memref<2x10240x144xf32, #tpu.memory_space<hbm>> -> memref<1x128x144xf32, #tpu.memory_space<hbm>>
      %dma_start3A_967 = tpu.memref_squeeze %dma_start3A_966 : memref<1x128x144xf32, #tpu.memory_space<hbm>> -> memref<128x144xf32, #tpu.memory_space<hbm>>
      tpu.enqueue_dma source(%arg8 : memref<128x144xf32, #tpu.memory_space<vmem>>) target(%dma_start3A_967 : memref<128x144xf32, #tpu.memory_space<hbm>>) target_semaphore(%run_scoped3A : memref<!tpu.dma_semaphore, #tpu.memory_space<semaphore_mem>>)
      %dma_wait3A = arith.constant 0 : i32
      %dma_wait3A_968 = tpu.memref_slice %arg5[%arg0, %add3A_960, %dma_wait3A] : memref<2x10240x144xf32, #tpu.memory_space<hbm>> -> memref<1x128x144xf32, #tpu.memory_space<hbm>>
      %dma_wait3A_969 = tpu.memref_squeeze %dma_wait3A_968 : memref<1x128x144xf32, #tpu.memory_space<hbm>> -> memref<128x144xf32, #tpu.memory_space<hbm>>
      %dma_wait3A_970 = arith.constant 0 : i32
      %dma_wait3A_971 = tpu.memref_slice %arg5[%arg0, %add3A_960, %dma_wait3A_970] : memref<2x10240x144xf32, #tpu.memory_space<hbm>> -> memref<1x128x144xf32, #tpu.memory_space<hbm>>
      %dma_wait3A_972 = tpu.memref_squeeze %dma_wait3A_971 : memref<1x128x144xf32, #tpu.memory_space<hbm>> -> memref<128x144xf32, #tpu.memory_space<hbm>>
      tpu.wait_dma2 semaphore(%run_scoped3A : memref<!tpu.dma_semaphore, #tpu.memory_space<semaphore_mem>>) src(%arg8 : memref<128x144xf32, #tpu.memory_space<vmem>>) dst(%dma_wait3A_972 : memref<128x144xf32, #tpu.memory_space<hbm>>)
      tpu.yield
    }) : () -> ()
    %add3A_961 = arith.constant 512 : i32
    %add3A_962 = arith.addi %mul3A_866, %add3A_961 : i32
    "tpu.region"() ({
      %run_scoped3A = tpu.sem_alloc : memref<!tpu.dma_semaphore, #tpu.memory_space<semaphore_mem>>
      %dma_start3A = arith.constant 0 : i32
      %dma_start3A_963 = tpu.memref_slice %arg10[%add3A_962, %dma_start3A] : memref<10240x144xf32, #tpu.memory_space<vmem_shared>> -> memref<128x144xf32, #tpu.memory_space<vmem_shared>>
      %dma_start3A_964 = arith.constant 0 : i32
      %dma_start3A_965 = tpu.memref_slice %arg10[%add3A_962, %dma_start3A_964] : memref<10240x144xf32, #tpu.memory_space<vmem_shared>> -> memref<128x144xf32, #tpu.memory_space<vmem_shared>>
      tpu.enqueue_dma source(%dma_start3A_965 : memref<128x144xf32, #tpu.memory_space<vmem_shared>>) target(%arg8 : memref<128x144xf32, #tpu.memory_space<vmem>>) target_semaphore(%run_scoped3A : memref<!tpu.dma_semaphore, #tpu.memory_space<semaphore_mem>>)
      %dma_wait3A = arith.constant 0 : i32
      %dma_wait3A_966 = tpu.memref_slice %arg10[%add3A_962, %dma_wait3A] : memref<10240x144xf32, #tpu.memory_space<vmem_shared>> -> memref<128x144xf32, #tpu.memory_space<vmem_shared>>
      %dma_wait3A_967 = arith.constant 0 : i32
      %dma_wait3A_968 = tpu.memref_slice %arg10[%add3A_962, %dma_wait3A_967] : memref<10240x144xf32, #tpu.memory_space<vmem_shared>> -> memref<128x144xf32, #tpu.memory_space<vmem_shared>>
      tpu.wait_dma2 semaphore(%run_scoped3A : memref<!tpu.dma_semaphore, #tpu.memory_space<semaphore_mem>>) src(%dma_wait3A_968 : memref<128x144xf32, #tpu.memory_space<vmem_shared>>) dst(%arg8 : memref<128x144xf32, #tpu.memory_space<vmem>>)
      tpu.yield
    }) : () -> ()
    "tpu.region"() ({
      %run_scoped3A = tpu.sem_alloc : memref<!tpu.dma_semaphore, #tpu.memory_space<semaphore_mem>>
      %dma_start3A = arith.constant 0 : i32
      %dma_start3A_963 = tpu.memref_slice %arg5[%arg0, %add3A_962, %dma_start3A] : memref<2x10240x144xf32, #tpu.memory_space<hbm>> -> memref<1x128x144xf32, #tpu.memory_space<hbm>>
      %dma_start3A_964 = tpu.memref_squeeze %dma_start3A_963 : memref<1x128x144xf32, #tpu.memory_space<hbm>> -> memref<128x144xf32, #tpu.memory_space<hbm>>
      %dma_start3A_965 = arith.constant 0 : i32
      %dma_start3A_966 = tpu.memref_slice %arg5[%arg0, %add3A_962, %dma_start3A_965] : memref<2x10240x144xf32, #tpu.memory_space<hbm>> -> memref<1x128x144xf32, #tpu.memory_space<hbm>>
      %dma_start3A_967 = tpu.memref_squeeze %dma_start3A_966 : memref<1x128x144xf32, #tpu.memory_space<hbm>> -> memref<128x144xf32, #tpu.memory_space<hbm>>
      tpu.enqueue_dma source(%arg8 : memref<128x144xf32, #tpu.memory_space<vmem>>) target(%dma_start3A_967 : memref<128x144xf32, #tpu.memory_space<hbm>>) target_semaphore(%run_scoped3A : memref<!tpu.dma_semaphore, #tpu.memory_space<semaphore_mem>>)
      %dma_wait3A = arith.constant 0 : i32
      %dma_wait3A_968 = tpu.memref_slice %arg5[%arg0, %add3A_962, %dma_wait3A] : memref<2x10240x144xf32, #tpu.memory_space<hbm>> -> memref<1x128x144xf32, #tpu.memory_space<hbm>>
      %dma_wait3A_969 = tpu.memref_squeeze %dma_wait3A_968 : memref<1x128x144xf32, #tpu.memory_space<hbm>> -> memref<128x144xf32, #tpu.memory_space<hbm>>
      %dma_wait3A_970 = arith.constant 0 : i32
      %dma_wait3A_971 = tpu.memref_slice %arg5[%arg0, %add3A_962, %dma_wait3A_970] : memref<2x10240x144xf32, #tpu.memory_space<hbm>> -> memref<1x128x144xf32, #tpu.memory_space<hbm>>
      %dma_wait3A_972 = tpu.memref_squeeze %dma_wait3A_971 : memref<1x128x144xf32, #tpu.memory_space<hbm>> -> memref<128x144xf32, #tpu.memory_space<hbm>>
      tpu.wait_dma2 semaphore(%run_scoped3A : memref<!tpu.dma_semaphore, #tpu.memory_space<semaphore_mem>>) src(%arg8 : memref<128x144xf32, #tpu.memory_space<vmem>>) dst(%dma_wait3A_972 : memref<128x144xf32, #tpu.memory_space<hbm>>)
      tpu.yield
    }) : () -> ()
    return
  }
}

#map = affine_map<(d0, d1) -> (0, 0)>
#map1 = affine_map<(d0, d1) -> (0)>
#map2 = affine_map<(d0, d1) -> (0, 0, 0)>
module attributes {stable_mosaic.version = 14 : i64} {
  func.func @_sc_agg_body(%arg0: i32, %arg1: i32, %arg2: memref<10000x144xf32, #tpu.memory_space<hbm>>, %arg3: memref<323584xi32, #tpu.memory_space<hbm>>, %arg4: memref<323584xi32, #tpu.memory_space<hbm>>, %arg5: memref<2x10240x144xf32, #tpu.memory_space<hbm>>, %arg6: memref<128xi32, #tpu.memory_space<vmem>>, %arg7: memref<128xi32, #tpu.memory_space<vmem>>, %arg8: memref<128x144xf32, #tpu.memory_space<vmem>>, %arg9: memref<16x144xf32, #tpu.memory_space<vmem>>, %arg10: memref<10240x144xf32, #tpu.memory_space<vmem_shared>>, %arg11: memref<!tpu.dma_semaphore, #tpu.memory_space<semaphore_mem>>) attributes {dimension_semantics = [#tpu.dimension_semantics<core_parallel>, #tpu.dimension_semantics<subcore_parallel>], iteration_bounds = array<i64: 2, 16>, scalar_prefetch = 0 : i64, scratch_operands = 6 : i64, tpu.core_type = #tpu.core_type<sc_vector_subcore>, window_params = [{transform_indices = #map}, {transform_indices = #map1}, {transform_indices = #map1}, {transform_indices = #map2}]} {
    %mul3A = arith.constant 16 : i32
    %mul3A_0 = arith.muli %arg0, %mul3A : i32
    %add3A = arith.addi %mul3A_0, %arg1 : i32
    %broadcast_in_dim3A = arith.constant 0.000000e+00 : f32
    %broadcast_in_dim3A_1 = vector.broadcast %broadcast_in_dim3A : f32 to vector<16xf32>
    %swap3A = arith.constant 0 : i32
    %swap3A_2 = arith.index_cast %swap3A : i32 to index
    %swap3A_3 = arith.constant 0 : index
    %swap3A_4 = tpu.vector_load %arg9[%swap3A_2, %swap3A_3] {strides = array<i32>} : memref<16x144xf32, #tpu.memory_space<vmem>>, vector<1x16xf32>,
    %swap3A_5 = vector.shape_cast %swap3A_4 : vector<1x16xf32> to vector<16xf32>
    %swap3A_6 = vector.shape_cast %broadcast_in_dim3A_1 : vector<16xf32> to vector<1x16xf32>
    tpu.vector_store %arg9[%swap3A_2, %swap3A_3], %swap3A_6 {strides = array<i32>} : memref<16x144xf32, #tpu.memory_space<vmem>>, vector<1x16xf32>,
    %swap3A_7 = arith.constant 0 : i32
    %swap3A_8 = arith.index_cast %swap3A_7 : i32 to index
    %swap3A_9 = arith.constant 16 : index
    %swap3A_10 = tpu.vector_load %arg9[%swap3A_8, %swap3A_9] {strides = array<i32>} : memref<16x144xf32, #tpu.memory_space<vmem>>, vector<1x16xf32>,
    %swap3A_11 = vector.shape_cast %swap3A_10 : vector<1x16xf32> to vector<16xf32>
    %swap3A_12 = vector.shape_cast %broadcast_in_dim3A_1 : vector<16xf32> to vector<1x16xf32>
    tpu.vector_store %arg9[%swap3A_8, %swap3A_9], %swap3A_12 {strides = array<i32>} : memref<16x144xf32, #tpu.memory_space<vmem>>, vector<1x16xf32>,
    %swap3A_13 = arith.constant 0 : i32
    %swap3A_14 = arith.index_cast %swap3A_13 : i32 to index
    %swap3A_15 = arith.constant 32 : index
    %swap3A_16 = tpu.vector_load %arg9[%swap3A_14, %swap3A_15] {strides = array<i32>} : memref<16x144xf32, #tpu.memory_space<vmem>>, vector<1x16xf32>,
    %swap3A_17 = vector.shape_cast %swap3A_16 : vector<1x16xf32> to vector<16xf32>
    %swap3A_18 = vector.shape_cast %broadcast_in_dim3A_1 : vector<16xf32> to vector<1x16xf32>
    tpu.vector_store %arg9[%swap3A_14, %swap3A_15], %swap3A_18 {strides = array<i32>} : memref<16x144xf32, #tpu.memory_space<vmem>>, vector<1x16xf32>,
    %swap3A_19 = arith.constant 0 : i32
    %swap3A_20 = arith.index_cast %swap3A_19 : i32 to index
    %swap3A_21 = arith.constant 48 : index
    %swap3A_22 = tpu.vector_load %arg9[%swap3A_20, %swap3A_21] {strides = array<i32>} : memref<16x144xf32, #tpu.memory_space<vmem>>, vector<1x16xf32>,
    %swap3A_23 = vector.shape_cast %swap3A_22 : vector<1x16xf32> to vector<16xf32>
    %swap3A_24 = vector.shape_cast %broadcast_in_dim3A_1 : vector<16xf32> to vector<1x16xf32>
    tpu.vector_store %arg9[%swap3A_20, %swap3A_21], %swap3A_24 {strides = array<i32>} : memref<16x144xf32, #tpu.memory_space<vmem>>, vector<1x16xf32>,
    %swap3A_25 = arith.constant 0 : i32
    %swap3A_26 = arith.index_cast %swap3A_25 : i32 to index
    %swap3A_27 = arith.constant 64 : index
    %swap3A_28 = tpu.vector_load %arg9[%swap3A_26, %swap3A_27] {strides = array<i32>} : memref<16x144xf32, #tpu.memory_space<vmem>>, vector<1x16xf32>,
    %swap3A_29 = vector.shape_cast %swap3A_28 : vector<1x16xf32> to vector<16xf32>
    %swap3A_30 = vector.shape_cast %broadcast_in_dim3A_1 : vector<16xf32> to vector<1x16xf32>
    tpu.vector_store %arg9[%swap3A_26, %swap3A_27], %swap3A_30 {strides = array<i32>} : memref<16x144xf32, #tpu.memory_space<vmem>>, vector<1x16xf32>,
    %swap3A_31 = arith.constant 0 : i32
    %swap3A_32 = arith.index_cast %swap3A_31 : i32 to index
    %swap3A_33 = arith.constant 80 : index
    %swap3A_34 = tpu.vector_load %arg9[%swap3A_32, %swap3A_33] {strides = array<i32>} : memref<16x144xf32, #tpu.memory_space<vmem>>, vector<1x16xf32>,
    %swap3A_35 = vector.shape_cast %swap3A_34 : vector<1x16xf32> to vector<16xf32>
    %swap3A_36 = vector.shape_cast %broadcast_in_dim3A_1 : vector<16xf32> to vector<1x16xf32>
    tpu.vector_store %arg9[%swap3A_32, %swap3A_33], %swap3A_36 {strides = array<i32>} : memref<16x144xf32, #tpu.memory_space<vmem>>, vector<1x16xf32>,
    %swap3A_37 = arith.constant 0 : i32
    %swap3A_38 = arith.index_cast %swap3A_37 : i32 to index
    %swap3A_39 = arith.constant 96 : index
    %swap3A_40 = tpu.vector_load %arg9[%swap3A_38, %swap3A_39] {strides = array<i32>} : memref<16x144xf32, #tpu.memory_space<vmem>>, vector<1x16xf32>,
    %swap3A_41 = vector.shape_cast %swap3A_40 : vector<1x16xf32> to vector<16xf32>
    %swap3A_42 = vector.shape_cast %broadcast_in_dim3A_1 : vector<16xf32> to vector<1x16xf32>
    tpu.vector_store %arg9[%swap3A_38, %swap3A_39], %swap3A_42 {strides = array<i32>} : memref<16x144xf32, #tpu.memory_space<vmem>>, vector<1x16xf32>,
    %swap3A_43 = arith.constant 0 : i32
    %swap3A_44 = arith.index_cast %swap3A_43 : i32 to index
    %swap3A_45 = arith.constant 112 : index
    %swap3A_46 = tpu.vector_load %arg9[%swap3A_44, %swap3A_45] {strides = array<i32>} : memref<16x144xf32, #tpu.memory_space<vmem>>, vector<1x16xf32>,
    %swap3A_47 = vector.shape_cast %swap3A_46 : vector<1x16xf32> to vector<16xf32>
    %swap3A_48 = vector.shape_cast %broadcast_in_dim3A_1 : vector<16xf32> to vector<1x16xf32>
    tpu.vector_store %arg9[%swap3A_44, %swap3A_45], %swap3A_48 {strides = array<i32>} : memref<16x144xf32, #tpu.memory_space<vmem>>, vector<1x16xf32>,
    %swap3A_49 = arith.constant 0 : i32
    %swap3A_50 = arith.index_cast %swap3A_49 : i32 to index
    %swap3A_51 = arith.constant 128 : index
    %swap3A_52 = tpu.vector_load %arg9[%swap3A_50, %swap3A_51] {strides = array<i32>} : memref<16x144xf32, #tpu.memory_space<vmem>>, vector<1x16xf32>,
    %swap3A_53 = vector.shape_cast %swap3A_52 : vector<1x16xf32> to vector<16xf32>
    %swap3A_54 = vector.shape_cast %broadcast_in_dim3A_1 : vector<16xf32> to vector<1x16xf32>
    tpu.vector_store %arg9[%swap3A_50, %swap3A_51], %swap3A_54 {strides = array<i32>} : memref<16x144xf32, #tpu.memory_space<vmem>>, vector<1x16xf32>,
    %swap3A_55 = arith.constant 1 : i32
    %swap3A_56 = arith.index_cast %swap3A_55 : i32 to index
    %swap3A_57 = arith.constant 0 : index
    %swap3A_58 = tpu.vector_load %arg9[%swap3A_56, %swap3A_57] {strides = array<i32>} : memref<16x144xf32, #tpu.memory_space<vmem>>, vector<1x16xf32>,
    %swap3A_59 = vector.shape_cast %swap3A_58 : vector<1x16xf32> to vector<16xf32>
    %swap3A_60 = vector.shape_cast %broadcast_in_dim3A_1 : vector<16xf32> to vector<1x16xf32>
    tpu.vector_store %arg9[%swap3A_56, %swap3A_57], %swap3A_60 {strides = array<i32>} : memref<16x144xf32, #tpu.memory_space<vmem>>, vector<1x16xf32>,
    %swap3A_61 = arith.constant 1 : i32
    %swap3A_62 = arith.index_cast %swap3A_61 : i32 to index
    %swap3A_63 = arith.constant 16 : index
    %swap3A_64 = tpu.vector_load %arg9[%swap3A_62, %swap3A_63] {strides = array<i32>} : memref<16x144xf32, #tpu.memory_space<vmem>>, vector<1x16xf32>,
    %swap3A_65 = vector.shape_cast %swap3A_64 : vector<1x16xf32> to vector<16xf32>
    %swap3A_66 = vector.shape_cast %broadcast_in_dim3A_1 : vector<16xf32> to vector<1x16xf32>
    tpu.vector_store %arg9[%swap3A_62, %swap3A_63], %swap3A_66 {strides = array<i32>} : memref<16x144xf32, #tpu.memory_space<vmem>>, vector<1x16xf32>,
    %swap3A_67 = arith.constant 1 : i32
    %swap3A_68 = arith.index_cast %swap3A_67 : i32 to index
    %swap3A_69 = arith.constant 32 : index
    %swap3A_70 = tpu.vector_load %arg9[%swap3A_68, %swap3A_69] {strides = array<i32>} : memref<16x144xf32, #tpu.memory_space<vmem>>, vector<1x16xf32>,
    %swap3A_71 = vector.shape_cast %swap3A_70 : vector<1x16xf32> to vector<16xf32>
    %swap3A_72 = vector.shape_cast %broadcast_in_dim3A_1 : vector<16xf32> to vector<1x16xf32>
    tpu.vector_store %arg9[%swap3A_68, %swap3A_69], %swap3A_72 {strides = array<i32>} : memref<16x144xf32, #tpu.memory_space<vmem>>, vector<1x16xf32>,
    %swap3A_73 = arith.constant 1 : i32
    %swap3A_74 = arith.index_cast %swap3A_73 : i32 to index
    %swap3A_75 = arith.constant 48 : index
    %swap3A_76 = tpu.vector_load %arg9[%swap3A_74, %swap3A_75] {strides = array<i32>} : memref<16x144xf32, #tpu.memory_space<vmem>>, vector<1x16xf32>,
    %swap3A_77 = vector.shape_cast %swap3A_76 : vector<1x16xf32> to vector<16xf32>
    %swap3A_78 = vector.shape_cast %broadcast_in_dim3A_1 : vector<16xf32> to vector<1x16xf32>
    tpu.vector_store %arg9[%swap3A_74, %swap3A_75], %swap3A_78 {strides = array<i32>} : memref<16x144xf32, #tpu.memory_space<vmem>>, vector<1x16xf32>,
    %swap3A_79 = arith.constant 1 : i32
    %swap3A_80 = arith.index_cast %swap3A_79 : i32 to index
    %swap3A_81 = arith.constant 64 : index
    %swap3A_82 = tpu.vector_load %arg9[%swap3A_80, %swap3A_81] {strides = array<i32>} : memref<16x144xf32, #tpu.memory_space<vmem>>, vector<1x16xf32>,
    %swap3A_83 = vector.shape_cast %swap3A_82 : vector<1x16xf32> to vector<16xf32>
    %swap3A_84 = vector.shape_cast %broadcast_in_dim3A_1 : vector<16xf32> to vector<1x16xf32>
    tpu.vector_store %arg9[%swap3A_80, %swap3A_81], %swap3A_84 {strides = array<i32>} : memref<16x144xf32, #tpu.memory_space<vmem>>, vector<1x16xf32>,
    %swap3A_85 = arith.constant 1 : i32
    %swap3A_86 = arith.index_cast %swap3A_85 : i32 to index
    %swap3A_87 = arith.constant 80 : index
    %swap3A_88 = tpu.vector_load %arg9[%swap3A_86, %swap3A_87] {strides = array<i32>} : memref<16x144xf32, #tpu.memory_space<vmem>>, vector<1x16xf32>,
    %swap3A_89 = vector.shape_cast %swap3A_88 : vector<1x16xf32> to vector<16xf32>
    %swap3A_90 = vector.shape_cast %broadcast_in_dim3A_1 : vector<16xf32> to vector<1x16xf32>
    tpu.vector_store %arg9[%swap3A_86, %swap3A_87], %swap3A_90 {strides = array<i32>} : memref<16x144xf32, #tpu.memory_space<vmem>>, vector<1x16xf32>,
    %swap3A_91 = arith.constant 1 : i32
    %swap3A_92 = arith.index_cast %swap3A_91 : i32 to index
    %swap3A_93 = arith.constant 96 : index
    %swap3A_94 = tpu.vector_load %arg9[%swap3A_92, %swap3A_93] {strides = array<i32>} : memref<16x144xf32, #tpu.memory_space<vmem>>, vector<1x16xf32>,
    %swap3A_95 = vector.shape_cast %swap3A_94 : vector<1x16xf32> to vector<16xf32>
    %swap3A_96 = vector.shape_cast %broadcast_in_dim3A_1 : vector<16xf32> to vector<1x16xf32>
    tpu.vector_store %arg9[%swap3A_92, %swap3A_93], %swap3A_96 {strides = array<i32>} : memref<16x144xf32, #tpu.memory_space<vmem>>, vector<1x16xf32>,
    %swap3A_97 = arith.constant 1 : i32
    %swap3A_98 = arith.index_cast %swap3A_97 : i32 to index
    %swap3A_99 = arith.constant 112 : index
    %swap3A_100 = tpu.vector_load %arg9[%swap3A_98, %swap3A_99] {strides = array<i32>} : memref<16x144xf32, #tpu.memory_space<vmem>>, vector<1x16xf32>,
    %swap3A_101 = vector.shape_cast %swap3A_100 : vector<1x16xf32> to vector<16xf32>
    %swap3A_102 = vector.shape_cast %broadcast_in_dim3A_1 : vector<16xf32> to vector<1x16xf32>
    tpu.vector_store %arg9[%swap3A_98, %swap3A_99], %swap3A_102 {strides = array<i32>} : memref<16x144xf32, #tpu.memory_space<vmem>>, vector<1x16xf32>,
    %swap3A_103 = arith.constant 1 : i32
    %swap3A_104 = arith.index_cast %swap3A_103 : i32 to index
    %swap3A_105 = arith.constant 128 : index
    %swap3A_106 = tpu.vector_load %arg9[%swap3A_104, %swap3A_105] {strides = array<i32>} : memref<16x144xf32, #tpu.memory_space<vmem>>, vector<1x16xf32>,
    %swap3A_107 = vector.shape_cast %swap3A_106 : vector<1x16xf32> to vector<16xf32>
    %swap3A_108 = vector.shape_cast %broadcast_in_dim3A_1 : vector<16xf32> to vector<1x16xf32>
    tpu.vector_store %arg9[%swap3A_104, %swap3A_105], %swap3A_108 {strides = array<i32>} : memref<16x144xf32, #tpu.memory_space<vmem>>, vector<1x16xf32>,
    %swap3A_109 = arith.constant 2 : i32
    %swap3A_110 = arith.index_cast %swap3A_109 : i32 to index
    %swap3A_111 = arith.constant 0 : index
    %swap3A_112 = tpu.vector_load %arg9[%swap3A_110, %swap3A_111] {strides = array<i32>} : memref<16x144xf32, #tpu.memory_space<vmem>>, vector<1x16xf32>,
    %swap3A_113 = vector.shape_cast %swap3A_112 : vector<1x16xf32> to vector<16xf32>
    %swap3A_114 = vector.shape_cast %broadcast_in_dim3A_1 : vector<16xf32> to vector<1x16xf32>
    tpu.vector_store %arg9[%swap3A_110, %swap3A_111], %swap3A_114 {strides = array<i32>} : memref<16x144xf32, #tpu.memory_space<vmem>>, vector<1x16xf32>,
    %swap3A_115 = arith.constant 2 : i32
    %swap3A_116 = arith.index_cast %swap3A_115 : i32 to index
    %swap3A_117 = arith.constant 16 : index
    %swap3A_118 = tpu.vector_load %arg9[%swap3A_116, %swap3A_117] {strides = array<i32>} : memref<16x144xf32, #tpu.memory_space<vmem>>, vector<1x16xf32>,
    %swap3A_119 = vector.shape_cast %swap3A_118 : vector<1x16xf32> to vector<16xf32>
    %swap3A_120 = vector.shape_cast %broadcast_in_dim3A_1 : vector<16xf32> to vector<1x16xf32>
    tpu.vector_store %arg9[%swap3A_116, %swap3A_117], %swap3A_120 {strides = array<i32>} : memref<16x144xf32, #tpu.memory_space<vmem>>, vector<1x16xf32>,
    %swap3A_121 = arith.constant 2 : i32
    %swap3A_122 = arith.index_cast %swap3A_121 : i32 to index
    %swap3A_123 = arith.constant 32 : index
    %swap3A_124 = tpu.vector_load %arg9[%swap3A_122, %swap3A_123] {strides = array<i32>} : memref<16x144xf32, #tpu.memory_space<vmem>>, vector<1x16xf32>,
    %swap3A_125 = vector.shape_cast %swap3A_124 : vector<1x16xf32> to vector<16xf32>
    %swap3A_126 = vector.shape_cast %broadcast_in_dim3A_1 : vector<16xf32> to vector<1x16xf32>
    tpu.vector_store %arg9[%swap3A_122, %swap3A_123], %swap3A_126 {strides = array<i32>} : memref<16x144xf32, #tpu.memory_space<vmem>>, vector<1x16xf32>,
    %swap3A_127 = arith.constant 2 : i32
    %swap3A_128 = arith.index_cast %swap3A_127 : i32 to index
    %swap3A_129 = arith.constant 48 : index
    %swap3A_130 = tpu.vector_load %arg9[%swap3A_128, %swap3A_129] {strides = array<i32>} : memref<16x144xf32, #tpu.memory_space<vmem>>, vector<1x16xf32>,
    %swap3A_131 = vector.shape_cast %swap3A_130 : vector<1x16xf32> to vector<16xf32>
    %swap3A_132 = vector.shape_cast %broadcast_in_dim3A_1 : vector<16xf32> to vector<1x16xf32>
    tpu.vector_store %arg9[%swap3A_128, %swap3A_129], %swap3A_132 {strides = array<i32>} : memref<16x144xf32, #tpu.memory_space<vmem>>, vector<1x16xf32>,
    %swap3A_133 = arith.constant 2 : i32
    %swap3A_134 = arith.index_cast %swap3A_133 : i32 to index
    %swap3A_135 = arith.constant 64 : index
    %swap3A_136 = tpu.vector_load %arg9[%swap3A_134, %swap3A_135] {strides = array<i32>} : memref<16x144xf32, #tpu.memory_space<vmem>>, vector<1x16xf32>,
    %swap3A_137 = vector.shape_cast %swap3A_136 : vector<1x16xf32> to vector<16xf32>
    %swap3A_138 = vector.shape_cast %broadcast_in_dim3A_1 : vector<16xf32> to vector<1x16xf32>
    tpu.vector_store %arg9[%swap3A_134, %swap3A_135], %swap3A_138 {strides = array<i32>} : memref<16x144xf32, #tpu.memory_space<vmem>>, vector<1x16xf32>,
    %swap3A_139 = arith.constant 2 : i32
    %swap3A_140 = arith.index_cast %swap3A_139 : i32 to index
    %swap3A_141 = arith.constant 80 : index
    %swap3A_142 = tpu.vector_load %arg9[%swap3A_140, %swap3A_141] {strides = array<i32>} : memref<16x144xf32, #tpu.memory_space<vmem>>, vector<1x16xf32>,
    %swap3A_143 = vector.shape_cast %swap3A_142 : vector<1x16xf32> to vector<16xf32>
    %swap3A_144 = vector.shape_cast %broadcast_in_dim3A_1 : vector<16xf32> to vector<1x16xf32>
    tpu.vector_store %arg9[%swap3A_140, %swap3A_141], %swap3A_144 {strides = array<i32>} : memref<16x144xf32, #tpu.memory_space<vmem>>, vector<1x16xf32>,
    %swap3A_145 = arith.constant 2 : i32
    %swap3A_146 = arith.index_cast %swap3A_145 : i32 to index
    %swap3A_147 = arith.constant 96 : index
    %swap3A_148 = tpu.vector_load %arg9[%swap3A_146, %swap3A_147] {strides = array<i32>} : memref<16x144xf32, #tpu.memory_space<vmem>>, vector<1x16xf32>,
    %swap3A_149 = vector.shape_cast %swap3A_148 : vector<1x16xf32> to vector<16xf32>
    %swap3A_150 = vector.shape_cast %broadcast_in_dim3A_1 : vector<16xf32> to vector<1x16xf32>
    tpu.vector_store %arg9[%swap3A_146, %swap3A_147], %swap3A_150 {strides = array<i32>} : memref<16x144xf32, #tpu.memory_space<vmem>>, vector<1x16xf32>,
    %swap3A_151 = arith.constant 2 : i32
    %swap3A_152 = arith.index_cast %swap3A_151 : i32 to index
    %swap3A_153 = arith.constant 112 : index
    %swap3A_154 = tpu.vector_load %arg9[%swap3A_152, %swap3A_153] {strides = array<i32>} : memref<16x144xf32, #tpu.memory_space<vmem>>, vector<1x16xf32>,
    %swap3A_155 = vector.shape_cast %swap3A_154 : vector<1x16xf32> to vector<16xf32>
    %swap3A_156 = vector.shape_cast %broadcast_in_dim3A_1 : vector<16xf32> to vector<1x16xf32>
    tpu.vector_store %arg9[%swap3A_152, %swap3A_153], %swap3A_156 {strides = array<i32>} : memref<16x144xf32, #tpu.memory_space<vmem>>, vector<1x16xf32>,
    %swap3A_157 = arith.constant 2 : i32
    %swap3A_158 = arith.index_cast %swap3A_157 : i32 to index
    %swap3A_159 = arith.constant 128 : index
    %swap3A_160 = tpu.vector_load %arg9[%swap3A_158, %swap3A_159] {strides = array<i32>} : memref<16x144xf32, #tpu.memory_space<vmem>>, vector<1x16xf32>,
    %swap3A_161 = vector.shape_cast %swap3A_160 : vector<1x16xf32> to vector<16xf32>
    %swap3A_162 = vector.shape_cast %broadcast_in_dim3A_1 : vector<16xf32> to vector<1x16xf32>
    tpu.vector_store %arg9[%swap3A_158, %swap3A_159], %swap3A_162 {strides = array<i32>} : memref<16x144xf32, #tpu.memory_space<vmem>>, vector<1x16xf32>,
    %swap3A_163 = arith.constant 3 : i32
    %swap3A_164 = arith.index_cast %swap3A_163 : i32 to index
    %swap3A_165 = arith.constant 0 : index
    %swap3A_166 = tpu.vector_load %arg9[%swap3A_164, %swap3A_165] {strides = array<i32>} : memref<16x144xf32, #tpu.memory_space<vmem>>, vector<1x16xf32>,
    %swap3A_167 = vector.shape_cast %swap3A_166 : vector<1x16xf32> to vector<16xf32>
    %swap3A_168 = vector.shape_cast %broadcast_in_dim3A_1 : vector<16xf32> to vector<1x16xf32>
    tpu.vector_store %arg9[%swap3A_164, %swap3A_165], %swap3A_168 {strides = array<i32>} : memref<16x144xf32, #tpu.memory_space<vmem>>, vector<1x16xf32>,
    %swap3A_169 = arith.constant 3 : i32
    %swap3A_170 = arith.index_cast %swap3A_169 : i32 to index
    %swap3A_171 = arith.constant 16 : index
    %swap3A_172 = tpu.vector_load %arg9[%swap3A_170, %swap3A_171] {strides = array<i32>} : memref<16x144xf32, #tpu.memory_space<vmem>>, vector<1x16xf32>,
    %swap3A_173 = vector.shape_cast %swap3A_172 : vector<1x16xf32> to vector<16xf32>
    %swap3A_174 = vector.shape_cast %broadcast_in_dim3A_1 : vector<16xf32> to vector<1x16xf32>
    tpu.vector_store %arg9[%swap3A_170, %swap3A_171], %swap3A_174 {strides = array<i32>} : memref<16x144xf32, #tpu.memory_space<vmem>>, vector<1x16xf32>,
    %swap3A_175 = arith.constant 3 : i32
    %swap3A_176 = arith.index_cast %swap3A_175 : i32 to index
    %swap3A_177 = arith.constant 32 : index
    %swap3A_178 = tpu.vector_load %arg9[%swap3A_176, %swap3A_177] {strides = array<i32>} : memref<16x144xf32, #tpu.memory_space<vmem>>, vector<1x16xf32>,
    %swap3A_179 = vector.shape_cast %swap3A_178 : vector<1x16xf32> to vector<16xf32>
    %swap3A_180 = vector.shape_cast %broadcast_in_dim3A_1 : vector<16xf32> to vector<1x16xf32>
    tpu.vector_store %arg9[%swap3A_176, %swap3A_177], %swap3A_180 {strides = array<i32>} : memref<16x144xf32, #tpu.memory_space<vmem>>, vector<1x16xf32>,
    %swap3A_181 = arith.constant 3 : i32
    %swap3A_182 = arith.index_cast %swap3A_181 : i32 to index
    %swap3A_183 = arith.constant 48 : index
    %swap3A_184 = tpu.vector_load %arg9[%swap3A_182, %swap3A_183] {strides = array<i32>} : memref<16x144xf32, #tpu.memory_space<vmem>>, vector<1x16xf32>,
    %swap3A_185 = vector.shape_cast %swap3A_184 : vector<1x16xf32> to vector<16xf32>
    %swap3A_186 = vector.shape_cast %broadcast_in_dim3A_1 : vector<16xf32> to vector<1x16xf32>
    tpu.vector_store %arg9[%swap3A_182, %swap3A_183], %swap3A_186 {strides = array<i32>} : memref<16x144xf32, #tpu.memory_space<vmem>>, vector<1x16xf32>,
    %swap3A_187 = arith.constant 3 : i32
    %swap3A_188 = arith.index_cast %swap3A_187 : i32 to index
    %swap3A_189 = arith.constant 64 : index
    %swap3A_190 = tpu.vector_load %arg9[%swap3A_188, %swap3A_189] {strides = array<i32>} : memref<16x144xf32, #tpu.memory_space<vmem>>, vector<1x16xf32>,
    %swap3A_191 = vector.shape_cast %swap3A_190 : vector<1x16xf32> to vector<16xf32>
    %swap3A_192 = vector.shape_cast %broadcast_in_dim3A_1 : vector<16xf32> to vector<1x16xf32>
    tpu.vector_store %arg9[%swap3A_188, %swap3A_189], %swap3A_192 {strides = array<i32>} : memref<16x144xf32, #tpu.memory_space<vmem>>, vector<1x16xf32>,
    %swap3A_193 = arith.constant 3 : i32
    %swap3A_194 = arith.index_cast %swap3A_193 : i32 to index
    %swap3A_195 = arith.constant 80 : index
    %swap3A_196 = tpu.vector_load %arg9[%swap3A_194, %swap3A_195] {strides = array<i32>} : memref<16x144xf32, #tpu.memory_space<vmem>>, vector<1x16xf32>,
    %swap3A_197 = vector.shape_cast %swap3A_196 : vector<1x16xf32> to vector<16xf32>
    %swap3A_198 = vector.shape_cast %broadcast_in_dim3A_1 : vector<16xf32> to vector<1x16xf32>
    tpu.vector_store %arg9[%swap3A_194, %swap3A_195], %swap3A_198 {strides = array<i32>} : memref<16x144xf32, #tpu.memory_space<vmem>>, vector<1x16xf32>,
    %swap3A_199 = arith.constant 3 : i32
    %swap3A_200 = arith.index_cast %swap3A_199 : i32 to index
    %swap3A_201 = arith.constant 96 : index
    %swap3A_202 = tpu.vector_load %arg9[%swap3A_200, %swap3A_201] {strides = array<i32>} : memref<16x144xf32, #tpu.memory_space<vmem>>, vector<1x16xf32>,
    %swap3A_203 = vector.shape_cast %swap3A_202 : vector<1x16xf32> to vector<16xf32>
    %swap3A_204 = vector.shape_cast %broadcast_in_dim3A_1 : vector<16xf32> to vector<1x16xf32>
    tpu.vector_store %arg9[%swap3A_200, %swap3A_201], %swap3A_204 {strides = array<i32>} : memref<16x144xf32, #tpu.memory_space<vmem>>, vector<1x16xf32>,
    %swap3A_205 = arith.constant 3 : i32
    %swap3A_206 = arith.index_cast %swap3A_205 : i32 to index
    %swap3A_207 = arith.constant 112 : index
    %swap3A_208 = tpu.vector_load %arg9[%swap3A_206, %swap3A_207] {strides = array<i32>} : memref<16x144xf32, #tpu.memory_space<vmem>>, vector<1x16xf32>,
    %swap3A_209 = vector.shape_cast %swap3A_208 : vector<1x16xf32> to vector<16xf32>
    %swap3A_210 = vector.shape_cast %broadcast_in_dim3A_1 : vector<16xf32> to vector<1x16xf32>
    tpu.vector_store %arg9[%swap3A_206, %swap3A_207], %swap3A_210 {strides = array<i32>} : memref<16x144xf32, #tpu.memory_space<vmem>>, vector<1x16xf32>,
    %swap3A_211 = arith.constant 3 : i32
    %swap3A_212 = arith.index_cast %swap3A_211 : i32 to index
    %swap3A_213 = arith.constant 128 : index
    %swap3A_214 = tpu.vector_load %arg9[%swap3A_212, %swap3A_213] {strides = array<i32>} : memref<16x144xf32, #tpu.memory_space<vmem>>, vector<1x16xf32>,
    %swap3A_215 = vector.shape_cast %swap3A_214 : vector<1x16xf32> to vector<16xf32>
    %swap3A_216 = vector.shape_cast %broadcast_in_dim3A_1 : vector<16xf32> to vector<1x16xf32>
    tpu.vector_store %arg9[%swap3A_212, %swap3A_213], %swap3A_216 {strides = array<i32>} : memref<16x144xf32, #tpu.memory_space<vmem>>, vector<1x16xf32>,
    %swap3A_217 = arith.constant 4 : i32
    %swap3A_218 = arith.index_cast %swap3A_217 : i32 to index
    %swap3A_219 = arith.constant 0 : index
    %swap3A_220 = tpu.vector_load %arg9[%swap3A_218, %swap3A_219] {strides = array<i32>} : memref<16x144xf32, #tpu.memory_space<vmem>>, vector<1x16xf32>,
    %swap3A_221 = vector.shape_cast %swap3A_220 : vector<1x16xf32> to vector<16xf32>
    %swap3A_222 = vector.shape_cast %broadcast_in_dim3A_1 : vector<16xf32> to vector<1x16xf32>
    tpu.vector_store %arg9[%swap3A_218, %swap3A_219], %swap3A_222 {strides = array<i32>} : memref<16x144xf32, #tpu.memory_space<vmem>>, vector<1x16xf32>,
    %swap3A_223 = arith.constant 4 : i32
    %swap3A_224 = arith.index_cast %swap3A_223 : i32 to index
    %swap3A_225 = arith.constant 16 : index
    %swap3A_226 = tpu.vector_load %arg9[%swap3A_224, %swap3A_225] {strides = array<i32>} : memref<16x144xf32, #tpu.memory_space<vmem>>, vector<1x16xf32>,
    %swap3A_227 = vector.shape_cast %swap3A_226 : vector<1x16xf32> to vector<16xf32>
    %swap3A_228 = vector.shape_cast %broadcast_in_dim3A_1 : vector<16xf32> to vector<1x16xf32>
    tpu.vector_store %arg9[%swap3A_224, %swap3A_225], %swap3A_228 {strides = array<i32>} : memref<16x144xf32, #tpu.memory_space<vmem>>, vector<1x16xf32>,
    %swap3A_229 = arith.constant 4 : i32
    %swap3A_230 = arith.index_cast %swap3A_229 : i32 to index
    %swap3A_231 = arith.constant 32 : index
    %swap3A_232 = tpu.vector_load %arg9[%swap3A_230, %swap3A_231] {strides = array<i32>} : memref<16x144xf32, #tpu.memory_space<vmem>>, vector<1x16xf32>,
    %swap3A_233 = vector.shape_cast %swap3A_232 : vector<1x16xf32> to vector<16xf32>
    %swap3A_234 = vector.shape_cast %broadcast_in_dim3A_1 : vector<16xf32> to vector<1x16xf32>
    tpu.vector_store %arg9[%swap3A_230, %swap3A_231], %swap3A_234 {strides = array<i32>} : memref<16x144xf32, #tpu.memory_space<vmem>>, vector<1x16xf32>,
    %swap3A_235 = arith.constant 4 : i32
    %swap3A_236 = arith.index_cast %swap3A_235 : i32 to index
    %swap3A_237 = arith.constant 48 : index
    %swap3A_238 = tpu.vector_load %arg9[%swap3A_236, %swap3A_237] {strides = array<i32>} : memref<16x144xf32, #tpu.memory_space<vmem>>, vector<1x16xf32>,
    %swap3A_239 = vector.shape_cast %swap3A_238 : vector<1x16xf32> to vector<16xf32>
    %swap3A_240 = vector.shape_cast %broadcast_in_dim3A_1 : vector<16xf32> to vector<1x16xf32>
    tpu.vector_store %arg9[%swap3A_236, %swap3A_237], %swap3A_240 {strides = array<i32>} : memref<16x144xf32, #tpu.memory_space<vmem>>, vector<1x16xf32>,
    %swap3A_241 = arith.constant 4 : i32
    %swap3A_242 = arith.index_cast %swap3A_241 : i32 to index
    %swap3A_243 = arith.constant 64 : index
    %swap3A_244 = tpu.vector_load %arg9[%swap3A_242, %swap3A_243] {strides = array<i32>} : memref<16x144xf32, #tpu.memory_space<vmem>>, vector<1x16xf32>,
    %swap3A_245 = vector.shape_cast %swap3A_244 : vector<1x16xf32> to vector<16xf32>
    %swap3A_246 = vector.shape_cast %broadcast_in_dim3A_1 : vector<16xf32> to vector<1x16xf32>
    tpu.vector_store %arg9[%swap3A_242, %swap3A_243], %swap3A_246 {strides = array<i32>} : memref<16x144xf32, #tpu.memory_space<vmem>>, vector<1x16xf32>,
    %swap3A_247 = arith.constant 4 : i32
    %swap3A_248 = arith.index_cast %swap3A_247 : i32 to index
    %swap3A_249 = arith.constant 80 : index
    %swap3A_250 = tpu.vector_load %arg9[%swap3A_248, %swap3A_249] {strides = array<i32>} : memref<16x144xf32, #tpu.memory_space<vmem>>, vector<1x16xf32>,
    %swap3A_251 = vector.shape_cast %swap3A_250 : vector<1x16xf32> to vector<16xf32>
    %swap3A_252 = vector.shape_cast %broadcast_in_dim3A_1 : vector<16xf32> to vector<1x16xf32>
    tpu.vector_store %arg9[%swap3A_248, %swap3A_249], %swap3A_252 {strides = array<i32>} : memref<16x144xf32, #tpu.memory_space<vmem>>, vector<1x16xf32>,
    %swap3A_253 = arith.constant 4 : i32
    %swap3A_254 = arith.index_cast %swap3A_253 : i32 to index
    %swap3A_255 = arith.constant 96 : index
    %swap3A_256 = tpu.vector_load %arg9[%swap3A_254, %swap3A_255] {strides = array<i32>} : memref<16x144xf32, #tpu.memory_space<vmem>>, vector<1x16xf32>,
    %swap3A_257 = vector.shape_cast %swap3A_256 : vector<1x16xf32> to vector<16xf32>
    %swap3A_258 = vector.shape_cast %broadcast_in_dim3A_1 : vector<16xf32> to vector<1x16xf32>
    tpu.vector_store %arg9[%swap3A_254, %swap3A_255], %swap3A_258 {strides = array<i32>} : memref<16x144xf32, #tpu.memory_space<vmem>>, vector<1x16xf32>,
    %swap3A_259 = arith.constant 4 : i32
    %swap3A_260 = arith.index_cast %swap3A_259 : i32 to index
    %swap3A_261 = arith.constant 112 : index
    %swap3A_262 = tpu.vector_load %arg9[%swap3A_260, %swap3A_261] {strides = array<i32>} : memref<16x144xf32, #tpu.memory_space<vmem>>, vector<1x16xf32>,
    %swap3A_263 = vector.shape_cast %swap3A_262 : vector<1x16xf32> to vector<16xf32>
    %swap3A_264 = vector.shape_cast %broadcast_in_dim3A_1 : vector<16xf32> to vector<1x16xf32>
    tpu.vector_store %arg9[%swap3A_260, %swap3A_261], %swap3A_264 {strides = array<i32>} : memref<16x144xf32, #tpu.memory_space<vmem>>, vector<1x16xf32>,
    %swap3A_265 = arith.constant 4 : i32
    %swap3A_266 = arith.index_cast %swap3A_265 : i32 to index
    %swap3A_267 = arith.constant 128 : index
    %swap3A_268 = tpu.vector_load %arg9[%swap3A_266, %swap3A_267] {strides = array<i32>} : memref<16x144xf32, #tpu.memory_space<vmem>>, vector<1x16xf32>,
    %swap3A_269 = vector.shape_cast %swap3A_268 : vector<1x16xf32> to vector<16xf32>
    %swap3A_270 = vector.shape_cast %broadcast_in_dim3A_1 : vector<16xf32> to vector<1x16xf32>
    tpu.vector_store %arg9[%swap3A_266, %swap3A_267], %swap3A_270 {strides = array<i32>} : memref<16x144xf32, #tpu.memory_space<vmem>>, vector<1x16xf32>,
    %swap3A_271 = arith.constant 5 : i32
    %swap3A_272 = arith.index_cast %swap3A_271 : i32 to index
    %swap3A_273 = arith.constant 0 : index
    %swap3A_274 = tpu.vector_load %arg9[%swap3A_272, %swap3A_273] {strides = array<i32>} : memref<16x144xf32, #tpu.memory_space<vmem>>, vector<1x16xf32>,
    %swap3A_275 = vector.shape_cast %swap3A_274 : vector<1x16xf32> to vector<16xf32>
    %swap3A_276 = vector.shape_cast %broadcast_in_dim3A_1 : vector<16xf32> to vector<1x16xf32>
    tpu.vector_store %arg9[%swap3A_272, %swap3A_273], %swap3A_276 {strides = array<i32>} : memref<16x144xf32, #tpu.memory_space<vmem>>, vector<1x16xf32>,
    %swap3A_277 = arith.constant 5 : i32
    %swap3A_278 = arith.index_cast %swap3A_277 : i32 to index
    %swap3A_279 = arith.constant 16 : index
    %swap3A_280 = tpu.vector_load %arg9[%swap3A_278, %swap3A_279] {strides = array<i32>} : memref<16x144xf32, #tpu.memory_space<vmem>>, vector<1x16xf32>,
    %swap3A_281 = vector.shape_cast %swap3A_280 : vector<1x16xf32> to vector<16xf32>
    %swap3A_282 = vector.shape_cast %broadcast_in_dim3A_1 : vector<16xf32> to vector<1x16xf32>
    tpu.vector_store %arg9[%swap3A_278, %swap3A_279], %swap3A_282 {strides = array<i32>} : memref<16x144xf32, #tpu.memory_space<vmem>>, vector<1x16xf32>,
    %swap3A_283 = arith.constant 5 : i32
    %swap3A_284 = arith.index_cast %swap3A_283 : i32 to index
    %swap3A_285 = arith.constant 32 : index
    %swap3A_286 = tpu.vector_load %arg9[%swap3A_284, %swap3A_285] {strides = array<i32>} : memref<16x144xf32, #tpu.memory_space<vmem>>, vector<1x16xf32>,
    %swap3A_287 = vector.shape_cast %swap3A_286 : vector<1x16xf32> to vector<16xf32>
    %swap3A_288 = vector.shape_cast %broadcast_in_dim3A_1 : vector<16xf32> to vector<1x16xf32>
    tpu.vector_store %arg9[%swap3A_284, %swap3A_285], %swap3A_288 {strides = array<i32>} : memref<16x144xf32, #tpu.memory_space<vmem>>, vector<1x16xf32>,
    %swap3A_289 = arith.constant 5 : i32
    %swap3A_290 = arith.index_cast %swap3A_289 : i32 to index
    %swap3A_291 = arith.constant 48 : index
    %swap3A_292 = tpu.vector_load %arg9[%swap3A_290, %swap3A_291] {strides = array<i32>} : memref<16x144xf32, #tpu.memory_space<vmem>>, vector<1x16xf32>,
    %swap3A_293 = vector.shape_cast %swap3A_292 : vector<1x16xf32> to vector<16xf32>
    %swap3A_294 = vector.shape_cast %broadcast_in_dim3A_1 : vector<16xf32> to vector<1x16xf32>
    tpu.vector_store %arg9[%swap3A_290, %swap3A_291], %swap3A_294 {strides = array<i32>} : memref<16x144xf32, #tpu.memory_space<vmem>>, vector<1x16xf32>,
    %swap3A_295 = arith.constant 5 : i32
    %swap3A_296 = arith.index_cast %swap3A_295 : i32 to index
    %swap3A_297 = arith.constant 64 : index
    %swap3A_298 = tpu.vector_load %arg9[%swap3A_296, %swap3A_297] {strides = array<i32>} : memref<16x144xf32, #tpu.memory_space<vmem>>, vector<1x16xf32>,
    %swap3A_299 = vector.shape_cast %swap3A_298 : vector<1x16xf32> to vector<16xf32>
    %swap3A_300 = vector.shape_cast %broadcast_in_dim3A_1 : vector<16xf32> to vector<1x16xf32>
    tpu.vector_store %arg9[%swap3A_296, %swap3A_297], %swap3A_300 {strides = array<i32>} : memref<16x144xf32, #tpu.memory_space<vmem>>, vector<1x16xf32>,
    %swap3A_301 = arith.constant 5 : i32
    %swap3A_302 = arith.index_cast %swap3A_301 : i32 to index
    %swap3A_303 = arith.constant 80 : index
    %swap3A_304 = tpu.vector_load %arg9[%swap3A_302, %swap3A_303] {strides = array<i32>} : memref<16x144xf32, #tpu.memory_space<vmem>>, vector<1x16xf32>,
    %swap3A_305 = vector.shape_cast %swap3A_304 : vector<1x16xf32> to vector<16xf32>
    %swap3A_306 = vector.shape_cast %broadcast_in_dim3A_1 : vector<16xf32> to vector<1x16xf32>
    tpu.vector_store %arg9[%swap3A_302, %swap3A_303], %swap3A_306 {strides = array<i32>} : memref<16x144xf32, #tpu.memory_space<vmem>>, vector<1x16xf32>,
    %swap3A_307 = arith.constant 5 : i32
    %swap3A_308 = arith.index_cast %swap3A_307 : i32 to index
    %swap3A_309 = arith.constant 96 : index
    %swap3A_310 = tpu.vector_load %arg9[%swap3A_308, %swap3A_309] {strides = array<i32>} : memref<16x144xf32, #tpu.memory_space<vmem>>, vector<1x16xf32>,
    %swap3A_311 = vector.shape_cast %swap3A_310 : vector<1x16xf32> to vector<16xf32>
    %swap3A_312 = vector.shape_cast %broadcast_in_dim3A_1 : vector<16xf32> to vector<1x16xf32>
    tpu.vector_store %arg9[%swap3A_308, %swap3A_309], %swap3A_312 {strides = array<i32>} : memref<16x144xf32, #tpu.memory_space<vmem>>, vector<1x16xf32>,
    %swap3A_313 = arith.constant 5 : i32
    %swap3A_314 = arith.index_cast %swap3A_313 : i32 to index
    %swap3A_315 = arith.constant 112 : index
    %swap3A_316 = tpu.vector_load %arg9[%swap3A_314, %swap3A_315] {strides = array<i32>} : memref<16x144xf32, #tpu.memory_space<vmem>>, vector<1x16xf32>,
    %swap3A_317 = vector.shape_cast %swap3A_316 : vector<1x16xf32> to vector<16xf32>
    %swap3A_318 = vector.shape_cast %broadcast_in_dim3A_1 : vector<16xf32> to vector<1x16xf32>
    tpu.vector_store %arg9[%swap3A_314, %swap3A_315], %swap3A_318 {strides = array<i32>} : memref<16x144xf32, #tpu.memory_space<vmem>>, vector<1x16xf32>,
    %swap3A_319 = arith.constant 5 : i32
    %swap3A_320 = arith.index_cast %swap3A_319 : i32 to index
    %swap3A_321 = arith.constant 128 : index
    %swap3A_322 = tpu.vector_load %arg9[%swap3A_320, %swap3A_321] {strides = array<i32>} : memref<16x144xf32, #tpu.memory_space<vmem>>, vector<1x16xf32>,
    %swap3A_323 = vector.shape_cast %swap3A_322 : vector<1x16xf32> to vector<16xf32>
    %swap3A_324 = vector.shape_cast %broadcast_in_dim3A_1 : vector<16xf32> to vector<1x16xf32>
    tpu.vector_store %arg9[%swap3A_320, %swap3A_321], %swap3A_324 {strides = array<i32>} : memref<16x144xf32, #tpu.memory_space<vmem>>, vector<1x16xf32>,
    %swap3A_325 = arith.constant 6 : i32
    %swap3A_326 = arith.index_cast %swap3A_325 : i32 to index
    %swap3A_327 = arith.constant 0 : index
    %swap3A_328 = tpu.vector_load %arg9[%swap3A_326, %swap3A_327] {strides = array<i32>} : memref<16x144xf32, #tpu.memory_space<vmem>>, vector<1x16xf32>,
    %swap3A_329 = vector.shape_cast %swap3A_328 : vector<1x16xf32> to vector<16xf32>
    %swap3A_330 = vector.shape_cast %broadcast_in_dim3A_1 : vector<16xf32> to vector<1x16xf32>
    tpu.vector_store %arg9[%swap3A_326, %swap3A_327], %swap3A_330 {strides = array<i32>} : memref<16x144xf32, #tpu.memory_space<vmem>>, vector<1x16xf32>,
    %swap3A_331 = arith.constant 6 : i32
    %swap3A_332 = arith.index_cast %swap3A_331 : i32 to index
    %swap3A_333 = arith.constant 16 : index
    %swap3A_334 = tpu.vector_load %arg9[%swap3A_332, %swap3A_333] {strides = array<i32>} : memref<16x144xf32, #tpu.memory_space<vmem>>, vector<1x16xf32>,
    %swap3A_335 = vector.shape_cast %swap3A_334 : vector<1x16xf32> to vector<16xf32>
    %swap3A_336 = vector.shape_cast %broadcast_in_dim3A_1 : vector<16xf32> to vector<1x16xf32>
    tpu.vector_store %arg9[%swap3A_332, %swap3A_333], %swap3A_336 {strides = array<i32>} : memref<16x144xf32, #tpu.memory_space<vmem>>, vector<1x16xf32>,
    %swap3A_337 = arith.constant 6 : i32
    %swap3A_338 = arith.index_cast %swap3A_337 : i32 to index
    %swap3A_339 = arith.constant 32 : index
    %swap3A_340 = tpu.vector_load %arg9[%swap3A_338, %swap3A_339] {strides = array<i32>} : memref<16x144xf32, #tpu.memory_space<vmem>>, vector<1x16xf32>,
    %swap3A_341 = vector.shape_cast %swap3A_340 : vector<1x16xf32> to vector<16xf32>
    %swap3A_342 = vector.shape_cast %broadcast_in_dim3A_1 : vector<16xf32> to vector<1x16xf32>
    tpu.vector_store %arg9[%swap3A_338, %swap3A_339], %swap3A_342 {strides = array<i32>} : memref<16x144xf32, #tpu.memory_space<vmem>>, vector<1x16xf32>,
    %swap3A_343 = arith.constant 6 : i32
    %swap3A_344 = arith.index_cast %swap3A_343 : i32 to index
    %swap3A_345 = arith.constant 48 : index
    %swap3A_346 = tpu.vector_load %arg9[%swap3A_344, %swap3A_345] {strides = array<i32>} : memref<16x144xf32, #tpu.memory_space<vmem>>, vector<1x16xf32>,
    %swap3A_347 = vector.shape_cast %swap3A_346 : vector<1x16xf32> to vector<16xf32>
    %swap3A_348 = vector.shape_cast %broadcast_in_dim3A_1 : vector<16xf32> to vector<1x16xf32>
    tpu.vector_store %arg9[%swap3A_344, %swap3A_345], %swap3A_348 {strides = array<i32>} : memref<16x144xf32, #tpu.memory_space<vmem>>, vector<1x16xf32>,
    %swap3A_349 = arith.constant 6 : i32
    %swap3A_350 = arith.index_cast %swap3A_349 : i32 to index
    %swap3A_351 = arith.constant 64 : index
    %swap3A_352 = tpu.vector_load %arg9[%swap3A_350, %swap3A_351] {strides = array<i32>} : memref<16x144xf32, #tpu.memory_space<vmem>>, vector<1x16xf32>,
    %swap3A_353 = vector.shape_cast %swap3A_352 : vector<1x16xf32> to vector<16xf32>
    %swap3A_354 = vector.shape_cast %broadcast_in_dim3A_1 : vector<16xf32> to vector<1x16xf32>
    tpu.vector_store %arg9[%swap3A_350, %swap3A_351], %swap3A_354 {strides = array<i32>} : memref<16x144xf32, #tpu.memory_space<vmem>>, vector<1x16xf32>,
    %swap3A_355 = arith.constant 6 : i32
    %swap3A_356 = arith.index_cast %swap3A_355 : i32 to index
    %swap3A_357 = arith.constant 80 : index
    %swap3A_358 = tpu.vector_load %arg9[%swap3A_356, %swap3A_357] {strides = array<i32>} : memref<16x144xf32, #tpu.memory_space<vmem>>, vector<1x16xf32>,
    %swap3A_359 = vector.shape_cast %swap3A_358 : vector<1x16xf32> to vector<16xf32>
    %swap3A_360 = vector.shape_cast %broadcast_in_dim3A_1 : vector<16xf32> to vector<1x16xf32>
    tpu.vector_store %arg9[%swap3A_356, %swap3A_357], %swap3A_360 {strides = array<i32>} : memref<16x144xf32, #tpu.memory_space<vmem>>, vector<1x16xf32>,
    %swap3A_361 = arith.constant 6 : i32
    %swap3A_362 = arith.index_cast %swap3A_361 : i32 to index
    %swap3A_363 = arith.constant 96 : index
    %swap3A_364 = tpu.vector_load %arg9[%swap3A_362, %swap3A_363] {strides = array<i32>} : memref<16x144xf32, #tpu.memory_space<vmem>>, vector<1x16xf32>,
    %swap3A_365 = vector.shape_cast %swap3A_364 : vector<1x16xf32> to vector<16xf32>
    %swap3A_366 = vector.shape_cast %broadcast_in_dim3A_1 : vector<16xf32> to vector<1x16xf32>
    tpu.vector_store %arg9[%swap3A_362, %swap3A_363], %swap3A_366 {strides = array<i32>} : memref<16x144xf32, #tpu.memory_space<vmem>>, vector<1x16xf32>,
    %swap3A_367 = arith.constant 6 : i32
    %swap3A_368 = arith.index_cast %swap3A_367 : i32 to index
    %swap3A_369 = arith.constant 112 : index
    %swap3A_370 = tpu.vector_load %arg9[%swap3A_368, %swap3A_369] {strides = array<i32>} : memref<16x144xf32, #tpu.memory_space<vmem>>, vector<1x16xf32>,
    %swap3A_371 = vector.shape_cast %swap3A_370 : vector<1x16xf32> to vector<16xf32>
    %swap3A_372 = vector.shape_cast %broadcast_in_dim3A_1 : vector<16xf32> to vector<1x16xf32>
    tpu.vector_store %arg9[%swap3A_368, %swap3A_369], %swap3A_372 {strides = array<i32>} : memref<16x144xf32, #tpu.memory_space<vmem>>, vector<1x16xf32>,
    %swap3A_373 = arith.constant 6 : i32
    %swap3A_374 = arith.index_cast %swap3A_373 : i32 to index
    %swap3A_375 = arith.constant 128 : index
    %swap3A_376 = tpu.vector_load %arg9[%swap3A_374, %swap3A_375] {strides = array<i32>} : memref<16x144xf32, #tpu.memory_space<vmem>>, vector<1x16xf32>,
    %swap3A_377 = vector.shape_cast %swap3A_376 : vector<1x16xf32> to vector<16xf32>
    %swap3A_378 = vector.shape_cast %broadcast_in_dim3A_1 : vector<16xf32> to vector<1x16xf32>
    tpu.vector_store %arg9[%swap3A_374, %swap3A_375], %swap3A_378 {strides = array<i32>} : memref<16x144xf32, #tpu.memory_space<vmem>>, vector<1x16xf32>,
    %swap3A_379 = arith.constant 7 : i32
    %swap3A_380 = arith.index_cast %swap3A_379 : i32 to index
    %swap3A_381 = arith.constant 0 : index
    %swap3A_382 = tpu.vector_load %arg9[%swap3A_380, %swap3A_381] {strides = array<i32>} : memref<16x144xf32, #tpu.memory_space<vmem>>, vector<1x16xf32>,
    %swap3A_383 = vector.shape_cast %swap3A_382 : vector<1x16xf32> to vector<16xf32>
    %swap3A_384 = vector.shape_cast %broadcast_in_dim3A_1 : vector<16xf32> to vector<1x16xf32>
    tpu.vector_store %arg9[%swap3A_380, %swap3A_381], %swap3A_384 {strides = array<i32>} : memref<16x144xf32, #tpu.memory_space<vmem>>, vector<1x16xf32>,
    %swap3A_385 = arith.constant 7 : i32
    %swap3A_386 = arith.index_cast %swap3A_385 : i32 to index
    %swap3A_387 = arith.constant 16 : index
    %swap3A_388 = tpu.vector_load %arg9[%swap3A_386, %swap3A_387] {strides = array<i32>} : memref<16x144xf32, #tpu.memory_space<vmem>>, vector<1x16xf32>,
    %swap3A_389 = vector.shape_cast %swap3A_388 : vector<1x16xf32> to vector<16xf32>
    %swap3A_390 = vector.shape_cast %broadcast_in_dim3A_1 : vector<16xf32> to vector<1x16xf32>
    tpu.vector_store %arg9[%swap3A_386, %swap3A_387], %swap3A_390 {strides = array<i32>} : memref<16x144xf32, #tpu.memory_space<vmem>>, vector<1x16xf32>,
    %swap3A_391 = arith.constant 7 : i32
    %swap3A_392 = arith.index_cast %swap3A_391 : i32 to index
    %swap3A_393 = arith.constant 32 : index
    %swap3A_394 = tpu.vector_load %arg9[%swap3A_392, %swap3A_393] {strides = array<i32>} : memref<16x144xf32, #tpu.memory_space<vmem>>, vector<1x16xf32>,
    %swap3A_395 = vector.shape_cast %swap3A_394 : vector<1x16xf32> to vector<16xf32>
    %swap3A_396 = vector.shape_cast %broadcast_in_dim3A_1 : vector<16xf32> to vector<1x16xf32>
    tpu.vector_store %arg9[%swap3A_392, %swap3A_393], %swap3A_396 {strides = array<i32>} : memref<16x144xf32, #tpu.memory_space<vmem>>, vector<1x16xf32>,
    %swap3A_397 = arith.constant 7 : i32
    %swap3A_398 = arith.index_cast %swap3A_397 : i32 to index
    %swap3A_399 = arith.constant 48 : index
    %swap3A_400 = tpu.vector_load %arg9[%swap3A_398, %swap3A_399] {strides = array<i32>} : memref<16x144xf32, #tpu.memory_space<vmem>>, vector<1x16xf32>,
    %swap3A_401 = vector.shape_cast %swap3A_400 : vector<1x16xf32> to vector<16xf32>
    %swap3A_402 = vector.shape_cast %broadcast_in_dim3A_1 : vector<16xf32> to vector<1x16xf32>
    tpu.vector_store %arg9[%swap3A_398, %swap3A_399], %swap3A_402 {strides = array<i32>} : memref<16x144xf32, #tpu.memory_space<vmem>>, vector<1x16xf32>,
    %swap3A_403 = arith.constant 7 : i32
    %swap3A_404 = arith.index_cast %swap3A_403 : i32 to index
    %swap3A_405 = arith.constant 64 : index
    %swap3A_406 = tpu.vector_load %arg9[%swap3A_404, %swap3A_405] {strides = array<i32>} : memref<16x144xf32, #tpu.memory_space<vmem>>, vector<1x16xf32>,
    %swap3A_407 = vector.shape_cast %swap3A_406 : vector<1x16xf32> to vector<16xf32>
    %swap3A_408 = vector.shape_cast %broadcast_in_dim3A_1 : vector<16xf32> to vector<1x16xf32>
    tpu.vector_store %arg9[%swap3A_404, %swap3A_405], %swap3A_408 {strides = array<i32>} : memref<16x144xf32, #tpu.memory_space<vmem>>, vector<1x16xf32>,
    %swap3A_409 = arith.constant 7 : i32
    %swap3A_410 = arith.index_cast %swap3A_409 : i32 to index
    %swap3A_411 = arith.constant 80 : index
    %swap3A_412 = tpu.vector_load %arg9[%swap3A_410, %swap3A_411] {strides = array<i32>} : memref<16x144xf32, #tpu.memory_space<vmem>>, vector<1x16xf32>,
    %swap3A_413 = vector.shape_cast %swap3A_412 : vector<1x16xf32> to vector<16xf32>
    %swap3A_414 = vector.shape_cast %broadcast_in_dim3A_1 : vector<16xf32> to vector<1x16xf32>
    tpu.vector_store %arg9[%swap3A_410, %swap3A_411], %swap3A_414 {strides = array<i32>} : memref<16x144xf32, #tpu.memory_space<vmem>>, vector<1x16xf32>,
    %swap3A_415 = arith.constant 7 : i32
    %swap3A_416 = arith.index_cast %swap3A_415 : i32 to index
    %swap3A_417 = arith.constant 96 : index
    %swap3A_418 = tpu.vector_load %arg9[%swap3A_416, %swap3A_417] {strides = array<i32>} : memref<16x144xf32, #tpu.memory_space<vmem>>, vector<1x16xf32>,
    %swap3A_419 = vector.shape_cast %swap3A_418 : vector<1x16xf32> to vector<16xf32>
    %swap3A_420 = vector.shape_cast %broadcast_in_dim3A_1 : vector<16xf32> to vector<1x16xf32>
    tpu.vector_store %arg9[%swap3A_416, %swap3A_417], %swap3A_420 {strides = array<i32>} : memref<16x144xf32, #tpu.memory_space<vmem>>, vector<1x16xf32>,
    %swap3A_421 = arith.constant 7 : i32
    %swap3A_422 = arith.index_cast %swap3A_421 : i32 to index
    %swap3A_423 = arith.constant 112 : index
    %swap3A_424 = tpu.vector_load %arg9[%swap3A_422, %swap3A_423] {strides = array<i32>} : memref<16x144xf32, #tpu.memory_space<vmem>>, vector<1x16xf32>,
    %swap3A_425 = vector.shape_cast %swap3A_424 : vector<1x16xf32> to vector<16xf32>
    %swap3A_426 = vector.shape_cast %broadcast_in_dim3A_1 : vector<16xf32> to vector<1x16xf32>
    tpu.vector_store %arg9[%swap3A_422, %swap3A_423], %swap3A_426 {strides = array<i32>} : memref<16x144xf32, #tpu.memory_space<vmem>>, vector<1x16xf32>,
    %swap3A_427 = arith.constant 7 : i32
    %swap3A_428 = arith.index_cast %swap3A_427 : i32 to index
    %swap3A_429 = arith.constant 128 : index
    %swap3A_430 = tpu.vector_load %arg9[%swap3A_428, %swap3A_429] {strides = array<i32>} : memref<16x144xf32, #tpu.memory_space<vmem>>, vector<1x16xf32>,
    %swap3A_431 = vector.shape_cast %swap3A_430 : vector<1x16xf32> to vector<16xf32>
    %swap3A_432 = vector.shape_cast %broadcast_in_dim3A_1 : vector<16xf32> to vector<1x16xf32>
    tpu.vector_store %arg9[%swap3A_428, %swap3A_429], %swap3A_432 {strides = array<i32>} : memref<16x144xf32, #tpu.memory_space<vmem>>, vector<1x16xf32>,
    %swap3A_433 = arith.constant 8 : i32
    %swap3A_434 = arith.index_cast %swap3A_433 : i32 to index
    %swap3A_435 = arith.constant 0 : index
    %swap3A_436 = tpu.vector_load %arg9[%swap3A_434, %swap3A_435] {strides = array<i32>} : memref<16x144xf32, #tpu.memory_space<vmem>>, vector<1x16xf32>,
    %swap3A_437 = vector.shape_cast %swap3A_436 : vector<1x16xf32> to vector<16xf32>
    %swap3A_438 = vector.shape_cast %broadcast_in_dim3A_1 : vector<16xf32> to vector<1x16xf32>
    tpu.vector_store %arg9[%swap3A_434, %swap3A_435], %swap3A_438 {strides = array<i32>} : memref<16x144xf32, #tpu.memory_space<vmem>>, vector<1x16xf32>,
    %swap3A_439 = arith.constant 8 : i32
    %swap3A_440 = arith.index_cast %swap3A_439 : i32 to index
    %swap3A_441 = arith.constant 16 : index
    %swap3A_442 = tpu.vector_load %arg9[%swap3A_440, %swap3A_441] {strides = array<i32>} : memref<16x144xf32, #tpu.memory_space<vmem>>, vector<1x16xf32>,
    %swap3A_443 = vector.shape_cast %swap3A_442 : vector<1x16xf32> to vector<16xf32>
    %swap3A_444 = vector.shape_cast %broadcast_in_dim3A_1 : vector<16xf32> to vector<1x16xf32>
    tpu.vector_store %arg9[%swap3A_440, %swap3A_441], %swap3A_444 {strides = array<i32>} : memref<16x144xf32, #tpu.memory_space<vmem>>, vector<1x16xf32>,
    %swap3A_445 = arith.constant 8 : i32
    %swap3A_446 = arith.index_cast %swap3A_445 : i32 to index
    %swap3A_447 = arith.constant 32 : index
    %swap3A_448 = tpu.vector_load %arg9[%swap3A_446, %swap3A_447] {strides = array<i32>} : memref<16x144xf32, #tpu.memory_space<vmem>>, vector<1x16xf32>,
    %swap3A_449 = vector.shape_cast %swap3A_448 : vector<1x16xf32> to vector<16xf32>
    %swap3A_450 = vector.shape_cast %broadcast_in_dim3A_1 : vector<16xf32> to vector<1x16xf32>
    tpu.vector_store %arg9[%swap3A_446, %swap3A_447], %swap3A_450 {strides = array<i32>} : memref<16x144xf32, #tpu.memory_space<vmem>>, vector<1x16xf32>,
    %swap3A_451 = arith.constant 8 : i32
    %swap3A_452 = arith.index_cast %swap3A_451 : i32 to index
    %swap3A_453 = arith.constant 48 : index
    %swap3A_454 = tpu.vector_load %arg9[%swap3A_452, %swap3A_453] {strides = array<i32>} : memref<16x144xf32, #tpu.memory_space<vmem>>, vector<1x16xf32>,
    %swap3A_455 = vector.shape_cast %swap3A_454 : vector<1x16xf32> to vector<16xf32>
    %swap3A_456 = vector.shape_cast %broadcast_in_dim3A_1 : vector<16xf32> to vector<1x16xf32>
    tpu.vector_store %arg9[%swap3A_452, %swap3A_453], %swap3A_456 {strides = array<i32>} : memref<16x144xf32, #tpu.memory_space<vmem>>, vector<1x16xf32>,
    %swap3A_457 = arith.constant 8 : i32
    %swap3A_458 = arith.index_cast %swap3A_457 : i32 to index
    %swap3A_459 = arith.constant 64 : index
    %swap3A_460 = tpu.vector_load %arg9[%swap3A_458, %swap3A_459] {strides = array<i32>} : memref<16x144xf32, #tpu.memory_space<vmem>>, vector<1x16xf32>,
    %swap3A_461 = vector.shape_cast %swap3A_460 : vector<1x16xf32> to vector<16xf32>
    %swap3A_462 = vector.shape_cast %broadcast_in_dim3A_1 : vector<16xf32> to vector<1x16xf32>
    tpu.vector_store %arg9[%swap3A_458, %swap3A_459], %swap3A_462 {strides = array<i32>} : memref<16x144xf32, #tpu.memory_space<vmem>>, vector<1x16xf32>,
    %swap3A_463 = arith.constant 8 : i32
    %swap3A_464 = arith.index_cast %swap3A_463 : i32 to index
    %swap3A_465 = arith.constant 80 : index
    %swap3A_466 = tpu.vector_load %arg9[%swap3A_464, %swap3A_465] {strides = array<i32>} : memref<16x144xf32, #tpu.memory_space<vmem>>, vector<1x16xf32>,
    %swap3A_467 = vector.shape_cast %swap3A_466 : vector<1x16xf32> to vector<16xf32>
    %swap3A_468 = vector.shape_cast %broadcast_in_dim3A_1 : vector<16xf32> to vector<1x16xf32>
    tpu.vector_store %arg9[%swap3A_464, %swap3A_465], %swap3A_468 {strides = array<i32>} : memref<16x144xf32, #tpu.memory_space<vmem>>, vector<1x16xf32>,
    %swap3A_469 = arith.constant 8 : i32
    %swap3A_470 = arith.index_cast %swap3A_469 : i32 to index
    %swap3A_471 = arith.constant 96 : index
    %swap3A_472 = tpu.vector_load %arg9[%swap3A_470, %swap3A_471] {strides = array<i32>} : memref<16x144xf32, #tpu.memory_space<vmem>>, vector<1x16xf32>,
    %swap3A_473 = vector.shape_cast %swap3A_472 : vector<1x16xf32> to vector<16xf32>
    %swap3A_474 = vector.shape_cast %broadcast_in_dim3A_1 : vector<16xf32> to vector<1x16xf32>
    tpu.vector_store %arg9[%swap3A_470, %swap3A_471], %swap3A_474 {strides = array<i32>} : memref<16x144xf32, #tpu.memory_space<vmem>>, vector<1x16xf32>,
    %swap3A_475 = arith.constant 8 : i32
    %swap3A_476 = arith.index_cast %swap3A_475 : i32 to index
    %swap3A_477 = arith.constant 112 : index
    %swap3A_478 = tpu.vector_load %arg9[%swap3A_476, %swap3A_477] {strides = array<i32>} : memref<16x144xf32, #tpu.memory_space<vmem>>, vector<1x16xf32>,
    %swap3A_479 = vector.shape_cast %swap3A_478 : vector<1x16xf32> to vector<16xf32>
    %swap3A_480 = vector.shape_cast %broadcast_in_dim3A_1 : vector<16xf32> to vector<1x16xf32>
    tpu.vector_store %arg9[%swap3A_476, %swap3A_477], %swap3A_480 {strides = array<i32>} : memref<16x144xf32, #tpu.memory_space<vmem>>, vector<1x16xf32>,
    %swap3A_481 = arith.constant 8 : i32
    %swap3A_482 = arith.index_cast %swap3A_481 : i32 to index
    %swap3A_483 = arith.constant 128 : index
    %swap3A_484 = tpu.vector_load %arg9[%swap3A_482, %swap3A_483] {strides = array<i32>} : memref<16x144xf32, #tpu.memory_space<vmem>>, vector<1x16xf32>,
    %swap3A_485 = vector.shape_cast %swap3A_484 : vector<1x16xf32> to vector<16xf32>
    %swap3A_486 = vector.shape_cast %broadcast_in_dim3A_1 : vector<16xf32> to vector<1x16xf32>
    tpu.vector_store %arg9[%swap3A_482, %swap3A_483], %swap3A_486 {strides = array<i32>} : memref<16x144xf32, #tpu.memory_space<vmem>>, vector<1x16xf32>,
    %swap3A_487 = arith.constant 9 : i32
    %swap3A_488 = arith.index_cast %swap3A_487 : i32 to index
    %swap3A_489 = arith.constant 0 : index
    %swap3A_490 = tpu.vector_load %arg9[%swap3A_488, %swap3A_489] {strides = array<i32>} : memref<16x144xf32, #tpu.memory_space<vmem>>, vector<1x16xf32>,
    %swap3A_491 = vector.shape_cast %swap3A_490 : vector<1x16xf32> to vector<16xf32>
    %swap3A_492 = vector.shape_cast %broadcast_in_dim3A_1 : vector<16xf32> to vector<1x16xf32>
    tpu.vector_store %arg9[%swap3A_488, %swap3A_489], %swap3A_492 {strides = array<i32>} : memref<16x144xf32, #tpu.memory_space<vmem>>, vector<1x16xf32>,
    %swap3A_493 = arith.constant 9 : i32
    %swap3A_494 = arith.index_cast %swap3A_493 : i32 to index
    %swap3A_495 = arith.constant 16 : index
    %swap3A_496 = tpu.vector_load %arg9[%swap3A_494, %swap3A_495] {strides = array<i32>} : memref<16x144xf32, #tpu.memory_space<vmem>>, vector<1x16xf32>,
    %swap3A_497 = vector.shape_cast %swap3A_496 : vector<1x16xf32> to vector<16xf32>
    %swap3A_498 = vector.shape_cast %broadcast_in_dim3A_1 : vector<16xf32> to vector<1x16xf32>
    tpu.vector_store %arg9[%swap3A_494, %swap3A_495], %swap3A_498 {strides = array<i32>} : memref<16x144xf32, #tpu.memory_space<vmem>>, vector<1x16xf32>,
    %swap3A_499 = arith.constant 9 : i32
    %swap3A_500 = arith.index_cast %swap3A_499 : i32 to index
    %swap3A_501 = arith.constant 32 : index
    %swap3A_502 = tpu.vector_load %arg9[%swap3A_500, %swap3A_501] {strides = array<i32>} : memref<16x144xf32, #tpu.memory_space<vmem>>, vector<1x16xf32>,
    %swap3A_503 = vector.shape_cast %swap3A_502 : vector<1x16xf32> to vector<16xf32>
    %swap3A_504 = vector.shape_cast %broadcast_in_dim3A_1 : vector<16xf32> to vector<1x16xf32>
    tpu.vector_store %arg9[%swap3A_500, %swap3A_501], %swap3A_504 {strides = array<i32>} : memref<16x144xf32, #tpu.memory_space<vmem>>, vector<1x16xf32>,
    %swap3A_505 = arith.constant 9 : i32
    %swap3A_506 = arith.index_cast %swap3A_505 : i32 to index
    %swap3A_507 = arith.constant 48 : index
    %swap3A_508 = tpu.vector_load %arg9[%swap3A_506, %swap3A_507] {strides = array<i32>} : memref<16x144xf32, #tpu.memory_space<vmem>>, vector<1x16xf32>,
    %swap3A_509 = vector.shape_cast %swap3A_508 : vector<1x16xf32> to vector<16xf32>
    %swap3A_510 = vector.shape_cast %broadcast_in_dim3A_1 : vector<16xf32> to vector<1x16xf32>
    tpu.vector_store %arg9[%swap3A_506, %swap3A_507], %swap3A_510 {strides = array<i32>} : memref<16x144xf32, #tpu.memory_space<vmem>>, vector<1x16xf32>,
    %swap3A_511 = arith.constant 9 : i32
    %swap3A_512 = arith.index_cast %swap3A_511 : i32 to index
    %swap3A_513 = arith.constant 64 : index
    %swap3A_514 = tpu.vector_load %arg9[%swap3A_512, %swap3A_513] {strides = array<i32>} : memref<16x144xf32, #tpu.memory_space<vmem>>, vector<1x16xf32>,
    %swap3A_515 = vector.shape_cast %swap3A_514 : vector<1x16xf32> to vector<16xf32>
    %swap3A_516 = vector.shape_cast %broadcast_in_dim3A_1 : vector<16xf32> to vector<1x16xf32>
    tpu.vector_store %arg9[%swap3A_512, %swap3A_513], %swap3A_516 {strides = array<i32>} : memref<16x144xf32, #tpu.memory_space<vmem>>, vector<1x16xf32>,
    %swap3A_517 = arith.constant 9 : i32
    %swap3A_518 = arith.index_cast %swap3A_517 : i32 to index
    %swap3A_519 = arith.constant 80 : index
    %swap3A_520 = tpu.vector_load %arg9[%swap3A_518, %swap3A_519] {strides = array<i32>} : memref<16x144xf32, #tpu.memory_space<vmem>>, vector<1x16xf32>,
    %swap3A_521 = vector.shape_cast %swap3A_520 : vector<1x16xf32> to vector<16xf32>
    %swap3A_522 = vector.shape_cast %broadcast_in_dim3A_1 : vector<16xf32> to vector<1x16xf32>
    tpu.vector_store %arg9[%swap3A_518, %swap3A_519], %swap3A_522 {strides = array<i32>} : memref<16x144xf32, #tpu.memory_space<vmem>>, vector<1x16xf32>,
    %swap3A_523 = arith.constant 9 : i32
    %swap3A_524 = arith.index_cast %swap3A_523 : i32 to index
    %swap3A_525 = arith.constant 96 : index
    %swap3A_526 = tpu.vector_load %arg9[%swap3A_524, %swap3A_525] {strides = array<i32>} : memref<16x144xf32, #tpu.memory_space<vmem>>, vector<1x16xf32>,
    %swap3A_527 = vector.shape_cast %swap3A_526 : vector<1x16xf32> to vector<16xf32>
    %swap3A_528 = vector.shape_cast %broadcast_in_dim3A_1 : vector<16xf32> to vector<1x16xf32>
    tpu.vector_store %arg9[%swap3A_524, %swap3A_525], %swap3A_528 {strides = array<i32>} : memref<16x144xf32, #tpu.memory_space<vmem>>, vector<1x16xf32>,
    %swap3A_529 = arith.constant 9 : i32
    %swap3A_530 = arith.index_cast %swap3A_529 : i32 to index
    %swap3A_531 = arith.constant 112 : index
    %swap3A_532 = tpu.vector_load %arg9[%swap3A_530, %swap3A_531] {strides = array<i32>} : memref<16x144xf32, #tpu.memory_space<vmem>>, vector<1x16xf32>,
    %swap3A_533 = vector.shape_cast %swap3A_532 : vector<1x16xf32> to vector<16xf32>
    %swap3A_534 = vector.shape_cast %broadcast_in_dim3A_1 : vector<16xf32> to vector<1x16xf32>
    tpu.vector_store %arg9[%swap3A_530, %swap3A_531], %swap3A_534 {strides = array<i32>} : memref<16x144xf32, #tpu.memory_space<vmem>>, vector<1x16xf32>,
    %swap3A_535 = arith.constant 9 : i32
    %swap3A_536 = arith.index_cast %swap3A_535 : i32 to index
    %swap3A_537 = arith.constant 128 : index
    %swap3A_538 = tpu.vector_load %arg9[%swap3A_536, %swap3A_537] {strides = array<i32>} : memref<16x144xf32, #tpu.memory_space<vmem>>, vector<1x16xf32>,
    %swap3A_539 = vector.shape_cast %swap3A_538 : vector<1x16xf32> to vector<16xf32>
    %swap3A_540 = vector.shape_cast %broadcast_in_dim3A_1 : vector<16xf32> to vector<1x16xf32>
    tpu.vector_store %arg9[%swap3A_536, %swap3A_537], %swap3A_540 {strides = array<i32>} : memref<16x144xf32, #tpu.memory_space<vmem>>, vector<1x16xf32>,
    %swap3A_541 = arith.constant 10 : i32
    %swap3A_542 = arith.index_cast %swap3A_541 : i32 to index
    %swap3A_543 = arith.constant 0 : index
    %swap3A_544 = tpu.vector_load %arg9[%swap3A_542, %swap3A_543] {strides = array<i32>} : memref<16x144xf32, #tpu.memory_space<vmem>>, vector<1x16xf32>,
    %swap3A_545 = vector.shape_cast %swap3A_544 : vector<1x16xf32> to vector<16xf32>
    %swap3A_546 = vector.shape_cast %broadcast_in_dim3A_1 : vector<16xf32> to vector<1x16xf32>
    tpu.vector_store %arg9[%swap3A_542, %swap3A_543], %swap3A_546 {strides = array<i32>} : memref<16x144xf32, #tpu.memory_space<vmem>>, vector<1x16xf32>,
    %swap3A_547 = arith.constant 10 : i32
    %swap3A_548 = arith.index_cast %swap3A_547 : i32 to index
    %swap3A_549 = arith.constant 16 : index
    %swap3A_550 = tpu.vector_load %arg9[%swap3A_548, %swap3A_549] {strides = array<i32>} : memref<16x144xf32, #tpu.memory_space<vmem>>, vector<1x16xf32>,
    %swap3A_551 = vector.shape_cast %swap3A_550 : vector<1x16xf32> to vector<16xf32>
    %swap3A_552 = vector.shape_cast %broadcast_in_dim3A_1 : vector<16xf32> to vector<1x16xf32>
    tpu.vector_store %arg9[%swap3A_548, %swap3A_549], %swap3A_552 {strides = array<i32>} : memref<16x144xf32, #tpu.memory_space<vmem>>, vector<1x16xf32>,
    %swap3A_553 = arith.constant 10 : i32
    %swap3A_554 = arith.index_cast %swap3A_553 : i32 to index
    %swap3A_555 = arith.constant 32 : index
    %swap3A_556 = tpu.vector_load %arg9[%swap3A_554, %swap3A_555] {strides = array<i32>} : memref<16x144xf32, #tpu.memory_space<vmem>>, vector<1x16xf32>,
    %swap3A_557 = vector.shape_cast %swap3A_556 : vector<1x16xf32> to vector<16xf32>
    %swap3A_558 = vector.shape_cast %broadcast_in_dim3A_1 : vector<16xf32> to vector<1x16xf32>
    tpu.vector_store %arg9[%swap3A_554, %swap3A_555], %swap3A_558 {strides = array<i32>} : memref<16x144xf32, #tpu.memory_space<vmem>>, vector<1x16xf32>,
    %swap3A_559 = arith.constant 10 : i32
    %swap3A_560 = arith.index_cast %swap3A_559 : i32 to index
    %swap3A_561 = arith.constant 48 : index
    %swap3A_562 = tpu.vector_load %arg9[%swap3A_560, %swap3A_561] {strides = array<i32>} : memref<16x144xf32, #tpu.memory_space<vmem>>, vector<1x16xf32>,
    %swap3A_563 = vector.shape_cast %swap3A_562 : vector<1x16xf32> to vector<16xf32>
    %swap3A_564 = vector.shape_cast %broadcast_in_dim3A_1 : vector<16xf32> to vector<1x16xf32>
    tpu.vector_store %arg9[%swap3A_560, %swap3A_561], %swap3A_564 {strides = array<i32>} : memref<16x144xf32, #tpu.memory_space<vmem>>, vector<1x16xf32>,
    %swap3A_565 = arith.constant 10 : i32
    %swap3A_566 = arith.index_cast %swap3A_565 : i32 to index
    %swap3A_567 = arith.constant 64 : index
    %swap3A_568 = tpu.vector_load %arg9[%swap3A_566, %swap3A_567] {strides = array<i32>} : memref<16x144xf32, #tpu.memory_space<vmem>>, vector<1x16xf32>,
    %swap3A_569 = vector.shape_cast %swap3A_568 : vector<1x16xf32> to vector<16xf32>
    %swap3A_570 = vector.shape_cast %broadcast_in_dim3A_1 : vector<16xf32> to vector<1x16xf32>
    tpu.vector_store %arg9[%swap3A_566, %swap3A_567], %swap3A_570 {strides = array<i32>} : memref<16x144xf32, #tpu.memory_space<vmem>>, vector<1x16xf32>,
    %swap3A_571 = arith.constant 10 : i32
    %swap3A_572 = arith.index_cast %swap3A_571 : i32 to index
    %swap3A_573 = arith.constant 80 : index
    %swap3A_574 = tpu.vector_load %arg9[%swap3A_572, %swap3A_573] {strides = array<i32>} : memref<16x144xf32, #tpu.memory_space<vmem>>, vector<1x16xf32>,
    %swap3A_575 = vector.shape_cast %swap3A_574 : vector<1x16xf32> to vector<16xf32>
    %swap3A_576 = vector.shape_cast %broadcast_in_dim3A_1 : vector<16xf32> to vector<1x16xf32>
    tpu.vector_store %arg9[%swap3A_572, %swap3A_573], %swap3A_576 {strides = array<i32>} : memref<16x144xf32, #tpu.memory_space<vmem>>, vector<1x16xf32>,
    %swap3A_577 = arith.constant 10 : i32
    %swap3A_578 = arith.index_cast %swap3A_577 : i32 to index
    %swap3A_579 = arith.constant 96 : index
    %swap3A_580 = tpu.vector_load %arg9[%swap3A_578, %swap3A_579] {strides = array<i32>} : memref<16x144xf32, #tpu.memory_space<vmem>>, vector<1x16xf32>,
    %swap3A_581 = vector.shape_cast %swap3A_580 : vector<1x16xf32> to vector<16xf32>
    %swap3A_582 = vector.shape_cast %broadcast_in_dim3A_1 : vector<16xf32> to vector<1x16xf32>
    tpu.vector_store %arg9[%swap3A_578, %swap3A_579], %swap3A_582 {strides = array<i32>} : memref<16x144xf32, #tpu.memory_space<vmem>>, vector<1x16xf32>,
    %swap3A_583 = arith.constant 10 : i32
    %swap3A_584 = arith.index_cast %swap3A_583 : i32 to index
    %swap3A_585 = arith.constant 112 : index
    %swap3A_586 = tpu.vector_load %arg9[%swap3A_584, %swap3A_585] {strides = array<i32>} : memref<16x144xf32, #tpu.memory_space<vmem>>, vector<1x16xf32>,
    %swap3A_587 = vector.shape_cast %swap3A_586 : vector<1x16xf32> to vector<16xf32>
    %swap3A_588 = vector.shape_cast %broadcast_in_dim3A_1 : vector<16xf32> to vector<1x16xf32>
    tpu.vector_store %arg9[%swap3A_584, %swap3A_585], %swap3A_588 {strides = array<i32>} : memref<16x144xf32, #tpu.memory_space<vmem>>, vector<1x16xf32>,
    %swap3A_589 = arith.constant 10 : i32
    %swap3A_590 = arith.index_cast %swap3A_589 : i32 to index
    %swap3A_591 = arith.constant 128 : index
    %swap3A_592 = tpu.vector_load %arg9[%swap3A_590, %swap3A_591] {strides = array<i32>} : memref<16x144xf32, #tpu.memory_space<vmem>>, vector<1x16xf32>,
    %swap3A_593 = vector.shape_cast %swap3A_592 : vector<1x16xf32> to vector<16xf32>
    %swap3A_594 = vector.shape_cast %broadcast_in_dim3A_1 : vector<16xf32> to vector<1x16xf32>
    tpu.vector_store %arg9[%swap3A_590, %swap3A_591], %swap3A_594 {strides = array<i32>} : memref<16x144xf32, #tpu.memory_space<vmem>>, vector<1x16xf32>,
    %swap3A_595 = arith.constant 11 : i32
    %swap3A_596 = arith.index_cast %swap3A_595 : i32 to index
    %swap3A_597 = arith.constant 0 : index
    %swap3A_598 = tpu.vector_load %arg9[%swap3A_596, %swap3A_597] {strides = array<i32>} : memref<16x144xf32, #tpu.memory_space<vmem>>, vector<1x16xf32>,
    %swap3A_599 = vector.shape_cast %swap3A_598 : vector<1x16xf32> to vector<16xf32>
    %swap3A_600 = vector.shape_cast %broadcast_in_dim3A_1 : vector<16xf32> to vector<1x16xf32>
    tpu.vector_store %arg9[%swap3A_596, %swap3A_597], %swap3A_600 {strides = array<i32>} : memref<16x144xf32, #tpu.memory_space<vmem>>, vector<1x16xf32>,
    %swap3A_601 = arith.constant 11 : i32
    %swap3A_602 = arith.index_cast %swap3A_601 : i32 to index
    %swap3A_603 = arith.constant 16 : index
    %swap3A_604 = tpu.vector_load %arg9[%swap3A_602, %swap3A_603] {strides = array<i32>} : memref<16x144xf32, #tpu.memory_space<vmem>>, vector<1x16xf32>,
    %swap3A_605 = vector.shape_cast %swap3A_604 : vector<1x16xf32> to vector<16xf32>
    %swap3A_606 = vector.shape_cast %broadcast_in_dim3A_1 : vector<16xf32> to vector<1x16xf32>
    tpu.vector_store %arg9[%swap3A_602, %swap3A_603], %swap3A_606 {strides = array<i32>} : memref<16x144xf32, #tpu.memory_space<vmem>>, vector<1x16xf32>,
    %swap3A_607 = arith.constant 11 : i32
    %swap3A_608 = arith.index_cast %swap3A_607 : i32 to index
    %swap3A_609 = arith.constant 32 : index
    %swap3A_610 = tpu.vector_load %arg9[%swap3A_608, %swap3A_609] {strides = array<i32>} : memref<16x144xf32, #tpu.memory_space<vmem>>, vector<1x16xf32>,
    %swap3A_611 = vector.shape_cast %swap3A_610 : vector<1x16xf32> to vector<16xf32>
    %swap3A_612 = vector.shape_cast %broadcast_in_dim3A_1 : vector<16xf32> to vector<1x16xf32>
    tpu.vector_store %arg9[%swap3A_608, %swap3A_609], %swap3A_612 {strides = array<i32>} : memref<16x144xf32, #tpu.memory_space<vmem>>, vector<1x16xf32>,
    %swap3A_613 = arith.constant 11 : i32
    %swap3A_614 = arith.index_cast %swap3A_613 : i32 to index
    %swap3A_615 = arith.constant 48 : index
    %swap3A_616 = tpu.vector_load %arg9[%swap3A_614, %swap3A_615] {strides = array<i32>} : memref<16x144xf32, #tpu.memory_space<vmem>>, vector<1x16xf32>,
    %swap3A_617 = vector.shape_cast %swap3A_616 : vector<1x16xf32> to vector<16xf32>
    %swap3A_618 = vector.shape_cast %broadcast_in_dim3A_1 : vector<16xf32> to vector<1x16xf32>
    tpu.vector_store %arg9[%swap3A_614, %swap3A_615], %swap3A_618 {strides = array<i32>} : memref<16x144xf32, #tpu.memory_space<vmem>>, vector<1x16xf32>,
    %swap3A_619 = arith.constant 11 : i32
    %swap3A_620 = arith.index_cast %swap3A_619 : i32 to index
    %swap3A_621 = arith.constant 64 : index
    %swap3A_622 = tpu.vector_load %arg9[%swap3A_620, %swap3A_621] {strides = array<i32>} : memref<16x144xf32, #tpu.memory_space<vmem>>, vector<1x16xf32>,
    %swap3A_623 = vector.shape_cast %swap3A_622 : vector<1x16xf32> to vector<16xf32>
    %swap3A_624 = vector.shape_cast %broadcast_in_dim3A_1 : vector<16xf32> to vector<1x16xf32>
    tpu.vector_store %arg9[%swap3A_620, %swap3A_621], %swap3A_624 {strides = array<i32>} : memref<16x144xf32, #tpu.memory_space<vmem>>, vector<1x16xf32>,
    %swap3A_625 = arith.constant 11 : i32
    %swap3A_626 = arith.index_cast %swap3A_625 : i32 to index
    %swap3A_627 = arith.constant 80 : index
    %swap3A_628 = tpu.vector_load %arg9[%swap3A_626, %swap3A_627] {strides = array<i32>} : memref<16x144xf32, #tpu.memory_space<vmem>>, vector<1x16xf32>,
    %swap3A_629 = vector.shape_cast %swap3A_628 : vector<1x16xf32> to vector<16xf32>
    %swap3A_630 = vector.shape_cast %broadcast_in_dim3A_1 : vector<16xf32> to vector<1x16xf32>
    tpu.vector_store %arg9[%swap3A_626, %swap3A_627], %swap3A_630 {strides = array<i32>} : memref<16x144xf32, #tpu.memory_space<vmem>>, vector<1x16xf32>,
    %swap3A_631 = arith.constant 11 : i32
    %swap3A_632 = arith.index_cast %swap3A_631 : i32 to index
    %swap3A_633 = arith.constant 96 : index
    %swap3A_634 = tpu.vector_load %arg9[%swap3A_632, %swap3A_633] {strides = array<i32>} : memref<16x144xf32, #tpu.memory_space<vmem>>, vector<1x16xf32>,
    %swap3A_635 = vector.shape_cast %swap3A_634 : vector<1x16xf32> to vector<16xf32>
    %swap3A_636 = vector.shape_cast %broadcast_in_dim3A_1 : vector<16xf32> to vector<1x16xf32>
    tpu.vector_store %arg9[%swap3A_632, %swap3A_633], %swap3A_636 {strides = array<i32>} : memref<16x144xf32, #tpu.memory_space<vmem>>, vector<1x16xf32>,
    %swap3A_637 = arith.constant 11 : i32
    %swap3A_638 = arith.index_cast %swap3A_637 : i32 to index
    %swap3A_639 = arith.constant 112 : index
    %swap3A_640 = tpu.vector_load %arg9[%swap3A_638, %swap3A_639] {strides = array<i32>} : memref<16x144xf32, #tpu.memory_space<vmem>>, vector<1x16xf32>,
    %swap3A_641 = vector.shape_cast %swap3A_640 : vector<1x16xf32> to vector<16xf32>
    %swap3A_642 = vector.shape_cast %broadcast_in_dim3A_1 : vector<16xf32> to vector<1x16xf32>
    tpu.vector_store %arg9[%swap3A_638, %swap3A_639], %swap3A_642 {strides = array<i32>} : memref<16x144xf32, #tpu.memory_space<vmem>>, vector<1x16xf32>,
    %swap3A_643 = arith.constant 11 : i32
    %swap3A_644 = arith.index_cast %swap3A_643 : i32 to index
    %swap3A_645 = arith.constant 128 : index
    %swap3A_646 = tpu.vector_load %arg9[%swap3A_644, %swap3A_645] {strides = array<i32>} : memref<16x144xf32, #tpu.memory_space<vmem>>, vector<1x16xf32>,
    %swap3A_647 = vector.shape_cast %swap3A_646 : vector<1x16xf32> to vector<16xf32>
    %swap3A_648 = vector.shape_cast %broadcast_in_dim3A_1 : vector<16xf32> to vector<1x16xf32>
    tpu.vector_store %arg9[%swap3A_644, %swap3A_645], %swap3A_648 {strides = array<i32>} : memref<16x144xf32, #tpu.memory_space<vmem>>, vector<1x16xf32>,
    %swap3A_649 = arith.constant 12 : i32
    %swap3A_650 = arith.index_cast %swap3A_649 : i32 to index
    %swap3A_651 = arith.constant 0 : index
    %swap3A_652 = tpu.vector_load %arg9[%swap3A_650, %swap3A_651] {strides = array<i32>} : memref<16x144xf32, #tpu.memory_space<vmem>>, vector<1x16xf32>,
    %swap3A_653 = vector.shape_cast %swap3A_652 : vector<1x16xf32> to vector<16xf32>
    %swap3A_654 = vector.shape_cast %broadcast_in_dim3A_1 : vector<16xf32> to vector<1x16xf32>
    tpu.vector_store %arg9[%swap3A_650, %swap3A_651], %swap3A_654 {strides = array<i32>} : memref<16x144xf32, #tpu.memory_space<vmem>>, vector<1x16xf32>,
    %swap3A_655 = arith.constant 12 : i32
    %swap3A_656 = arith.index_cast %swap3A_655 : i32 to index
    %swap3A_657 = arith.constant 16 : index
    %swap3A_658 = tpu.vector_load %arg9[%swap3A_656, %swap3A_657] {strides = array<i32>} : memref<16x144xf32, #tpu.memory_space<vmem>>, vector<1x16xf32>,
    %swap3A_659 = vector.shape_cast %swap3A_658 : vector<1x16xf32> to vector<16xf32>
    %swap3A_660 = vector.shape_cast %broadcast_in_dim3A_1 : vector<16xf32> to vector<1x16xf32>
    tpu.vector_store %arg9[%swap3A_656, %swap3A_657], %swap3A_660 {strides = array<i32>} : memref<16x144xf32, #tpu.memory_space<vmem>>, vector<1x16xf32>,
    %swap3A_661 = arith.constant 12 : i32
    %swap3A_662 = arith.index_cast %swap3A_661 : i32 to index
    %swap3A_663 = arith.constant 32 : index
    %swap3A_664 = tpu.vector_load %arg9[%swap3A_662, %swap3A_663] {strides = array<i32>} : memref<16x144xf32, #tpu.memory_space<vmem>>, vector<1x16xf32>,
    %swap3A_665 = vector.shape_cast %swap3A_664 : vector<1x16xf32> to vector<16xf32>
    %swap3A_666 = vector.shape_cast %broadcast_in_dim3A_1 : vector<16xf32> to vector<1x16xf32>
    tpu.vector_store %arg9[%swap3A_662, %swap3A_663], %swap3A_666 {strides = array<i32>} : memref<16x144xf32, #tpu.memory_space<vmem>>, vector<1x16xf32>,
    %swap3A_667 = arith.constant 12 : i32
    %swap3A_668 = arith.index_cast %swap3A_667 : i32 to index
    %swap3A_669 = arith.constant 48 : index
    %swap3A_670 = tpu.vector_load %arg9[%swap3A_668, %swap3A_669] {strides = array<i32>} : memref<16x144xf32, #tpu.memory_space<vmem>>, vector<1x16xf32>,
    %swap3A_671 = vector.shape_cast %swap3A_670 : vector<1x16xf32> to vector<16xf32>
    %swap3A_672 = vector.shape_cast %broadcast_in_dim3A_1 : vector<16xf32> to vector<1x16xf32>
    tpu.vector_store %arg9[%swap3A_668, %swap3A_669], %swap3A_672 {strides = array<i32>} : memref<16x144xf32, #tpu.memory_space<vmem>>, vector<1x16xf32>,
    %swap3A_673 = arith.constant 12 : i32
    %swap3A_674 = arith.index_cast %swap3A_673 : i32 to index
    %swap3A_675 = arith.constant 64 : index
    %swap3A_676 = tpu.vector_load %arg9[%swap3A_674, %swap3A_675] {strides = array<i32>} : memref<16x144xf32, #tpu.memory_space<vmem>>, vector<1x16xf32>,
    %swap3A_677 = vector.shape_cast %swap3A_676 : vector<1x16xf32> to vector<16xf32>
    %swap3A_678 = vector.shape_cast %broadcast_in_dim3A_1 : vector<16xf32> to vector<1x16xf32>
    tpu.vector_store %arg9[%swap3A_674, %swap3A_675], %swap3A_678 {strides = array<i32>} : memref<16x144xf32, #tpu.memory_space<vmem>>, vector<1x16xf32>,
    %swap3A_679 = arith.constant 12 : i32
    %swap3A_680 = arith.index_cast %swap3A_679 : i32 to index
    %swap3A_681 = arith.constant 80 : index
    %swap3A_682 = tpu.vector_load %arg9[%swap3A_680, %swap3A_681] {strides = array<i32>} : memref<16x144xf32, #tpu.memory_space<vmem>>, vector<1x16xf32>,
    %swap3A_683 = vector.shape_cast %swap3A_682 : vector<1x16xf32> to vector<16xf32>
    %swap3A_684 = vector.shape_cast %broadcast_in_dim3A_1 : vector<16xf32> to vector<1x16xf32>
    tpu.vector_store %arg9[%swap3A_680, %swap3A_681], %swap3A_684 {strides = array<i32>} : memref<16x144xf32, #tpu.memory_space<vmem>>, vector<1x16xf32>,
    %swap3A_685 = arith.constant 12 : i32
    %swap3A_686 = arith.index_cast %swap3A_685 : i32 to index
    %swap3A_687 = arith.constant 96 : index
    %swap3A_688 = tpu.vector_load %arg9[%swap3A_686, %swap3A_687] {strides = array<i32>} : memref<16x144xf32, #tpu.memory_space<vmem>>, vector<1x16xf32>,
    %swap3A_689 = vector.shape_cast %swap3A_688 : vector<1x16xf32> to vector<16xf32>
    %swap3A_690 = vector.shape_cast %broadcast_in_dim3A_1 : vector<16xf32> to vector<1x16xf32>
    tpu.vector_store %arg9[%swap3A_686, %swap3A_687], %swap3A_690 {strides = array<i32>} : memref<16x144xf32, #tpu.memory_space<vmem>>, vector<1x16xf32>,
    %swap3A_691 = arith.constant 12 : i32
    %swap3A_692 = arith.index_cast %swap3A_691 : i32 to index
    %swap3A_693 = arith.constant 112 : index
    %swap3A_694 = tpu.vector_load %arg9[%swap3A_692, %swap3A_693] {strides = array<i32>} : memref<16x144xf32, #tpu.memory_space<vmem>>, vector<1x16xf32>,
    %swap3A_695 = vector.shape_cast %swap3A_694 : vector<1x16xf32> to vector<16xf32>
    %swap3A_696 = vector.shape_cast %broadcast_in_dim3A_1 : vector<16xf32> to vector<1x16xf32>
    tpu.vector_store %arg9[%swap3A_692, %swap3A_693], %swap3A_696 {strides = array<i32>} : memref<16x144xf32, #tpu.memory_space<vmem>>, vector<1x16xf32>,
    %swap3A_697 = arith.constant 12 : i32
    %swap3A_698 = arith.index_cast %swap3A_697 : i32 to index
    %swap3A_699 = arith.constant 128 : index
    %swap3A_700 = tpu.vector_load %arg9[%swap3A_698, %swap3A_699] {strides = array<i32>} : memref<16x144xf32, #tpu.memory_space<vmem>>, vector<1x16xf32>,
    %swap3A_701 = vector.shape_cast %swap3A_700 : vector<1x16xf32> to vector<16xf32>
    %swap3A_702 = vector.shape_cast %broadcast_in_dim3A_1 : vector<16xf32> to vector<1x16xf32>
    tpu.vector_store %arg9[%swap3A_698, %swap3A_699], %swap3A_702 {strides = array<i32>} : memref<16x144xf32, #tpu.memory_space<vmem>>, vector<1x16xf32>,
    %swap3A_703 = arith.constant 13 : i32
    %swap3A_704 = arith.index_cast %swap3A_703 : i32 to index
    %swap3A_705 = arith.constant 0 : index
    %swap3A_706 = tpu.vector_load %arg9[%swap3A_704, %swap3A_705] {strides = array<i32>} : memref<16x144xf32, #tpu.memory_space<vmem>>, vector<1x16xf32>,
    %swap3A_707 = vector.shape_cast %swap3A_706 : vector<1x16xf32> to vector<16xf32>
    %swap3A_708 = vector.shape_cast %broadcast_in_dim3A_1 : vector<16xf32> to vector<1x16xf32>
    tpu.vector_store %arg9[%swap3A_704, %swap3A_705], %swap3A_708 {strides = array<i32>} : memref<16x144xf32, #tpu.memory_space<vmem>>, vector<1x16xf32>,
    %swap3A_709 = arith.constant 13 : i32
    %swap3A_710 = arith.index_cast %swap3A_709 : i32 to index
    %swap3A_711 = arith.constant 16 : index
    %swap3A_712 = tpu.vector_load %arg9[%swap3A_710, %swap3A_711] {strides = array<i32>} : memref<16x144xf32, #tpu.memory_space<vmem>>, vector<1x16xf32>,
    %swap3A_713 = vector.shape_cast %swap3A_712 : vector<1x16xf32> to vector<16xf32>
    %swap3A_714 = vector.shape_cast %broadcast_in_dim3A_1 : vector<16xf32> to vector<1x16xf32>
    tpu.vector_store %arg9[%swap3A_710, %swap3A_711], %swap3A_714 {strides = array<i32>} : memref<16x144xf32, #tpu.memory_space<vmem>>, vector<1x16xf32>,
    %swap3A_715 = arith.constant 13 : i32
    %swap3A_716 = arith.index_cast %swap3A_715 : i32 to index
    %swap3A_717 = arith.constant 32 : index
    %swap3A_718 = tpu.vector_load %arg9[%swap3A_716, %swap3A_717] {strides = array<i32>} : memref<16x144xf32, #tpu.memory_space<vmem>>, vector<1x16xf32>,
    %swap3A_719 = vector.shape_cast %swap3A_718 : vector<1x16xf32> to vector<16xf32>
    %swap3A_720 = vector.shape_cast %broadcast_in_dim3A_1 : vector<16xf32> to vector<1x16xf32>
    tpu.vector_store %arg9[%swap3A_716, %swap3A_717], %swap3A_720 {strides = array<i32>} : memref<16x144xf32, #tpu.memory_space<vmem>>, vector<1x16xf32>,
    %swap3A_721 = arith.constant 13 : i32
    %swap3A_722 = arith.index_cast %swap3A_721 : i32 to index
    %swap3A_723 = arith.constant 48 : index
    %swap3A_724 = tpu.vector_load %arg9[%swap3A_722, %swap3A_723] {strides = array<i32>} : memref<16x144xf32, #tpu.memory_space<vmem>>, vector<1x16xf32>,
    %swap3A_725 = vector.shape_cast %swap3A_724 : vector<1x16xf32> to vector<16xf32>
    %swap3A_726 = vector.shape_cast %broadcast_in_dim3A_1 : vector<16xf32> to vector<1x16xf32>
    tpu.vector_store %arg9[%swap3A_722, %swap3A_723], %swap3A_726 {strides = array<i32>} : memref<16x144xf32, #tpu.memory_space<vmem>>, vector<1x16xf32>,
    %swap3A_727 = arith.constant 13 : i32
    %swap3A_728 = arith.index_cast %swap3A_727 : i32 to index
    %swap3A_729 = arith.constant 64 : index
    %swap3A_730 = tpu.vector_load %arg9[%swap3A_728, %swap3A_729] {strides = array<i32>} : memref<16x144xf32, #tpu.memory_space<vmem>>, vector<1x16xf32>,
    %swap3A_731 = vector.shape_cast %swap3A_730 : vector<1x16xf32> to vector<16xf32>
    %swap3A_732 = vector.shape_cast %broadcast_in_dim3A_1 : vector<16xf32> to vector<1x16xf32>
    tpu.vector_store %arg9[%swap3A_728, %swap3A_729], %swap3A_732 {strides = array<i32>} : memref<16x144xf32, #tpu.memory_space<vmem>>, vector<1x16xf32>,
    %swap3A_733 = arith.constant 13 : i32
    %swap3A_734 = arith.index_cast %swap3A_733 : i32 to index
    %swap3A_735 = arith.constant 80 : index
    %swap3A_736 = tpu.vector_load %arg9[%swap3A_734, %swap3A_735] {strides = array<i32>} : memref<16x144xf32, #tpu.memory_space<vmem>>, vector<1x16xf32>,
    %swap3A_737 = vector.shape_cast %swap3A_736 : vector<1x16xf32> to vector<16xf32>
    %swap3A_738 = vector.shape_cast %broadcast_in_dim3A_1 : vector<16xf32> to vector<1x16xf32>
    tpu.vector_store %arg9[%swap3A_734, %swap3A_735], %swap3A_738 {strides = array<i32>} : memref<16x144xf32, #tpu.memory_space<vmem>>, vector<1x16xf32>,
    %swap3A_739 = arith.constant 13 : i32
    %swap3A_740 = arith.index_cast %swap3A_739 : i32 to index
    %swap3A_741 = arith.constant 96 : index
    %swap3A_742 = tpu.vector_load %arg9[%swap3A_740, %swap3A_741] {strides = array<i32>} : memref<16x144xf32, #tpu.memory_space<vmem>>, vector<1x16xf32>,
    %swap3A_743 = vector.shape_cast %swap3A_742 : vector<1x16xf32> to vector<16xf32>
    %swap3A_744 = vector.shape_cast %broadcast_in_dim3A_1 : vector<16xf32> to vector<1x16xf32>
    tpu.vector_store %arg9[%swap3A_740, %swap3A_741], %swap3A_744 {strides = array<i32>} : memref<16x144xf32, #tpu.memory_space<vmem>>, vector<1x16xf32>,
    %swap3A_745 = arith.constant 13 : i32
    %swap3A_746 = arith.index_cast %swap3A_745 : i32 to index
    %swap3A_747 = arith.constant 112 : index
    %swap3A_748 = tpu.vector_load %arg9[%swap3A_746, %swap3A_747] {strides = array<i32>} : memref<16x144xf32, #tpu.memory_space<vmem>>, vector<1x16xf32>,
    %swap3A_749 = vector.shape_cast %swap3A_748 : vector<1x16xf32> to vector<16xf32>
    %swap3A_750 = vector.shape_cast %broadcast_in_dim3A_1 : vector<16xf32> to vector<1x16xf32>
    tpu.vector_store %arg9[%swap3A_746, %swap3A_747], %swap3A_750 {strides = array<i32>} : memref<16x144xf32, #tpu.memory_space<vmem>>, vector<1x16xf32>,
    %swap3A_751 = arith.constant 13 : i32
    %swap3A_752 = arith.index_cast %swap3A_751 : i32 to index
    %swap3A_753 = arith.constant 128 : index
    %swap3A_754 = tpu.vector_load %arg9[%swap3A_752, %swap3A_753] {strides = array<i32>} : memref<16x144xf32, #tpu.memory_space<vmem>>, vector<1x16xf32>,
    %swap3A_755 = vector.shape_cast %swap3A_754 : vector<1x16xf32> to vector<16xf32>
    %swap3A_756 = vector.shape_cast %broadcast_in_dim3A_1 : vector<16xf32> to vector<1x16xf32>
    tpu.vector_store %arg9[%swap3A_752, %swap3A_753], %swap3A_756 {strides = array<i32>} : memref<16x144xf32, #tpu.memory_space<vmem>>, vector<1x16xf32>,
    %swap3A_757 = arith.constant 14 : i32
    %swap3A_758 = arith.index_cast %swap3A_757 : i32 to index
    %swap3A_759 = arith.constant 0 : index
    %swap3A_760 = tpu.vector_load %arg9[%swap3A_758, %swap3A_759] {strides = array<i32>} : memref<16x144xf32, #tpu.memory_space<vmem>>, vector<1x16xf32>,
    %swap3A_761 = vector.shape_cast %swap3A_760 : vector<1x16xf32> to vector<16xf32>
    %swap3A_762 = vector.shape_cast %broadcast_in_dim3A_1 : vector<16xf32> to vector<1x16xf32>
    tpu.vector_store %arg9[%swap3A_758, %swap3A_759], %swap3A_762 {strides = array<i32>} : memref<16x144xf32, #tpu.memory_space<vmem>>, vector<1x16xf32>,
    %swap3A_763 = arith.constant 14 : i32
    %swap3A_764 = arith.index_cast %swap3A_763 : i32 to index
    %swap3A_765 = arith.constant 16 : index
    %swap3A_766 = tpu.vector_load %arg9[%swap3A_764, %swap3A_765] {strides = array<i32>} : memref<16x144xf32, #tpu.memory_space<vmem>>, vector<1x16xf32>,
    %swap3A_767 = vector.shape_cast %swap3A_766 : vector<1x16xf32> to vector<16xf32>
    %swap3A_768 = vector.shape_cast %broadcast_in_dim3A_1 : vector<16xf32> to vector<1x16xf32>
    tpu.vector_store %arg9[%swap3A_764, %swap3A_765], %swap3A_768 {strides = array<i32>} : memref<16x144xf32, #tpu.memory_space<vmem>>, vector<1x16xf32>,
    %swap3A_769 = arith.constant 14 : i32
    %swap3A_770 = arith.index_cast %swap3A_769 : i32 to index
    %swap3A_771 = arith.constant 32 : index
    %swap3A_772 = tpu.vector_load %arg9[%swap3A_770, %swap3A_771] {strides = array<i32>} : memref<16x144xf32, #tpu.memory_space<vmem>>, vector<1x16xf32>,
    %swap3A_773 = vector.shape_cast %swap3A_772 : vector<1x16xf32> to vector<16xf32>
    %swap3A_774 = vector.shape_cast %broadcast_in_dim3A_1 : vector<16xf32> to vector<1x16xf32>
    tpu.vector_store %arg9[%swap3A_770, %swap3A_771], %swap3A_774 {strides = array<i32>} : memref<16x144xf32, #tpu.memory_space<vmem>>, vector<1x16xf32>,
    %swap3A_775 = arith.constant 14 : i32
    %swap3A_776 = arith.index_cast %swap3A_775 : i32 to index
    %swap3A_777 = arith.constant 48 : index
    %swap3A_778 = tpu.vector_load %arg9[%swap3A_776, %swap3A_777] {strides = array<i32>} : memref<16x144xf32, #tpu.memory_space<vmem>>, vector<1x16xf32>,
    %swap3A_779 = vector.shape_cast %swap3A_778 : vector<1x16xf32> to vector<16xf32>
    %swap3A_780 = vector.shape_cast %broadcast_in_dim3A_1 : vector<16xf32> to vector<1x16xf32>
    tpu.vector_store %arg9[%swap3A_776, %swap3A_777], %swap3A_780 {strides = array<i32>} : memref<16x144xf32, #tpu.memory_space<vmem>>, vector<1x16xf32>,
    %swap3A_781 = arith.constant 14 : i32
    %swap3A_782 = arith.index_cast %swap3A_781 : i32 to index
    %swap3A_783 = arith.constant 64 : index
    %swap3A_784 = tpu.vector_load %arg9[%swap3A_782, %swap3A_783] {strides = array<i32>} : memref<16x144xf32, #tpu.memory_space<vmem>>, vector<1x16xf32>,
    %swap3A_785 = vector.shape_cast %swap3A_784 : vector<1x16xf32> to vector<16xf32>
    %swap3A_786 = vector.shape_cast %broadcast_in_dim3A_1 : vector<16xf32> to vector<1x16xf32>
    tpu.vector_store %arg9[%swap3A_782, %swap3A_783], %swap3A_786 {strides = array<i32>} : memref<16x144xf32, #tpu.memory_space<vmem>>, vector<1x16xf32>,
    %swap3A_787 = arith.constant 14 : i32
    %swap3A_788 = arith.index_cast %swap3A_787 : i32 to index
    %swap3A_789 = arith.constant 80 : index
    %swap3A_790 = tpu.vector_load %arg9[%swap3A_788, %swap3A_789] {strides = array<i32>} : memref<16x144xf32, #tpu.memory_space<vmem>>, vector<1x16xf32>,
    %swap3A_791 = vector.shape_cast %swap3A_790 : vector<1x16xf32> to vector<16xf32>
    %swap3A_792 = vector.shape_cast %broadcast_in_dim3A_1 : vector<16xf32> to vector<1x16xf32>
    tpu.vector_store %arg9[%swap3A_788, %swap3A_789], %swap3A_792 {strides = array<i32>} : memref<16x144xf32, #tpu.memory_space<vmem>>, vector<1x16xf32>,
    %swap3A_793 = arith.constant 14 : i32
    %swap3A_794 = arith.index_cast %swap3A_793 : i32 to index
    %swap3A_795 = arith.constant 96 : index
    %swap3A_796 = tpu.vector_load %arg9[%swap3A_794, %swap3A_795] {strides = array<i32>} : memref<16x144xf32, #tpu.memory_space<vmem>>, vector<1x16xf32>,
    %swap3A_797 = vector.shape_cast %swap3A_796 : vector<1x16xf32> to vector<16xf32>
    %swap3A_798 = vector.shape_cast %broadcast_in_dim3A_1 : vector<16xf32> to vector<1x16xf32>
    tpu.vector_store %arg9[%swap3A_794, %swap3A_795], %swap3A_798 {strides = array<i32>} : memref<16x144xf32, #tpu.memory_space<vmem>>, vector<1x16xf32>,
    %swap3A_799 = arith.constant 14 : i32
    %swap3A_800 = arith.index_cast %swap3A_799 : i32 to index
    %swap3A_801 = arith.constant 112 : index
    %swap3A_802 = tpu.vector_load %arg9[%swap3A_800, %swap3A_801] {strides = array<i32>} : memref<16x144xf32, #tpu.memory_space<vmem>>, vector<1x16xf32>,
    %swap3A_803 = vector.shape_cast %swap3A_802 : vector<1x16xf32> to vector<16xf32>
    %swap3A_804 = vector.shape_cast %broadcast_in_dim3A_1 : vector<16xf32> to vector<1x16xf32>
    tpu.vector_store %arg9[%swap3A_800, %swap3A_801], %swap3A_804 {strides = array<i32>} : memref<16x144xf32, #tpu.memory_space<vmem>>, vector<1x16xf32>,
    %swap3A_805 = arith.constant 14 : i32
    %swap3A_806 = arith.index_cast %swap3A_805 : i32 to index
    %swap3A_807 = arith.constant 128 : index
    %swap3A_808 = tpu.vector_load %arg9[%swap3A_806, %swap3A_807] {strides = array<i32>} : memref<16x144xf32, #tpu.memory_space<vmem>>, vector<1x16xf32>,
    %swap3A_809 = vector.shape_cast %swap3A_808 : vector<1x16xf32> to vector<16xf32>
    %swap3A_810 = vector.shape_cast %broadcast_in_dim3A_1 : vector<16xf32> to vector<1x16xf32>
    tpu.vector_store %arg9[%swap3A_806, %swap3A_807], %swap3A_810 {strides = array<i32>} : memref<16x144xf32, #tpu.memory_space<vmem>>, vector<1x16xf32>,
    %swap3A_811 = arith.constant 15 : i32
    %swap3A_812 = arith.index_cast %swap3A_811 : i32 to index
    %swap3A_813 = arith.constant 0 : index
    %swap3A_814 = tpu.vector_load %arg9[%swap3A_812, %swap3A_813] {strides = array<i32>} : memref<16x144xf32, #tpu.memory_space<vmem>>, vector<1x16xf32>,
    %swap3A_815 = vector.shape_cast %swap3A_814 : vector<1x16xf32> to vector<16xf32>
    %swap3A_816 = vector.shape_cast %broadcast_in_dim3A_1 : vector<16xf32> to vector<1x16xf32>
    tpu.vector_store %arg9[%swap3A_812, %swap3A_813], %swap3A_816 {strides = array<i32>} : memref<16x144xf32, #tpu.memory_space<vmem>>, vector<1x16xf32>,
    %swap3A_817 = arith.constant 15 : i32
    %swap3A_818 = arith.index_cast %swap3A_817 : i32 to index
    %swap3A_819 = arith.constant 16 : index
    %swap3A_820 = tpu.vector_load %arg9[%swap3A_818, %swap3A_819] {strides = array<i32>} : memref<16x144xf32, #tpu.memory_space<vmem>>, vector<1x16xf32>,
    %swap3A_821 = vector.shape_cast %swap3A_820 : vector<1x16xf32> to vector<16xf32>
    %swap3A_822 = vector.shape_cast %broadcast_in_dim3A_1 : vector<16xf32> to vector<1x16xf32>
    tpu.vector_store %arg9[%swap3A_818, %swap3A_819], %swap3A_822 {strides = array<i32>} : memref<16x144xf32, #tpu.memory_space<vmem>>, vector<1x16xf32>,
    %swap3A_823 = arith.constant 15 : i32
    %swap3A_824 = arith.index_cast %swap3A_823 : i32 to index
    %swap3A_825 = arith.constant 32 : index
    %swap3A_826 = tpu.vector_load %arg9[%swap3A_824, %swap3A_825] {strides = array<i32>} : memref<16x144xf32, #tpu.memory_space<vmem>>, vector<1x16xf32>,
    %swap3A_827 = vector.shape_cast %swap3A_826 : vector<1x16xf32> to vector<16xf32>
    %swap3A_828 = vector.shape_cast %broadcast_in_dim3A_1 : vector<16xf32> to vector<1x16xf32>
    tpu.vector_store %arg9[%swap3A_824, %swap3A_825], %swap3A_828 {strides = array<i32>} : memref<16x144xf32, #tpu.memory_space<vmem>>, vector<1x16xf32>,
    %swap3A_829 = arith.constant 15 : i32
    %swap3A_830 = arith.index_cast %swap3A_829 : i32 to index
    %swap3A_831 = arith.constant 48 : index
    %swap3A_832 = tpu.vector_load %arg9[%swap3A_830, %swap3A_831] {strides = array<i32>} : memref<16x144xf32, #tpu.memory_space<vmem>>, vector<1x16xf32>,
    %swap3A_833 = vector.shape_cast %swap3A_832 : vector<1x16xf32> to vector<16xf32>
    %swap3A_834 = vector.shape_cast %broadcast_in_dim3A_1 : vector<16xf32> to vector<1x16xf32>
    tpu.vector_store %arg9[%swap3A_830, %swap3A_831], %swap3A_834 {strides = array<i32>} : memref<16x144xf32, #tpu.memory_space<vmem>>, vector<1x16xf32>,
    %swap3A_835 = arith.constant 15 : i32
    %swap3A_836 = arith.index_cast %swap3A_835 : i32 to index
    %swap3A_837 = arith.constant 64 : index
    %swap3A_838 = tpu.vector_load %arg9[%swap3A_836, %swap3A_837] {strides = array<i32>} : memref<16x144xf32, #tpu.memory_space<vmem>>, vector<1x16xf32>,
    %swap3A_839 = vector.shape_cast %swap3A_838 : vector<1x16xf32> to vector<16xf32>
    %swap3A_840 = vector.shape_cast %broadcast_in_dim3A_1 : vector<16xf32> to vector<1x16xf32>
    tpu.vector_store %arg9[%swap3A_836, %swap3A_837], %swap3A_840 {strides = array<i32>} : memref<16x144xf32, #tpu.memory_space<vmem>>, vector<1x16xf32>,
    %swap3A_841 = arith.constant 15 : i32
    %swap3A_842 = arith.index_cast %swap3A_841 : i32 to index
    %swap3A_843 = arith.constant 80 : index
    %swap3A_844 = tpu.vector_load %arg9[%swap3A_842, %swap3A_843] {strides = array<i32>} : memref<16x144xf32, #tpu.memory_space<vmem>>, vector<1x16xf32>,
    %swap3A_845 = vector.shape_cast %swap3A_844 : vector<1x16xf32> to vector<16xf32>
    %swap3A_846 = vector.shape_cast %broadcast_in_dim3A_1 : vector<16xf32> to vector<1x16xf32>
    tpu.vector_store %arg9[%swap3A_842, %swap3A_843], %swap3A_846 {strides = array<i32>} : memref<16x144xf32, #tpu.memory_space<vmem>>, vector<1x16xf32>,
    %swap3A_847 = arith.constant 15 : i32
    %swap3A_848 = arith.index_cast %swap3A_847 : i32 to index
    %swap3A_849 = arith.constant 96 : index
    %swap3A_850 = tpu.vector_load %arg9[%swap3A_848, %swap3A_849] {strides = array<i32>} : memref<16x144xf32, #tpu.memory_space<vmem>>, vector<1x16xf32>,
    %swap3A_851 = vector.shape_cast %swap3A_850 : vector<1x16xf32> to vector<16xf32>
    %swap3A_852 = vector.shape_cast %broadcast_in_dim3A_1 : vector<16xf32> to vector<1x16xf32>
    tpu.vector_store %arg9[%swap3A_848, %swap3A_849], %swap3A_852 {strides = array<i32>} : memref<16x144xf32, #tpu.memory_space<vmem>>, vector<1x16xf32>,
    %swap3A_853 = arith.constant 15 : i32
    %swap3A_854 = arith.index_cast %swap3A_853 : i32 to index
    %swap3A_855 = arith.constant 112 : index
    %swap3A_856 = tpu.vector_load %arg9[%swap3A_854, %swap3A_855] {strides = array<i32>} : memref<16x144xf32, #tpu.memory_space<vmem>>, vector<1x16xf32>,
    %swap3A_857 = vector.shape_cast %swap3A_856 : vector<1x16xf32> to vector<16xf32>
    %swap3A_858 = vector.shape_cast %broadcast_in_dim3A_1 : vector<16xf32> to vector<1x16xf32>
    tpu.vector_store %arg9[%swap3A_854, %swap3A_855], %swap3A_858 {strides = array<i32>} : memref<16x144xf32, #tpu.memory_space<vmem>>, vector<1x16xf32>,
    %swap3A_859 = arith.constant 15 : i32
    %swap3A_860 = arith.index_cast %swap3A_859 : i32 to index
    %swap3A_861 = arith.constant 128 : index
    %swap3A_862 = tpu.vector_load %arg9[%swap3A_860, %swap3A_861] {strides = array<i32>} : memref<16x144xf32, #tpu.memory_space<vmem>>, vector<1x16xf32>,
    %swap3A_863 = vector.shape_cast %swap3A_862 : vector<1x16xf32> to vector<16xf32>
    %swap3A_864 = vector.shape_cast %broadcast_in_dim3A_1 : vector<16xf32> to vector<1x16xf32>
    tpu.vector_store %arg9[%swap3A_860, %swap3A_861], %swap3A_864 {strides = array<i32>} : memref<16x144xf32, #tpu.memory_space<vmem>>, vector<1x16xf32>,
    %mul3A_865 = arith.constant 640 : i32
    %mul3A_866 = arith.muli %arg1, %mul3A_865 : i32
    %add3A_867 = arith.constant 0 : i32
    %add3A_868 = arith.addi %mul3A_866, %add3A_867 : i32
    "tpu.region"() ({
      %run_scoped3A = tpu.sem_alloc : memref<!tpu.dma_semaphore, #tpu.memory_space<semaphore_mem>>
      %dma_start3A = arith.constant 0 : i32
      %dma_start3A_963 = tpu.memref_slice %arg10[%add3A_868, %dma_start3A] : memref<10240x144xf32, #tpu.memory_space<vmem_shared>> -> memref<16x144xf32, #tpu.memory_space<vmem_shared>>
      %dma_start3A_964 = arith.constant 0 : i32
      %dma_start3A_965 = tpu.memref_slice %arg10[%add3A_868, %dma_start3A_964] : memref<10240x144xf32, #tpu.memory_space<vmem_shared>> -> memref<16x144xf32, #tpu.memory_space<vmem_shared>>
      tpu.enqueue_dma source(%arg9 : memref<16x144xf32, #tpu.memory_space<vmem>>) target(%dma_start3A_965 : memref<16x144xf32, #tpu.memory_space<vmem_shared>>) target_semaphore(%run_scoped3A : memref<!tpu.dma_semaphore, #tpu.memory_space<semaphore_mem>>)
      %dma_wait3A = arith.constant 0 : i32
      %dma_wait3A_966 = tpu.memref_slice %arg10[%add3A_868, %dma_wait3A] : memref<10240x144xf32, #tpu.memory_space<vmem_shared>> -> memref<16x144xf32, #tpu.memory_space<vmem_shared>>
      %dma_wait3A_967 = arith.constant 0 : i32
      %dma_wait3A_968 = tpu.memref_slice %arg10[%add3A_868, %dma_wait3A_967] : memref<10240x144xf32, #tpu.memory_space<vmem_shared>> -> memref<16x144xf32, #tpu.memory_space<vmem_shared>>
      tpu.wait_dma2 semaphore(%run_scoped3A : memref<!tpu.dma_semaphore, #tpu.memory_space<semaphore_mem>>) src(%arg9 : memref<16x144xf32, #tpu.memory_space<vmem>>) dst(%dma_wait3A_968 : memref<16x144xf32, #tpu.memory_space<vmem_shared>>)
      tpu.yield
    }) : () -> ()
    %add3A_869 = arith.constant 16 : i32
    %add3A_870 = arith.addi %mul3A_866, %add3A_869 : i32
    "tpu.region"() ({
      %run_scoped3A = tpu.sem_alloc : memref<!tpu.dma_semaphore, #tpu.memory_space<semaphore_mem>>
      %dma_start3A = arith.constant 0 : i32
      %dma_start3A_963 = tpu.memref_slice %arg10[%add3A_870, %dma_start3A] : memref<10240x144xf32, #tpu.memory_space<vmem_shared>> -> memref<16x144xf32, #tpu.memory_space<vmem_shared>>
      %dma_start3A_964 = arith.constant 0 : i32
      %dma_start3A_965 = tpu.memref_slice %arg10[%add3A_870, %dma_start3A_964] : memref<10240x144xf32, #tpu.memory_space<vmem_shared>> -> memref<16x144xf32, #tpu.memory_space<vmem_shared>>
      tpu.enqueue_dma source(%arg9 : memref<16x144xf32, #tpu.memory_space<vmem>>) target(%dma_start3A_965 : memref<16x144xf32, #tpu.memory_space<vmem_shared>>) target_semaphore(%run_scoped3A : memref<!tpu.dma_semaphore, #tpu.memory_space<semaphore_mem>>)
      %dma_wait3A = arith.constant 0 : i32
      %dma_wait3A_966 = tpu.memref_slice %arg10[%add3A_870, %dma_wait3A] : memref<10240x144xf32, #tpu.memory_space<vmem_shared>> -> memref<16x144xf32, #tpu.memory_space<vmem_shared>>
      %dma_wait3A_967 = arith.constant 0 : i32
      %dma_wait3A_968 = tpu.memref_slice %arg10[%add3A_870, %dma_wait3A_967] : memref<10240x144xf32, #tpu.memory_space<vmem_shared>> -> memref<16x144xf32, #tpu.memory_space<vmem_shared>>
      tpu.wait_dma2 semaphore(%run_scoped3A : memref<!tpu.dma_semaphore, #tpu.memory_space<semaphore_mem>>) src(%arg9 : memref<16x144xf32, #tpu.memory_space<vmem>>) dst(%dma_wait3A_968 : memref<16x144xf32, #tpu.memory_space<vmem_shared>>)
      tpu.yield
    }) : () -> ()
    %add3A_871 = arith.constant 32 : i32
    %add3A_872 = arith.addi %mul3A_866, %add3A_871 : i32
    "tpu.region"() ({
      %run_scoped3A = tpu.sem_alloc : memref<!tpu.dma_semaphore, #tpu.memory_space<semaphore_mem>>
      %dma_start3A = arith.constant 0 : i32
      %dma_start3A_963 = tpu.memref_slice %arg10[%add3A_872, %dma_start3A] : memref<10240x144xf32, #tpu.memory_space<vmem_shared>> -> memref<16x144xf32, #tpu.memory_space<vmem_shared>>
      %dma_start3A_964 = arith.constant 0 : i32
      %dma_start3A_965 = tpu.memref_slice %arg10[%add3A_872, %dma_start3A_964] : memref<10240x144xf32, #tpu.memory_space<vmem_shared>> -> memref<16x144xf32, #tpu.memory_space<vmem_shared>>
      tpu.enqueue_dma source(%arg9 : memref<16x144xf32, #tpu.memory_space<vmem>>) target(%dma_start3A_965 : memref<16x144xf32, #tpu.memory_space<vmem_shared>>) target_semaphore(%run_scoped3A : memref<!tpu.dma_semaphore, #tpu.memory_space<semaphore_mem>>)
      %dma_wait3A = arith.constant 0 : i32
      %dma_wait3A_966 = tpu.memref_slice %arg10[%add3A_872, %dma_wait3A] : memref<10240x144xf32, #tpu.memory_space<vmem_shared>> -> memref<16x144xf32, #tpu.memory_space<vmem_shared>>
      %dma_wait3A_967 = arith.constant 0 : i32
      %dma_wait3A_968 = tpu.memref_slice %arg10[%add3A_872, %dma_wait3A_967] : memref<10240x144xf32, #tpu.memory_space<vmem_shared>> -> memref<16x144xf32, #tpu.memory_space<vmem_shared>>
      tpu.wait_dma2 semaphore(%run_scoped3A : memref<!tpu.dma_semaphore, #tpu.memory_space<semaphore_mem>>) src(%arg9 : memref<16x144xf32, #tpu.memory_space<vmem>>) dst(%dma_wait3A_968 : memref<16x144xf32, #tpu.memory_space<vmem_shared>>)
      tpu.yield
    }) : () -> ()
    %add3A_873 = arith.constant 48 : i32
    %add3A_874 = arith.addi %mul3A_866, %add3A_873 : i32
    "tpu.region"() ({
      %run_scoped3A = tpu.sem_alloc : memref<!tpu.dma_semaphore, #tpu.memory_space<semaphore_mem>>
      %dma_start3A = arith.constant 0 : i32
      %dma_start3A_963 = tpu.memref_slice %arg10[%add3A_874, %dma_start3A] : memref<10240x144xf32, #tpu.memory_space<vmem_shared>> -> memref<16x144xf32, #tpu.memory_space<vmem_shared>>
      %dma_start3A_964 = arith.constant 0 : i32
      %dma_start3A_965 = tpu.memref_slice %arg10[%add3A_874, %dma_start3A_964] : memref<10240x144xf32, #tpu.memory_space<vmem_shared>> -> memref<16x144xf32, #tpu.memory_space<vmem_shared>>
      tpu.enqueue_dma source(%arg9 : memref<16x144xf32, #tpu.memory_space<vmem>>) target(%dma_start3A_965 : memref<16x144xf32, #tpu.memory_space<vmem_shared>>) target_semaphore(%run_scoped3A : memref<!tpu.dma_semaphore, #tpu.memory_space<semaphore_mem>>)
      %dma_wait3A = arith.constant 0 : i32
      %dma_wait3A_966 = tpu.memref_slice %arg10[%add3A_874, %dma_wait3A] : memref<10240x144xf32, #tpu.memory_space<vmem_shared>> -> memref<16x144xf32, #tpu.memory_space<vmem_shared>>
      %dma_wait3A_967 = arith.constant 0 : i32
      %dma_wait3A_968 = tpu.memref_slice %arg10[%add3A_874, %dma_wait3A_967] : memref<10240x144xf32, #tpu.memory_space<vmem_shared>> -> memref<16x144xf32, #tpu.memory_space<vmem_shared>>
      tpu.wait_dma2 semaphore(%run_scoped3A : memref<!tpu.dma_semaphore, #tpu.memory_space<semaphore_mem>>) src(%arg9 : memref<16x144xf32, #tpu.memory_space<vmem>>) dst(%dma_wait3A_968 : memref<16x144xf32, #tpu.memory_space<vmem_shared>>)
      tpu.yield
    }) : () -> ()
    %add3A_875 = arith.constant 64 : i32
    %add3A_876 = arith.addi %mul3A_866, %add3A_875 : i32
    "tpu.region"() ({
      %run_scoped3A = tpu.sem_alloc : memref<!tpu.dma_semaphore, #tpu.memory_space<semaphore_mem>>
      %dma_start3A = arith.constant 0 : i32
      %dma_start3A_963 = tpu.memref_slice %arg10[%add3A_876, %dma_start3A] : memref<10240x144xf32, #tpu.memory_space<vmem_shared>> -> memref<16x144xf32, #tpu.memory_space<vmem_shared>>
      %dma_start3A_964 = arith.constant 0 : i32
      %dma_start3A_965 = tpu.memref_slice %arg10[%add3A_876, %dma_start3A_964] : memref<10240x144xf32, #tpu.memory_space<vmem_shared>> -> memref<16x144xf32, #tpu.memory_space<vmem_shared>>
      tpu.enqueue_dma source(%arg9 : memref<16x144xf32, #tpu.memory_space<vmem>>) target(%dma_start3A_965 : memref<16x144xf32, #tpu.memory_space<vmem_shared>>) target_semaphore(%run_scoped3A : memref<!tpu.dma_semaphore, #tpu.memory_space<semaphore_mem>>)
      %dma_wait3A = arith.constant 0 : i32
      %dma_wait3A_966 = tpu.memref_slice %arg10[%add3A_876, %dma_wait3A] : memref<10240x144xf32, #tpu.memory_space<vmem_shared>> -> memref<16x144xf32, #tpu.memory_space<vmem_shared>>
      %dma_wait3A_967 = arith.constant 0 : i32
      %dma_wait3A_968 = tpu.memref_slice %arg10[%add3A_876, %dma_wait3A_967] : memref<10240x144xf32, #tpu.memory_space<vmem_shared>> -> memref<16x144xf32, #tpu.memory_space<vmem_shared>>
      tpu.wait_dma2 semaphore(%run_scoped3A : memref<!tpu.dma_semaphore, #tpu.memory_space<semaphore_mem>>) src(%arg9 : memref<16x144xf32, #tpu.memory_space<vmem>>) dst(%dma_wait3A_968 : memref<16x144xf32, #tpu.memory_space<vmem_shared>>)
      tpu.yield
    }) : () -> ()
    %add3A_877 = arith.constant 80 : i32
    %add3A_878 = arith.addi %mul3A_866, %add3A_877 : i32
    "tpu.region"() ({
      %run_scoped3A = tpu.sem_alloc : memref<!tpu.dma_semaphore, #tpu.memory_space<semaphore_mem>>
      %dma_start3A = arith.constant 0 : i32
      %dma_start3A_963 = tpu.memref_slice %arg10[%add3A_878, %dma_start3A] : memref<10240x144xf32, #tpu.memory_space<vmem_shared>> -> memref<16x144xf32, #tpu.memory_space<vmem_shared>>
      %dma_start3A_964 = arith.constant 0 : i32
      %dma_start3A_965 = tpu.memref_slice %arg10[%add3A_878, %dma_start3A_964] : memref<10240x144xf32, #tpu.memory_space<vmem_shared>> -> memref<16x144xf32, #tpu.memory_space<vmem_shared>>
      tpu.enqueue_dma source(%arg9 : memref<16x144xf32, #tpu.memory_space<vmem>>) target(%dma_start3A_965 : memref<16x144xf32, #tpu.memory_space<vmem_shared>>) target_semaphore(%run_scoped3A : memref<!tpu.dma_semaphore, #tpu.memory_space<semaphore_mem>>)
      %dma_wait3A = arith.constant 0 : i32
      %dma_wait3A_966 = tpu.memref_slice %arg10[%add3A_878, %dma_wait3A] : memref<10240x144xf32, #tpu.memory_space<vmem_shared>> -> memref<16x144xf32, #tpu.memory_space<vmem_shared>>
      %dma_wait3A_967 = arith.constant 0 : i32
      %dma_wait3A_968 = tpu.memref_slice %arg10[%add3A_878, %dma_wait3A_967] : memref<10240x144xf32, #tpu.memory_space<vmem_shared>> -> memref<16x144xf32, #tpu.memory_space<vmem_shared>>
      tpu.wait_dma2 semaphore(%run_scoped3A : memref<!tpu.dma_semaphore, #tpu.memory_space<semaphore_mem>>) src(%arg9 : memref<16x144xf32, #tpu.memory_space<vmem>>) dst(%dma_wait3A_968 : memref<16x144xf32, #tpu.memory_space<vmem_shared>>)
      tpu.yield
    }) : () -> ()
    %add3A_879 = arith.constant 96 : i32
    %add3A_880 = arith.addi %mul3A_866, %add3A_879 : i32
    "tpu.region"() ({
      %run_scoped3A = tpu.sem_alloc : memref<!tpu.dma_semaphore, #tpu.memory_space<semaphore_mem>>
      %dma_start3A = arith.constant 0 : i32
      %dma_start3A_963 = tpu.memref_slice %arg10[%add3A_880, %dma_start3A] : memref<10240x144xf32, #tpu.memory_space<vmem_shared>> -> memref<16x144xf32, #tpu.memory_space<vmem_shared>>
      %dma_start3A_964 = arith.constant 0 : i32
      %dma_start3A_965 = tpu.memref_slice %arg10[%add3A_880, %dma_start3A_964] : memref<10240x144xf32, #tpu.memory_space<vmem_shared>> -> memref<16x144xf32, #tpu.memory_space<vmem_shared>>
      tpu.enqueue_dma source(%arg9 : memref<16x144xf32, #tpu.memory_space<vmem>>) target(%dma_start3A_965 : memref<16x144xf32, #tpu.memory_space<vmem_shared>>) target_semaphore(%run_scoped3A : memref<!tpu.dma_semaphore, #tpu.memory_space<semaphore_mem>>)
      %dma_wait3A = arith.constant 0 : i32
      %dma_wait3A_966 = tpu.memref_slice %arg10[%add3A_880, %dma_wait3A] : memref<10240x144xf32, #tpu.memory_space<vmem_shared>> -> memref<16x144xf32, #tpu.memory_space<vmem_shared>>
      %dma_wait3A_967 = arith.constant 0 : i32
      %dma_wait3A_968 = tpu.memref_slice %arg10[%add3A_880, %dma_wait3A_967] : memref<10240x144xf32, #tpu.memory_space<vmem_shared>> -> memref<16x144xf32, #tpu.memory_space<vmem_shared>>
      tpu.wait_dma2 semaphore(%run_scoped3A : memref<!tpu.dma_semaphore, #tpu.memory_space<semaphore_mem>>) src(%arg9 : memref<16x144xf32, #tpu.memory_space<vmem>>) dst(%dma_wait3A_968 : memref<16x144xf32, #tpu.memory_space<vmem_shared>>)
      tpu.yield
    }) : () -> ()
    %add3A_881 = arith.constant 112 : i32
    %add3A_882 = arith.addi %mul3A_866, %add3A_881 : i32
    "tpu.region"() ({
      %run_scoped3A = tpu.sem_alloc : memref<!tpu.dma_semaphore, #tpu.memory_space<semaphore_mem>>
      %dma_start3A = arith.constant 0 : i32
      %dma_start3A_963 = tpu.memref_slice %arg10[%add3A_882, %dma_start3A] : memref<10240x144xf32, #tpu.memory_space<vmem_shared>> -> memref<16x144xf32, #tpu.memory_space<vmem_shared>>
      %dma_start3A_964 = arith.constant 0 : i32
      %dma_start3A_965 = tpu.memref_slice %arg10[%add3A_882, %dma_start3A_964] : memref<10240x144xf32, #tpu.memory_space<vmem_shared>> -> memref<16x144xf32, #tpu.memory_space<vmem_shared>>
      tpu.enqueue_dma source(%arg9 : memref<16x144xf32, #tpu.memory_space<vmem>>) target(%dma_start3A_965 : memref<16x144xf32, #tpu.memory_space<vmem_shared>>) target_semaphore(%run_scoped3A : memref<!tpu.dma_semaphore, #tpu.memory_space<semaphore_mem>>)
      %dma_wait3A = arith.constant 0 : i32
      %dma_wait3A_966 = tpu.memref_slice %arg10[%add3A_882, %dma_wait3A] : memref<10240x144xf32, #tpu.memory_space<vmem_shared>> -> memref<16x144xf32, #tpu.memory_space<vmem_shared>>
      %dma_wait3A_967 = arith.constant 0 : i32
      %dma_wait3A_968 = tpu.memref_slice %arg10[%add3A_882, %dma_wait3A_967] : memref<10240x144xf32, #tpu.memory_space<vmem_shared>> -> memref<16x144xf32, #tpu.memory_space<vmem_shared>>
      tpu.wait_dma2 semaphore(%run_scoped3A : memref<!tpu.dma_semaphore, #tpu.memory_space<semaphore_mem>>) src(%arg9 : memref<16x144xf32, #tpu.memory_space<vmem>>) dst(%dma_wait3A_968 : memref<16x144xf32, #tpu.memory_space<vmem_shared>>)
      tpu.yield
    }) : () -> ()
    %add3A_883 = arith.constant 128 : i32
    %add3A_884 = arith.addi %mul3A_866, %add3A_883 : i32
    "tpu.region"() ({
      %run_scoped3A = tpu.sem_alloc : memref<!tpu.dma_semaphore, #tpu.memory_space<semaphore_mem>>
      %dma_start3A = arith.constant 0 : i32
      %dma_start3A_963 = tpu.memref_slice %arg10[%add3A_884, %dma_start3A] : memref<10240x144xf32, #tpu.memory_space<vmem_shared>> -> memref<16x144xf32, #tpu.memory_space<vmem_shared>>
      %dma_start3A_964 = arith.constant 0 : i32
      %dma_start3A_965 = tpu.memref_slice %arg10[%add3A_884, %dma_start3A_964] : memref<10240x144xf32, #tpu.memory_space<vmem_shared>> -> memref<16x144xf32, #tpu.memory_space<vmem_shared>>
      tpu.enqueue_dma source(%arg9 : memref<16x144xf32, #tpu.memory_space<vmem>>) target(%dma_start3A_965 : memref<16x144xf32, #tpu.memory_space<vmem_shared>>) target_semaphore(%run_scoped3A : memref<!tpu.dma_semaphore, #tpu.memory_space<semaphore_mem>>)
      %dma_wait3A = arith.constant 0 : i32
      %dma_wait3A_966 = tpu.memref_slice %arg10[%add3A_884, %dma_wait3A] : memref<10240x144xf32, #tpu.memory_space<vmem_shared>> -> memref<16x144xf32, #tpu.memory_space<vmem_shared>>
      %dma_wait3A_967 = arith.constant 0 : i32
      %dma_wait3A_968 = tpu.memref_slice %arg10[%add3A_884, %dma_wait3A_967] : memref<10240x144xf32, #tpu.memory_space<vmem_shared>> -> memref<16x144xf32, #tpu.memory_space<vmem_shared>>
      tpu.wait_dma2 semaphore(%run_scoped3A : memref<!tpu.dma_semaphore, #tpu.memory_space<semaphore_mem>>) src(%arg9 : memref<16x144xf32, #tpu.memory_space<vmem>>) dst(%dma_wait3A_968 : memref<16x144xf32, #tpu.memory_space<vmem_shared>>)
      tpu.yield
    }) : () -> ()
    %add3A_885 = arith.constant 144 : i32
    %add3A_886 = arith.addi %mul3A_866, %add3A_885 : i32
    "tpu.region"() ({
      %run_scoped3A = tpu.sem_alloc : memref<!tpu.dma_semaphore, #tpu.memory_space<semaphore_mem>>
      %dma_start3A = arith.constant 0 : i32
      %dma_start3A_963 = tpu.memref_slice %arg10[%add3A_886, %dma_start3A] : memref<10240x144xf32, #tpu.memory_space<vmem_shared>> -> memref<16x144xf32, #tpu.memory_space<vmem_shared>>
      %dma_start3A_964 = arith.constant 0 : i32
      %dma_start3A_965 = tpu.memref_slice %arg10[%add3A_886, %dma_start3A_964] : memref<10240x144xf32, #tpu.memory_space<vmem_shared>> -> memref<16x144xf32, #tpu.memory_space<vmem_shared>>
      tpu.enqueue_dma source(%arg9 : memref<16x144xf32, #tpu.memory_space<vmem>>) target(%dma_start3A_965 : memref<16x144xf32, #tpu.memory_space<vmem_shared>>) target_semaphore(%run_scoped3A : memref<!tpu.dma_semaphore, #tpu.memory_space<semaphore_mem>>)
      %dma_wait3A = arith.constant 0 : i32
      %dma_wait3A_966 = tpu.memref_slice %arg10[%add3A_886, %dma_wait3A] : memref<10240x144xf32, #tpu.memory_space<vmem_shared>> -> memref<16x144xf32, #tpu.memory_space<vmem_shared>>
      %dma_wait3A_967 = arith.constant 0 : i32
      %dma_wait3A_968 = tpu.memref_slice %arg10[%add3A_886, %dma_wait3A_967] : memref<10240x144xf32, #tpu.memory_space<vmem_shared>> -> memref<16x144xf32, #tpu.memory_space<vmem_shared>>
      tpu.wait_dma2 semaphore(%run_scoped3A : memref<!tpu.dma_semaphore, #tpu.memory_space<semaphore_mem>>) src(%arg9 : memref<16x144xf32, #tpu.memory_space<vmem>>) dst(%dma_wait3A_968 : memref<16x144xf32, #tpu.memory_space<vmem_shared>>)
      tpu.yield
    }) : () -> ()
    %add3A_887 = arith.constant 160 : i32
    %add3A_888 = arith.addi %mul3A_866, %add3A_887 : i32
    "tpu.region"() ({
      %run_scoped3A = tpu.sem_alloc : memref<!tpu.dma_semaphore, #tpu.memory_space<semaphore_mem>>
      %dma_start3A = arith.constant 0 : i32
      %dma_start3A_963 = tpu.memref_slice %arg10[%add3A_888, %dma_start3A] : memref<10240x144xf32, #tpu.memory_space<vmem_shared>> -> memref<16x144xf32, #tpu.memory_space<vmem_shared>>
      %dma_start3A_964 = arith.constant 0 : i32
      %dma_start3A_965 = tpu.memref_slice %arg10[%add3A_888, %dma_start3A_964] : memref<10240x144xf32, #tpu.memory_space<vmem_shared>> -> memref<16x144xf32, #tpu.memory_space<vmem_shared>>
      tpu.enqueue_dma source(%arg9 : memref<16x144xf32, #tpu.memory_space<vmem>>) target(%dma_start3A_965 : memref<16x144xf32, #tpu.memory_space<vmem_shared>>) target_semaphore(%run_scoped3A : memref<!tpu.dma_semaphore, #tpu.memory_space<semaphore_mem>>)
      %dma_wait3A = arith.constant 0 : i32
      %dma_wait3A_966 = tpu.memref_slice %arg10[%add3A_888, %dma_wait3A] : memref<10240x144xf32, #tpu.memory_space<vmem_shared>> -> memref<16x144xf32, #tpu.memory_space<vmem_shared>>
      %dma_wait3A_967 = arith.constant 0 : i32
      %dma_wait3A_968 = tpu.memref_slice %arg10[%add3A_888, %dma_wait3A_967] : memref<10240x144xf32, #tpu.memory_space<vmem_shared>> -> memref<16x144xf32, #tpu.memory_space<vmem_shared>>
      tpu.wait_dma2 semaphore(%run_scoped3A : memref<!tpu.dma_semaphore, #tpu.memory_space<semaphore_mem>>) src(%arg9 : memref<16x144xf32, #tpu.memory_space<vmem>>) dst(%dma_wait3A_968 : memref<16x144xf32, #tpu.memory_space<vmem_shared>>)
      tpu.yield
    }) : () -> ()
    %add3A_889 = arith.constant 176 : i32
    %add3A_890 = arith.addi %mul3A_866, %add3A_889 : i32
    "tpu.region"() ({
      %run_scoped3A = tpu.sem_alloc : memref<!tpu.dma_semaphore, #tpu.memory_space<semaphore_mem>>
      %dma_start3A = arith.constant 0 : i32
      %dma_start3A_963 = tpu.memref_slice %arg10[%add3A_890, %dma_start3A] : memref<10240x144xf32, #tpu.memory_space<vmem_shared>> -> memref<16x144xf32, #tpu.memory_space<vmem_shared>>
      %dma_start3A_964 = arith.constant 0 : i32
      %dma_start3A_965 = tpu.memref_slice %arg10[%add3A_890, %dma_start3A_964] : memref<10240x144xf32, #tpu.memory_space<vmem_shared>> -> memref<16x144xf32, #tpu.memory_space<vmem_shared>>
      tpu.enqueue_dma source(%arg9 : memref<16x144xf32, #tpu.memory_space<vmem>>) target(%dma_start3A_965 : memref<16x144xf32, #tpu.memory_space<vmem_shared>>) target_semaphore(%run_scoped3A : memref<!tpu.dma_semaphore, #tpu.memory_space<semaphore_mem>>)
      %dma_wait3A = arith.constant 0 : i32
      %dma_wait3A_966 = tpu.memref_slice %arg10[%add3A_890, %dma_wait3A] : memref<10240x144xf32, #tpu.memory_space<vmem_shared>> -> memref<16x144xf32, #tpu.memory_space<vmem_shared>>
      %dma_wait3A_967 = arith.constant 0 : i32
      %dma_wait3A_968 = tpu.memref_slice %arg10[%add3A_890, %dma_wait3A_967] : memref<10240x144xf32, #tpu.memory_space<vmem_shared>> -> memref<16x144xf32, #tpu.memory_space<vmem_shared>>
      tpu.wait_dma2 semaphore(%run_scoped3A : memref<!tpu.dma_semaphore, #tpu.memory_space<semaphore_mem>>) src(%arg9 : memref<16x144xf32, #tpu.memory_space<vmem>>) dst(%dma_wait3A_968 : memref<16x144xf32, #tpu.memory_space<vmem_shared>>)
      tpu.yield
    }) : () -> ()
    %add3A_891 = arith.constant 192 : i32
    %add3A_892 = arith.addi %mul3A_866, %add3A_891 : i32
    "tpu.region"() ({
      %run_scoped3A = tpu.sem_alloc : memref<!tpu.dma_semaphore, #tpu.memory_space<semaphore_mem>>
      %dma_start3A = arith.constant 0 : i32
      %dma_start3A_963 = tpu.memref_slice %arg10[%add3A_892, %dma_start3A] : memref<10240x144xf32, #tpu.memory_space<vmem_shared>> -> memref<16x144xf32, #tpu.memory_space<vmem_shared>>
      %dma_start3A_964 = arith.constant 0 : i32
      %dma_start3A_965 = tpu.memref_slice %arg10[%add3A_892, %dma_start3A_964] : memref<10240x144xf32, #tpu.memory_space<vmem_shared>> -> memref<16x144xf32, #tpu.memory_space<vmem_shared>>
      tpu.enqueue_dma source(%arg9 : memref<16x144xf32, #tpu.memory_space<vmem>>) target(%dma_start3A_965 : memref<16x144xf32, #tpu.memory_space<vmem_shared>>) target_semaphore(%run_scoped3A : memref<!tpu.dma_semaphore, #tpu.memory_space<semaphore_mem>>)
      %dma_wait3A = arith.constant 0 : i32
      %dma_wait3A_966 = tpu.memref_slice %arg10[%add3A_892, %dma_wait3A] : memref<10240x144xf32, #tpu.memory_space<vmem_shared>> -> memref<16x144xf32, #tpu.memory_space<vmem_shared>>
      %dma_wait3A_967 = arith.constant 0 : i32
      %dma_wait3A_968 = tpu.memref_slice %arg10[%add3A_892, %dma_wait3A_967] : memref<10240x144xf32, #tpu.memory_space<vmem_shared>> -> memref<16x144xf32, #tpu.memory_space<vmem_shared>>
      tpu.wait_dma2 semaphore(%run_scoped3A : memref<!tpu.dma_semaphore, #tpu.memory_space<semaphore_mem>>) src(%arg9 : memref<16x144xf32, #tpu.memory_space<vmem>>) dst(%dma_wait3A_968 : memref<16x144xf32, #tpu.memory_space<vmem_shared>>)
      tpu.yield
    }) : () -> ()
    %add3A_893 = arith.constant 208 : i32
    %add3A_894 = arith.addi %mul3A_866, %add3A_893 : i32
    "tpu.region"() ({
      %run_scoped3A = tpu.sem_alloc : memref<!tpu.dma_semaphore, #tpu.memory_space<semaphore_mem>>
      %dma_start3A = arith.constant 0 : i32
      %dma_start3A_963 = tpu.memref_slice %arg10[%add3A_894, %dma_start3A] : memref<10240x144xf32, #tpu.memory_space<vmem_shared>> -> memref<16x144xf32, #tpu.memory_space<vmem_shared>>
      %dma_start3A_964 = arith.constant 0 : i32
      %dma_start3A_965 = tpu.memref_slice %arg10[%add3A_894, %dma_start3A_964] : memref<10240x144xf32, #tpu.memory_space<vmem_shared>> -> memref<16x144xf32, #tpu.memory_space<vmem_shared>>
      tpu.enqueue_dma source(%arg9 : memref<16x144xf32, #tpu.memory_space<vmem>>) target(%dma_start3A_965 : memref<16x144xf32, #tpu.memory_space<vmem_shared>>) target_semaphore(%run_scoped3A : memref<!tpu.dma_semaphore, #tpu.memory_space<semaphore_mem>>)
      %dma_wait3A = arith.constant 0 : i32
      %dma_wait3A_966 = tpu.memref_slice %arg10[%add3A_894, %dma_wait3A] : memref<10240x144xf32, #tpu.memory_space<vmem_shared>> -> memref<16x144xf32, #tpu.memory_space<vmem_shared>>
      %dma_wait3A_967 = arith.constant 0 : i32
      %dma_wait3A_968 = tpu.memref_slice %arg10[%add3A_894, %dma_wait3A_967] : memref<10240x144xf32, #tpu.memory_space<vmem_shared>> -> memref<16x144xf32, #tpu.memory_space<vmem_shared>>
      tpu.wait_dma2 semaphore(%run_scoped3A : memref<!tpu.dma_semaphore, #tpu.memory_space<semaphore_mem>>) src(%arg9 : memref<16x144xf32, #tpu.memory_space<vmem>>) dst(%dma_wait3A_968 : memref<16x144xf32, #tpu.memory_space<vmem_shared>>)
      tpu.yield
    }) : () -> ()
    %add3A_895 = arith.constant 224 : i32
    %add3A_896 = arith.addi %mul3A_866, %add3A_895 : i32
    "tpu.region"() ({
      %run_scoped3A = tpu.sem_alloc : memref<!tpu.dma_semaphore, #tpu.memory_space<semaphore_mem>>
      %dma_start3A = arith.constant 0 : i32
      %dma_start3A_963 = tpu.memref_slice %arg10[%add3A_896, %dma_start3A] : memref<10240x144xf32, #tpu.memory_space<vmem_shared>> -> memref<16x144xf32, #tpu.memory_space<vmem_shared>>
      %dma_start3A_964 = arith.constant 0 : i32
      %dma_start3A_965 = tpu.memref_slice %arg10[%add3A_896, %dma_start3A_964] : memref<10240x144xf32, #tpu.memory_space<vmem_shared>> -> memref<16x144xf32, #tpu.memory_space<vmem_shared>>
      tpu.enqueue_dma source(%arg9 : memref<16x144xf32, #tpu.memory_space<vmem>>) target(%dma_start3A_965 : memref<16x144xf32, #tpu.memory_space<vmem_shared>>) target_semaphore(%run_scoped3A : memref<!tpu.dma_semaphore, #tpu.memory_space<semaphore_mem>>)
      %dma_wait3A = arith.constant 0 : i32
      %dma_wait3A_966 = tpu.memref_slice %arg10[%add3A_896, %dma_wait3A] : memref<10240x144xf32, #tpu.memory_space<vmem_shared>> -> memref<16x144xf32, #tpu.memory_space<vmem_shared>>
      %dma_wait3A_967 = arith.constant 0 : i32
      %dma_wait3A_968 = tpu.memref_slice %arg10[%add3A_896, %dma_wait3A_967] : memref<10240x144xf32, #tpu.memory_space<vmem_shared>> -> memref<16x144xf32, #tpu.memory_space<vmem_shared>>
      tpu.wait_dma2 semaphore(%run_scoped3A : memref<!tpu.dma_semaphore, #tpu.memory_space<semaphore_mem>>) src(%arg9 : memref<16x144xf32, #tpu.memory_space<vmem>>) dst(%dma_wait3A_968 : memref<16x144xf32, #tpu.memory_space<vmem_shared>>)
      tpu.yield
    }) : () -> ()
    %add3A_897 = arith.constant 240 : i32
    %add3A_898 = arith.addi %mul3A_866, %add3A_897 : i32
    "tpu.region"() ({
      %run_scoped3A = tpu.sem_alloc : memref<!tpu.dma_semaphore, #tpu.memory_space<semaphore_mem>>
      %dma_start3A = arith.constant 0 : i32
      %dma_start3A_963 = tpu.memref_slice %arg10[%add3A_898, %dma_start3A] : memref<10240x144xf32, #tpu.memory_space<vmem_shared>> -> memref<16x144xf32, #tpu.memory_space<vmem_shared>>
      %dma_start3A_964 = arith.constant 0 : i32
      %dma_start3A_965 = tpu.memref_slice %arg10[%add3A_898, %dma_start3A_964] : memref<10240x144xf32, #tpu.memory_space<vmem_shared>> -> memref<16x144xf32, #tpu.memory_space<vmem_shared>>
      tpu.enqueue_dma source(%arg9 : memref<16x144xf32, #tpu.memory_space<vmem>>) target(%dma_start3A_965 : memref<16x144xf32, #tpu.memory_space<vmem_shared>>) target_semaphore(%run_scoped3A : memref<!tpu.dma_semaphore, #tpu.memory_space<semaphore_mem>>)
      %dma_wait3A = arith.constant 0 : i32
      %dma_wait3A_966 = tpu.memref_slice %arg10[%add3A_898, %dma_wait3A] : memref<10240x144xf32, #tpu.memory_space<vmem_shared>> -> memref<16x144xf32, #tpu.memory_space<vmem_shared>>
      %dma_wait3A_967 = arith.constant 0 : i32
      %dma_wait3A_968 = tpu.memref_slice %arg10[%add3A_898, %dma_wait3A_967] : memref<10240x144xf32, #tpu.memory_space<vmem_shared>> -> memref<16x144xf32, #tpu.memory_space<vmem_shared>>
      tpu.wait_dma2 semaphore(%run_scoped3A : memref<!tpu.dma_semaphore, #tpu.memory_space<semaphore_mem>>) src(%arg9 : memref<16x144xf32, #tpu.memory_space<vmem>>) dst(%dma_wait3A_968 : memref<16x144xf32, #tpu.memory_space<vmem_shared>>)
      tpu.yield
    }) : () -> ()
    %add3A_899 = arith.constant 256 : i32
    %add3A_900 = arith.addi %mul3A_866, %add3A_899 : i32
    "tpu.region"() ({
      %run_scoped3A = tpu.sem_alloc : memref<!tpu.dma_semaphore, #tpu.memory_space<semaphore_mem>>
      %dma_start3A = arith.constant 0 : i32
      %dma_start3A_963 = tpu.memref_slice %arg10[%add3A_900, %dma_start3A] : memref<10240x144xf32, #tpu.memory_space<vmem_shared>> -> memref<16x144xf32, #tpu.memory_space<vmem_shared>>
      %dma_start3A_964 = arith.constant 0 : i32
      %dma_start3A_965 = tpu.memref_slice %arg10[%add3A_900, %dma_start3A_964] : memref<10240x144xf32, #tpu.memory_space<vmem_shared>> -> memref<16x144xf32, #tpu.memory_space<vmem_shared>>
      tpu.enqueue_dma source(%arg9 : memref<16x144xf32, #tpu.memory_space<vmem>>) target(%dma_start3A_965 : memref<16x144xf32, #tpu.memory_space<vmem_shared>>) target_semaphore(%run_scoped3A : memref<!tpu.dma_semaphore, #tpu.memory_space<semaphore_mem>>)
      %dma_wait3A = arith.constant 0 : i32
      %dma_wait3A_966 = tpu.memref_slice %arg10[%add3A_900, %dma_wait3A] : memref<10240x144xf32, #tpu.memory_space<vmem_shared>> -> memref<16x144xf32, #tpu.memory_space<vmem_shared>>
      %dma_wait3A_967 = arith.constant 0 : i32
      %dma_wait3A_968 = tpu.memref_slice %arg10[%add3A_900, %dma_wait3A_967] : memref<10240x144xf32, #tpu.memory_space<vmem_shared>> -> memref<16x144xf32, #tpu.memory_space<vmem_shared>>
      tpu.wait_dma2 semaphore(%run_scoped3A : memref<!tpu.dma_semaphore, #tpu.memory_space<semaphore_mem>>) src(%arg9 : memref<16x144xf32, #tpu.memory_space<vmem>>) dst(%dma_wait3A_968 : memref<16x144xf32, #tpu.memory_space<vmem_shared>>)
      tpu.yield
    }) : () -> ()
    %add3A_901 = arith.constant 272 : i32
    %add3A_902 = arith.addi %mul3A_866, %add3A_901 : i32
    "tpu.region"() ({
      %run_scoped3A = tpu.sem_alloc : memref<!tpu.dma_semaphore, #tpu.memory_space<semaphore_mem>>
      %dma_start3A = arith.constant 0 : i32
      %dma_start3A_963 = tpu.memref_slice %arg10[%add3A_902, %dma_start3A] : memref<10240x144xf32, #tpu.memory_space<vmem_shared>> -> memref<16x144xf32, #tpu.memory_space<vmem_shared>>
      %dma_start3A_964 = arith.constant 0 : i32
      %dma_start3A_965 = tpu.memref_slice %arg10[%add3A_902, %dma_start3A_964] : memref<10240x144xf32, #tpu.memory_space<vmem_shared>> -> memref<16x144xf32, #tpu.memory_space<vmem_shared>>
      tpu.enqueue_dma source(%arg9 : memref<16x144xf32, #tpu.memory_space<vmem>>) target(%dma_start3A_965 : memref<16x144xf32, #tpu.memory_space<vmem_shared>>) target_semaphore(%run_scoped3A : memref<!tpu.dma_semaphore, #tpu.memory_space<semaphore_mem>>)
      %dma_wait3A = arith.constant 0 : i32
      %dma_wait3A_966 = tpu.memref_slice %arg10[%add3A_902, %dma_wait3A] : memref<10240x144xf32, #tpu.memory_space<vmem_shared>> -> memref<16x144xf32, #tpu.memory_space<vmem_shared>>
      %dma_wait3A_967 = arith.constant 0 : i32
      %dma_wait3A_968 = tpu.memref_slice %arg10[%add3A_902, %dma_wait3A_967] : memref<10240x144xf32, #tpu.memory_space<vmem_shared>> -> memref<16x144xf32, #tpu.memory_space<vmem_shared>>
      tpu.wait_dma2 semaphore(%run_scoped3A : memref<!tpu.dma_semaphore, #tpu.memory_space<semaphore_mem>>) src(%arg9 : memref<16x144xf32, #tpu.memory_space<vmem>>) dst(%dma_wait3A_968 : memref<16x144xf32, #tpu.memory_space<vmem_shared>>)
      tpu.yield
    }) : () -> ()
    %add3A_903 = arith.constant 288 : i32
    %add3A_904 = arith.addi %mul3A_866, %add3A_903 : i32
    "tpu.region"() ({
      %run_scoped3A = tpu.sem_alloc : memref<!tpu.dma_semaphore, #tpu.memory_space<semaphore_mem>>
      %dma_start3A = arith.constant 0 : i32
      %dma_start3A_963 = tpu.memref_slice %arg10[%add3A_904, %dma_start3A] : memref<10240x144xf32, #tpu.memory_space<vmem_shared>> -> memref<16x144xf32, #tpu.memory_space<vmem_shared>>
      %dma_start3A_964 = arith.constant 0 : i32
      %dma_start3A_965 = tpu.memref_slice %arg10[%add3A_904, %dma_start3A_964] : memref<10240x144xf32, #tpu.memory_space<vmem_shared>> -> memref<16x144xf32, #tpu.memory_space<vmem_shared>>
      tpu.enqueue_dma source(%arg9 : memref<16x144xf32, #tpu.memory_space<vmem>>) target(%dma_start3A_965 : memref<16x144xf32, #tpu.memory_space<vmem_shared>>) target_semaphore(%run_scoped3A : memref<!tpu.dma_semaphore, #tpu.memory_space<semaphore_mem>>)
      %dma_wait3A = arith.constant 0 : i32
      %dma_wait3A_966 = tpu.memref_slice %arg10[%add3A_904, %dma_wait3A] : memref<10240x144xf32, #tpu.memory_space<vmem_shared>> -> memref<16x144xf32, #tpu.memory_space<vmem_shared>>
      %dma_wait3A_967 = arith.constant 0 : i32
      %dma_wait3A_968 = tpu.memref_slice %arg10[%add3A_904, %dma_wait3A_967] : memref<10240x144xf32, #tpu.memory_space<vmem_shared>> -> memref<16x144xf32, #tpu.memory_space<vmem_shared>>
      tpu.wait_dma2 semaphore(%run_scoped3A : memref<!tpu.dma_semaphore, #tpu.memory_space<semaphore_mem>>) src(%arg9 : memref<16x144xf32, #tpu.memory_space<vmem>>) dst(%dma_wait3A_968 : memref<16x144xf32, #tpu.memory_space<vmem_shared>>)
      tpu.yield
    }) : () -> ()
    %add3A_905 = arith.constant 304 : i32
    %add3A_906 = arith.addi %mul3A_866, %add3A_905 : i32
    "tpu.region"() ({
      %run_scoped3A = tpu.sem_alloc : memref<!tpu.dma_semaphore, #tpu.memory_space<semaphore_mem>>
      %dma_start3A = arith.constant 0 : i32
      %dma_start3A_963 = tpu.memref_slice %arg10[%add3A_906, %dma_start3A] : memref<10240x144xf32, #tpu.memory_space<vmem_shared>> -> memref<16x144xf32, #tpu.memory_space<vmem_shared>>
      %dma_start3A_964 = arith.constant 0 : i32
      %dma_start3A_965 = tpu.memref_slice %arg10[%add3A_906, %dma_start3A_964] : memref<10240x144xf32, #tpu.memory_space<vmem_shared>> -> memref<16x144xf32, #tpu.memory_space<vmem_shared>>
      tpu.enqueue_dma source(%arg9 : memref<16x144xf32, #tpu.memory_space<vmem>>) target(%dma_start3A_965 : memref<16x144xf32, #tpu.memory_space<vmem_shared>>) target_semaphore(%run_scoped3A : memref<!tpu.dma_semaphore, #tpu.memory_space<semaphore_mem>>)
      %dma_wait3A = arith.constant 0 : i32
      %dma_wait3A_966 = tpu.memref_slice %arg10[%add3A_906, %dma_wait3A] : memref<10240x144xf32, #tpu.memory_space<vmem_shared>> -> memref<16x144xf32, #tpu.memory_space<vmem_shared>>
      %dma_wait3A_967 = arith.constant 0 : i32
      %dma_wait3A_968 = tpu.memref_slice %arg10[%add3A_906, %dma_wait3A_967] : memref<10240x144xf32, #tpu.memory_space<vmem_shared>> -> memref<16x144xf32, #tpu.memory_space<vmem_shared>>
      tpu.wait_dma2 semaphore(%run_scoped3A : memref<!tpu.dma_semaphore, #tpu.memory_space<semaphore_mem>>) src(%arg9 : memref<16x144xf32, #tpu.memory_space<vmem>>) dst(%dma_wait3A_968 : memref<16x144xf32, #tpu.memory_space<vmem_shared>>)
      tpu.yield
    }) : () -> ()
    %add3A_907 = arith.constant 320 : i32
    %add3A_908 = arith.addi %mul3A_866, %add3A_907 : i32
    "tpu.region"() ({
      %run_scoped3A = tpu.sem_alloc : memref<!tpu.dma_semaphore, #tpu.memory_space<semaphore_mem>>
      %dma_start3A = arith.constant 0 : i32
      %dma_start3A_963 = tpu.memref_slice %arg10[%add3A_908, %dma_start3A] : memref<10240x144xf32, #tpu.memory_space<vmem_shared>> -> memref<16x144xf32, #tpu.memory_space<vmem_shared>>
      %dma_start3A_964 = arith.constant 0 : i32
      %dma_start3A_965 = tpu.memref_slice %arg10[%add3A_908, %dma_start3A_964] : memref<10240x144xf32, #tpu.memory_space<vmem_shared>> -> memref<16x144xf32, #tpu.memory_space<vmem_shared>>
      tpu.enqueue_dma source(%arg9 : memref<16x144xf32, #tpu.memory_space<vmem>>) target(%dma_start3A_965 : memref<16x144xf32, #tpu.memory_space<vmem_shared>>) target_semaphore(%run_scoped3A : memref<!tpu.dma_semaphore, #tpu.memory_space<semaphore_mem>>)
      %dma_wait3A = arith.constant 0 : i32
      %dma_wait3A_966 = tpu.memref_slice %arg10[%add3A_908, %dma_wait3A] : memref<10240x144xf32, #tpu.memory_space<vmem_shared>> -> memref<16x144xf32, #tpu.memory_space<vmem_shared>>
      %dma_wait3A_967 = arith.constant 0 : i32
      %dma_wait3A_968 = tpu.memref_slice %arg10[%add3A_908, %dma_wait3A_967] : memref<10240x144xf32, #tpu.memory_space<vmem_shared>> -> memref<16x144xf32, #tpu.memory_space<vmem_shared>>
      tpu.wait_dma2 semaphore(%run_scoped3A : memref<!tpu.dma_semaphore, #tpu.memory_space<semaphore_mem>>) src(%arg9 : memref<16x144xf32, #tpu.memory_space<vmem>>) dst(%dma_wait3A_968 : memref<16x144xf32, #tpu.memory_space<vmem_shared>>)
      tpu.yield
    }) : () -> ()
    %add3A_909 = arith.constant 336 : i32
    %add3A_910 = arith.addi %mul3A_866, %add3A_909 : i32
    "tpu.region"() ({
      %run_scoped3A = tpu.sem_alloc : memref<!tpu.dma_semaphore, #tpu.memory_space<semaphore_mem>>
      %dma_start3A = arith.constant 0 : i32
      %dma_start3A_963 = tpu.memref_slice %arg10[%add3A_910, %dma_start3A] : memref<10240x144xf32, #tpu.memory_space<vmem_shared>> -> memref<16x144xf32, #tpu.memory_space<vmem_shared>>
      %dma_start3A_964 = arith.constant 0 : i32
      %dma_start3A_965 = tpu.memref_slice %arg10[%add3A_910, %dma_start3A_964] : memref<10240x144xf32, #tpu.memory_space<vmem_shared>> -> memref<16x144xf32, #tpu.memory_space<vmem_shared>>
      tpu.enqueue_dma source(%arg9 : memref<16x144xf32, #tpu.memory_space<vmem>>) target(%dma_start3A_965 : memref<16x144xf32, #tpu.memory_space<vmem_shared>>) target_semaphore(%run_scoped3A : memref<!tpu.dma_semaphore, #tpu.memory_space<semaphore_mem>>)
      %dma_wait3A = arith.constant 0 : i32
      %dma_wait3A_966 = tpu.memref_slice %arg10[%add3A_910, %dma_wait3A] : memref<10240x144xf32, #tpu.memory_space<vmem_shared>> -> memref<16x144xf32, #tpu.memory_space<vmem_shared>>
      %dma_wait3A_967 = arith.constant 0 : i32
      %dma_wait3A_968 = tpu.memref_slice %arg10[%add3A_910, %dma_wait3A_967] : memref<10240x144xf32, #tpu.memory_space<vmem_shared>> -> memref<16x144xf32, #tpu.memory_space<vmem_shared>>
      tpu.wait_dma2 semaphore(%run_scoped3A : memref<!tpu.dma_semaphore, #tpu.memory_space<semaphore_mem>>) src(%arg9 : memref<16x144xf32, #tpu.memory_space<vmem>>) dst(%dma_wait3A_968 : memref<16x144xf32, #tpu.memory_space<vmem_shared>>)
      tpu.yield
    }) : () -> ()
    %add3A_911 = arith.constant 352 : i32
    %add3A_912 = arith.addi %mul3A_866, %add3A_911 : i32
    "tpu.region"() ({
      %run_scoped3A = tpu.sem_alloc : memref<!tpu.dma_semaphore, #tpu.memory_space<semaphore_mem>>
      %dma_start3A = arith.constant 0 : i32
      %dma_start3A_963 = tpu.memref_slice %arg10[%add3A_912, %dma_start3A] : memref<10240x144xf32, #tpu.memory_space<vmem_shared>> -> memref<16x144xf32, #tpu.memory_space<vmem_shared>>
      %dma_start3A_964 = arith.constant 0 : i32
      %dma_start3A_965 = tpu.memref_slice %arg10[%add3A_912, %dma_start3A_964] : memref<10240x144xf32, #tpu.memory_space<vmem_shared>> -> memref<16x144xf32, #tpu.memory_space<vmem_shared>>
      tpu.enqueue_dma source(%arg9 : memref<16x144xf32, #tpu.memory_space<vmem>>) target(%dma_start3A_965 : memref<16x144xf32, #tpu.memory_space<vmem_shared>>) target_semaphore(%run_scoped3A : memref<!tpu.dma_semaphore, #tpu.memory_space<semaphore_mem>>)
      %dma_wait3A = arith.constant 0 : i32
      %dma_wait3A_966 = tpu.memref_slice %arg10[%add3A_912, %dma_wait3A] : memref<10240x144xf32, #tpu.memory_space<vmem_shared>> -> memref<16x144xf32, #tpu.memory_space<vmem_shared>>
      %dma_wait3A_967 = arith.constant 0 : i32
      %dma_wait3A_968 = tpu.memref_slice %arg10[%add3A_912, %dma_wait3A_967] : memref<10240x144xf32, #tpu.memory_space<vmem_shared>> -> memref<16x144xf32, #tpu.memory_space<vmem_shared>>
      tpu.wait_dma2 semaphore(%run_scoped3A : memref<!tpu.dma_semaphore, #tpu.memory_space<semaphore_mem>>) src(%arg9 : memref<16x144xf32, #tpu.memory_space<vmem>>) dst(%dma_wait3A_968 : memref<16x144xf32, #tpu.memory_space<vmem_shared>>)
      tpu.yield
    }) : () -> ()
    %add3A_913 = arith.constant 368 : i32
    %add3A_914 = arith.addi %mul3A_866, %add3A_913 : i32
    "tpu.region"() ({
      %run_scoped3A = tpu.sem_alloc : memref<!tpu.dma_semaphore, #tpu.memory_space<semaphore_mem>>
      %dma_start3A = arith.constant 0 : i32
      %dma_start3A_963 = tpu.memref_slice %arg10[%add3A_914, %dma_start3A] : memref<10240x144xf32, #tpu.memory_space<vmem_shared>> -> memref<16x144xf32, #tpu.memory_space<vmem_shared>>
      %dma_start3A_964 = arith.constant 0 : i32
      %dma_start3A_965 = tpu.memref_slice %arg10[%add3A_914, %dma_start3A_964] : memref<10240x144xf32, #tpu.memory_space<vmem_shared>> -> memref<16x144xf32, #tpu.memory_space<vmem_shared>>
      tpu.enqueue_dma source(%arg9 : memref<16x144xf32, #tpu.memory_space<vmem>>) target(%dma_start3A_965 : memref<16x144xf32, #tpu.memory_space<vmem_shared>>) target_semaphore(%run_scoped3A : memref<!tpu.dma_semaphore, #tpu.memory_space<semaphore_mem>>)
      %dma_wait3A = arith.constant 0 : i32
      %dma_wait3A_966 = tpu.memref_slice %arg10[%add3A_914, %dma_wait3A] : memref<10240x144xf32, #tpu.memory_space<vmem_shared>> -> memref<16x144xf32, #tpu.memory_space<vmem_shared>>
      %dma_wait3A_967 = arith.constant 0 : i32
      %dma_wait3A_968 = tpu.memref_slice %arg10[%add3A_914, %dma_wait3A_967] : memref<10240x144xf32, #tpu.memory_space<vmem_shared>> -> memref<16x144xf32, #tpu.memory_space<vmem_shared>>
      tpu.wait_dma2 semaphore(%run_scoped3A : memref<!tpu.dma_semaphore, #tpu.memory_space<semaphore_mem>>) src(%arg9 : memref<16x144xf32, #tpu.memory_space<vmem>>) dst(%dma_wait3A_968 : memref<16x144xf32, #tpu.memory_space<vmem_shared>>)
      tpu.yield
    }) : () -> ()
    %add3A_915 = arith.constant 384 : i32
    %add3A_916 = arith.addi %mul3A_866, %add3A_915 : i32
    "tpu.region"() ({
      %run_scoped3A = tpu.sem_alloc : memref<!tpu.dma_semaphore, #tpu.memory_space<semaphore_mem>>
      %dma_start3A = arith.constant 0 : i32
      %dma_start3A_963 = tpu.memref_slice %arg10[%add3A_916, %dma_start3A] : memref<10240x144xf32, #tpu.memory_space<vmem_shared>> -> memref<16x144xf32, #tpu.memory_space<vmem_shared>>
      %dma_start3A_964 = arith.constant 0 : i32
      %dma_start3A_965 = tpu.memref_slice %arg10[%add3A_916, %dma_start3A_964] : memref<10240x144xf32, #tpu.memory_space<vmem_shared>> -> memref<16x144xf32, #tpu.memory_space<vmem_shared>>
      tpu.enqueue_dma source(%arg9 : memref<16x144xf32, #tpu.memory_space<vmem>>) target(%dma_start3A_965 : memref<16x144xf32, #tpu.memory_space<vmem_shared>>) target_semaphore(%run_scoped3A : memref<!tpu.dma_semaphore, #tpu.memory_space<semaphore_mem>>)
      %dma_wait3A = arith.constant 0 : i32
      %dma_wait3A_966 = tpu.memref_slice %arg10[%add3A_916, %dma_wait3A] : memref<10240x144xf32, #tpu.memory_space<vmem_shared>> -> memref<16x144xf32, #tpu.memory_space<vmem_shared>>
      %dma_wait3A_967 = arith.constant 0 : i32
      %dma_wait3A_968 = tpu.memref_slice %arg10[%add3A_916, %dma_wait3A_967] : memref<10240x144xf32, #tpu.memory_space<vmem_shared>> -> memref<16x144xf32, #tpu.memory_space<vmem_shared>>
      tpu.wait_dma2 semaphore(%run_scoped3A : memref<!tpu.dma_semaphore, #tpu.memory_space<semaphore_mem>>) src(%arg9 : memref<16x144xf32, #tpu.memory_space<vmem>>) dst(%dma_wait3A_968 : memref<16x144xf32, #tpu.memory_space<vmem_shared>>)
      tpu.yield
    }) : () -> ()
    %add3A_917 = arith.constant 400 : i32
    %add3A_918 = arith.addi %mul3A_866, %add3A_917 : i32
    "tpu.region"() ({
      %run_scoped3A = tpu.sem_alloc : memref<!tpu.dma_semaphore, #tpu.memory_space<semaphore_mem>>
      %dma_start3A = arith.constant 0 : i32
      %dma_start3A_963 = tpu.memref_slice %arg10[%add3A_918, %dma_start3A] : memref<10240x144xf32, #tpu.memory_space<vmem_shared>> -> memref<16x144xf32, #tpu.memory_space<vmem_shared>>
      %dma_start3A_964 = arith.constant 0 : i32
      %dma_start3A_965 = tpu.memref_slice %arg10[%add3A_918, %dma_start3A_964] : memref<10240x144xf32, #tpu.memory_space<vmem_shared>> -> memref<16x144xf32, #tpu.memory_space<vmem_shared>>
      tpu.enqueue_dma source(%arg9 : memref<16x144xf32, #tpu.memory_space<vmem>>) target(%dma_start3A_965 : memref<16x144xf32, #tpu.memory_space<vmem_shared>>) target_semaphore(%run_scoped3A : memref<!tpu.dma_semaphore, #tpu.memory_space<semaphore_mem>>)
      %dma_wait3A = arith.constant 0 : i32
      %dma_wait3A_966 = tpu.memref_slice %arg10[%add3A_918, %dma_wait3A] : memref<10240x144xf32, #tpu.memory_space<vmem_shared>> -> memref<16x144xf32, #tpu.memory_space<vmem_shared>>
      %dma_wait3A_967 = arith.constant 0 : i32
      %dma_wait3A_968 = tpu.memref_slice %arg10[%add3A_918, %dma_wait3A_967] : memref<10240x144xf32, #tpu.memory_space<vmem_shared>> -> memref<16x144xf32, #tpu.memory_space<vmem_shared>>
      tpu.wait_dma2 semaphore(%run_scoped3A : memref<!tpu.dma_semaphore, #tpu.memory_space<semaphore_mem>>) src(%arg9 : memref<16x144xf32, #tpu.memory_space<vmem>>) dst(%dma_wait3A_968 : memref<16x144xf32, #tpu.memory_space<vmem_shared>>)
      tpu.yield
    }) : () -> ()
    %add3A_919 = arith.constant 416 : i32
    %add3A_920 = arith.addi %mul3A_866, %add3A_919 : i32
    "tpu.region"() ({
      %run_scoped3A = tpu.sem_alloc : memref<!tpu.dma_semaphore, #tpu.memory_space<semaphore_mem>>
      %dma_start3A = arith.constant 0 : i32
      %dma_start3A_963 = tpu.memref_slice %arg10[%add3A_920, %dma_start3A] : memref<10240x144xf32, #tpu.memory_space<vmem_shared>> -> memref<16x144xf32, #tpu.memory_space<vmem_shared>>
      %dma_start3A_964 = arith.constant 0 : i32
      %dma_start3A_965 = tpu.memref_slice %arg10[%add3A_920, %dma_start3A_964] : memref<10240x144xf32, #tpu.memory_space<vmem_shared>> -> memref<16x144xf32, #tpu.memory_space<vmem_shared>>
      tpu.enqueue_dma source(%arg9 : memref<16x144xf32, #tpu.memory_space<vmem>>) target(%dma_start3A_965 : memref<16x144xf32, #tpu.memory_space<vmem_shared>>) target_semaphore(%run_scoped3A : memref<!tpu.dma_semaphore, #tpu.memory_space<semaphore_mem>>)
      %dma_wait3A = arith.constant 0 : i32
      %dma_wait3A_966 = tpu.memref_slice %arg10[%add3A_920, %dma_wait3A] : memref<10240x144xf32, #tpu.memory_space<vmem_shared>> -> memref<16x144xf32, #tpu.memory_space<vmem_shared>>
      %dma_wait3A_967 = arith.constant 0 : i32
      %dma_wait3A_968 = tpu.memref_slice %arg10[%add3A_920, %dma_wait3A_967] : memref<10240x144xf32, #tpu.memory_space<vmem_shared>> -> memref<16x144xf32, #tpu.memory_space<vmem_shared>>
      tpu.wait_dma2 semaphore(%run_scoped3A : memref<!tpu.dma_semaphore, #tpu.memory_space<semaphore_mem>>) src(%arg9 : memref<16x144xf32, #tpu.memory_space<vmem>>) dst(%dma_wait3A_968 : memref<16x144xf32, #tpu.memory_space<vmem_shared>>)
      tpu.yield
    }) : () -> ()
    %add3A_921 = arith.constant 432 : i32
    %add3A_922 = arith.addi %mul3A_866, %add3A_921 : i32
    "tpu.region"() ({
      %run_scoped3A = tpu.sem_alloc : memref<!tpu.dma_semaphore, #tpu.memory_space<semaphore_mem>>
      %dma_start3A = arith.constant 0 : i32
      %dma_start3A_963 = tpu.memref_slice %arg10[%add3A_922, %dma_start3A] : memref<10240x144xf32, #tpu.memory_space<vmem_shared>> -> memref<16x144xf32, #tpu.memory_space<vmem_shared>>
      %dma_start3A_964 = arith.constant 0 : i32
      %dma_start3A_965 = tpu.memref_slice %arg10[%add3A_922, %dma_start3A_964] : memref<10240x144xf32, #tpu.memory_space<vmem_shared>> -> memref<16x144xf32, #tpu.memory_space<vmem_shared>>
      tpu.enqueue_dma source(%arg9 : memref<16x144xf32, #tpu.memory_space<vmem>>) target(%dma_start3A_965 : memref<16x144xf32, #tpu.memory_space<vmem_shared>>) target_semaphore(%run_scoped3A : memref<!tpu.dma_semaphore, #tpu.memory_space<semaphore_mem>>)
      %dma_wait3A = arith.constant 0 : i32
      %dma_wait3A_966 = tpu.memref_slice %arg10[%add3A_922, %dma_wait3A] : memref<10240x144xf32, #tpu.memory_space<vmem_shared>> -> memref<16x144xf32, #tpu.memory_space<vmem_shared>>
      %dma_wait3A_967 = arith.constant 0 : i32
      %dma_wait3A_968 = tpu.memref_slice %arg10[%add3A_922, %dma_wait3A_967] : memref<10240x144xf32, #tpu.memory_space<vmem_shared>> -> memref<16x144xf32, #tpu.memory_space<vmem_shared>>
      tpu.wait_dma2 semaphore(%run_scoped3A : memref<!tpu.dma_semaphore, #tpu.memory_space<semaphore_mem>>) src(%arg9 : memref<16x144xf32, #tpu.memory_space<vmem>>) dst(%dma_wait3A_968 : memref<16x144xf32, #tpu.memory_space<vmem_shared>>)
      tpu.yield
    }) : () -> ()
    %add3A_923 = arith.constant 448 : i32
    %add3A_924 = arith.addi %mul3A_866, %add3A_923 : i32
    "tpu.region"() ({
      %run_scoped3A = tpu.sem_alloc : memref<!tpu.dma_semaphore, #tpu.memory_space<semaphore_mem>>
      %dma_start3A = arith.constant 0 : i32
      %dma_start3A_963 = tpu.memref_slice %arg10[%add3A_924, %dma_start3A] : memref<10240x144xf32, #tpu.memory_space<vmem_shared>> -> memref<16x144xf32, #tpu.memory_space<vmem_shared>>
      %dma_start3A_964 = arith.constant 0 : i32
      %dma_start3A_965 = tpu.memref_slice %arg10[%add3A_924, %dma_start3A_964] : memref<10240x144xf32, #tpu.memory_space<vmem_shared>> -> memref<16x144xf32, #tpu.memory_space<vmem_shared>>
      tpu.enqueue_dma source(%arg9 : memref<16x144xf32, #tpu.memory_space<vmem>>) target(%dma_start3A_965 : memref<16x144xf32, #tpu.memory_space<vmem_shared>>) target_semaphore(%run_scoped3A : memref<!tpu.dma_semaphore, #tpu.memory_space<semaphore_mem>>)
      %dma_wait3A = arith.constant 0 : i32
      %dma_wait3A_966 = tpu.memref_slice %arg10[%add3A_924, %dma_wait3A] : memref<10240x144xf32, #tpu.memory_space<vmem_shared>> -> memref<16x144xf32, #tpu.memory_space<vmem_shared>>
      %dma_wait3A_967 = arith.constant 0 : i32
      %dma_wait3A_968 = tpu.memref_slice %arg10[%add3A_924, %dma_wait3A_967] : memref<10240x144xf32, #tpu.memory_space<vmem_shared>> -> memref<16x144xf32, #tpu.memory_space<vmem_shared>>
      tpu.wait_dma2 semaphore(%run_scoped3A : memref<!tpu.dma_semaphore, #tpu.memory_space<semaphore_mem>>) src(%arg9 : memref<16x144xf32, #tpu.memory_space<vmem>>) dst(%dma_wait3A_968 : memref<16x144xf32, #tpu.memory_space<vmem_shared>>)
      tpu.yield
    }) : () -> ()
    %add3A_925 = arith.constant 464 : i32
    %add3A_926 = arith.addi %mul3A_866, %add3A_925 : i32
    "tpu.region"() ({
      %run_scoped3A = tpu.sem_alloc : memref<!tpu.dma_semaphore, #tpu.memory_space<semaphore_mem>>
      %dma_start3A = arith.constant 0 : i32
      %dma_start3A_963 = tpu.memref_slice %arg10[%add3A_926, %dma_start3A] : memref<10240x144xf32, #tpu.memory_space<vmem_shared>> -> memref<16x144xf32, #tpu.memory_space<vmem_shared>>
      %dma_start3A_964 = arith.constant 0 : i32
      %dma_start3A_965 = tpu.memref_slice %arg10[%add3A_926, %dma_start3A_964] : memref<10240x144xf32, #tpu.memory_space<vmem_shared>> -> memref<16x144xf32, #tpu.memory_space<vmem_shared>>
      tpu.enqueue_dma source(%arg9 : memref<16x144xf32, #tpu.memory_space<vmem>>) target(%dma_start3A_965 : memref<16x144xf32, #tpu.memory_space<vmem_shared>>) target_semaphore(%run_scoped3A : memref<!tpu.dma_semaphore, #tpu.memory_space<semaphore_mem>>)
      %dma_wait3A = arith.constant 0 : i32
      %dma_wait3A_966 = tpu.memref_slice %arg10[%add3A_926, %dma_wait3A] : memref<10240x144xf32, #tpu.memory_space<vmem_shared>> -> memref<16x144xf32, #tpu.memory_space<vmem_shared>>
      %dma_wait3A_967 = arith.constant 0 : i32
      %dma_wait3A_968 = tpu.memref_slice %arg10[%add3A_926, %dma_wait3A_967] : memref<10240x144xf32, #tpu.memory_space<vmem_shared>> -> memref<16x144xf32, #tpu.memory_space<vmem_shared>>
      tpu.wait_dma2 semaphore(%run_scoped3A : memref<!tpu.dma_semaphore, #tpu.memory_space<semaphore_mem>>) src(%arg9 : memref<16x144xf32, #tpu.memory_space<vmem>>) dst(%dma_wait3A_968 : memref<16x144xf32, #tpu.memory_space<vmem_shared>>)
      tpu.yield
    }) : () -> ()
    %add3A_927 = arith.constant 480 : i32
    %add3A_928 = arith.addi %mul3A_866, %add3A_927 : i32
    "tpu.region"() ({
      %run_scoped3A = tpu.sem_alloc : memref<!tpu.dma_semaphore, #tpu.memory_space<semaphore_mem>>
      %dma_start3A = arith.constant 0 : i32
      %dma_start3A_963 = tpu.memref_slice %arg10[%add3A_928, %dma_start3A] : memref<10240x144xf32, #tpu.memory_space<vmem_shared>> -> memref<16x144xf32, #tpu.memory_space<vmem_shared>>
      %dma_start3A_964 = arith.constant 0 : i32
      %dma_start3A_965 = tpu.memref_slice %arg10[%add3A_928, %dma_start3A_964] : memref<10240x144xf32, #tpu.memory_space<vmem_shared>> -> memref<16x144xf32, #tpu.memory_space<vmem_shared>>
      tpu.enqueue_dma source(%arg9 : memref<16x144xf32, #tpu.memory_space<vmem>>) target(%dma_start3A_965 : memref<16x144xf32, #tpu.memory_space<vmem_shared>>) target_semaphore(%run_scoped3A : memref<!tpu.dma_semaphore, #tpu.memory_space<semaphore_mem>>)
      %dma_wait3A = arith.constant 0 : i32
      %dma_wait3A_966 = tpu.memref_slice %arg10[%add3A_928, %dma_wait3A] : memref<10240x144xf32, #tpu.memory_space<vmem_shared>> -> memref<16x144xf32, #tpu.memory_space<vmem_shared>>
      %dma_wait3A_967 = arith.constant 0 : i32
      %dma_wait3A_968 = tpu.memref_slice %arg10[%add3A_928, %dma_wait3A_967] : memref<10240x144xf32, #tpu.memory_space<vmem_shared>> -> memref<16x144xf32, #tpu.memory_space<vmem_shared>>
      tpu.wait_dma2 semaphore(%run_scoped3A : memref<!tpu.dma_semaphore, #tpu.memory_space<semaphore_mem>>) src(%arg9 : memref<16x144xf32, #tpu.memory_space<vmem>>) dst(%dma_wait3A_968 : memref<16x144xf32, #tpu.memory_space<vmem_shared>>)
      tpu.yield
    }) : () -> ()
    %add3A_929 = arith.constant 496 : i32
    %add3A_930 = arith.addi %mul3A_866, %add3A_929 : i32
    "tpu.region"() ({
      %run_scoped3A = tpu.sem_alloc : memref<!tpu.dma_semaphore, #tpu.memory_space<semaphore_mem>>
      %dma_start3A = arith.constant 0 : i32
      %dma_start3A_963 = tpu.memref_slice %arg10[%add3A_930, %dma_start3A] : memref<10240x144xf32, #tpu.memory_space<vmem_shared>> -> memref<16x144xf32, #tpu.memory_space<vmem_shared>>
      %dma_start3A_964 = arith.constant 0 : i32
      %dma_start3A_965 = tpu.memref_slice %arg10[%add3A_930, %dma_start3A_964] : memref<10240x144xf32, #tpu.memory_space<vmem_shared>> -> memref<16x144xf32, #tpu.memory_space<vmem_shared>>
      tpu.enqueue_dma source(%arg9 : memref<16x144xf32, #tpu.memory_space<vmem>>) target(%dma_start3A_965 : memref<16x144xf32, #tpu.memory_space<vmem_shared>>) target_semaphore(%run_scoped3A : memref<!tpu.dma_semaphore, #tpu.memory_space<semaphore_mem>>)
      %dma_wait3A = arith.constant 0 : i32
      %dma_wait3A_966 = tpu.memref_slice %arg10[%add3A_930, %dma_wait3A] : memref<10240x144xf32, #tpu.memory_space<vmem_shared>> -> memref<16x144xf32, #tpu.memory_space<vmem_shared>>
      %dma_wait3A_967 = arith.constant 0 : i32
      %dma_wait3A_968 = tpu.memref_slice %arg10[%add3A_930, %dma_wait3A_967] : memref<10240x144xf32, #tpu.memory_space<vmem_shared>> -> memref<16x144xf32, #tpu.memory_space<vmem_shared>>
      tpu.wait_dma2 semaphore(%run_scoped3A : memref<!tpu.dma_semaphore, #tpu.memory_space<semaphore_mem>>) src(%arg9 : memref<16x144xf32, #tpu.memory_space<vmem>>) dst(%dma_wait3A_968 : memref<16x144xf32, #tpu.memory_space<vmem_shared>>)
      tpu.yield
    }) : () -> ()
    %add3A_931 = arith.constant 512 : i32
    %add3A_932 = arith.addi %mul3A_866, %add3A_931 : i32
    "tpu.region"() ({
      %run_scoped3A = tpu.sem_alloc : memref<!tpu.dma_semaphore, #tpu.memory_space<semaphore_mem>>
      %dma_start3A = arith.constant 0 : i32
      %dma_start3A_963 = tpu.memref_slice %arg10[%add3A_932, %dma_start3A] : memref<10240x144xf32, #tpu.memory_space<vmem_shared>> -> memref<16x144xf32, #tpu.memory_space<vmem_shared>>
      %dma_start3A_964 = arith.constant 0 : i32
      %dma_start3A_965 = tpu.memref_slice %arg10[%add3A_932, %dma_start3A_964] : memref<10240x144xf32, #tpu.memory_space<vmem_shared>> -> memref<16x144xf32, #tpu.memory_space<vmem_shared>>
      tpu.enqueue_dma source(%arg9 : memref<16x144xf32, #tpu.memory_space<vmem>>) target(%dma_start3A_965 : memref<16x144xf32, #tpu.memory_space<vmem_shared>>) target_semaphore(%run_scoped3A : memref<!tpu.dma_semaphore, #tpu.memory_space<semaphore_mem>>)
      %dma_wait3A = arith.constant 0 : i32
      %dma_wait3A_966 = tpu.memref_slice %arg10[%add3A_932, %dma_wait3A] : memref<10240x144xf32, #tpu.memory_space<vmem_shared>> -> memref<16x144xf32, #tpu.memory_space<vmem_shared>>
      %dma_wait3A_967 = arith.constant 0 : i32
      %dma_wait3A_968 = tpu.memref_slice %arg10[%add3A_932, %dma_wait3A_967] : memref<10240x144xf32, #tpu.memory_space<vmem_shared>> -> memref<16x144xf32, #tpu.memory_space<vmem_shared>>
      tpu.wait_dma2 semaphore(%run_scoped3A : memref<!tpu.dma_semaphore, #tpu.memory_space<semaphore_mem>>) src(%arg9 : memref<16x144xf32, #tpu.memory_space<vmem>>) dst(%dma_wait3A_968 : memref<16x144xf32, #tpu.memory_space<vmem_shared>>)
      tpu.yield
    }) : () -> ()
    %add3A_933 = arith.constant 528 : i32
    %add3A_934 = arith.addi %mul3A_866, %add3A_933 : i32
    "tpu.region"() ({
      %run_scoped3A = tpu.sem_alloc : memref<!tpu.dma_semaphore, #tpu.memory_space<semaphore_mem>>
      %dma_start3A = arith.constant 0 : i32
      %dma_start3A_963 = tpu.memref_slice %arg10[%add3A_934, %dma_start3A] : memref<10240x144xf32, #tpu.memory_space<vmem_shared>> -> memref<16x144xf32, #tpu.memory_space<vmem_shared>>
      %dma_start3A_964 = arith.constant 0 : i32
      %dma_start3A_965 = tpu.memref_slice %arg10[%add3A_934, %dma_start3A_964] : memref<10240x144xf32, #tpu.memory_space<vmem_shared>> -> memref<16x144xf32, #tpu.memory_space<vmem_shared>>
      tpu.enqueue_dma source(%arg9 : memref<16x144xf32, #tpu.memory_space<vmem>>) target(%dma_start3A_965 : memref<16x144xf32, #tpu.memory_space<vmem_shared>>) target_semaphore(%run_scoped3A : memref<!tpu.dma_semaphore, #tpu.memory_space<semaphore_mem>>)
      %dma_wait3A = arith.constant 0 : i32
      %dma_wait3A_966 = tpu.memref_slice %arg10[%add3A_934, %dma_wait3A] : memref<10240x144xf32, #tpu.memory_space<vmem_shared>> -> memref<16x144xf32, #tpu.memory_space<vmem_shared>>
      %dma_wait3A_967 = arith.constant 0 : i32
      %dma_wait3A_968 = tpu.memref_slice %arg10[%add3A_934, %dma_wait3A_967] : memref<10240x144xf32, #tpu.memory_space<vmem_shared>> -> memref<16x144xf32, #tpu.memory_space<vmem_shared>>
      tpu.wait_dma2 semaphore(%run_scoped3A : memref<!tpu.dma_semaphore, #tpu.memory_space<semaphore_mem>>) src(%arg9 : memref<16x144xf32, #tpu.memory_space<vmem>>) dst(%dma_wait3A_968 : memref<16x144xf32, #tpu.memory_space<vmem_shared>>)
      tpu.yield
    }) : () -> ()
    %add3A_935 = arith.constant 544 : i32
    %add3A_936 = arith.addi %mul3A_866, %add3A_935 : i32
    "tpu.region"() ({
      %run_scoped3A = tpu.sem_alloc : memref<!tpu.dma_semaphore, #tpu.memory_space<semaphore_mem>>
      %dma_start3A = arith.constant 0 : i32
      %dma_start3A_963 = tpu.memref_slice %arg10[%add3A_936, %dma_start3A] : memref<10240x144xf32, #tpu.memory_space<vmem_shared>> -> memref<16x144xf32, #tpu.memory_space<vmem_shared>>
      %dma_start3A_964 = arith.constant 0 : i32
      %dma_start3A_965 = tpu.memref_slice %arg10[%add3A_936, %dma_start3A_964] : memref<10240x144xf32, #tpu.memory_space<vmem_shared>> -> memref<16x144xf32, #tpu.memory_space<vmem_shared>>
      tpu.enqueue_dma source(%arg9 : memref<16x144xf32, #tpu.memory_space<vmem>>) target(%dma_start3A_965 : memref<16x144xf32, #tpu.memory_space<vmem_shared>>) target_semaphore(%run_scoped3A : memref<!tpu.dma_semaphore, #tpu.memory_space<semaphore_mem>>)
      %dma_wait3A = arith.constant 0 : i32
      %dma_wait3A_966 = tpu.memref_slice %arg10[%add3A_936, %dma_wait3A] : memref<10240x144xf32, #tpu.memory_space<vmem_shared>> -> memref<16x144xf32, #tpu.memory_space<vmem_shared>>
      %dma_wait3A_967 = arith.constant 0 : i32
      %dma_wait3A_968 = tpu.memref_slice %arg10[%add3A_936, %dma_wait3A_967] : memref<10240x144xf32, #tpu.memory_space<vmem_shared>> -> memref<16x144xf32, #tpu.memory_space<vmem_shared>>
      tpu.wait_dma2 semaphore(%run_scoped3A : memref<!tpu.dma_semaphore, #tpu.memory_space<semaphore_mem>>) src(%arg9 : memref<16x144xf32, #tpu.memory_space<vmem>>) dst(%dma_wait3A_968 : memref<16x144xf32, #tpu.memory_space<vmem_shared>>)
      tpu.yield
    }) : () -> ()
    %add3A_937 = arith.constant 560 : i32
    %add3A_938 = arith.addi %mul3A_866, %add3A_937 : i32
    "tpu.region"() ({
      %run_scoped3A = tpu.sem_alloc : memref<!tpu.dma_semaphore, #tpu.memory_space<semaphore_mem>>
      %dma_start3A = arith.constant 0 : i32
      %dma_start3A_963 = tpu.memref_slice %arg10[%add3A_938, %dma_start3A] : memref<10240x144xf32, #tpu.memory_space<vmem_shared>> -> memref<16x144xf32, #tpu.memory_space<vmem_shared>>
      %dma_start3A_964 = arith.constant 0 : i32
      %dma_start3A_965 = tpu.memref_slice %arg10[%add3A_938, %dma_start3A_964] : memref<10240x144xf32, #tpu.memory_space<vmem_shared>> -> memref<16x144xf32, #tpu.memory_space<vmem_shared>>
      tpu.enqueue_dma source(%arg9 : memref<16x144xf32, #tpu.memory_space<vmem>>) target(%dma_start3A_965 : memref<16x144xf32, #tpu.memory_space<vmem_shared>>) target_semaphore(%run_scoped3A : memref<!tpu.dma_semaphore, #tpu.memory_space<semaphore_mem>>)
      %dma_wait3A = arith.constant 0 : i32
      %dma_wait3A_966 = tpu.memref_slice %arg10[%add3A_938, %dma_wait3A] : memref<10240x144xf32, #tpu.memory_space<vmem_shared>> -> memref<16x144xf32, #tpu.memory_space<vmem_shared>>
      %dma_wait3A_967 = arith.constant 0 : i32
      %dma_wait3A_968 = tpu.memref_slice %arg10[%add3A_938, %dma_wait3A_967] : memref<10240x144xf32, #tpu.memory_space<vmem_shared>> -> memref<16x144xf32, #tpu.memory_space<vmem_shared>>
      tpu.wait_dma2 semaphore(%run_scoped3A : memref<!tpu.dma_semaphore, #tpu.memory_space<semaphore_mem>>) src(%arg9 : memref<16x144xf32, #tpu.memory_space<vmem>>) dst(%dma_wait3A_968 : memref<16x144xf32, #tpu.memory_space<vmem_shared>>)
      tpu.yield
    }) : () -> ()
    %add3A_939 = arith.constant 576 : i32
    %add3A_940 = arith.addi %mul3A_866, %add3A_939 : i32
    "tpu.region"() ({
      %run_scoped3A = tpu.sem_alloc : memref<!tpu.dma_semaphore, #tpu.memory_space<semaphore_mem>>
      %dma_start3A = arith.constant 0 : i32
      %dma_start3A_963 = tpu.memref_slice %arg10[%add3A_940, %dma_start3A] : memref<10240x144xf32, #tpu.memory_space<vmem_shared>> -> memref<16x144xf32, #tpu.memory_space<vmem_shared>>
      %dma_start3A_964 = arith.constant 0 : i32
      %dma_start3A_965 = tpu.memref_slice %arg10[%add3A_940, %dma_start3A_964] : memref<10240x144xf32, #tpu.memory_space<vmem_shared>> -> memref<16x144xf32, #tpu.memory_space<vmem_shared>>
      tpu.enqueue_dma source(%arg9 : memref<16x144xf32, #tpu.memory_space<vmem>>) target(%dma_start3A_965 : memref<16x144xf32, #tpu.memory_space<vmem_shared>>) target_semaphore(%run_scoped3A : memref<!tpu.dma_semaphore, #tpu.memory_space<semaphore_mem>>)
      %dma_wait3A = arith.constant 0 : i32
      %dma_wait3A_966 = tpu.memref_slice %arg10[%add3A_940, %dma_wait3A] : memref<10240x144xf32, #tpu.memory_space<vmem_shared>> -> memref<16x144xf32, #tpu.memory_space<vmem_shared>>
      %dma_wait3A_967 = arith.constant 0 : i32
      %dma_wait3A_968 = tpu.memref_slice %arg10[%add3A_940, %dma_wait3A_967] : memref<10240x144xf32, #tpu.memory_space<vmem_shared>> -> memref<16x144xf32, #tpu.memory_space<vmem_shared>>
      tpu.wait_dma2 semaphore(%run_scoped3A : memref<!tpu.dma_semaphore, #tpu.memory_space<semaphore_mem>>) src(%arg9 : memref<16x144xf32, #tpu.memory_space<vmem>>) dst(%dma_wait3A_968 : memref<16x144xf32, #tpu.memory_space<vmem_shared>>)
      tpu.yield
    }) : () -> ()
    %add3A_941 = arith.constant 592 : i32
    %add3A_942 = arith.addi %mul3A_866, %add3A_941 : i32
    "tpu.region"() ({
      %run_scoped3A = tpu.sem_alloc : memref<!tpu.dma_semaphore, #tpu.memory_space<semaphore_mem>>
      %dma_start3A = arith.constant 0 : i32
      %dma_start3A_963 = tpu.memref_slice %arg10[%add3A_942, %dma_start3A] : memref<10240x144xf32, #tpu.memory_space<vmem_shared>> -> memref<16x144xf32, #tpu.memory_space<vmem_shared>>
      %dma_start3A_964 = arith.constant 0 : i32
      %dma_start3A_965 = tpu.memref_slice %arg10[%add3A_942, %dma_start3A_964] : memref<10240x144xf32, #tpu.memory_space<vmem_shared>> -> memref<16x144xf32, #tpu.memory_space<vmem_shared>>
      tpu.enqueue_dma source(%arg9 : memref<16x144xf32, #tpu.memory_space<vmem>>) target(%dma_start3A_965 : memref<16x144xf32, #tpu.memory_space<vmem_shared>>) target_semaphore(%run_scoped3A : memref<!tpu.dma_semaphore, #tpu.memory_space<semaphore_mem>>)
      %dma_wait3A = arith.constant 0 : i32
      %dma_wait3A_966 = tpu.memref_slice %arg10[%add3A_942, %dma_wait3A] : memref<10240x144xf32, #tpu.memory_space<vmem_shared>> -> memref<16x144xf32, #tpu.memory_space<vmem_shared>>
      %dma_wait3A_967 = arith.constant 0 : i32
      %dma_wait3A_968 = tpu.memref_slice %arg10[%add3A_942, %dma_wait3A_967] : memref<10240x144xf32, #tpu.memory_space<vmem_shared>> -> memref<16x144xf32, #tpu.memory_space<vmem_shared>>
      tpu.wait_dma2 semaphore(%run_scoped3A : memref<!tpu.dma_semaphore, #tpu.memory_space<semaphore_mem>>) src(%arg9 : memref<16x144xf32, #tpu.memory_space<vmem>>) dst(%dma_wait3A_968 : memref<16x144xf32, #tpu.memory_space<vmem_shared>>)
      tpu.yield
    }) : () -> ()
    %add3A_943 = arith.constant 608 : i32
    %add3A_944 = arith.addi %mul3A_866, %add3A_943 : i32
    "tpu.region"() ({
      %run_scoped3A = tpu.sem_alloc : memref<!tpu.dma_semaphore, #tpu.memory_space<semaphore_mem>>
      %dma_start3A = arith.constant 0 : i32
      %dma_start3A_963 = tpu.memref_slice %arg10[%add3A_944, %dma_start3A] : memref<10240x144xf32, #tpu.memory_space<vmem_shared>> -> memref<16x144xf32, #tpu.memory_space<vmem_shared>>
      %dma_start3A_964 = arith.constant 0 : i32
      %dma_start3A_965 = tpu.memref_slice %arg10[%add3A_944, %dma_start3A_964] : memref<10240x144xf32, #tpu.memory_space<vmem_shared>> -> memref<16x144xf32, #tpu.memory_space<vmem_shared>>
      tpu.enqueue_dma source(%arg9 : memref<16x144xf32, #tpu.memory_space<vmem>>) target(%dma_start3A_965 : memref<16x144xf32, #tpu.memory_space<vmem_shared>>) target_semaphore(%run_scoped3A : memref<!tpu.dma_semaphore, #tpu.memory_space<semaphore_mem>>)
      %dma_wait3A = arith.constant 0 : i32
      %dma_wait3A_966 = tpu.memref_slice %arg10[%add3A_944, %dma_wait3A] : memref<10240x144xf32, #tpu.memory_space<vmem_shared>> -> memref<16x144xf32, #tpu.memory_space<vmem_shared>>
      %dma_wait3A_967 = arith.constant 0 : i32
      %dma_wait3A_968 = tpu.memref_slice %arg10[%add3A_944, %dma_wait3A_967] : memref<10240x144xf32, #tpu.memory_space<vmem_shared>> -> memref<16x144xf32, #tpu.memory_space<vmem_shared>>
      tpu.wait_dma2 semaphore(%run_scoped3A : memref<!tpu.dma_semaphore, #tpu.memory_space<semaphore_mem>>) src(%arg9 : memref<16x144xf32, #tpu.memory_space<vmem>>) dst(%dma_wait3A_968 : memref<16x144xf32, #tpu.memory_space<vmem_shared>>)
      tpu.yield
    }) : () -> ()
    %add3A_945 = arith.constant 624 : i32
    %add3A_946 = arith.addi %mul3A_866, %add3A_945 : i32
    "tpu.region"() ({
      %run_scoped3A = tpu.sem_alloc : memref<!tpu.dma_semaphore, #tpu.memory_space<semaphore_mem>>
      %dma_start3A = arith.constant 0 : i32
      %dma_start3A_963 = tpu.memref_slice %arg10[%add3A_946, %dma_start3A] : memref<10240x144xf32, #tpu.memory_space<vmem_shared>> -> memref<16x144xf32, #tpu.memory_space<vmem_shared>>
      %dma_start3A_964 = arith.constant 0 : i32
      %dma_start3A_965 = tpu.memref_slice %arg10[%add3A_946, %dma_start3A_964] : memref<10240x144xf32, #tpu.memory_space<vmem_shared>> -> memref<16x144xf32, #tpu.memory_space<vmem_shared>>
      tpu.enqueue_dma source(%arg9 : memref<16x144xf32, #tpu.memory_space<vmem>>) target(%dma_start3A_965 : memref<16x144xf32, #tpu.memory_space<vmem_shared>>) target_semaphore(%run_scoped3A : memref<!tpu.dma_semaphore, #tpu.memory_space<semaphore_mem>>)
      %dma_wait3A = arith.constant 0 : i32
      %dma_wait3A_966 = tpu.memref_slice %arg10[%add3A_946, %dma_wait3A] : memref<10240x144xf32, #tpu.memory_space<vmem_shared>> -> memref<16x144xf32, #tpu.memory_space<vmem_shared>>
      %dma_wait3A_967 = arith.constant 0 : i32
      %dma_wait3A_968 = tpu.memref_slice %arg10[%add3A_946, %dma_wait3A_967] : memref<10240x144xf32, #tpu.memory_space<vmem_shared>> -> memref<16x144xf32, #tpu.memory_space<vmem_shared>>
      tpu.wait_dma2 semaphore(%run_scoped3A : memref<!tpu.dma_semaphore, #tpu.memory_space<semaphore_mem>>) src(%arg9 : memref<16x144xf32, #tpu.memory_space<vmem>>) dst(%dma_wait3A_968 : memref<16x144xf32, #tpu.memory_space<vmem_shared>>)
      tpu.yield
    }) : () -> ()
    %barrier3A = arith.constant 0 : index
    tpu.barrier barrier_id(%barrier3A)
    %scan3A = arith.constant 0 : i32
    %scan3A_947 = arith.constant 0 : i32
    %scan3A_948 = arith.constant 79 : i32
    %scan3A_949 = arith.addi %scan3A_947, %scan3A_948 : i32
    %scan3A_950 = arith.constant 1 : i32
    scf.for %scan3A_963 = %scan3A_947 to %scan3A_949 step %scan3A_950  : i32 {
      %mul3A_964 = arith.constant 79 : i32
      %mul3A_965 = arith.muli %add3A, %mul3A_964 : i32
      %add3A_966 = arith.addi %mul3A_965, %scan3A_963 : i32
      %mul3A_967 = arith.constant 128 : i32
      %mul3A_968 = arith.muli %add3A_966, %mul3A_967 : i32
      "tpu.region"() ({
        %run_scoped3A = tpu.sem_alloc : memref<!tpu.dma_semaphore, #tpu.memory_space<semaphore_mem>>
        %dma_start3A_973 = tpu.memref_slice %arg3[%mul3A_968] : memref<323584xi32, #tpu.memory_space<hbm>> -> memref<128xi32, #tpu.memory_space<hbm>>
        %dma_start3A_974 = tpu.memref_slice %arg3[%mul3A_968] : memref<323584xi32, #tpu.memory_space<hbm>> -> memref<128xi32, #tpu.memory_space<hbm>>
        tpu.enqueue_dma source(%dma_start3A_974 : memref<128xi32, #tpu.memory_space<hbm>>) target(%arg6 : memref<128xi32, #tpu.memory_space<vmem>>) target_semaphore(%run_scoped3A : memref<!tpu.dma_semaphore, #tpu.memory_space<semaphore_mem>>)
        %dma_wait3A_975 = tpu.memref_slice %arg3[%mul3A_968] : memref<323584xi32, #tpu.memory_space<hbm>> -> memref<128xi32, #tpu.memory_space<hbm>>
        %dma_wait3A_976 = tpu.memref_slice %arg3[%mul3A_968] : memref<323584xi32, #tpu.memory_space<hbm>> -> memref<128xi32, #tpu.memory_space<hbm>>
        tpu.wait_dma2 semaphore(%run_scoped3A : memref<!tpu.dma_semaphore, #tpu.memory_space<semaphore_mem>>) src(%dma_wait3A_976 : memref<128xi32, #tpu.memory_space<hbm>>) dst(%arg6 : memref<128xi32, #tpu.memory_space<vmem>>)
        tpu.yield
      }) : () -> ()
      "tpu.region"() ({
        %run_scoped3A = tpu.sem_alloc : memref<!tpu.dma_semaphore, #tpu.memory_space<semaphore_mem>>
        %dma_start3A_973 = tpu.memref_slice %arg4[%mul3A_968] : memref<323584xi32, #tpu.memory_space<hbm>> -> memref<128xi32, #tpu.memory_space<hbm>>
        %dma_start3A_974 = tpu.memref_slice %arg4[%mul3A_968] : memref<323584xi32, #tpu.memory_space<hbm>> -> memref<128xi32, #tpu.memory_space<hbm>>
        tpu.enqueue_dma source(%dma_start3A_974 : memref<128xi32, #tpu.memory_space<hbm>>) target(%arg7 : memref<128xi32, #tpu.memory_space<vmem>>) target_semaphore(%run_scoped3A : memref<!tpu.dma_semaphore, #tpu.memory_space<semaphore_mem>>)
        %dma_wait3A_975 = tpu.memref_slice %arg4[%mul3A_968] : memref<323584xi32, #tpu.memory_space<hbm>> -> memref<128xi32, #tpu.memory_space<hbm>>
        %dma_wait3A_976 = tpu.memref_slice %arg4[%mul3A_968] : memref<323584xi32, #tpu.memory_space<hbm>> -> memref<128xi32, #tpu.memory_space<hbm>>
        tpu.wait_dma2 semaphore(%run_scoped3A : memref<!tpu.dma_semaphore, #tpu.memory_space<semaphore_mem>>) src(%dma_wait3A_976 : memref<128xi32, #tpu.memory_space<hbm>>) dst(%arg7 : memref<128xi32, #tpu.memory_space<vmem>>)
        tpu.yield
      }) : () -> ()
      %dma_start3A = arith.constant 0 : i32
      %dma_start3A_969 = arith.constant 0 : i32
      %dma_start3A_970 = tpu.memref_slice %arg2[%dma_start3A, %dma_start3A_969] : memref<10000x144xf32, #tpu.memory_space<hbm>> -> memref<10000x144xf32, #tpu.memory_space<hbm>>
      tpu.enqueue_indirect_dma source(%dma_start3A_970 : memref<10000x144xf32, #tpu.memory_space<hbm>>) target(%arg8 : memref<128x144xf32, #tpu.memory_space<vmem>>) offsets(%arg6 : memref<128xi32, #tpu.memory_space<vmem>>) semaphore(%arg11 : memref<!tpu.dma_semaphore, #tpu.memory_space<semaphore_mem>>)
      %dma_wait3A = arith.constant 0 : i32
      %dma_wait3A_971 = arith.constant 0 : i32
      %dma_wait3A_972 = tpu.memref_slice %arg2[%dma_wait3A, %dma_wait3A_971] : memref<10000x144xf32, #tpu.memory_space<hbm>> -> memref<10000x144xf32, #tpu.memory_space<hbm>>
      tpu.wait_indirect_dma semaphore(%arg11 : memref<!tpu.dma_semaphore, #tpu.memory_space<semaphore_mem>>) src(%dma_wait3A_972 : memref<10000x144xf32, #tpu.memory_space<hbm>>) dst(%arg8 : memref<128x144xf32, #tpu.memory_space<vmem>>)
      "tpu.region"() ({
        %run_scoped3A = tpu.sem_alloc : memref<!tpu.dma_semaphore, #tpu.memory_space<semaphore_mem>>
        %dma_start3A_973 = arith.constant 0 : i32
        %dma_start3A_974 = arith.constant 0 : i32
        %dma_start3A_975 = tpu.memref_slice %arg10[%dma_start3A_973, %dma_start3A_974] : memref<10240x144xf32, #tpu.memory_space<vmem_shared>> -> memref<10240x144xf32, #tpu.memory_space<vmem_shared>>
        tpu.enqueue_indirect_dma source(%arg8 : memref<128x144xf32, #tpu.memory_space<vmem>>) target(%dma_start3A_975 : memref<10240x144xf32, #tpu.memory_space<vmem_shared>>) offsets(%arg7 : memref<128xi32, #tpu.memory_space<vmem>>) semaphore(%run_scoped3A : memref<!tpu.dma_semaphore, #tpu.memory_space<semaphore_mem>>) {add = true}
        %dma_wait3A_976 = arith.constant 0 : i32
        %dma_wait3A_977 = arith.constant 0 : i32
        %dma_wait3A_978 = tpu.memref_slice %arg10[%dma_wait3A_976, %dma_wait3A_977] : memref<10240x144xf32, #tpu.memory_space<vmem_shared>> -> memref<10240x144xf32, #tpu.memory_space<vmem_shared>>
        tpu.wait_indirect_dma semaphore(%run_scoped3A : memref<!tpu.dma_semaphore, #tpu.memory_space<semaphore_mem>>) src(%arg8 : memref<128x144xf32, #tpu.memory_space<vmem>>) dst(%dma_wait3A_978 : memref<10240x144xf32, #tpu.memory_space<vmem_shared>>)
        tpu.yield
      }) : () -> ()
    }
    %scan3A_951 = arith.constant 79 : i32
    %barrier3A_952 = arith.constant 0 : index
    tpu.barrier barrier_id(%barrier3A_952)
    %add3A_953 = arith.constant 0 : i32
    %add3A_954 = arith.addi %mul3A_866, %add3A_953 : i32
    "tpu.region"() ({
      %run_scoped3A = tpu.sem_alloc : memref<!tpu.dma_semaphore, #tpu.memory_space<semaphore_mem>>
      %dma_start3A = arith.constant 0 : i32
      %dma_start3A_963 = tpu.memref_slice %arg10[%add3A_954, %dma_start3A] : memref<10240x144xf32, #tpu.memory_space<vmem_shared>> -> memref<128x144xf32, #tpu.memory_space<vmem_shared>>
      %dma_start3A_964 = arith.constant 0 : i32
      %dma_start3A_965 = tpu.memref_slice %arg10[%add3A_954, %dma_start3A_964] : memref<10240x144xf32, #tpu.memory_space<vmem_shared>> -> memref<128x144xf32, #tpu.memory_space<vmem_shared>>
      tpu.enqueue_dma source(%dma_start3A_965 : memref<128x144xf32, #tpu.memory_space<vmem_shared>>) target(%arg8 : memref<128x144xf32, #tpu.memory_space<vmem>>) target_semaphore(%run_scoped3A : memref<!tpu.dma_semaphore, #tpu.memory_space<semaphore_mem>>)
      %dma_wait3A = arith.constant 0 : i32
      %dma_wait3A_966 = tpu.memref_slice %arg10[%add3A_954, %dma_wait3A] : memref<10240x144xf32, #tpu.memory_space<vmem_shared>> -> memref<128x144xf32, #tpu.memory_space<vmem_shared>>
      %dma_wait3A_967 = arith.constant 0 : i32
      %dma_wait3A_968 = tpu.memref_slice %arg10[%add3A_954, %dma_wait3A_967] : memref<10240x144xf32, #tpu.memory_space<vmem_shared>> -> memref<128x144xf32, #tpu.memory_space<vmem_shared>>
      tpu.wait_dma2 semaphore(%run_scoped3A : memref<!tpu.dma_semaphore, #tpu.memory_space<semaphore_mem>>) src(%dma_wait3A_968 : memref<128x144xf32, #tpu.memory_space<vmem_shared>>) dst(%arg8 : memref<128x144xf32, #tpu.memory_space<vmem>>)
      tpu.yield
    }) : () -> ()
    "tpu.region"() ({
      %run_scoped3A = tpu.sem_alloc : memref<!tpu.dma_semaphore, #tpu.memory_space<semaphore_mem>>
      %dma_start3A = arith.constant 0 : i32
      %dma_start3A_963 = tpu.memref_slice %arg5[%arg0, %add3A_954, %dma_start3A] : memref<2x10240x144xf32, #tpu.memory_space<hbm>> -> memref<1x128x144xf32, #tpu.memory_space<hbm>>
      %dma_start3A_964 = tpu.memref_squeeze %dma_start3A_963 : memref<1x128x144xf32, #tpu.memory_space<hbm>> -> memref<128x144xf32, #tpu.memory_space<hbm>>
      %dma_start3A_965 = arith.constant 0 : i32
      %dma_start3A_966 = tpu.memref_slice %arg5[%arg0, %add3A_954, %dma_start3A_965] : memref<2x10240x144xf32, #tpu.memory_space<hbm>> -> memref<1x128x144xf32, #tpu.memory_space<hbm>>
      %dma_start3A_967 = tpu.memref_squeeze %dma_start3A_966 : memref<1x128x144xf32, #tpu.memory_space<hbm>> -> memref<128x144xf32, #tpu.memory_space<hbm>>
      tpu.enqueue_dma source(%arg8 : memref<128x144xf32, #tpu.memory_space<vmem>>) target(%dma_start3A_967 : memref<128x144xf32, #tpu.memory_space<hbm>>) target_semaphore(%run_scoped3A : memref<!tpu.dma_semaphore, #tpu.memory_space<semaphore_mem>>)
      %dma_wait3A = arith.constant 0 : i32
      %dma_wait3A_968 = tpu.memref_slice %arg5[%arg0, %add3A_954, %dma_wait3A] : memref<2x10240x144xf32, #tpu.memory_space<hbm>> -> memref<1x128x144xf32, #tpu.memory_space<hbm>>
      %dma_wait3A_969 = tpu.memref_squeeze %dma_wait3A_968 : memref<1x128x144xf32, #tpu.memory_space<hbm>> -> memref<128x144xf32, #tpu.memory_space<hbm>>
      %dma_wait3A_970 = arith.constant 0 : i32
      %dma_wait3A_971 = tpu.memref_slice %arg5[%arg0, %add3A_954, %dma_wait3A_970] : memref<2x10240x144xf32, #tpu.memory_space<hbm>> -> memref<1x128x144xf32, #tpu.memory_space<hbm>>
      %dma_wait3A_972 = tpu.memref_squeeze %dma_wait3A_971 : memref<1x128x144xf32, #tpu.memory_space<hbm>> -> memref<128x144xf32, #tpu.memory_space<hbm>>
      tpu.wait_dma2 semaphore(%run_scoped3A : memref<!tpu.dma_semaphore, #tpu.memory_space<semaphore_mem>>) src(%arg8 : memref<128x144xf32, #tpu.memory_space<vmem>>) dst(%dma_wait3A_972 : memref<128x144xf32, #tpu.memory_space<hbm>>)
      tpu.yield
    }) : () -> ()
    %add3A_955 = arith.constant 128 : i32
    %add3A_956 = arith.addi %mul3A_866, %add3A_955 : i32
    "tpu.region"() ({
      %run_scoped3A = tpu.sem_alloc : memref<!tpu.dma_semaphore, #tpu.memory_space<semaphore_mem>>
      %dma_start3A = arith.constant 0 : i32
      %dma_start3A_963 = tpu.memref_slice %arg10[%add3A_956, %dma_start3A] : memref<10240x144xf32, #tpu.memory_space<vmem_shared>> -> memref<128x144xf32, #tpu.memory_space<vmem_shared>>
      %dma_start3A_964 = arith.constant 0 : i32
      %dma_start3A_965 = tpu.memref_slice %arg10[%add3A_956, %dma_start3A_964] : memref<10240x144xf32, #tpu.memory_space<vmem_shared>> -> memref<128x144xf32, #tpu.memory_space<vmem_shared>>
      tpu.enqueue_dma source(%dma_start3A_965 : memref<128x144xf32, #tpu.memory_space<vmem_shared>>) target(%arg8 : memref<128x144xf32, #tpu.memory_space<vmem>>) target_semaphore(%run_scoped3A : memref<!tpu.dma_semaphore, #tpu.memory_space<semaphore_mem>>)
      %dma_wait3A = arith.constant 0 : i32
      %dma_wait3A_966 = tpu.memref_slice %arg10[%add3A_956, %dma_wait3A] : memref<10240x144xf32, #tpu.memory_space<vmem_shared>> -> memref<128x144xf32, #tpu.memory_space<vmem_shared>>
      %dma_wait3A_967 = arith.constant 0 : i32
      %dma_wait3A_968 = tpu.memref_slice %arg10[%add3A_956, %dma_wait3A_967] : memref<10240x144xf32, #tpu.memory_space<vmem_shared>> -> memref<128x144xf32, #tpu.memory_space<vmem_shared>>
      tpu.wait_dma2 semaphore(%run_scoped3A : memref<!tpu.dma_semaphore, #tpu.memory_space<semaphore_mem>>) src(%dma_wait3A_968 : memref<128x144xf32, #tpu.memory_space<vmem_shared>>) dst(%arg8 : memref<128x144xf32, #tpu.memory_space<vmem>>)
      tpu.yield
    }) : () -> ()
    "tpu.region"() ({
      %run_scoped3A = tpu.sem_alloc : memref<!tpu.dma_semaphore, #tpu.memory_space<semaphore_mem>>
      %dma_start3A = arith.constant 0 : i32
      %dma_start3A_963 = tpu.memref_slice %arg5[%arg0, %add3A_956, %dma_start3A] : memref<2x10240x144xf32, #tpu.memory_space<hbm>> -> memref<1x128x144xf32, #tpu.memory_space<hbm>>
      %dma_start3A_964 = tpu.memref_squeeze %dma_start3A_963 : memref<1x128x144xf32, #tpu.memory_space<hbm>> -> memref<128x144xf32, #tpu.memory_space<hbm>>
      %dma_start3A_965 = arith.constant 0 : i32
      %dma_start3A_966 = tpu.memref_slice %arg5[%arg0, %add3A_956, %dma_start3A_965] : memref<2x10240x144xf32, #tpu.memory_space<hbm>> -> memref<1x128x144xf32, #tpu.memory_space<hbm>>
      %dma_start3A_967 = tpu.memref_squeeze %dma_start3A_966 : memref<1x128x144xf32, #tpu.memory_space<hbm>> -> memref<128x144xf32, #tpu.memory_space<hbm>>
      tpu.enqueue_dma source(%arg8 : memref<128x144xf32, #tpu.memory_space<vmem>>) target(%dma_start3A_967 : memref<128x144xf32, #tpu.memory_space<hbm>>) target_semaphore(%run_scoped3A : memref<!tpu.dma_semaphore, #tpu.memory_space<semaphore_mem>>)
      %dma_wait3A = arith.constant 0 : i32
      %dma_wait3A_968 = tpu.memref_slice %arg5[%arg0, %add3A_956, %dma_wait3A] : memref<2x10240x144xf32, #tpu.memory_space<hbm>> -> memref<1x128x144xf32, #tpu.memory_space<hbm>>
      %dma_wait3A_969 = tpu.memref_squeeze %dma_wait3A_968 : memref<1x128x144xf32, #tpu.memory_space<hbm>> -> memref<128x144xf32, #tpu.memory_space<hbm>>
      %dma_wait3A_970 = arith.constant 0 : i32
      %dma_wait3A_971 = tpu.memref_slice %arg5[%arg0, %add3A_956, %dma_wait3A_970] : memref<2x10240x144xf32, #tpu.memory_space<hbm>> -> memref<1x128x144xf32, #tpu.memory_space<hbm>>
      %dma_wait3A_972 = tpu.memref_squeeze %dma_wait3A_971 : memref<1x128x144xf32, #tpu.memory_space<hbm>> -> memref<128x144xf32, #tpu.memory_space<hbm>>
      tpu.wait_dma2 semaphore(%run_scoped3A : memref<!tpu.dma_semaphore, #tpu.memory_space<semaphore_mem>>) src(%arg8 : memref<128x144xf32, #tpu.memory_space<vmem>>) dst(%dma_wait3A_972 : memref<128x144xf32, #tpu.memory_space<hbm>>)
      tpu.yield
    }) : () -> ()
    %add3A_957 = arith.constant 256 : i32
    %add3A_958 = arith.addi %mul3A_866, %add3A_957 : i32
    "tpu.region"() ({
      %run_scoped3A = tpu.sem_alloc : memref<!tpu.dma_semaphore, #tpu.memory_space<semaphore_mem>>
      %dma_start3A = arith.constant 0 : i32
      %dma_start3A_963 = tpu.memref_slice %arg10[%add3A_958, %dma_start3A] : memref<10240x144xf32, #tpu.memory_space<vmem_shared>> -> memref<128x144xf32, #tpu.memory_space<vmem_shared>>
      %dma_start3A_964 = arith.constant 0 : i32
      %dma_start3A_965 = tpu.memref_slice %arg10[%add3A_958, %dma_start3A_964] : memref<10240x144xf32, #tpu.memory_space<vmem_shared>> -> memref<128x144xf32, #tpu.memory_space<vmem_shared>>
      tpu.enqueue_dma source(%dma_start3A_965 : memref<128x144xf32, #tpu.memory_space<vmem_shared>>) target(%arg8 : memref<128x144xf32, #tpu.memory_space<vmem>>) target_semaphore(%run_scoped3A : memref<!tpu.dma_semaphore, #tpu.memory_space<semaphore_mem>>)
      %dma_wait3A = arith.constant 0 : i32
      %dma_wait3A_966 = tpu.memref_slice %arg10[%add3A_958, %dma_wait3A] : memref<10240x144xf32, #tpu.memory_space<vmem_shared>> -> memref<128x144xf32, #tpu.memory_space<vmem_shared>>
      %dma_wait3A_967 = arith.constant 0 : i32
      %dma_wait3A_968 = tpu.memref_slice %arg10[%add3A_958, %dma_wait3A_967] : memref<10240x144xf32, #tpu.memory_space<vmem_shared>> -> memref<128x144xf32, #tpu.memory_space<vmem_shared>>
      tpu.wait_dma2 semaphore(%run_scoped3A : memref<!tpu.dma_semaphore, #tpu.memory_space<semaphore_mem>>) src(%dma_wait3A_968 : memref<128x144xf32, #tpu.memory_space<vmem_shared>>) dst(%arg8 : memref<128x144xf32, #tpu.memory_space<vmem>>)
      tpu.yield
    }) : () -> ()
    "tpu.region"() ({
      %run_scoped3A = tpu.sem_alloc : memref<!tpu.dma_semaphore, #tpu.memory_space<semaphore_mem>>
      %dma_start3A = arith.constant 0 : i32
      %dma_start3A_963 = tpu.memref_slice %arg5[%arg0, %add3A_958, %dma_start3A] : memref<2x10240x144xf32, #tpu.memory_space<hbm>> -> memref<1x128x144xf32, #tpu.memory_space<hbm>>
      %dma_start3A_964 = tpu.memref_squeeze %dma_start3A_963 : memref<1x128x144xf32, #tpu.memory_space<hbm>> -> memref<128x144xf32, #tpu.memory_space<hbm>>
      %dma_start3A_965 = arith.constant 0 : i32
      %dma_start3A_966 = tpu.memref_slice %arg5[%arg0, %add3A_958, %dma_start3A_965] : memref<2x10240x144xf32, #tpu.memory_space<hbm>> -> memref<1x128x144xf32, #tpu.memory_space<hbm>>
      %dma_start3A_967 = tpu.memref_squeeze %dma_start3A_966 : memref<1x128x144xf32, #tpu.memory_space<hbm>> -> memref<128x144xf32, #tpu.memory_space<hbm>>
      tpu.enqueue_dma source(%arg8 : memref<128x144xf32, #tpu.memory_space<vmem>>) target(%dma_start3A_967 : memref<128x144xf32, #tpu.memory_space<hbm>>) target_semaphore(%run_scoped3A : memref<!tpu.dma_semaphore, #tpu.memory_space<semaphore_mem>>)
      %dma_wait3A = arith.constant 0 : i32
      %dma_wait3A_968 = tpu.memref_slice %arg5[%arg0, %add3A_958, %dma_wait3A] : memref<2x10240x144xf32, #tpu.memory_space<hbm>> -> memref<1x128x144xf32, #tpu.memory_space<hbm>>
      %dma_wait3A_969 = tpu.memref_squeeze %dma_wait3A_968 : memref<1x128x144xf32, #tpu.memory_space<hbm>> -> memref<128x144xf32, #tpu.memory_space<hbm>>
      %dma_wait3A_970 = arith.constant 0 : i32
      %dma_wait3A_971 = tpu.memref_slice %arg5[%arg0, %add3A_958, %dma_wait3A_970] : memref<2x10240x144xf32, #tpu.memory_space<hbm>> -> memref<1x128x144xf32, #tpu.memory_space<hbm>>
      %dma_wait3A_972 = tpu.memref_squeeze %dma_wait3A_971 : memref<1x128x144xf32, #tpu.memory_space<hbm>> -> memref<128x144xf32, #tpu.memory_space<hbm>>
      tpu.wait_dma2 semaphore(%run_scoped3A : memref<!tpu.dma_semaphore, #tpu.memory_space<semaphore_mem>>) src(%arg8 : memref<128x144xf32, #tpu.memory_space<vmem>>) dst(%dma_wait3A_972 : memref<128x144xf32, #tpu.memory_space<hbm>>)
      tpu.yield
    }) : () -> ()
    %add3A_959 = arith.constant 384 : i32
    %add3A_960 = arith.addi %mul3A_866, %add3A_959 : i32
    "tpu.region"() ({
      %run_scoped3A = tpu.sem_alloc : memref<!tpu.dma_semaphore, #tpu.memory_space<semaphore_mem>>
      %dma_start3A = arith.constant 0 : i32
      %dma_start3A_963 = tpu.memref_slice %arg10[%add3A_960, %dma_start3A] : memref<10240x144xf32, #tpu.memory_space<vmem_shared>> -> memref<128x144xf32, #tpu.memory_space<vmem_shared>>
      %dma_start3A_964 = arith.constant 0 : i32
      %dma_start3A_965 = tpu.memref_slice %arg10[%add3A_960, %dma_start3A_964] : memref<10240x144xf32, #tpu.memory_space<vmem_shared>> -> memref<128x144xf32, #tpu.memory_space<vmem_shared>>
      tpu.enqueue_dma source(%dma_start3A_965 : memref<128x144xf32, #tpu.memory_space<vmem_shared>>) target(%arg8 : memref<128x144xf32, #tpu.memory_space<vmem>>) target_semaphore(%run_scoped3A : memref<!tpu.dma_semaphore, #tpu.memory_space<semaphore_mem>>)
      %dma_wait3A = arith.constant 0 : i32
      %dma_wait3A_966 = tpu.memref_slice %arg10[%add3A_960, %dma_wait3A] : memref<10240x144xf32, #tpu.memory_space<vmem_shared>> -> memref<128x144xf32, #tpu.memory_space<vmem_shared>>
      %dma_wait3A_967 = arith.constant 0 : i32
      %dma_wait3A_968 = tpu.memref_slice %arg10[%add3A_960, %dma_wait3A_967] : memref<10240x144xf32, #tpu.memory_space<vmem_shared>> -> memref<128x144xf32, #tpu.memory_space<vmem_shared>>
      tpu.wait_dma2 semaphore(%run_scoped3A : memref<!tpu.dma_semaphore, #tpu.memory_space<semaphore_mem>>) src(%dma_wait3A_968 : memref<128x144xf32, #tpu.memory_space<vmem_shared>>) dst(%arg8 : memref<128x144xf32, #tpu.memory_space<vmem>>)
      tpu.yield
    }) : () -> ()
    "tpu.region"() ({
      %run_scoped3A = tpu.sem_alloc : memref<!tpu.dma_semaphore, #tpu.memory_space<semaphore_mem>>
      %dma_start3A = arith.constant 0 : i32
      %dma_start3A_963 = tpu.memref_slice %arg5[%arg0, %add3A_960, %dma_start3A] : memref<2x10240x144xf32, #tpu.memory_space<hbm>> -> memref<1x128x144xf32, #tpu.memory_space<hbm>>
      %dma_start3A_964 = tpu.memref_squeeze %dma_start3A_963 : memref<1x128x144xf32, #tpu.memory_space<hbm>> -> memref<128x144xf32, #tpu.memory_space<hbm>>
      %dma_start3A_965 = arith.constant 0 : i32
      %dma_start3A_966 = tpu.memref_slice %arg5[%arg0, %add3A_960, %dma_start3A_965] : memref<2x10240x144xf32, #tpu.memory_space<hbm>> -> memref<1x128x144xf32, #tpu.memory_space<hbm>>
      %dma_start3A_967 = tpu.memref_squeeze %dma_start3A_966 : memref<1x128x144xf32, #tpu.memory_space<hbm>> -> memref<128x144xf32, #tpu.memory_space<hbm>>
      tpu.enqueue_dma source(%arg8 : memref<128x144xf32, #tpu.memory_space<vmem>>) target(%dma_start3A_967 : memref<128x144xf32, #tpu.memory_space<hbm>>) target_semaphore(%run_scoped3A : memref<!tpu.dma_semaphore, #tpu.memory_space<semaphore_mem>>)
      %dma_wait3A = arith.constant 0 : i32
      %dma_wait3A_968 = tpu.memref_slice %arg5[%arg0, %add3A_960, %dma_wait3A] : memref<2x10240x144xf32, #tpu.memory_space<hbm>> -> memref<1x128x144xf32, #tpu.memory_space<hbm>>
      %dma_wait3A_969 = tpu.memref_squeeze %dma_wait3A_968 : memref<1x128x144xf32, #tpu.memory_space<hbm>> -> memref<128x144xf32, #tpu.memory_space<hbm>>
      %dma_wait3A_970 = arith.constant 0 : i32
      %dma_wait3A_971 = tpu.memref_slice %arg5[%arg0, %add3A_960, %dma_wait3A_970] : memref<2x10240x144xf32, #tpu.memory_space<hbm>> -> memref<1x128x144xf32, #tpu.memory_space<hbm>>
      %dma_wait3A_972 = tpu.memref_squeeze %dma_wait3A_971 : memref<1x128x144xf32, #tpu.memory_space<hbm>> -> memref<128x144xf32, #tpu.memory_space<hbm>>
      tpu.wait_dma2 semaphore(%run_scoped3A : memref<!tpu.dma_semaphore, #tpu.memory_space<semaphore_mem>>) src(%arg8 : memref<128x144xf32, #tpu.memory_space<vmem>>) dst(%dma_wait3A_972 : memref<128x144xf32, #tpu.memory_space<hbm>>)
      tpu.yield
    }) : () -> ()
    %add3A_961 = arith.constant 512 : i32
    %add3A_962 = arith.addi %mul3A_866, %add3A_961 : i32
    "tpu.region"() ({
      %run_scoped3A = tpu.sem_alloc : memref<!tpu.dma_semaphore, #tpu.memory_space<semaphore_mem>>
      %dma_start3A = arith.constant 0 : i32
      %dma_start3A_963 = tpu.memref_slice %arg10[%add3A_962, %dma_start3A] : memref<10240x144xf32, #tpu.memory_space<vmem_shared>> -> memref<128x144xf32, #tpu.memory_space<vmem_shared>>
      %dma_start3A_964 = arith.constant 0 : i32
      %dma_start3A_965 = tpu.memref_slice %arg10[%add3A_962, %dma_start3A_964] : memref<10240x144xf32, #tpu.memory_space<vmem_shared>> -> memref<128x144xf32, #tpu.memory_space<vmem_shared>>
      tpu.enqueue_dma source(%dma_start3A_965 : memref<128x144xf32, #tpu.memory_space<vmem_shared>>) target(%arg8 : memref<128x144xf32, #tpu.memory_space<vmem>>) target_semaphore(%run_scoped3A : memref<!tpu.dma_semaphore, #tpu.memory_space<semaphore_mem>>)
      %dma_wait3A = arith.constant 0 : i32
      %dma_wait3A_966 = tpu.memref_slice %arg10[%add3A_962, %dma_wait3A] : memref<10240x144xf32, #tpu.memory_space<vmem_shared>> -> memref<128x144xf32, #tpu.memory_space<vmem_shared>>
      %dma_wait3A_967 = arith.constant 0 : i32
      %dma_wait3A_968 = tpu.memref_slice %arg10[%add3A_962, %dma_wait3A_967] : memref<10240x144xf32, #tpu.memory_space<vmem_shared>> -> memref<128x144xf32, #tpu.memory_space<vmem_shared>>
      tpu.wait_dma2 semaphore(%run_scoped3A : memref<!tpu.dma_semaphore, #tpu.memory_space<semaphore_mem>>) src(%dma_wait3A_968 : memref<128x144xf32, #tpu.memory_space<vmem_shared>>) dst(%arg8 : memref<128x144xf32, #tpu.memory_space<vmem>>)
      tpu.yield
    }) : () -> ()
    "tpu.region"() ({
      %run_scoped3A = tpu.sem_alloc : memref<!tpu.dma_semaphore, #tpu.memory_space<semaphore_mem>>
      %dma_start3A = arith.constant 0 : i32
      %dma_start3A_963 = tpu.memref_slice %arg5[%arg0, %add3A_962, %dma_start3A] : memref<2x10240x144xf32, #tpu.memory_space<hbm>> -> memref<1x128x144xf32, #tpu.memory_space<hbm>>
      %dma_start3A_964 = tpu.memref_squeeze %dma_start3A_963 : memref<1x128x144xf32, #tpu.memory_space<hbm>> -> memref<128x144xf32, #tpu.memory_space<hbm>>
      %dma_start3A_965 = arith.constant 0 : i32
      %dma_start3A_966 = tpu.memref_slice %arg5[%arg0, %add3A_962, %dma_start3A_965] : memref<2x10240x144xf32, #tpu.memory_space<hbm>> -> memref<1x128x144xf32, #tpu.memory_space<hbm>>
      %dma_start3A_967 = tpu.memref_squeeze %dma_start3A_966 : memref<1x128x144xf32, #tpu.memory_space<hbm>> -> memref<128x144xf32, #tpu.memory_space<hbm>>
      tpu.enqueue_dma source(%arg8 : memref<128x144xf32, #tpu.memory_space<vmem>>) target(%dma_start3A_967 : memref<128x144xf32, #tpu.memory_space<hbm>>) target_semaphore(%run_scoped3A : memref<!tpu.dma_semaphore, #tpu.memory_space<semaphore_mem>>)
      %dma_wait3A = arith.constant 0 : i32
      %dma_wait3A_968 = tpu.memref_slice %arg5[%arg0, %add3A_962, %dma_wait3A] : memref<2x10240x144xf32, #tpu.memory_space<hbm>> -> memref<1x128x144xf32, #tpu.memory_space<hbm>>
      %dma_wait3A_969 = tpu.memref_squeeze %dma_wait3A_968 : memref<1x128x144xf32, #tpu.memory_space<hbm>> -> memref<128x144xf32, #tpu.memory_space<hbm>>
      %dma_wait3A_970 = arith.constant 0 : i32
      %dma_wait3A_971 = tpu.memref_slice %arg5[%arg0, %add3A_962, %dma_wait3A_970] : memref<2x10240x144xf32, #tpu.memory_space<hbm>> -> memref<1x128x144xf32, #tpu.memory_space<hbm>>
      %dma_wait3A_972 = tpu.memref_squeeze %dma_wait3A_971 : memref<1x128x144xf32, #tpu.memory_space<hbm>> -> memref<128x144xf32, #tpu.memory_space<hbm>>
      tpu.wait_dma2 semaphore(%run_scoped3A : memref<!tpu.dma_semaphore, #tpu.memory_space<semaphore_mem>>) src(%arg8 : memref<128x144xf32, #tpu.memory_space<vmem>>) dst(%dma_wait3A_972 : memref<128x144xf32, #tpu.memory_space<hbm>>)
      tpu.yield
    }) : () -> ()
    return
  }
}

module attributes {stable_mosaic.version = 14 : i64} {
  func.func @_tc_body(%arg0: i32, %arg1: memref<2000x144xf32, #tpu.memory_space<vmem>>, %arg2: memref<2000x144xf32, #tpu.memory_space<vmem>>, %arg3: memref<2000x144xf32, #tpu.memory_space<vmem>>, %arg4: memref<144x128xf32, #tpu.memory_space<vmem>>, %arg5: memref<144x128xf32, #tpu.memory_space<vmem>>, %arg6: memref<1x128xf32, #tpu.memory_space<vmem>>, %arg7: memref<2000x144xf32, #tpu.memory_space<vmem>>) attributes {dimension_semantics = [#tpu.dimension_semantics<arbitrary>], iteration_bounds = array<i64: 5>, scalar_prefetch = 0 : i64, scratch_operands = 0 : i64, tpu.core_type = #tpu.core_type<tc>, window_params = [{transform_indices = @transform_0, window_bounds = array<i64: 2000, 144>}, {transform_indices = @transform_1, window_bounds = array<i64: 2000, 144>}, {transform_indices = @transform_2, window_bounds = array<i64: 2000, 144>}, {pipeline_mode = #tpu.pipeline_mode<synchronous>, transform_indices = @transform_3, window_bounds = array<i64: 144, 128>}, {pipeline_mode = #tpu.pipeline_mode<synchronous>, transform_indices = @transform_4, window_bounds = array<i64: 144, 128>}, {pipeline_mode = #tpu.pipeline_mode<synchronous>, transform_indices = @transform_5, window_bounds = array<i64: 1, 128>}, {transform_indices = @transform_6, window_bounds = array<i64: 2000, 144>}]} {
    %get3A = arith.constant 0 : index
    %get3A_0 = arith.constant 0 : index
    %get3A_1 = vector.load %arg1[%get3A, %get3A_0] : memref<2000x144xf32, #tpu.memory_space<vmem>>, vector<2000x144xf32>
    %get3A_2 = arith.constant 0 : index
    %get3A_3 = arith.constant 0 : index
    %get3A_4 = vector.load %arg2[%get3A_2, %get3A_3] : memref<2000x144xf32, #tpu.memory_space<vmem>>, vector<2000x144xf32>
    %add3A = arith.addf %get3A_1, %get3A_4 : vector<2000x144xf32>
    %slice3A = vector.extract_strided_slice %add3A {offsets = [0, 128], sizes = [2000, 1], strides = [1, 1]} : vector<2000x144xf32> to vector<2000x1xf32>
    %max3A = arith.constant 1.000000e+00 : f32
    %max3A_5 = vector.broadcast %max3A : f32 to vector<2000x1xf32>
    %max3A_6 = arith.maximumf %slice3A, %max3A_5 : vector<2000x1xf32>
    %div3A = vector.broadcast %max3A_6 : vector<2000x1xf32> to vector<2000x144xf32>
    %div3A_7 = arith.divf %add3A, %div3A : vector<2000x144xf32>
    %get3A_8 = arith.constant 0 : index
    %get3A_9 = arith.constant 0 : index
    %get3A_10 = vector.load %arg4[%get3A_8, %get3A_9] : memref<144x128xf32, #tpu.memory_space<vmem>>, vector<144x128xf32>
    %dot_general3A = arith.constant dense<0.000000e+00> : vector<2000x128xf32>
    %dot_general3A_11 = tpu.matmul %div3A_7, %get3A_10, %dot_general3A {dimension_numbers = #tpu.dot_dimension_numbers<[1], [0], [0], [1], [0, 0, 1, 1], [], []>, transpose_lhs_hint = false} : vector<2000x144xf32>, vector<144x128xf32>, vector<2000x128xf32> -> vector<2000x128xf32>
    %get3A_12 = arith.constant 0 : index
    %get3A_13 = arith.constant 0 : index
    %get3A_14 = vector.load %arg3[%get3A_12, %get3A_13] : memref<2000x144xf32, #tpu.memory_space<vmem>>, vector<2000x144xf32>
    %get3A_15 = arith.constant 0 : index
    %get3A_16 = arith.constant 0 : index
    %get3A_17 = vector.load %arg5[%get3A_15, %get3A_16] : memref<144x128xf32, #tpu.memory_space<vmem>>, vector<144x128xf32>
    %dot_general3A_18 = arith.constant dense<0.000000e+00> : vector<2000x128xf32>
    %dot_general3A_19 = tpu.matmul %get3A_14, %get3A_17, %dot_general3A_18 {dimension_numbers = #tpu.dot_dimension_numbers<[1], [0], [0], [1], [0, 0, 1, 1], [], []>, transpose_lhs_hint = false} : vector<2000x144xf32>, vector<144x128xf32>, vector<2000x128xf32> -> vector<2000x128xf32>
    %add3A_20 = arith.addf %dot_general3A_11, %dot_general3A_19 : vector<2000x128xf32>
    %get3A_21 = arith.constant 0 : index
    %get3A_22 = arith.constant 0 : index
    %get3A_23 = vector.load %arg6[%get3A_21, %get3A_22] : memref<1x128xf32, #tpu.memory_space<vmem>>, vector<1x128xf32>
    %add3A_24 = vector.broadcast %get3A_23 : vector<1x128xf32> to vector<2000x128xf32>
    %add3A_25 = arith.addf %add3A_20, %add3A_24 : vector<2000x128xf32>
    %max3A_26 = arith.constant 0.000000e+00 : f32
    %max3A_27 = vector.broadcast %max3A_26 : f32 to vector<2000x128xf32>
    %max3A_28 = arith.maximumf %add3A_25, %max3A_27 : vector<2000x128xf32>
    %swap3A = arith.constant 0 : index
    %swap3A_29 = arith.constant 0 : index
    %swap3A_30 = vector.load %arg7[%swap3A, %swap3A_29] : memref<2000x144xf32, #tpu.memory_space<vmem>>, vector<2000x128xf32>
    tpu.vector_store %arg7[%swap3A, %swap3A_29], %max3A_28 {strides = array<i32>} : memref<2000x144xf32, #tpu.memory_space<vmem>>, vector<2000x128xf32>,
    %iota3A = tpu.iota {dimensions = array<i32: 1>} : vector<2000x16xi32>
    %eq3A = arith.constant 0 : i32
    %eq3A_31 = vector.broadcast %eq3A : i32 to vector<2000x16xi32>
    %eq3A_32 = arith.cmpi eq, %iota3A, %eq3A_31 : vector<2000x16xi32>
    %jit3A = arith.constant 1.000000e+00 : f32
    %jit3A_33 = arith.constant 0.000000e+00 : f32
    %broadcast_in_dim3A = vector.broadcast %jit3A : f32 to vector<2000x16xf32>
    %broadcast_in_dim3A_34 = vector.broadcast %jit3A_33 : f32 to vector<2000x16xf32>
    %select_n3A = arith.select %eq3A_32, %broadcast_in_dim3A, %broadcast_in_dim3A_34 : vector<2000x16xi1>, vector<2000x16xf32>
    %swap3A_35 = arith.constant 0 : index
    %swap3A_36 = arith.constant 128 : index
    %swap3A_37 = vector.load %arg7[%swap3A_35, %swap3A_36] : memref<2000x144xf32, #tpu.memory_space<vmem>>, vector<2000x16xf32>
    tpu.vector_store %arg7[%swap3A_35, %swap3A_36], %select_n3A {strides = array<i32>} : memref<2000x144xf32, #tpu.memory_space<vmem>>, vector<2000x16xf32>,
    return
  }
  func.func @transform_0(%arg0: i32) -> (i32, i32) {
    %c0_i32 = arith.constant 0 : i32
    %c0_i32_0 = arith.constant 0 : i32
    return %arg0, %c0_i32 : i32, i32
  }
  func.func @transform_1(%arg0: i32) -> (i32, i32) {
    %c0_i32 = arith.constant 0 : i32
    %c0_i32_0 = arith.constant 0 : i32
    return %arg0, %c0_i32 : i32, i32
  }
  func.func @transform_2(%arg0: i32) -> (i32, i32) {
    %c0_i32 = arith.constant 0 : i32
    %c0_i32_0 = arith.constant 0 : i32
    return %arg0, %c0_i32 : i32, i32
  }
  func.func @transform_3(%arg0: i32) -> (i32, i32) {
    %c0_i32 = arith.constant 0 : i32
    %c0_i32_0 = arith.constant 0 : i32
    %c0_i32_1 = arith.constant 0 : i32
    return %c0_i32, %c0_i32_0 : i32, i32
  }
  func.func @transform_4(%arg0: i32) -> (i32, i32) {
    %c0_i32 = arith.constant 0 : i32
    %c0_i32_0 = arith.constant 0 : i32
    %c0_i32_1 = arith.constant 0 : i32
    return %c0_i32, %c0_i32_0 : i32, i32
  }
  func.func @transform_5(%arg0: i32) -> (i32, i32) {
    %c0_i32 = arith.constant 0 : i32
    %c0_i32_0 = arith.constant 0 : i32
    %c0_i32_1 = arith.constant 0 : i32
    return %c0_i32, %c0_i32_0 : i32, i32
  }
  func.func @transform_6(%arg0: i32) -> (i32, i32) {
    %c0_i32 = arith.constant 0 : i32
    %c0_i32_0 = arith.constant 0 : i32
    return %arg0, %c0_i32 : i32, i32
  }
}

module attributes {stable_mosaic.version = 14 : i64} {
  func.func @_tc_body(%arg0: i32, %arg1: memref<2000x144xf32, #tpu.memory_space<vmem>>, %arg2: memref<2000x144xf32, #tpu.memory_space<vmem>>, %arg3: memref<2000x144xf32, #tpu.memory_space<vmem>>, %arg4: memref<144x128xf32, #tpu.memory_space<vmem>>, %arg5: memref<144x128xf32, #tpu.memory_space<vmem>>, %arg6: memref<1x128xf32, #tpu.memory_space<vmem>>, %arg7: memref<2000x128xf32, #tpu.memory_space<vmem>>) attributes {dimension_semantics = [#tpu.dimension_semantics<arbitrary>], iteration_bounds = array<i64: 5>, scalar_prefetch = 0 : i64, scratch_operands = 0 : i64, tpu.core_type = #tpu.core_type<tc>, window_params = [{transform_indices = @transform_0, window_bounds = array<i64: 2000, 144>}, {transform_indices = @transform_1, window_bounds = array<i64: 2000, 144>}, {transform_indices = @transform_2, window_bounds = array<i64: 2000, 144>}, {pipeline_mode = #tpu.pipeline_mode<synchronous>, transform_indices = @transform_3, window_bounds = array<i64: 144, 128>}, {pipeline_mode = #tpu.pipeline_mode<synchronous>, transform_indices = @transform_4, window_bounds = array<i64: 144, 128>}, {pipeline_mode = #tpu.pipeline_mode<synchronous>, transform_indices = @transform_5, window_bounds = array<i64: 1, 128>}, {transform_indices = @transform_6, window_bounds = array<i64: 2000, 128>}]} {
    %get3A = arith.constant 0 : index
    %get3A_0 = arith.constant 0 : index
    %get3A_1 = vector.load %arg1[%get3A, %get3A_0] : memref<2000x144xf32, #tpu.memory_space<vmem>>, vector<2000x144xf32>
    %get3A_2 = arith.constant 0 : index
    %get3A_3 = arith.constant 0 : index
    %get3A_4 = vector.load %arg2[%get3A_2, %get3A_3] : memref<2000x144xf32, #tpu.memory_space<vmem>>, vector<2000x144xf32>
    %add3A = arith.addf %get3A_1, %get3A_4 : vector<2000x144xf32>
    %slice3A = vector.extract_strided_slice %add3A {offsets = [0, 128], sizes = [2000, 1], strides = [1, 1]} : vector<2000x144xf32> to vector<2000x1xf32>
    %max3A = arith.constant 1.000000e+00 : f32
    %max3A_5 = vector.broadcast %max3A : f32 to vector<2000x1xf32>
    %max3A_6 = arith.maximumf %slice3A, %max3A_5 : vector<2000x1xf32>
    %div3A = vector.broadcast %max3A_6 : vector<2000x1xf32> to vector<2000x144xf32>
    %div3A_7 = arith.divf %add3A, %div3A : vector<2000x144xf32>
    %get3A_8 = arith.constant 0 : index
    %get3A_9 = arith.constant 0 : index
    %get3A_10 = vector.load %arg4[%get3A_8, %get3A_9] : memref<144x128xf32, #tpu.memory_space<vmem>>, vector<144x128xf32>
    %dot_general3A = arith.constant dense<0.000000e+00> : vector<2000x128xf32>
    %dot_general3A_11 = tpu.matmul %div3A_7, %get3A_10, %dot_general3A {dimension_numbers = #tpu.dot_dimension_numbers<[1], [0], [0], [1], [0, 0, 1, 1], [], []>, transpose_lhs_hint = false} : vector<2000x144xf32>, vector<144x128xf32>, vector<2000x128xf32> -> vector<2000x128xf32>
    %get3A_12 = arith.constant 0 : index
    %get3A_13 = arith.constant 0 : index
    %get3A_14 = vector.load %arg3[%get3A_12, %get3A_13] : memref<2000x144xf32, #tpu.memory_space<vmem>>, vector<2000x144xf32>
    %get3A_15 = arith.constant 0 : index
    %get3A_16 = arith.constant 0 : index
    %get3A_17 = vector.load %arg5[%get3A_15, %get3A_16] : memref<144x128xf32, #tpu.memory_space<vmem>>, vector<144x128xf32>
    %dot_general3A_18 = arith.constant dense<0.000000e+00> : vector<2000x128xf32>
    %dot_general3A_19 = tpu.matmul %get3A_14, %get3A_17, %dot_general3A_18 {dimension_numbers = #tpu.dot_dimension_numbers<[1], [0], [0], [1], [0, 0, 1, 1], [], []>, transpose_lhs_hint = false} : vector<2000x144xf32>, vector<144x128xf32>, vector<2000x128xf32> -> vector<2000x128xf32>
    %add3A_20 = arith.addf %dot_general3A_11, %dot_general3A_19 : vector<2000x128xf32>
    %get3A_21 = arith.constant 0 : index
    %get3A_22 = arith.constant 0 : index
    %get3A_23 = vector.load %arg6[%get3A_21, %get3A_22] : memref<1x128xf32, #tpu.memory_space<vmem>>, vector<1x128xf32>
    %add3A_24 = vector.broadcast %get3A_23 : vector<1x128xf32> to vector<2000x128xf32>
    %add3A_25 = arith.addf %add3A_20, %add3A_24 : vector<2000x128xf32>
    %swap3A = arith.constant 0 : index
    %swap3A_26 = arith.constant 0 : index
    %swap3A_27 = vector.load %arg7[%swap3A, %swap3A_26] : memref<2000x128xf32, #tpu.memory_space<vmem>>, vector<2000x128xf32>
    tpu.vector_store %arg7[%swap3A, %swap3A_26], %add3A_25 {strides = array<i32>} : memref<2000x128xf32, #tpu.memory_space<vmem>>, vector<2000x128xf32>,
    return
  }
  func.func @transform_0(%arg0: i32) -> (i32, i32) {
    %c0_i32 = arith.constant 0 : i32
    %c0_i32_0 = arith.constant 0 : i32
    return %arg0, %c0_i32 : i32, i32
  }
  func.func @transform_1(%arg0: i32) -> (i32, i32) {
    %c0_i32 = arith.constant 0 : i32
    %c0_i32_0 = arith.constant 0 : i32
    return %arg0, %c0_i32 : i32, i32
  }
  func.func @transform_2(%arg0: i32) -> (i32, i32) {
    %c0_i32 = arith.constant 0 : i32
    %c0_i32_0 = arith.constant 0 : i32
    return %arg0, %c0_i32 : i32, i32
  }
  func.func @transform_3(%arg0: i32) -> (i32, i32) {
    %c0_i32 = arith.constant 0 : i32
    %c0_i32_0 = arith.constant 0 : i32
    %c0_i32_1 = arith.constant 0 : i32
    return %c0_i32, %c0_i32_0 : i32, i32
  }
  func.func @transform_4(%arg0: i32) -> (i32, i32) {
    %c0_i32 = arith.constant 0 : i32
    %c0_i32_0 = arith.constant 0 : i32
    %c0_i32_1 = arith.constant 0 : i32
    return %c0_i32, %c0_i32_0 : i32, i32
  }
  func.func @transform_5(%arg0: i32) -> (i32, i32) {
    %c0_i32 = arith.constant 0 : i32
    %c0_i32_0 = arith.constant 0 : i32
    %c0_i32_1 = arith.constant 0 : i32
    return %c0_i32, %c0_i32_0 : i32, i32
  }
  func.func @transform_6(%arg0: i32) -> (i32, i32) {
    %c0_i32 = arith.constant 0 : i32
    %c0_i32_0 = arith.constant 0 : i32
    return %arg0, %c0_i32 : i32, i32
  }
}

</mosaic_0001>

<sc_bundles>
// kernel: kernel.6.cloned.1.call-start
scs
__scs_entry_jumppad:
0x0: {  	(pc) =	sbr.rel $0x88, $3  }
0x1: {  	(tag) =	ssettag $0x0;
	lr =	simm.s32 $0x1  }
0x2: {  	[smem:$0x3F99] =	sst lr;
	_ =	strace $0xD0000000  }
0x3: {  	_ = 	snop  }
0x4: {  	_ = 	snop  }
0x5: {  	_ = 	snop  }
0x6: {  	_ = 	snop  }
0x7: {  	_ = 	snop  }
__scs_overlays_trampoline_lowered:
0x8: {  	[smem:$0x3FA8] =	sst s0  }
0x9: {  	[smem:$0x3FA9] =	sst s1  }
0xa: {  	[smem:$0x3FAA] =	sst s2  }
0xb: {  	[smem:$0x3FAB] =	sst s3  }
0xc: {  	[smem:$0x3FAC] =	sst s4  }
0xd: {  	[smem:$0x3FAD] =	sst s5  }
0xe: {  	[smem:$0x3FAE] =	sst s6  }
0xf: {  	[smem:$0x3FAF] =	sst s7  }
0x10: {  	[smem:$0x3FB0] =	sst s8  }
0x11: {  	[smem:$0x3FB1] =	sst s9;
	s0 =	simm.s32 @!p0 $0x0  }
0x12: {  	s1 =	sld [smem:$0x3F97];
	s0 =	simm.s32 @p0 $0x1  }
0x13: {  	[smem:$0x3FB2] =	sst s0;
	s0 =	simm.s32 @!p1 $0x0  }
0x14: {  	s2 =	sld [smem:$0x3F96];
	s0 =	simm.s32 @p1 $0x1  }
0x15: {  	[smem:$0x3FB3] =	sst s0;
	s0 =	simm.s32 @!p2 $0x0  }
0x16: {  	s3 =	sld [smem:$0x3FDB];
	s0 =	simm.s32 @p2 $0x1  }
0x17: {  	s4 =	simm.s32 $0x1BF5;
	[smem:$0x3FB5] =	sst s0  }
0x18: {  	s0 =	sld [smem:$0x3F98];
	_ =	swait.ge [sflag:s4], $0x0  }
0x19: {  	s7 =	sld [smem:$0x3F99]  }
0x1a: {  	s8 =	sadd.s32 $0xFFFFE003, lr  }
0x1b: {  	s9 =	sadd.s32 $0xFFFFFEF7, lr;
	s5 =	simm.s32 $0xFFFFFFFF;
	p2 =	slt.u32 s8, $0xFFFFF086  }
0x1c: {  	p1 =	slt.u32 s9, $0xF7A;
	s5 =	simm.s32 @!p2 $0x0  }
0x1d: {  	s5 =	simm.s32 @p1 $0x1;
	p0 =	seq.s32 s7, s2  }
0x1e: {  	s7 =	smul.u32 @!p0 $0xF7A, s2;
	p2 =	seq.s32 @!p0 s5, $0x0  }
0x1f: {  	s9 =	smul.u32 $0xF7A, s1;
	s8 =	simm.s32 @!p0 $0x1BF5;
	p2 =	por !p2, p0  }
0x20: {  	[sflag:s8] =	ssyncset.s32 @!p0 $0xFFFFF086;
	s6 =	sadd.s32 @!p0 s3, s7;
	s7 =	simm.s32 @!p0 $0x108  }
0x21: {  	s3 =	sadd.s32 s3, s9;
	s6 =	sadd.s32 @!p0 $0x88, s6;
	s7 =	simm.s32 @p2 $0x1082  }
0x22: {  	[simem:s7], [sflag:s8] =	dma.local @!p0 [hbm:s6], $0xF7A  }
0x23: {  	s9 =	sor.u32 $0xD0000000, s2;
	s6 =	simm.s32 $0x108;
	_ =	swait.ge @!p0 [sflag:s8], $0x0  }
0x24: {  	s3 =	sadd.s32 $0x88, s3;
	s6 =	simm.s32 @!p1 $0x1082;
	[sflag:s4] =	ssyncset.s32 $0xFFFFF086  }
0x25: {  	[simem:s6], [sflag:s4] =	dma.local [hbm:s3], $0xF7A  }
0x26: {  	[smem:$0x3F99] =	sst s1;
	(tag) =	ssettag s2;
	_ =	strace s9  }
0x27: {  	s1 =	sld [smem:$0x3FA9]  }
0x28: {  	s2 =	sld [smem:$0x3FAA]  }
0x29: {  	s4 =	sld [smem:$0x3FAC]  }
0x2a: {  	p0 =	seq.s32 s5, $0x0;
	s5 =	sld [smem:$0x3FAD]  }
0x2b: {  	s6 =	sld [smem:$0x3FAE]  }
0x2c: {  	s7 =	sld [smem:$0x3FAF]  }
0x2d: {  	s3 =	simm.s32 $0x108;
	s8 =	sld [smem:$0x3FB0]  }
0x2e: {  	s3 =	simm.s32 @!p0 $0x1082;
	s9 =	sld [smem:$0x3FB1]  }
0x2f: {  	lr =	sadd.s32 s0, s3;
	s0 =	sld [smem:$0x3FA8]  }
0x30: {  	s3 =	sld [smem:$0x3FAB]  }
0x31: {  	[smem:$0x3FB4] =	sst s10  }
0x32: {  	s10 =	sld [smem:$0x3FB2];
	_ =	sdelay $0x3  }
0x33: {  	p0 =	seq.s32 s10, $0x1;
	s10 =	sld [smem:$0x3FB4];
	_ =	sdelay $0x3  }
0x34: {  	[smem:$0x3FB4] =	sst s10  }
0x35: {  	s10 =	sld [smem:$0x3FB3];
	_ =	sdelay $0x3  }
0x36: {  	p1 =	seq.s32 s10, $0x1;
	s10 =	sld [smem:$0x3FB4];
	_ =	sdelay $0x3  }
0x37: {  	[smem:$0x3FB4] =	sst s10  }
0x38: {  	s10 =	sld [smem:$0x3FB5]  }
0x39: {  	_ = 	snop;
	(pc) =	sbr.ind lr, $3  }
0x3a: {  	_ = 	snop  }
0x3b: {  	_ = 	snop  }
0x3c: {  	p2 =	seq.s32 s10, $0x1;
	s10 =	sld [smem:$0x3FB4]  }
0x3d: {  	_ =	shalt  }
0x3e: {  	_ =	shalt  }
0x3f: {  	_ =	shalt  }
0x40: {  	_ =	shalt  }
0x41: {  	_ =	shalt  }
0x42: {  	_ =	shalt  }
0x43: {  	_ =	shalt  }
0x44: {  	_ =	shalt  }
0x45: {  	_ =	shalt  }
0x46: {  	_ =	shalt  }
0x47: {  	_ =	shalt  }
0x48: {  	_ =	shalt  }
0x49: {  	_ =	shalt  }
0x4a: {  	_ =	shalt  }
0x4b: {  	_ =	shalt  }
0x4c: {  	_ =	shalt  }
0x4d: {  	_ =	shalt  }
0x4e: {  	_ =	shalt  }
0x4f: {  	_ =	shalt  }
0x50: {  	_ =	shalt  }
0x51: {  	_ =	shalt  }
0x52: {  	_ =	shalt  }
0x53: {  	_ =	shalt  }
0x54: {  	_ =	shalt  }
0x55: {  	_ =	shalt  }
0x56: {  	_ =	shalt  }
0x57: {  	_ =	shalt  }
0x58: {  	_ =	shalt  }
0x59: {  	_ =	shalt  }
0x5a: {  	_ =	shalt  }
0x5b: {  	_ =	shalt  }
0x5c: {  	_ =	shalt  }
0x5d: {  	_ =	shalt  }
0x5e: {  	_ =	shalt  }
0x5f: {  	_ =	shalt  }
0x60: {  	_ =	shalt  }
0x61: {  	_ =	shalt  }
0x62: {  	_ =	shalt  }
0x63: {  	_ =	shalt  }
0x64: {  	_ =	shalt  }
0x65: {  	_ =	shalt  }
0x66: {  	_ =	shalt  }
0x67: {  	_ =	shalt  }
0x68: {  	_ =	shalt  }
0x69: {  	_ =	shalt  }
0x6a: {  	_ =	shalt  }
0x6b: {  	_ =	shalt  }
0x6c: {  	_ =	shalt  }
0x6d: {  	_ =	shalt  }
0x6e: {  	_ =	shalt  }
0x6f: {  	_ =	shalt  }
0x70: {  	_ =	shalt  }
0x71: {  	_ =	shalt  }
0x72: {  	_ =	shalt  }
0x73: {  	_ =	shalt  }
0x74: {  	_ =	shalt  }
0x75: {  	_ =	shalt  }
0x76: {  	_ =	shalt  }
0x77: {  	_ =	shalt  }
0x78: {  	_ =	shalt  }
0x79: {  	_ =	shalt  }
0x7a: {  	_ =	shalt  }
0x7b: {  	_ =	shalt  }
0x7c: {  	_ =	shalt  }
0x7d: {  	_ =	shalt  }
0x7e: {  	_ =	shalt  }
0x7f: {  	_ =	shalt  }
0x80: {  	_ =	shalt  }
0x81: {  	_ =	shalt  }
0x82: {  	_ =	shalt  }
0x83: {  	_ =	shalt  }
0x84: {  	_ =	shalt  }
0x85: {  	_ =	shalt  }
0x86: {  	_ =	shalt  }
0x87: {  	_ =	shalt  }
.Lfunc_end0:
.L_simem_size_0:
called_computation_lowered:
.L_overlay_start_0:
0x88: {  	s2 =	sld [smem:$0x3FD9]  }
0x89: {  	s3 =	sld [smem:$0x3FFE];
	_ =	sdelay $0x1  }
0x8a: {  	s1 =	srdreg.scid  }
0x8b: {  	s0 =	sand.u32 $0x1, s1  }
0x8c: {  	s17 =	sshll.u32 s0, $0xA;
	s2 =	sadd.s32 s3, s2  }
0x8d: {  	s2 =	sadd.s32 s2, s17  }
0x8e: {  	[smem:$0x3FC0] =	sst s2  }
0x8f: {  	_ = 	snop  }
0x90: {  	s2 =	sld [smem:$0x3FD0];
	(tm) =	ssettm $0x1  }
0x91: {  	s18 =	sld [smem:$0x3FFB];
	_ =	sdelay $0x3  }
0x92: {  	_ =	strace s18  }
0x93: {  	s3 =	sld [smem:$0x3FFC];
	_ =	sdelay $0x3  }
0x94: {  	_ =	strace s3  }
0x95: {  	s3 =	sld [smem:$0x3FFD];
	_ =	sdelay $0x3  }
0x96: {  	_ =	strace s3  }
0x97: {  	_ =	strace $0x8FFFFFFF  }
0x98: {  	s19 =	sld [smem:$0x3FDB];
	_ =	sdelay $0x1  }
0x99: {  	s4 =	simm.s32 $_scs_section_size  }
0x9a: {  	s5 =	simm.s32 $_size__tile_overlayer_lowered;
	s6 =	simm.s32 $_tile_overlayer_lowered  }
0x9b: {  	s22 =	simm.s32 $0x1BFF;
	s21 =	sshll.u32 s6, $0x1;
	s3 =	sadd.s32 s4, s19  }
0x9c: {  	s7 =	simm.s32 $0x0;
	s20 =	sshll.u32 s5, $0x1;
	s5 =	sadd.s32 s21, s3  }
0x9d: {  	[timem:s7], [sflag:s22] =	dma.local [hbm:s5], s20  }
0x9e: {  	_ =	swait.ge [sflag:s22], s20  }
0x9f: {  	s4 =	ssub.s32 $0x0, s20;
	[sflag:s22] =	ssyncset.done $0x0  }
0xa0: {  	[sflag:s22] =	ssyncadd.s32 s4;
	_ =	sdelay $0x1  }
0xa1: {  	s23 =	simm.s32 $0x1B8B  }
0xa2: {  	_ =	swait.ge [sflag:s23], $0x1  }
0xa3: {  	[sflag:s23] =	ssyncset.done $0x0  }
0xa4: {  	s25 =	simm.s32 $0x1B8E;
	s24 =	sld [smem:$0x3FFE];
	[sflag:s23] =	ssyncadd.s32 $0xFFFFFFFF  }
0xa5: {  	s26 =	simm.s32 $execute0_lowered;
	[smem:$0x3FD2] =	sst s25  }
0xa6: {  	s5 =	sshll.u32 s26, $0x1;
	_ =	strace $0x80000046;
	[dreg:$0x1] =	wrdreg $0xFFFFFFFF  }
0xa7: {  	s28 =	simm.s32 $_size_execute0_lowered;
	s3 =	sadd.s32 s3, s5;
	[dreg:$0x0] =	wrdreg $0x0  }
0xa8: {  	s5 =	sshll.u32 s28, $0x1;
	[dreg:$0x2] =	wrdreg s3  }
0xa9: {  	[dreg:$0x3] =	wrdreg s5  }
0xaa: {  	[dreg:$0x4] =	wrdreg $0xC0  }
0xab: {  	_ =	task [dreg:s7], $0x5FFFF  }
0xac: {  	[dreg:$0x1] =	wrdreg $0xFFFFFFFF  }
0xad: {  	[dreg:$0x0] =	wrdreg $0x60  }
0xae: {  	[dreg:$0x2] =	wrdreg s24  }
0xaf: {  	[dreg:$0x3] =	wrdreg s2  }
0xb0: {  	[dreg:$0x4] =	wrdreg $0x52000  }
0xb1: {  	[dreg:$0x5] =	wrdreg $0x9  }
0xb2: {  	_ =	task.clear_ibuf [dreg:s7], $0x6FFFF;
	_ =	strace $0x90000046  }
0xb3: {  	s29 =	simm.s32 $0x9;
	_ =	strace $0x80000048  }
0xb4: {  	_ =	swait.ge [sflag:s29], $0x1  }
0xb5: {  	[sflag:s29] =	ssyncadd.s32 $0xFFFFFFFF  }
0xb6: {  	_ =	strace $0x90000048  }
0xb7: {  	_ =	sfence  }
0xb8: {  	s30 =	sld [smem:$0x0];
	_ =	sdelay $0x2  }
0xb9: {  	s31 =	sshll.u32 s1, $0xD;
	s1 =	sshrl.u32 s1, $0x2  }
0xba: {  	s3 =	sand.u32 $0x4000, s31;
	s1 =	sadd.s32 s1, s30  }
0xbb: {  	s0 =	sor.u32 s3, s0;
	s1 =	sshll.u32 s1, $0x11  }
0xbc: {  	s0 =	sor.u32 s1, s0  }
0xbd: {  	s0 =	sadd.s32 $0x8F2B, s0  }
0xbe: {  	[sflag:s0] =	ssyncadd.remote.s32 $0x1  }
0xbf: {  	_ =	sfence.sel $0xFFFF  }
0xc0: {  	[dreg:$0x0] =	wrdreg $0xFFFFFFFF;
	(pc) =	sbr.abs _section_cstart, $3  }
0xc1: {  	[dreg:$0x1] =	wrdreg $0xFFFFFFFF  }
0xc2: {  	_ =	task.clear_ibuf [dreg:s7], $0x2FFFF;
	_ =	strace $0x9FFFFFFF  }
0xc3: {  	(tm) =	ssettm $0x7FFFFFFF  }
tec
execute0_lowered:
.L_overlay_start_1:
0x0: {  	(tag) =	ssettag $0x1  }
0x1: {  	s0 =	rddreg [dreg:$0x0]  }
0x2: {  	s6 =	rddreg [dreg:$0x1]  }
0x3: {  	s1 =	rddreg [dreg:$0x2];
	s18 =	stileid.u32  }
0x4: {  	s2 =	simm.s32 $0x0;
	s3 =	srdreg.scid;
	s16 =	smul.u32 $0x5A000, s18  }
0x5: {  	[smem:$0x7FF] =	sst s2;
	s11 =	smul.u32 $0x16800, s18  }
0x6: {  	s7 =	sand.u32 $0x1, s3;
	s4 =	sadd.s32 $0x1000, s0;
	s26 =	smul.u32 $0x4F0, s18  }
0x7: {  	s12 =	sadd.s32 $0x36E00, s0;
	s8 =	smul.u32 $0x4F00, s7;
	s5 =	ssub.s32 $0x2, s7  }
0x8: {  	_ =	strace $0x80000047;
	s7 =	smul.u32 $0x168000, s7;
	s10 =	sshrl.u32 s5, $0x1  }
0x9: {  	s3 =	sshrl.u32 s16, $0x2;
	s22 =	sadd.s32 $0x4800, s11;
	s13 =	sadd.s32 $0x9000, s11  }
0xa: {  	s14 =	sadd.s32 $0xD800, s11;
	s15 =	sadd.s32 $0x12000, s11;
	s9 =	sadd.s32 s8, s0  }
0xb: {  	s0 =	ssub.s32 s5, s10;
	s3 =	sadd.s32 s3, s1;
	s5 =	sadd.s32 s11, s1  }
0xc: {  	s11 =	sadd.s32 s11, s7;
	s16 =	sadd.s32 s7, s22;
	s17 =	sadd.s32 $0x900, s3  }
0xd: {  	s25 =	sadd.s32 s7, s14;
	s19 =	sadd.s32 $0x1200, s3;
	[dreg:$0x4] =	wrdreg s17  }
0xe: {  	s6 =	sadd.s32 s8, s6;
	s20 =	sadd.s32 $0x1B00, s3;
	[dreg:$0x5] =	wrdreg s19  }
0xf: {  	s21 =	sadd.s32 $0x2400, s3;
	s11 =	sshrl.u32 s11, $0x3;
	[dreg:$0x6] =	wrdreg s20  }
0x10: {  	s16 =	sshrl.u32 s16, $0x3;
	s18 =	sadd.s32 $0x5100, s3;
	[dreg:$0x7] =	wrdreg s21  }
0x11: {  	s8 =	sadd.s32 $0x7E00, s3;
	s10 =	sadd.s32 $0x9900, s3;
	[dreg:$0x10] =	wrdreg s18  }
0x12: {  	s28 =	sadd.s32 $0x15600, s3;
	s29 =	sadd.s32 $0x15F00, s3;
	[dreg:$0x15] =	wrdreg s8  }
0x13: {  	s17 =	sadd.s32 s7, s13;
	s11 =	sadd.s32 s12, s11;
	[dreg:$0x17] =	wrdreg s10  }
0x14: {  	s23 =	sadd.s32 s12, s16;
	s7 =	sadd.s32 s7, s15;
	[dreg:$0x8] =	wrdreg s11  }
0x15: {  	s16 =	sadd.s32 $0x3F00, s3;
	s19 =	sadd.s32 s22, s1;
	[dreg:$0x9] =	wrdreg s23  }
0x16: {  	s20 =	sadd.s32 s13, s1;
	s13 =	sadd.s32 $0xB400, s3;
	[dreg:$0xf] =	wrdreg s16  }
0x17: {  	s21 =	sadd.s32 s14, s1;
	s14 =	sadd.s32 $0xBD00, s3;
	[dreg:$0x1a] =	wrdreg s13  }
0x18: {  	s22 =	sadd.s32 s15, s1;
	s15 =	sadd.s32 $0xC600, s3;
	[dreg:$0x1b] =	wrdreg s14  }
0x19: {  	s30 =	smax.u32 s0, $0x1;
	s18 =	sadd.s32 $0xE100, s3;
	[dreg:$0x1c] =	wrdreg s15  }
0x1a: {  	s0 =	simm.s32 $0x4900;
	s23 =	sadd.s32 $0x5A00, s3;
	[dreg:$0x1e] =	wrdreg s18  }
0x1b: {  	s24 =	sshrl.u32 s17, $0x3;
	s16 =	sadd.s32 $0xCF00, s3;
	[dreg:$0x11] =	wrdreg s23  }
0x1c: {  	s7 =	sshrl.u32 s7, $0x3;
	s11 =	sadd.s32 s12, s24;
	[dreg:$0x1d] =	wrdreg s16  }
0x1d: {  	s8 =	simm.s32 $0x1;
	s7 =	sadd.s32 s12, s7;
	[dreg:$0xa] =	wrdreg s11  }
0x1e: {  	s17 =	sadd.s32 s26, s6;
	s24 =	sadd.s32 $0x6300, s3;
	[dreg:$0xc] =	wrdreg s7  }
0x1f: {  	s15 =	sadd.s32 $0x10E00, s3;
	s23 =	sadd.s32 $0xEA00, s3;
	[dreg:$0x12] =	wrdreg s24  }
0x20: {  	s11 =	sshrl.u32 s25, $0x3;
	s25 =	sadd.s32 $0x6C00, s3;
	[dreg:$0x1f] =	wrdreg s23  }
0x21: {  	s7 =	sadd.s32 s26, s9;
	s26 =	sadd.s32 $0x7500, s3;
	[dreg:$0x13] =	wrdreg s25  }
0x22: {  	s18 =	sadd.s32 $0x12900, s3;
	s9 =	sadd.s32 $0x8700, s3;
	[dreg:$0x14] =	wrdreg s26  }
0x23: {  	s6 =	simm.s32 $0x80;
	s24 =	sadd.s32 $0xF300, s3;
	[dreg:$0x16] =	wrdreg s9  }
0x24: {  	s16 =	sadd.s32 $0x11700, s3;
	s11 =	sadd.s32 s12, s11;
	[smem:$0x7FB] =	sst s24  }
0x25: {  	s23 =	sadd.s32 $0x13200, s3;
	s12 =	sadd.s32 $0x3600, s3;
	[dreg:$0xb] =	wrdreg s11  }
0x26: {  	s25 =	sadd.s32 $0xFC00, s3;
	s26 =	sadd.s32 $0x10500, s3;
	[dreg:$0xe] =	wrdreg s12  }
0x27: {  	s24 =	sadd.s32 $0x13B00, s3;
	s31 =	sadd.s32 $0x2D000, s7;
	[smem:$0x7FC] =	sst s25  }
0x28: {  	s7 =	simm.s32 $0x100;
	s11 =	sadd.s32 $0x2D00, s3;
	[smem:$0x7FD] =	sst s26  }
0x29: {  	s9 =	simm.s32 $0x0;
	s12 =	sadd.s32 $0xAB00, s3;
	[dreg:$0xd] =	wrdreg s11  }
0x2a: {  	s25 =	sadd.s32 $0x14400, s3;
	s11 =	sadd.s32 $0xA200, s3;
	[dreg:$0x19] =	wrdreg s12  }
0x2b: {  	v0 =	vimm.f32 $0.0e+00;
	s26 =	sadd.s32 $0x14D00, s3;
	s3 =	simm.s32 $0x2;
	[dreg:$0x18] =	wrdreg s11  }
.LBB2_1:
0x2c: {  	[tilespmem:$0x4900] =	vst v0  }
0x2d: {  	[tilespmem:$0x4910] =	vst v0  }
0x2e: {  	[tilespmem:$0x4920] =	vst v0  }
0x2f: {  	[tilespmem:$0x4930] =	vst v0  }
0x30: {  	[tilespmem:$0x4940] =	vst v0  }
0x31: {  	[tilespmem:$0x4950] =	vst v0  }
0x32: {  	[tilespmem:$0x4960] =	vst v0  }
0x33: {  	[tilespmem:$0x4970] =	vst v0  }
0x34: {  	[tilespmem:$0x4980] =	vst v0  }
0x35: {  	[tilespmem:$0x4990] =	vst v0  }
0x36: {  	[tilespmem:$0x49A0] =	vst v0  }
0x37: {  	[tilespmem:$0x49B0] =	vst v0  }
0x38: {  	[tilespmem:$0x49C0] =	vst v0  }
0x39: {  	[tilespmem:$0x49D0] =	vst v0  }
0x3a: {  	[tilespmem:$0x49E0] =	vst v0  }
0x3b: {  	[tilespmem:$0x49F0] =	vst v0  }
0x3c: {  	[tilespmem:$0x4A00] =	vst v0  }
0x3d: {  	[tilespmem:$0x4A10] =	vst v0  }
0x3e: {  	[tilespmem:$0x4A20] =	vst v0  }
0x3f: {  	[tilespmem:$0x4A30] =	vst v0  }
0x40: {  	[tilespmem:$0x4A40] =	vst v0  }
0x41: {  	[tilespmem:$0x4A50] =	vst v0  }
0x42: {  	[tilespmem:$0x4A60] =	vst v0  }
0x43: {  	[tilespmem:$0x4A70] =	vst v0  }
0x44: {  	[tilespmem:$0x4A80] =	vst v0  }
0x45: {  	[tilespmem:$0x4A90] =	vst v0  }
0x46: {  	[tilespmem:$0x4AA0] =	vst v0  }
0x47: {  	[tilespmem:$0x4AB0] =	vst v0  }
0x48: {  	[tilespmem:$0x4AC0] =	vst v0  }
0x49: {  	[tilespmem:$0x4AD0] =	vst v0  }
0x4a: {  	[tilespmem:$0x4AE0] =	vst v0  }
0x4b: {  	[tilespmem:$0x4AF0] =	vst v0  }
0x4c: {  	[tilespmem:$0x4B00] =	vst v0  }
0x4d: {  	[tilespmem:$0x4B10] =	vst v0  }
0x4e: {  	[tilespmem:$0x4B20] =	vst v0  }
0x4f: {  	[tilespmem:$0x4B30] =	vst v0  }
0x50: {  	[tilespmem:$0x4B40] =	vst v0  }
0x51: {  	[tilespmem:$0x4B50] =	vst v0  }
0x52: {  	[tilespmem:$0x4B60] =	vst v0  }
0x53: {  	[tilespmem:$0x4B70] =	vst v0  }
0x54: {  	[tilespmem:$0x4B80] =	vst v0  }
0x55: {  	[tilespmem:$0x4B90] =	vst v0  }
0x56: {  	[tilespmem:$0x4BA0] =	vst v0  }
0x57: {  	[tilespmem:$0x4BB0] =	vst v0  }
0x58: {  	[tilespmem:$0x4BC0] =	vst v0  }
0x59: {  	[tilespmem:$0x4BD0] =	vst v0  }
0x5a: {  	[tilespmem:$0x4BE0] =	vst v0  }
0x5b: {  	[tilespmem:$0x4BF0] =	vst v0  }
0x5c: {  	[tilespmem:$0x4C00] =	vst v0  }
0x5d: {  	[tilespmem:$0x4C10] =	vst v0  }
0x5e: {  	[tilespmem:$0x4C20] =	vst v0  }
0x5f: {  	[tilespmem:$0x4C30] =	vst v0  }
0x60: {  	[tilespmem:$0x4C40] =	vst v0  }
0x61: {  	[tilespmem:$0x4C50] =	vst v0  }
0x62: {  	[tilespmem:$0x4C60] =	vst v0  }
0x63: {  	[tilespmem:$0x4C70] =	vst v0  }
0x64: {  	[tilespmem:$0x4C80] =	vst v0  }
0x65: {  	[tilespmem:$0x4C90] =	vst v0  }
0x66: {  	[tilespmem:$0x4CA0] =	vst v0  }
0x67: {  	[tilespmem:$0x4CB0] =	vst v0  }
0x68: {  	[tilespmem:$0x4CC0] =	vst v0  }
0x69: {  	[tilespmem:$0x4CD0] =	vst v0  }
0x6a: {  	[tilespmem:$0x4CE0] =	vst v0  }
0x6b: {  	[tilespmem:$0x4CF0] =	vst v0  }
0x6c: {  	[tilespmem:$0x4D00] =	vst v0  }
0x6d: {  	[tilespmem:$0x4D10] =	vst v0  }
0x6e: {  	[tilespmem:$0x4D20] =	vst v0  }
0x6f: {  	[tilespmem:$0x4D30] =	vst v0  }
0x70: {  	[tilespmem:$0x4D40] =	vst v0  }
0x71: {  	[tilespmem:$0x4D50] =	vst v0  }
0x72: {  	[tilespmem:$0x4D60] =	vst v0  }
0x73: {  	[tilespmem:$0x4D70] =	vst v0  }
0x74: {  	[tilespmem:$0x4D80] =	vst v0  }
0x75: {  	[tilespmem:$0x4D90] =	vst v0  }
0x76: {  	[tilespmem:$0x4DA0] =	vst v0  }
0x77: {  	[tilespmem:$0x4DB0] =	vst v0  }
0x78: {  	[tilespmem:$0x4DC0] =	vst v0  }
0x79: {  	[tilespmem:$0x4DD0] =	vst v0  }
0x7a: {  	[tilespmem:$0x4DE0] =	vst v0  }
0x7b: {  	[tilespmem:$0x4DF0] =	vst v0  }
0x7c: {  	[tilespmem:$0x4E00] =	vst v0  }
0x7d: {  	[tilespmem:$0x4E10] =	vst v0  }
0x7e: {  	[tilespmem:$0x4E20] =	vst v0  }
0x7f: {  	[tilespmem:$0x4E30] =	vst v0  }
0x80: {  	[tilespmem:$0x4E40] =	vst v0  }
0x81: {  	[tilespmem:$0x4E50] =	vst v0  }
0x82: {  	[tilespmem:$0x4E60] =	vst v0  }
0x83: {  	[tilespmem:$0x4E70] =	vst v0  }
0x84: {  	[tilespmem:$0x4E80] =	vst v0  }
0x85: {  	[tilespmem:$0x4E90] =	vst v0  }
0x86: {  	[tilespmem:$0x4EA0] =	vst v0  }
0x87: {  	[tilespmem:$0x4EB0] =	vst v0  }
0x88: {  	[tilespmem:$0x4EC0] =	vst v0  }
0x89: {  	[tilespmem:$0x4ED0] =	vst v0  }
0x8a: {  	[tilespmem:$0x4EE0] =	vst v0  }
0x8b: {  	[tilespmem:$0x4EF0] =	vst v0  }
0x8c: {  	[tilespmem:$0x4F00] =	vst v0  }
0x8d: {  	[tilespmem:$0x4F10] =	vst v0  }
0x8e: {  	[tilespmem:$0x4F20] =	vst v0  }
0x8f: {  	[tilespmem:$0x4F30] =	vst v0  }
0x90: {  	[tilespmem:$0x4F40] =	vst v0  }
0x91: {  	[tilespmem:$0x4F50] =	vst v0  }
0x92: {  	[tilespmem:$0x4F60] =	vst v0  }
0x93: {  	[tilespmem:$0x4F70] =	vst v0  }
0x94: {  	[tilespmem:$0x4F80] =	vst v0  }
0x95: {  	[tilespmem:$0x4F90] =	vst v0  }
0x96: {  	[tilespmem:$0x4FA0] =	vst v0  }
0x97: {  	[tilespmem:$0x4FB0] =	vst v0  }
0x98: {  	[tilespmem:$0x4FC0] =	vst v0  }
0x99: {  	[tilespmem:$0x4FD0] =	vst v0  }
0x9a: {  	[tilespmem:$0x4FE0] =	vst v0  }
0x9b: {  	[tilespmem:$0x4FF0] =	vst v0  }
0x9c: {  	[tilespmem:$0x5000] =	vst v0  }
0x9d: {  	[tilespmem:$0x5010] =	vst v0  }
0x9e: {  	[tilespmem:$0x5020] =	vst v0  }
0x9f: {  	[tilespmem:$0x5030] =	vst v0  }
0xa0: {  	[tilespmem:$0x5040] =	vst v0  }
0xa1: {  	[tilespmem:$0x5050] =	vst v0  }
0xa2: {  	[tilespmem:$0x5060] =	vst v0  }
0xa3: {  	[tilespmem:$0x5070] =	vst v0  }
0xa4: {  	[tilespmem:$0x5080] =	vst v0  }
0xa5: {  	[tilespmem:$0x5090] =	vst v0  }
0xa6: {  	[tilespmem:$0x50A0] =	vst v0  }
0xa7: {  	[tilespmem:$0x50B0] =	vst v0  }
0xa8: {  	[tilespmem:$0x50C0] =	vst v0  }
0xa9: {  	[tilespmem:$0x50D0] =	vst v0  }
0xaa: {  	[tilespmem:$0x50E0] =	vst v0  }
0xab: {  	[tilespmem:$0x50F0] =	vst v0  }
0xac: {  	[tilespmem:$0x5100] =	vst v0  }
0xad: {  	[tilespmem:$0x5110] =	vst v0  }
0xae: {  	[tilespmem:$0x5120] =	vst v0  }
0xaf: {  	[tilespmem:$0x5130] =	vst v0  }
0xb0: {  	[tilespmem:$0x5140] =	vst v0  }
0xb1: {  	[tilespmem:$0x5150] =	vst v0  }
0xb2: {  	[tilespmem:$0x5160] =	vst v0  }
0xb3: {  	[tilespmem:$0x5170] =	vst v0  }
0xb4: {  	[tilespmem:$0x5180] =	vst v0  }
0xb5: {  	[tilespmem:$0x5190] =	vst v0  }
0xb6: {  	[tilespmem:$0x51A0] =	vst v0  }
0xb7: {  	[tilespmem:$0x51B0] =	vst v0  }
0xb8: {  	[tilespmem:$0x51C0] =	vst v0  }
0xb9: {  	[tilespmem:$0x51D0] =	vst v0  }
0xba: {  	[tilespmem:$0x51E0] =	vst v0  }
0xbb: {  	[tilespmem:$0x51F0] =	vst v0  }
0xbc: {  	[spmem:s5] =	stream.linear.scatter [tilespmem:s0], [sflag:$0x2], $0x900, $0x38;
	[tilespmem:$0x1BA00] =	vst v63  }
0xbd: {  	_ =	swait.ge [sflag:s3], $0x900  }
0xbe: {  	[sflag:s3] =	ssyncset.done $0x0  }
0xbf: {  	s10 =	rddreg [dreg:$0x4];
	[sflag:s3] =	ssyncadd.s32 $0xFFFFF700  }
0xc0: {  	[spmem:s10] =	stream.linear.scatter [tilespmem:s0], [sflag:$0x2], $0x900, $0x38;
	[tilespmem:$0x1BA00] =	vst v63  }
0xc1: {  	_ =	swait.ge [sflag:s3], $0x900  }
0xc2: {  	[sflag:s3] =	ssyncset.done $0x0  }
0xc3: {  	s12 =	rddreg [dreg:$0x5];
	[sflag:s3] =	ssyncadd.s32 $0xFFFFF700  }
0xc4: {  	[spmem:s12] =	stream.linear.scatter [tilespmem:s0], [sflag:$0x2], $0x900, $0x38;
	[tilespmem:$0x1BA00] =	vst v63  }
0xc5: {  	_ =	swait.ge [sflag:s3], $0x900  }
0xc6: {  	[sflag:s3] =	ssyncset.done $0x0  }
0xc7: {  	s13 =	rddreg [dreg:$0x6];
	[sflag:s3] =	ssyncadd.s32 $0xFFFFF700  }
0xc8: {  	[spmem:s13] =	stream.linear.scatter [tilespmem:s0], [sflag:$0x2], $0x900, $0x38;
	[tilespmem:$0x1BA00] =	vst v63  }
0xc9: {  	_ =	swait.ge [sflag:s3], $0x900  }
0xca: {  	[sflag:s3] =	ssyncset.done $0x0  }
0xcb: {  	s14 =	rddreg [dreg:$0x7];
	[sflag:s3] =	ssyncadd.s32 $0xFFFFF700  }
0xcc: {  	[spmem:s14] =	stream.linear.scatter [tilespmem:s0], [sflag:$0x2], $0x900, $0x38;
	[tilespmem:$0x1BA00] =	vst v63  }
0xcd: {  	_ =	swait.ge [sflag:s3], $0x900  }
0xce: {  	[sflag:s3] =	ssyncset.done $0x0  }
0xcf: {  	s11 =	rddreg [dreg:$0xd];
	[sflag:s3] =	ssyncadd.s32 $0xFFFFF700  }
0xd0: {  	[spmem:s11] =	stream.linear.scatter [tilespmem:s0], [sflag:$0x2], $0x900, $0x38;
	[tilespmem:$0x1BA00] =	vst v63  }
0xd1: {  	_ =	swait.ge [sflag:s3], $0x900  }
0xd2: {  	[sflag:s3] =	ssyncset.done $0x0  }
0xd3: {  	s12 =	rddreg [dreg:$0xe];
	[sflag:s3] =	ssyncadd.s32 $0xFFFFF700  }
0xd4: {  	[spmem:s12] =	stream.linear.scatter [tilespmem:s0], [sflag:$0x2], $0x900, $0x38;
	[tilespmem:$0x1BA00] =	vst v63  }
0xd5: {  	_ =	swait.ge [sflag:s3], $0x900  }
0xd6: {  	[sflag:s3] =	ssyncset.done $0x0  }
0xd7: {  	s13 =	rddreg [dreg:$0xf];
	[sflag:s3] =	ssyncadd.s32 $0xFFFFF700  }
0xd8: {  	[spmem:s13] =	stream.linear.scatter [tilespmem:s0], [sflag:$0x2], $0x900, $0x38;
	[tilespmem:$0x1BA00] =	vst v63  }
0xd9: {  	_ =	swait.ge [sflag:s3], $0x900  }
0xda: {  	[sflag:s3] =	ssyncset.done $0x0  }
0xdb: {  	[sflag:s3] =	ssyncadd.s32 $0xFFFFF700  }
0xdc: {  	[spmem:s19] =	stream.linear.scatter [tilespmem:s0], [sflag:$0x2], $0x900, $0x38;
	[tilespmem:$0x1BA00] =	vst v63  }
0xdd: {  	_ =	swait.ge [sflag:s3], $0x900  }
0xde: {  	[sflag:s3] =	ssyncset.done $0x0  }
0xdf: {  	s14 =	rddreg [dreg:$0x10];
	[sflag:s3] =	ssyncadd.s32 $0xFFFFF700  }
0xe0: {  	[spmem:s14] =	stream.linear.scatter [tilespmem:s0], [sflag:$0x2], $0x900, $0x38;
	[tilespmem:$0x1BA00] =	vst v63  }
0xe1: {  	_ =	swait.ge [sflag:s3], $0x900  }
0xe2: {  	[sflag:s3] =	ssyncset.done $0x0  }
0xe3: {  	s11 =	rddreg [dreg:$0x11];
	[sflag:s3] =	ssyncadd.s32 $0xFFFFF700  }
0xe4: {  	[spmem:s11] =	stream.linear.scatter [tilespmem:s0], [sflag:$0x2], $0x900, $0x38;
	[tilespmem:$0x1BA00] =	vst v63  }
0xe5: {  	_ =	swait.ge [sflag:s3], $0x900  }
0xe6: {  	[sflag:s3] =	ssyncset.done $0x0  }
0xe7: {  	s12 =	rddreg [dreg:$0x12];
	[sflag:s3] =	ssyncadd.s32 $0xFFFFF700  }
0xe8: {  	[spmem:s12] =	stream.linear.scatter [tilespmem:s0], [sflag:$0x2], $0x900, $0x38;
	[tilespmem:$0x1BA00] =	vst v63  }
0xe9: {  	_ =	swait.ge [sflag:s3], $0x900  }
0xea: {  	[sflag:s3] =	ssyncset.done $0x0  }
0xeb: {  	s13 =	rddreg [dreg:$0x13];
	[sflag:s3] =	ssyncadd.s32 $0xFFFFF700  }
0xec: {  	[spmem:s13] =	stream.linear.scatter [tilespmem:s0], [sflag:$0x2], $0x900, $0x38;
	[tilespmem:$0x1BA00] =	vst v63  }
0xed: {  	_ =	swait.ge [sflag:s3], $0x900  }
0xee: {  	[sflag:s3] =	ssyncset.done $0x0  }
0xef: {  	s14 =	rddreg [dreg:$0x14];
	[sflag:s3] =	ssyncadd.s32 $0xFFFFF700  }
0xf0: {  	[spmem:s14] =	stream.linear.scatter [tilespmem:s0], [sflag:$0x2], $0x900, $0x38;
	[tilespmem:$0x1BA00] =	vst v63  }
0xf1: {  	_ =	swait.ge [sflag:s3], $0x900  }
0xf2: {  	[sflag:s3] =	ssyncset.done $0x0  }
0xf3: {  	s11 =	rddreg [dreg:$0x15];
	[sflag:s3] =	ssyncadd.s32 $0xFFFFF700  }
0xf4: {  	[spmem:s11] =	stream.linear.scatter [tilespmem:s0], [sflag:$0x2], $0x900, $0x38;
	[tilespmem:$0x1BA00] =	vst v63  }
0xf5: {  	_ =	swait.ge [sflag:s3], $0x900  }
0xf6: {  	[sflag:s3] =	ssyncset.done $0x0  }
0xf7: {  	s12 =	rddreg [dreg:$0x16];
	[sflag:s3] =	ssyncadd.s32 $0xFFFFF700  }
0xf8: {  	[spmem:s12] =	stream.linear.scatter [tilespmem:s0], [sflag:$0x2], $0x900, $0x38;
	[tilespmem:$0x1BA00] =	vst v63  }
0xf9: {  	_ =	swait.ge [sflag:s3], $0x900  }
0xfa: {  	[sflag:s3] =	ssyncset.done $0x0  }
0xfb: {  	[sflag:s3] =	ssyncadd.s32 $0xFFFFF700  }
0xfc: {  	[spmem:s20] =	stream.linear.scatter [tilespmem:s0], [sflag:$0x2], $0x900, $0x38;
	[tilespmem:$0x1BA00] =	vst v63  }
0xfd: {  	_ =	swait.ge [sflag:s3], $0x900  }
0xfe: {  	[sflag:s3] =	ssyncset.done $0x0  }
0xff: {  	s13 =	rddreg [dreg:$0x17];
	[sflag:s3] =	ssyncadd.s32 $0xFFFFF700  }
0x100: {  	[spmem:s13] =	stream.linear.scatter [tilespmem:s0], [sflag:$0x2], $0x900, $0x38;
	[tilespmem:$0x1BA00] =	vst v63  }
0x101: {  	_ =	swait.ge [sflag:s3], $0x900  }
0x102: {  	[sflag:s3] =	ssyncset.done $0x0  }
0x103: {  	s14 =	rddreg [dreg:$0x18];
	[sflag:s3] =	ssyncadd.s32 $0xFFFFF700  }
0x104: {  	[spmem:s14] =	stream.linear.scatter [tilespmem:s0], [sflag:$0x2], $0x900, $0x38;
	[tilespmem:$0x1BA00] =	vst v63  }
0x105: {  	_ =	swait.ge [sflag:s3], $0x900  }
0x106: {  	[sflag:s3] =	ssyncset.done $0x0  }
0x107: {  	s11 =	rddreg [dreg:$0x19];
	[sflag:s3] =	ssyncadd.s32 $0xFFFFF700  }
0x108: {  	[spmem:s11] =	stream.linear.scatter [tilespmem:s0], [sflag:$0x2], $0x900, $0x38;
	[tilespmem:$0x1BA00] =	vst v63  }
0x109: {  	_ =	swait.ge [sflag:s3], $0x900  }
0x10a: {  	[sflag:s3] =	ssyncset.done $0x0  }
0x10b: {  	s12 =	rddreg [dreg:$0x1a];
	[sflag:s3] =	ssyncadd.s32 $0xFFFFF700  }
0x10c: {  	[spmem:s12] =	stream.linear.scatter [tilespmem:s0], [sflag:$0x2], $0x900, $0x38;
	[tilespmem:$0x1BA00] =	vst v63  }
0x10d: {  	_ =	swait.ge [sflag:s3], $0x900  }
0x10e: {  	[sflag:s3] =	ssyncset.done $0x0  }
0x10f: {  	s13 =	rddreg [dreg:$0x1b];
	[sflag:s3] =	ssyncadd.s32 $0xFFFFF700  }
0x110: {  	[spmem:s13] =	stream.linear.scatter [tilespmem:s0], [sflag:$0x2], $0x900, $0x38;
	[tilespmem:$0x1BA00] =	vst v63  }
0x111: {  	_ =	swait.ge [sflag:s3], $0x900  }
0x112: {  	[sflag:s3] =	ssyncset.done $0x0  }
0x113: {  	s14 =	rddreg [dreg:$0x1c];
	[sflag:s3] =	ssyncadd.s32 $0xFFFFF700  }
0x114: {  	[spmem:s14] =	stream.linear.scatter [tilespmem:s0], [sflag:$0x2], $0x900, $0x38;
	[tilespmem:$0x1BA00] =	vst v63  }
0x115: {  	_ =	swait.ge [sflag:s3], $0x900  }
0x116: {  	[sflag:s3] =	ssyncset.done $0x0  }
0x117: {  	s11 =	rddreg [dreg:$0x1d];
	[sflag:s3] =	ssyncadd.s32 $0xFFFFF700  }
0x118: {  	[spmem:s11] =	stream.linear.scatter [tilespmem:s0], [sflag:$0x2], $0x900, $0x38;
	[tilespmem:$0x1BA00] =	vst v63  }
0x119: {  	_ =	swait.ge [sflag:s3], $0x900  }
0x11a: {  	[sflag:s3] =	ssyncset.done $0x0  }
0x11b: {  	[sflag:s3] =	ssyncadd.s32 $0xFFFFF700  }
0x11c: {  	[spmem:s21] =	stream.linear.scatter [tilespmem:s0], [sflag:$0x2], $0x900, $0x38;
	[tilespmem:$0x1BA00] =	vst v63  }
0x11d: {  	_ =	swait.ge [sflag:s3], $0x900  }
0x11e: {  	[sflag:s3] =	ssyncset.done $0x0  }
0x11f: {  	s12 =	rddreg [dreg:$0x1e];
	[sflag:s3] =	ssyncadd.s32 $0xFFFFF700  }
0x120: {  	[spmem:s12] =	stream.linear.scatter [tilespmem:s0], [sflag:$0x2], $0x900, $0x38;
	[tilespmem:$0x1BA00] =	vst v63  }
0x121: {  	_ =	swait.ge [sflag:s3], $0x900  }
0x122: {  	[sflag:s3] =	ssyncset.done $0x0  }
0x123: {  	s13 =	rddreg [dreg:$0x1f];
	[sflag:s3] =	ssyncadd.s32 $0xFFFFF700  }
0x124: {  	[spmem:s13] =	stream.linear.scatter [tilespmem:s0], [sflag:$0x2], $0x900, $0x38;
	[tilespmem:$0x1BA00] =	vst v63  }
0x125: {  	_ =	swait.ge [sflag:s3], $0x900  }
0x126: {  	s14 =	sld [smem:$0x7FB]  }
0x127: {  	[sflag:s3] =	ssyncset.done $0x0  }
0x128: {  	[sflag:s3] =	ssyncadd.s32 $0xFFFFF700  }
0x129: {  	[spmem:s14] =	stream.linear.scatter [tilespmem:s0], [sflag:$0x2], $0x900, $0x38;
	[tilespmem:$0x1BA00] =	vst v63  }
0x12a: {  	_ =	swait.ge [sflag:s3], $0x900  }
0x12b: {  	s11 =	sld [smem:$0x7FC]  }
0x12c: {  	[sflag:s3] =	ssyncset.done $0x0  }
0x12d: {  	[sflag:s3] =	ssyncadd.s32 $0xFFFFF700  }
0x12e: {  	[spmem:s11] =	stream.linear.scatter [tilespmem:s0], [sflag:$0x2], $0x900, $0x38;
	[tilespmem:$0x1BA00] =	vst v63  }
0x12f: {  	_ =	swait.ge [sflag:s3], $0x900  }
0x130: {  	s12 =	sld [smem:$0x7FD]  }
0x131: {  	[sflag:s3] =	ssyncset.done $0x0  }
0x132: {  	[sflag:s3] =	ssyncadd.s32 $0xFFFFF700  }
0x133: {  	[spmem:s12] =	stream.linear.scatter [tilespmem:s0], [sflag:$0x2], $0x900, $0x38;
	[tilespmem:$0x1BA00] =	vst v63  }
0x134: {  	_ =	swait.ge [sflag:s3], $0x900  }
0x135: {  	[sflag:s3] =	ssyncset.done $0x0  }
0x136: {  	[sflag:s3] =	ssyncadd.s32 $0xFFFFF700  }
0x137: {  	[spmem:s15] =	stream.linear.scatter [tilespmem:s0], [sflag:$0x2], $0x900, $0x38;
	[tilespmem:$0x1BA00] =	vst v63  }
0x138: {  	_ =	swait.ge [sflag:s3], $0x900  }
0x139: {  	[sflag:s3] =	ssyncset.done $0x0  }
0x13a: {  	[sflag:s3] =	ssyncadd.s32 $0xFFFFF700  }
0x13b: {  	[spmem:s16] =	stream.linear.scatter [tilespmem:s0], [sflag:$0x2], $0x900, $0x38;
	[tilespmem:$0x1BA00] =	vst v63  }
0x13c: {  	_ =	swait.ge [sflag:s3], $0x900  }
0x13d: {  	[sflag:s3] =	ssyncset.done $0x0  }
0x13e: {  	[sflag:s3] =	ssyncadd.s32 $0xFFFFF700  }
0x13f: {  	[spmem:s22] =	stream.linear.scatter [tilespmem:s0], [sflag:$0x2], $0x900, $0x38;
	[tilespmem:$0x1BA00] =	vst v63  }
0x140: {  	_ =	swait.ge [sflag:s3], $0x900  }
0x141: {  	[sflag:s3] =	ssyncset.done $0x0  }
0x142: {  	[sflag:s3] =	ssyncadd.s32 $0xFFFFF700  }
0x143: {  	[spmem:s18] =	stream.linear.scatter [tilespmem:s0], [sflag:$0x2], $0x900, $0x38;
	[tilespmem:$0x1BA00] =	vst v63  }
0x144: {  	_ =	swait.ge [sflag:s3], $0x900  }
0x145: {  	[sflag:s3] =	ssyncset.done $0x0  }
0x146: {  	[sflag:s3] =	ssyncadd.s32 $0xFFFFF700  }
0x147: {  	[spmem:s23] =	stream.linear.scatter [tilespmem:s0], [sflag:$0x2], $0x900, $0x38;
	[tilespmem:$0x1BA00] =	vst v63  }
0x148: {  	_ =	swait.ge [sflag:s3], $0x900  }
0x149: {  	[sflag:s3] =	ssyncset.done $0x0  }
0x14a: {  	[sflag:s3] =	ssyncadd.s32 $0xFFFFF700  }
0x14b: {  	[spmem:s24] =	stream.linear.scatter [tilespmem:s0], [sflag:$0x2], $0x900, $0x38;
	[tilespmem:$0x1BA00] =	vst v63  }
0x14c: {  	_ =	swait.ge [sflag:s3], $0x900  }
0x14d: {  	[sflag:s3] =	ssyncset.done $0x0  }
0x14e: {  	[sflag:s3] =	ssyncadd.s32 $0xFFFFF700  }
0x14f: {  	[spmem:s25] =	stream.linear.scatter [tilespmem:s0], [sflag:$0x2], $0x900, $0x38;
	[tilespmem:$0x1BA00] =	vst v63  }
0x150: {  	_ =	swait.ge [sflag:s3], $0x900  }
0x151: {  	[sflag:s3] =	ssyncset.done $0x0  }
0x152: {  	[sflag:s3] =	ssyncadd.s32 $0xFFFFF700  }
0x153: {  	[spmem:s26] =	stream.linear.scatter [tilespmem:s0], [sflag:$0x2], $0x900, $0x38;
	[tilespmem:$0x1BA00] =	vst v63  }
0x154: {  	_ =	swait.ge [sflag:s3], $0x900  }
0x155: {  	[sflag:s3] =	ssyncset.done $0x0  }
0x156: {  	[sflag:s3] =	ssyncadd.s32 $0xFFFFF700  }
0x157: {  	[spmem:s28] =	stream.linear.scatter [tilespmem:s0], [sflag:$0x2], $0x900, $0x38;
	[tilespmem:$0x1BA00] =	vst v63  }
0x158: {  	_ =	swait.ge [sflag:s3], $0x900  }
0x159: {  	[sflag:s3] =	ssyncset.done $0x0  }
0x15a: {  	[sflag:s3] =	ssyncadd.s32 $0xFFFFF700  }
0x15b: {  	[spmem:s29] =	stream.linear.scatter [tilespmem:s0], [sflag:$0x2], $0x900, $0x38;
	[tilespmem:$0x1BA00] =	vst v63  }
0x15c: {  	_ =	swait.ge [sflag:s3], $0x900  }
0x15d: {  	[sflag:s3] =	ssyncset.done $0x0  }
0x15e: {  	[sflag:s3] =	ssyncadd.s32 $0xFFFFF700  }
0x15f: {  	s13 =	sadd.s32 $0x0, s17;
	[bflag:$0x0] =	sbarrier.arrive $0xFFFF  }
0x160: {  	[tilespmem:s2], [sflag:$0x2] =	stream.linear.gather [hbm4b:s13+s2], $0x80, $0x38;
	[tilespmem:$0x1BA00] =	vst v63  }
0x161: {  	_ =	swait.ge [sflag:s3], $0x80  }
0x162: {  	[sflag:s3] =	ssyncset.done $0x0  }
0x163: {  	s14 =	sadd.s32 $0x0, s31;
	[sflag:s3] =	ssyncadd.s32 $0xFFFFFF80  }
0x164: {  	[tilespmem:s6], [sflag:$0x2] =	stream.linear.gather [hbm4b:s14+s2], $0x80, $0x38;
	[tilespmem:$0x1BA00] =	vst v63  }
0x165: {  	_ =	swait.ge [sflag:s3], $0x80  }
0x166: {  	[sflag:s3] =	ssyncset.done $0x0  }
0x167: {  	[sflag:s3] =	ssyncadd.s32 $0xFFFFFF80  }
0x168: {  	[tilespmem:s7], [sflag:$0x1] =	stream.indirect.gather [hbm4b:s4+s6], $0x90, s2, s6, $0xb8;
	[tilespmem:$0x1BA00] =	vst v63  }
0x169: {  	_ =	swait.ge [sflag:s8], $0x4800  }
0x16a: {  	[sflag:s8] =	ssyncset.done $0x0  }
0x16b: {  	[sflag:s8] =	ssyncadd.s32 $0xFFFFB800  }
0x16c: {  	[spmem:s1] =	stream.indirect.scatter.add.f32 [tilespmem:s7], [sflag:$0x2], $0x90, s6, s6, $0xb8;
	[tilespmem:$0x1BA00] =	vst v63  }
0x16d: {  	_ =	swait.ge [sflag:s3], $0x4800  }
0x16e: {  	s10 =	simm.s32 $0x10;
	s11 =	simm.s32 $0x20;
	[sflag:s3] =	ssyncset.done $0x0  }
.LBB2_2:
0x16f: {  	s12 =	sadd.s32 s10, s17  }
0x170: {  	[sflag:s3] =	ssyncadd.s32 $0xFFFFB800;
	s13 =	smov.u32 s11;
	s14 =	sadd.s32 $0x10, s11  }
0x171: {  	[tilespmem:s2], [sflag:$0x2] =	stream.linear.gather [hbm4b:s12+s2], $0x80, $0x38;
	[tilespmem:$0x1BA00] =	vst v63  }
0x172: {  	p0 =	sne.s32 s11, $0x4E0;
	_ =	swait.ge [sflag:s3], $0x80  }
0x173: {  	[sflag:s3] =	ssyncset.done $0x0  }
0x174: {  	s11 =	sadd.s32 s10, s31;
	s10 =	smov.u32 s13;
	[sflag:s3] =	ssyncadd.s32 $0xFFFFFF80  }
0x175: {  	[tilespmem:s6], [sflag:$0x2] =	stream.linear.gather [hbm4b:s11+s2], $0x80, $0x38;
	[tilespmem:$0x1BA00] =	vst v63  }
0x176: {  	_ =	swait.ge [sflag:s3], $0x80  }
0x177: {  	[sflag:s3] =	ssyncset.done $0x0  }
0x178: {  	[sflag:s3] =	ssyncadd.s32 $0xFFFFFF80  }
0x179: {  	[tilespmem:s7], [sflag:$0x1] =	stream.indirect.gather [hbm4b:s4+s6], $0x90, s2, s6, $0xb8;
	[tilespmem:$0x1BA00] =	vst v63  }
0x17a: {  	_ =	swait.ge [sflag:s8], $0x4800  }
.Ltmp0:
0x17b: {  	[sflag:s8] =	ssyncset.done $0x0;
	(pc) =	sbr.rel @p0 .LBB2_2-.Ltmp0, $4  }
0x17c: {  	[sflag:s8] =	ssyncadd.s32 $0xFFFFB800  }
0x17d: {  	[spmem:s1] =	stream.indirect.scatter.add.f32 [tilespmem:s7], [sflag:$0x2], $0x90, s6, s6, $0xb8;
	[tilespmem:$0x1BA00] =	vst v63  }
0x17e: {  	_ =	swait.ge [sflag:s3], $0x4800  }
0x17f: {  	s11 =	smov.u32 s14;
	[sflag:s3] =	ssyncset.done $0x0  }
0x180: {  	s11 =	sadd.s32 s10, s17;
	[sflag:s3] =	ssyncadd.s32 $0xFFFFB800  }
0x181: {  	[tilespmem:s2], [sflag:$0x2] =	stream.linear.gather [hbm4b:s11+s2], $0x80, $0x38;
	[tilespmem:$0x1BA00] =	vst v63  }
0x182: {  	_ =	swait.ge [sflag:s3], $0x80  }
0x183: {  	[sflag:s3] =	ssyncset.done $0x0  }
0x184: {  	s13 =	sadd.s32 s10, s31;
	[sflag:s3] =	ssyncadd.s32 $0xFFFFFF80  }
0x185: {  	[tilespmem:s6], [sflag:$0x2] =	stream.linear.gather [hbm4b:s13+s2], $0x80, $0x38;
	[tilespmem:$0x1BA00] =	vst v63  }
0x186: {  	_ =	swait.ge [sflag:s3], $0x80  }
0x187: {  	[sflag:s3] =	ssyncset.done $0x0  }
0x188: {  	[sflag:s3] =	ssyncadd.s32 $0xFFFFFF80  }
0x189: {  	[tilespmem:s7], [sflag:$0x1] =	stream.indirect.gather [hbm4b:s4+s6], $0x90, s2, s6, $0xb8;
	[tilespmem:$0x1BA00] =	vst v63  }
0x18a: {  	_ =	swait.ge [sflag:s8], $0x4800  }
0x18b: {  	[sflag:s8] =	ssyncset.done $0x0  }
0x18c: {  	[sflag:s8] =	ssyncadd.s32 $0xFFFFB800  }
0x18d: {  	[spmem:s1] =	stream.indirect.scatter.add.f32 [tilespmem:s7], [sflag:$0x2], $0x90, s6, s6, $0xb8;
	[tilespmem:$0x1BA00] =	vst v63  }
0x18e: {  	_ =	swait.ge [sflag:s3], $0x4800  }
0x18f: {  	[sflag:s3] =	ssyncset.done $0x0  }
0x190: {  	[sflag:s3] =	ssyncadd.s32 $0xFFFFB800  }
0x191: {  	[bflag:$0x0] =	sbarrier.arrive $0xFFFF  }
0x192: {  	[tilespmem:s7], [sflag:$0x2] =	stream.linear.gather [spmem:s5], $0x4800, $0x38;
	[tilespmem:$0x1BA00] =	vst v63  }
0x193: {  	_ =	swait.ge [sflag:s3], $0x4800  }
0x194: {  	[sflag:s3] =	ssyncset.done $0x0  }
0x195: {  	s14 =	rddreg [dreg:$0x8];
	[sflag:s3] =	ssyncadd.s32 $0xFFFFB800  }
0x196: {  	[hbm4b:s14+s2] =	stream.linear.scatter [tilespmem:s7], [sflag:$0x2], $0x4800, $0x38;
	[tilespmem:$0x1BA00] =	vst v63  }
0x197: {  	_ =	swait.ge [sflag:s3], $0x4800  }
0x198: {  	[sflag:s3] =	ssyncset.done $0x0  }
0x199: {  	[sflag:s3] =	ssyncadd.s32 $0xFFFFB800  }
0x19a: {  	[tilespmem:s7], [sflag:$0x2] =	stream.linear.gather [spmem:s19], $0x4800, $0x38;
	[tilespmem:$0x1BA00] =	vst v63  }
0x19b: {  	_ =	swait.ge [sflag:s3], $0x4800  }
0x19c: {  	[sflag:s3] =	ssyncset.done $0x0  }
0x19d: {  	s11 =	rddreg [dreg:$0x9];
	[sflag:s3] =	ssyncadd.s32 $0xFFFFB800  }
0x19e: {  	[hbm4b:s11+s2] =	stream.linear.scatter [tilespmem:s7], [sflag:$0x2], $0x4800, $0x38;
	[tilespmem:$0x1BA00] =	vst v63  }
0x19f: {  	_ =	swait.ge [sflag:s3], $0x4800  }
0x1a0: {  	[sflag:s3] =	ssyncset.done $0x0  }
0x1a1: {  	[sflag:s3] =	ssyncadd.s32 $0xFFFFB800  }
0x1a2: {  	[tilespmem:s7], [sflag:$0x2] =	stream.linear.gather [spmem:s20], $0x4800, $0x38;
	[tilespmem:$0x1BA00] =	vst v63  }
0x1a3: {  	_ =	swait.ge [sflag:s3], $0x4800  }
0x1a4: {  	[sflag:s3] =	ssyncset.done $0x0  }
0x1a5: {  	s12 =	rddreg [dreg:$0xa];
	[sflag:s3] =	ssyncadd.s32 $0xFFFFB800  }
0x1a6: {  	[hbm4b:s12+s2] =	stream.linear.scatter [tilespmem:s7], [sflag:$0x2], $0x4800, $0x38;
	[tilespmem:$0x1BA00] =	vst v63  }
0x1a7: {  	_ =	swait.ge [sflag:s3], $0x4800  }
0x1a8: {  	[sflag:s3] =	ssyncset.done $0x0  }
0x1a9: {  	[sflag:s3] =	ssyncadd.s32 $0xFFFFB800  }
0x1aa: {  	[tilespmem:s7], [sflag:$0x2] =	stream.linear.gather [spmem:s21], $0x4800, $0x38;
	[tilespmem:$0x1BA00] =	vst v63  }
0x1ab: {  	_ =	swait.ge [sflag:s3], $0x4800  }
0x1ac: {  	[sflag:s3] =	ssyncset.done $0x0  }
0x1ad: {  	s13 =	rddreg [dreg:$0xb];
	[sflag:s3] =	ssyncadd.s32 $0xFFFFB800  }
0x1ae: {  	[hbm4b:s13+s2] =	stream.linear.scatter [tilespmem:s7], [sflag:$0x2], $0x4800, $0x38;
	[tilespmem:$0x1BA00] =	vst v63  }
0x1af: {  	_ =	swait.ge [sflag:s3], $0x4800  }
0x1b0: {  	[sflag:s3] =	ssyncset.done $0x0  }
0x1b1: {  	[sflag:s3] =	ssyncadd.s32 $0xFFFFB800  }
0x1b2: {  	[tilespmem:s7], [sflag:$0x2] =	stream.linear.gather [spmem:s22], $0x4800, $0x38;
	[tilespmem:$0x1BA00] =	vst v63  }
0x1b3: {  	s9 =	sadd.s32 $0x1, s9;
	_ =	swait.ge [sflag:s3], $0x4800  }
0x1b4: {  	p0 =	sne.s32 s9, s30;
	[sflag:s3] =	ssyncset.done $0x0  }
.Ltmp1:
0x1b5: {  	s14 =	rddreg [dreg:$0xc];
	[sflag:s3] =	ssyncadd.s32 $0xFFFFB800;
	(pc) =	sbr.rel @p0 .LBB2_1-.Ltmp1, $4  }
0x1b6: {  	[hbm4b:s14+s2] =	stream.linear.scatter [tilespmem:s7], [sflag:$0x2], $0x4800, $0x38;
	[tilespmem:$0x1BA00] =	vst v63  }
0x1b7: {  	_ =	swait.ge [sflag:s3], $0x4800  }
0x1b8: {  	[sflag:s3] =	ssyncset.done $0x0  }
0x1b9: {  	[sflag:s3] =	ssyncadd.s32 $0xFFFFB800  }
0x1ba: {  	_ =	sfence.sel $0x180000  }
0x1bb: {  	[bflag:$0x0] =	sbarrier.arrive $0xFFFF  }
0x1bc: {  	_ =	strace $0x90000047  }
0x1bd: {  	s0 =	stileid.u32;
	[bflag:$0x2] =	sbarrier.arrive $0xFFFF  }
0x1be: {  	p0 =	sne.s32 s0, $0x0;
	s0 =	rddreg [dreg:$0x3]  }
0x1bf: {  	s0 =	sadd.s32 @!p0 $0x100000, s0  }
0x1c0: {  	[sflag:s0] =	ssyncadd.tile.s32 @!p0 $0x1;
	_ =	shalt  }
.Lfunc_end2:
_tile_overlayer_lowered:
.L_overlay_start_2:
0x1c1: {  	(tag) =	ssettag $0x2  }
0x1c2: {  	s0 =	rddreg [dreg:$0x0];
	s2 =	stileid.u32  }
0x1c3: {  	s1 =	rddreg [dreg:$0x1];
	p0 =	sne.s32 s2, $0x0  }
0x1c4: {  	s3 =	rddreg [dreg:$0x2];
	[bflag:$0x3] =	sbarrier.arrive $0xFFFF;
	s2 =	simm.s32 @!p0 $0x1C02  }
0x1c5: {  	[timem:s3], [sflag:s2] =	dma.local @!p0 [hbm:s0], s1  }
0x1c6: {  	s0 =	simm.s32 @!p0 $0x2  }
0x1c7: {  	_ =	swait.ge @!p0 [sflag:s0], s1  }
0x1c8: {  	s1 =	ssub.s32 @!p0 $0x0, s1;
	[sflag:s0] =	ssyncset.done @!p0 $0x0  }
0x1c9: {  	[sflag:s0] =	ssyncadd.s32 @!p0 s1  }
0x1ca: {  	[bflag:$0x3] =	sbarrier.arrive $0xFFFF  }
0x1cb: {  	_ =	shalt  }

// kernel: kernel.9.cloned.1.call-start
scs
__scs_entry_jumppad:
0x0: {  	(pc) =	sbr.rel $0x88, $3  }
0x1: {  	(tag) =	ssettag $0x0;
	lr =	simm.s32 $0x1  }
0x2: {  	[smem:$0x3F99] =	sst lr;
	_ =	strace $0xD0000000  }
0x3: {  	_ = 	snop  }
0x4: {  	_ = 	snop  }
0x5: {  	_ = 	snop  }
0x6: {  	_ = 	snop  }
0x7: {  	_ = 	snop  }
__scs_overlays_trampoline_lowered:
0x8: {  	[smem:$0x3FA8] =	sst s0  }
0x9: {  	[smem:$0x3FA9] =	sst s1  }
0xa: {  	[smem:$0x3FAA] =	sst s2  }
0xb: {  	[smem:$0x3FAB] =	sst s3  }
0xc: {  	[smem:$0x3FAC] =	sst s4  }
0xd: {  	[smem:$0x3FAD] =	sst s5  }
0xe: {  	[smem:$0x3FAE] =	sst s6  }
0xf: {  	[smem:$0x3FAF] =	sst s7  }
0x10: {  	[smem:$0x3FB0] =	sst s8  }
0x11: {  	[smem:$0x3FB1] =	sst s9;
	s0 =	simm.s32 @!p0 $0x0  }
0x12: {  	s1 =	sld [smem:$0x3F97];
	s0 =	simm.s32 @p0 $0x1  }
0x13: {  	[smem:$0x3FB2] =	sst s0;
	s0 =	simm.s32 @!p1 $0x0  }
0x14: {  	s2 =	sld [smem:$0x3F96];
	s0 =	simm.s32 @p1 $0x1  }
0x15: {  	[smem:$0x3FB3] =	sst s0;
	s0 =	simm.s32 @!p2 $0x0  }
0x16: {  	s3 =	sld [smem:$0x3FDB];
	s0 =	simm.s32 @p2 $0x1  }
0x17: {  	s4 =	simm.s32 $0x1BF5;
	[smem:$0x3FB5] =	sst s0  }
0x18: {  	s0 =	sld [smem:$0x3F98];
	_ =	swait.ge [sflag:s4], $0x0  }
0x19: {  	s7 =	sld [smem:$0x3F99]  }
0x1a: {  	s8 =	sadd.s32 $0xFFFFE003, lr  }
0x1b: {  	s9 =	sadd.s32 $0xFFFFFEF7, lr;
	s5 =	simm.s32 $0xFFFFFFFF;
	p2 =	slt.u32 s8, $0xFFFFF086  }
0x1c: {  	p1 =	slt.u32 s9, $0xF7A;
	s5 =	simm.s32 @!p2 $0x0  }
0x1d: {  	s5 =	simm.s32 @p1 $0x1;
	p0 =	seq.s32 s7, s2  }
0x1e: {  	s7 =	smul.u32 @!p0 $0xF7A, s2;
	p2 =	seq.s32 @!p0 s5, $0x0  }
0x1f: {  	s9 =	smul.u32 $0xF7A, s1;
	s8 =	simm.s32 @!p0 $0x1BF5;
	p2 =	por !p2, p0  }
0x20: {  	[sflag:s8] =	ssyncset.s32 @!p0 $0xFFFFF086;
	s6 =	sadd.s32 @!p0 s3, s7;
	s7 =	simm.s32 @!p0 $0x108  }
0x21: {  	s3 =	sadd.s32 s3, s9;
	s6 =	sadd.s32 @!p0 $0x88, s6;
	s7 =	simm.s32 @p2 $0x1082  }
0x22: {  	[simem:s7], [sflag:s8] =	dma.local @!p0 [hbm:s6], $0xF7A  }
0x23: {  	s9 =	sor.u32 $0xD0000000, s2;
	s6 =	simm.s32 $0x108;
	_ =	swait.ge @!p0 [sflag:s8], $0x0  }
0x24: {  	s3 =	sadd.s32 $0x88, s3;
	s6 =	simm.s32 @!p1 $0x1082;
	[sflag:s4] =	ssyncset.s32 $0xFFFFF086  }
0x25: {  	[simem:s6], [sflag:s4] =	dma.local [hbm:s3], $0xF7A  }
0x26: {  	[smem:$0x3F99] =	sst s1;
	(tag) =	ssettag s2;
	_ =	strace s9  }
0x27: {  	s1 =	sld [smem:$0x3FA9]  }
0x28: {  	s2 =	sld [smem:$0x3FAA]  }
0x29: {  	s4 =	sld [smem:$0x3FAC]  }
0x2a: {  	p0 =	seq.s32 s5, $0x0;
	s5 =	sld [smem:$0x3FAD]  }
0x2b: {  	s6 =	sld [smem:$0x3FAE]  }
0x2c: {  	s7 =	sld [smem:$0x3FAF]  }
0x2d: {  	s3 =	simm.s32 $0x108;
	s8 =	sld [smem:$0x3FB0]  }
0x2e: {  	s3 =	simm.s32 @!p0 $0x1082;
	s9 =	sld [smem:$0x3FB1]  }
0x2f: {  	lr =	sadd.s32 s0, s3;
	s0 =	sld [smem:$0x3FA8]  }
0x30: {  	s3 =	sld [smem:$0x3FAB]  }
0x31: {  	[smem:$0x3FB4] =	sst s10  }
0x32: {  	s10 =	sld [smem:$0x3FB2];
	_ =	sdelay $0x3  }
0x33: {  	p0 =	seq.s32 s10, $0x1;
	s10 =	sld [smem:$0x3FB4];
	_ =	sdelay $0x3  }
0x34: {  	[smem:$0x3FB4] =	sst s10  }
0x35: {  	s10 =	sld [smem:$0x3FB3];
	_ =	sdelay $0x3  }
0x36: {  	p1 =	seq.s32 s10, $0x1;
	s10 =	sld [smem:$0x3FB4];
	_ =	sdelay $0x3  }
0x37: {  	[smem:$0x3FB4] =	sst s10  }
0x38: {  	s10 =	sld [smem:$0x3FB5]  }
0x39: {  	_ = 	snop;
	(pc) =	sbr.ind lr, $3  }
0x3a: {  	_ = 	snop  }
0x3b: {  	_ = 	snop  }
0x3c: {  	p2 =	seq.s32 s10, $0x1;
	s10 =	sld [smem:$0x3FB4]  }
0x3d: {  	_ =	shalt  }
0x3e: {  	_ =	shalt  }
0x3f: {  	_ =	shalt  }
0x40: {  	_ =	shalt  }
0x41: {  	_ =	shalt  }
0x42: {  	_ =	shalt  }
0x43: {  	_ =	shalt  }
0x44: {  	_ =	shalt  }
0x45: {  	_ =	shalt  }
0x46: {  	_ =	shalt  }
0x47: {  	_ =	shalt  }
0x48: {  	_ =	shalt  }
0x49: {  	_ =	shalt  }
0x4a: {  	_ =	shalt  }
0x4b: {  	_ =	shalt  }
0x4c: {  	_ =	shalt  }
0x4d: {  	_ =	shalt  }
0x4e: {  	_ =	shalt  }
0x4f: {  	_ =	shalt  }
0x50: {  	_ =	shalt  }
0x51: {  	_ =	shalt  }
0x52: {  	_ =	shalt  }
0x53: {  	_ =	shalt  }
0x54: {  	_ =	shalt  }
0x55: {  	_ =	shalt  }
0x56: {  	_ =	shalt  }
0x57: {  	_ =	shalt  }
0x58: {  	_ =	shalt  }
0x59: {  	_ =	shalt  }
0x5a: {  	_ =	shalt  }
0x5b: {  	_ =	shalt  }
0x5c: {  	_ =	shalt  }
0x5d: {  	_ =	shalt  }
0x5e: {  	_ =	shalt  }
0x5f: {  	_ =	shalt  }
0x60: {  	_ =	shalt  }
0x61: {  	_ =	shalt  }
0x62: {  	_ =	shalt  }
0x63: {  	_ =	shalt  }
0x64: {  	_ =	shalt  }
0x65: {  	_ =	shalt  }
0x66: {  	_ =	shalt  }
0x67: {  	_ =	shalt  }
0x68: {  	_ =	shalt  }
0x69: {  	_ =	shalt  }
0x6a: {  	_ =	shalt  }
0x6b: {  	_ =	shalt  }
0x6c: {  	_ =	shalt  }
0x6d: {  	_ =	shalt  }
0x6e: {  	_ =	shalt  }
0x6f: {  	_ =	shalt  }
0x70: {  	_ =	shalt  }
0x71: {  	_ =	shalt  }
0x72: {  	_ =	shalt  }
0x73: {  	_ =	shalt  }
0x74: {  	_ =	shalt  }
0x75: {  	_ =	shalt  }
0x76: {  	_ =	shalt  }
0x77: {  	_ =	shalt  }
0x78: {  	_ =	shalt  }
0x79: {  	_ =	shalt  }
0x7a: {  	_ =	shalt  }
0x7b: {  	_ =	shalt  }
0x7c: {  	_ =	shalt  }
0x7d: {  	_ =	shalt  }
0x7e: {  	_ =	shalt  }
0x7f: {  	_ =	shalt  }
0x80: {  	_ =	shalt  }
0x81: {  	_ =	shalt  }
0x82: {  	_ =	shalt  }
0x83: {  	_ =	shalt  }
0x84: {  	_ =	shalt  }
0x85: {  	_ =	shalt  }
0x86: {  	_ =	shalt  }
0x87: {  	_ =	shalt  }
.Lfunc_end0:
.L_simem_size_0:
called_computation.1_lowered:
.L_overlay_start_0:
0x88: {  	s2 =	sld [smem:$0x3FD9]  }
0x89: {  	s3 =	sld [smem:$0x3FFE];
	_ =	sdelay $0x1  }
0x8a: {  	s1 =	srdreg.scid  }
0x8b: {  	s0 =	sand.u32 $0x1, s1  }
0x8c: {  	s17 =	sshll.u32 s0, $0xA;
	s2 =	sadd.s32 s3, s2  }
0x8d: {  	s2 =	sadd.s32 s2, s17  }
0x8e: {  	[smem:$0x3FC0] =	sst s2  }
0x8f: {  	_ = 	snop  }
0x90: {  	s2 =	sld [smem:$0x3FD0];
	(tm) =	ssettm $0x1  }
0x91: {  	s18 =	sld [smem:$0x3FFB];
	_ =	sdelay $0x3  }
0x92: {  	_ =	strace s18  }
0x93: {  	s3 =	sld [smem:$0x3FFC];
	_ =	sdelay $0x3  }
0x94: {  	_ =	strace s3  }
0x95: {  	s3 =	sld [smem:$0x3FFD];
	_ =	sdelay $0x3  }
0x96: {  	_ =	strace s3  }
0x97: {  	_ =	strace $0x8FFFFFFF  }
0x98: {  	s19 =	sld [smem:$0x3FDB];
	_ =	sdelay $0x1  }
0x99: {  	s4 =	simm.s32 $_scs_section_size  }
0x9a: {  	s5 =	simm.s32 $_size__tile_overlayer_lowered;
	s6 =	simm.s32 $_tile_overlayer_lowered  }
0x9b: {  	s22 =	simm.s32 $0x1BFF;
	s21 =	sshll.u32 s6, $0x1;
	s3 =	sadd.s32 s4, s19  }
0x9c: {  	s7 =	simm.s32 $0x0;
	s20 =	sshll.u32 s5, $0x1;
	s5 =	sadd.s32 s21, s3  }
0x9d: {  	[timem:s7], [sflag:s22] =	dma.local [hbm:s5], s20  }
0x9e: {  	_ =	swait.ge [sflag:s22], s20  }
0x9f: {  	s4 =	ssub.s32 $0x0, s20;
	[sflag:s22] =	ssyncset.done $0x0  }
0xa0: {  	[sflag:s22] =	ssyncadd.s32 s4;
	_ =	sdelay $0x1  }
0xa1: {  	s23 =	simm.s32 $0x1B8B  }
0xa2: {  	_ =	swait.ge [sflag:s23], $0x1  }
0xa3: {  	[sflag:s23] =	ssyncset.done $0x0  }
0xa4: {  	s25 =	simm.s32 $0x1B8E;
	s24 =	sld [smem:$0x3FFE];
	[sflag:s23] =	ssyncadd.s32 $0xFFFFFFFF  }
0xa5: {  	s26 =	simm.s32 $execute0_lowered;
	[smem:$0x3FD2] =	sst s25  }
0xa6: {  	s5 =	sshll.u32 s26, $0x1;
	_ =	strace $0x80000049;
	[dreg:$0x1] =	wrdreg $0xFFFFFFFF  }
0xa7: {  	s28 =	simm.s32 $_size_execute0_lowered;
	s3 =	sadd.s32 s3, s5;
	[dreg:$0x0] =	wrdreg $0x0  }
0xa8: {  	s5 =	sshll.u32 s28, $0x1;
	[dreg:$0x2] =	wrdreg s3  }
0xa9: {  	[dreg:$0x3] =	wrdreg s5  }
0xaa: {  	[dreg:$0x4] =	wrdreg $0xC0  }
0xab: {  	_ =	task [dreg:s7], $0x5FFFF  }
0xac: {  	[dreg:$0x1] =	wrdreg $0xFFFFFFFF  }
0xad: {  	[dreg:$0x0] =	wrdreg $0x60  }
0xae: {  	[dreg:$0x2] =	wrdreg s24  }
0xaf: {  	[dreg:$0x3] =	wrdreg s2  }
0xb0: {  	[dreg:$0x4] =	wrdreg $0x52000  }
0xb1: {  	[dreg:$0x5] =	wrdreg $0x9  }
0xb2: {  	_ =	task.clear_ibuf [dreg:s7], $0x6FFFF;
	_ =	strace $0x90000049  }
0xb3: {  	s29 =	simm.s32 $0x9;
	_ =	strace $0x8000004B  }
0xb4: {  	_ =	swait.ge [sflag:s29], $0x1  }
0xb5: {  	[sflag:s29] =	ssyncadd.s32 $0xFFFFFFFF  }
0xb6: {  	_ =	strace $0x9000004B  }
0xb7: {  	_ =	sfence  }
0xb8: {  	s30 =	sld [smem:$0x0];
	_ =	sdelay $0x2  }
0xb9: {  	s31 =	sshll.u32 s1, $0xD;
	s1 =	sshrl.u32 s1, $0x2  }
0xba: {  	s3 =	sand.u32 $0x4000, s31;
	s1 =	sadd.s32 s1, s30  }
0xbb: {  	s0 =	sor.u32 s3, s0;
	s1 =	sshll.u32 s1, $0x11  }
0xbc: {  	s0 =	sor.u32 s1, s0  }
0xbd: {  	s0 =	sadd.s32 $0x8F2B, s0  }
0xbe: {  	[sflag:s0] =	ssyncadd.remote.s32 $0x1  }
0xbf: {  	_ =	sfence.sel $0xFFFF  }
0xc0: {  	[dreg:$0x0] =	wrdreg $0xFFFFFFFF;
	(pc) =	sbr.abs _section_cstart, $3  }
0xc1: {  	[dreg:$0x1] =	wrdreg $0xFFFFFFFF  }
0xc2: {  	_ =	task.clear_ibuf [dreg:s7], $0x2FFFF;
	_ =	strace $0x9FFFFFFF  }
0xc3: {  	(tm) =	ssettm $0x7FFFFFFF  }
tec
execute0_lowered:
.L_overlay_start_1:
0x0: {  	(tag) =	ssettag $0x1  }
0x1: {  	s0 =	rddreg [dreg:$0x0]  }
0x2: {  	s6 =	rddreg [dreg:$0x1]  }
0x3: {  	s1 =	rddreg [dreg:$0x2];
	s18 =	stileid.u32  }
0x4: {  	s2 =	simm.s32 $0x0;
	s3 =	srdreg.scid;
	s16 =	smul.u32 $0x5A000, s18  }
0x5: {  	[smem:$0x7FF] =	sst s2;
	s11 =	smul.u32 $0x16800, s18  }
0x6: {  	s7 =	sand.u32 $0x1, s3;
	s4 =	sadd.s32 $0x1000, s0;
	s26 =	smul.u32 $0x4F0, s18  }
0x7: {  	s12 =	sadd.s32 $0x36E00, s0;
	s8 =	smul.u32 $0x4F00, s7;
	s5 =	ssub.s32 $0x2, s7  }
0x8: {  	_ =	strace $0x8000004A;
	s7 =	smul.u32 $0x168000, s7;
	s10 =	sshrl.u32 s5, $0x1  }
0x9: {  	s3 =	sshrl.u32 s16, $0x2;
	s22 =	sadd.s32 $0x4800, s11;
	s13 =	sadd.s32 $0x9000, s11  }
0xa: {  	s14 =	sadd.s32 $0xD800, s11;
	s15 =	sadd.s32 $0x12000, s11;
	s9 =	sadd.s32 s8, s0  }
0xb: {  	s0 =	ssub.s32 s5, s10;
	s3 =	sadd.s32 s3, s1;
	s5 =	sadd.s32 s11, s1  }
0xc: {  	s11 =	sadd.s32 s11, s7;
	s16 =	sadd.s32 s7, s22;
	s17 =	sadd.s32 $0x900, s3  }
0xd: {  	s25 =	sadd.s32 s7, s14;
	s19 =	sadd.s32 $0x1200, s3;
	[dreg:$0x4] =	wrdreg s17  }
0xe: {  	s6 =	sadd.s32 s8, s6;
	s20 =	sadd.s32 $0x1B00, s3;
	[dreg:$0x5] =	wrdreg s19  }
0xf: {  	s21 =	sadd.s32 $0x2400, s3;
	s11 =	sshrl.u32 s11, $0x3;
	[dreg:$0x6] =	wrdreg s20  }
0x10: {  	s16 =	sshrl.u32 s16, $0x3;
	s18 =	sadd.s32 $0x5100, s3;
	[dreg:$0x7] =	wrdreg s21  }
0x11: {  	s8 =	sadd.s32 $0x7E00, s3;
	s10 =	sadd.s32 $0x9900, s3;
	[dreg:$0x10] =	wrdreg s18  }
0x12: {  	s28 =	sadd.s32 $0x15600, s3;
	s29 =	sadd.s32 $0x15F00, s3;
	[dreg:$0x15] =	wrdreg s8  }
0x13: {  	s17 =	sadd.s32 s7, s13;
	s11 =	sadd.s32 s12, s11;
	[dreg:$0x17] =	wrdreg s10  }
0x14: {  	s23 =	sadd.s32 s12, s16;
	s7 =	sadd.s32 s7, s15;
	[dreg:$0x8] =	wrdreg s11  }
0x15: {  	s16 =	sadd.s32 $0x3F00, s3;
	s19 =	sadd.s32 s22, s1;
	[dreg:$0x9] =	wrdreg s23  }
0x16: {  	s20 =	sadd.s32 s13, s1;
	s13 =	sadd.s32 $0xB400, s3;
	[dreg:$0xf] =	wrdreg s16  }
0x17: {  	s21 =	sadd.s32 s14, s1;
	s14 =	sadd.s32 $0xBD00, s3;
	[dreg:$0x1a] =	wrdreg s13  }
0x18: {  	s22 =	sadd.s32 s15, s1;
	s15 =	sadd.s32 $0xC600, s3;
	[dreg:$0x1b] =	wrdreg s14  }
0x19: {  	s30 =	smax.u32 s0, $0x1;
	s18 =	sadd.s32 $0xE100, s3;
	[dreg:$0x1c] =	wrdreg s15  }
0x1a: {  	s0 =	simm.s32 $0x4900;
	s23 =	sadd.s32 $0x5A00, s3;
	[dreg:$0x1e] =	wrdreg s18  }
0x1b: {  	s24 =	sshrl.u32 s17, $0x3;
	s16 =	sadd.s32 $0xCF00, s3;
	[dreg:$0x11] =	wrdreg s23  }
0x1c: {  	s7 =	sshrl.u32 s7, $0x3;
	s11 =	sadd.s32 s12, s24;
	[dreg:$0x1d] =	wrdreg s16  }
0x1d: {  	s8 =	simm.s32 $0x1;
	s7 =	sadd.s32 s12, s7;
	[dreg:$0xa] =	wrdreg s11  }
0x1e: {  	s17 =	sadd.s32 s26, s6;
	s24 =	sadd.s32 $0x6300, s3;
	[dreg:$0xc] =	wrdreg s7  }
0x1f: {  	s15 =	sadd.s32 $0x10E00, s3;
	s23 =	sadd.s32 $0xEA00, s3;
	[dreg:$0x12] =	wrdreg s24  }
0x20: {  	s11 =	sshrl.u32 s25, $0x3;
	s25 =	sadd.s32 $0x6C00, s3;
	[dreg:$0x1f] =	wrdreg s23  }
0x21: {  	s7 =	sadd.s32 s26, s9;
	s26 =	sadd.s32 $0x7500, s3;
	[dreg:$0x13] =	wrdreg s25  }
0x22: {  	s18 =	sadd.s32 $0x12900, s3;
	s9 =	sadd.s32 $0x8700, s3;
	[dreg:$0x14] =	wrdreg s26  }
0x23: {  	s6 =	simm.s32 $0x80;
	s24 =	sadd.s32 $0xF300, s3;
	[dreg:$0x16] =	wrdreg s9  }
0x24: {  	s16 =	sadd.s32 $0x11700, s3;
	s11 =	sadd.s32 s12, s11;
	[smem:$0x7FB] =	sst s24  }
0x25: {  	s23 =	sadd.s32 $0x13200, s3;
	s12 =	sadd.s32 $0x3600, s3;
	[dreg:$0xb] =	wrdreg s11  }
0x26: {  	s25 =	sadd.s32 $0xFC00, s3;
	s26 =	sadd.s32 $0x10500, s3;
	[dreg:$0xe] =	wrdreg s12  }
0x27: {  	s24 =	sadd.s32 $0x13B00, s3;
	s31 =	sadd.s32 $0x2D000, s7;
	[smem:$0x7FC] =	sst s25  }
0x28: {  	s7 =	simm.s32 $0x100;
	s11 =	sadd.s32 $0x2D00, s3;
	[smem:$0x7FD] =	sst s26  }
0x29: {  	s9 =	simm.s32 $0x0;
	s12 =	sadd.s32 $0xAB00, s3;
	[dreg:$0xd] =	wrdreg s11  }
0x2a: {  	s25 =	sadd.s32 $0x14400, s3;
	s11 =	sadd.s32 $0xA200, s3;
	[dreg:$0x19] =	wrdreg s12  }
0x2b: {  	v0 =	vimm.f32 $0.0e+00;
	s26 =	sadd.s32 $0x14D00, s3;
	s3 =	simm.s32 $0x2;
	[dreg:$0x18] =	wrdreg s11  }
.LBB2_1:
0x2c: {  	[tilespmem:$0x4900] =	vst v0  }
0x2d: {  	[tilespmem:$0x4910] =	vst v0  }
0x2e: {  	[tilespmem:$0x4920] =	vst v0  }
0x2f: {  	[tilespmem:$0x4930] =	vst v0  }
0x30: {  	[tilespmem:$0x4940] =	vst v0  }
0x31: {  	[tilespmem:$0x4950] =	vst v0  }
0x32: {  	[tilespmem:$0x4960] =	vst v0  }
0x33: {  	[tilespmem:$0x4970] =	vst v0  }
0x34: {  	[tilespmem:$0x4980] =	vst v0  }
0x35: {  	[tilespmem:$0x4990] =	vst v0  }
0x36: {  	[tilespmem:$0x49A0] =	vst v0  }
0x37: {  	[tilespmem:$0x49B0] =	vst v0  }
0x38: {  	[tilespmem:$0x49C0] =	vst v0  }
0x39: {  	[tilespmem:$0x49D0] =	vst v0  }
0x3a: {  	[tilespmem:$0x49E0] =	vst v0  }
0x3b: {  	[tilespmem:$0x49F0] =	vst v0  }
0x3c: {  	[tilespmem:$0x4A00] =	vst v0  }
0x3d: {  	[tilespmem:$0x4A10] =	vst v0  }
0x3e: {  	[tilespmem:$0x4A20] =	vst v0  }
0x3f: {  	[tilespmem:$0x4A30] =	vst v0  }
0x40: {  	[tilespmem:$0x4A40] =	vst v0  }
0x41: {  	[tilespmem:$0x4A50] =	vst v0  }
0x42: {  	[tilespmem:$0x4A60] =	vst v0  }
0x43: {  	[tilespmem:$0x4A70] =	vst v0  }
0x44: {  	[tilespmem:$0x4A80] =	vst v0  }
0x45: {  	[tilespmem:$0x4A90] =	vst v0  }
0x46: {  	[tilespmem:$0x4AA0] =	vst v0  }
0x47: {  	[tilespmem:$0x4AB0] =	vst v0  }
0x48: {  	[tilespmem:$0x4AC0] =	vst v0  }
0x49: {  	[tilespmem:$0x4AD0] =	vst v0  }
0x4a: {  	[tilespmem:$0x4AE0] =	vst v0  }
0x4b: {  	[tilespmem:$0x4AF0] =	vst v0  }
0x4c: {  	[tilespmem:$0x4B00] =	vst v0  }
0x4d: {  	[tilespmem:$0x4B10] =	vst v0  }
0x4e: {  	[tilespmem:$0x4B20] =	vst v0  }
0x4f: {  	[tilespmem:$0x4B30] =	vst v0  }
0x50: {  	[tilespmem:$0x4B40] =	vst v0  }
0x51: {  	[tilespmem:$0x4B50] =	vst v0  }
0x52: {  	[tilespmem:$0x4B60] =	vst v0  }
0x53: {  	[tilespmem:$0x4B70] =	vst v0  }
0x54: {  	[tilespmem:$0x4B80] =	vst v0  }
0x55: {  	[tilespmem:$0x4B90] =	vst v0  }
0x56: {  	[tilespmem:$0x4BA0] =	vst v0  }
0x57: {  	[tilespmem:$0x4BB0] =	vst v0  }
0x58: {  	[tilespmem:$0x4BC0] =	vst v0  }
0x59: {  	[tilespmem:$0x4BD0] =	vst v0  }
0x5a: {  	[tilespmem:$0x4BE0] =	vst v0  }
0x5b: {  	[tilespmem:$0x4BF0] =	vst v0  }
0x5c: {  	[tilespmem:$0x4C00] =	vst v0  }
0x5d: {  	[tilespmem:$0x4C10] =	vst v0  }
0x5e: {  	[tilespmem:$0x4C20] =	vst v0  }
0x5f: {  	[tilespmem:$0x4C30] =	vst v0  }
0x60: {  	[tilespmem:$0x4C40] =	vst v0  }
0x61: {  	[tilespmem:$0x4C50] =	vst v0  }
0x62: {  	[tilespmem:$0x4C60] =	vst v0  }
0x63: {  	[tilespmem:$0x4C70] =	vst v0  }
0x64: {  	[tilespmem:$0x4C80] =	vst v0  }
0x65: {  	[tilespmem:$0x4C90] =	vst v0  }
0x66: {  	[tilespmem:$0x4CA0] =	vst v0  }
0x67: {  	[tilespmem:$0x4CB0] =	vst v0  }
0x68: {  	[tilespmem:$0x4CC0] =	vst v0  }
0x69: {  	[tilespmem:$0x4CD0] =	vst v0  }
0x6a: {  	[tilespmem:$0x4CE0] =	vst v0  }
0x6b: {  	[tilespmem:$0x4CF0] =	vst v0  }
0x6c: {  	[tilespmem:$0x4D00] =	vst v0  }
0x6d: {  	[tilespmem:$0x4D10] =	vst v0  }
0x6e: {  	[tilespmem:$0x4D20] =	vst v0  }
0x6f: {  	[tilespmem:$0x4D30] =	vst v0  }
0x70: {  	[tilespmem:$0x4D40] =	vst v0  }
0x71: {  	[tilespmem:$0x4D50] =	vst v0  }
0x72: {  	[tilespmem:$0x4D60] =	vst v0  }
0x73: {  	[tilespmem:$0x4D70] =	vst v0  }
0x74: {  	[tilespmem:$0x4D80] =	vst v0  }
0x75: {  	[tilespmem:$0x4D90] =	vst v0  }
0x76: {  	[tilespmem:$0x4DA0] =	vst v0  }
0x77: {  	[tilespmem:$0x4DB0] =	vst v0  }
0x78: {  	[tilespmem:$0x4DC0] =	vst v0  }
0x79: {  	[tilespmem:$0x4DD0] =	vst v0  }
0x7a: {  	[tilespmem:$0x4DE0] =	vst v0  }
0x7b: {  	[tilespmem:$0x4DF0] =	vst v0  }
0x7c: {  	[tilespmem:$0x4E00] =	vst v0  }
0x7d: {  	[tilespmem:$0x4E10] =	vst v0  }
0x7e: {  	[tilespmem:$0x4E20] =	vst v0  }
0x7f: {  	[tilespmem:$0x4E30] =	vst v0  }
0x80: {  	[tilespmem:$0x4E40] =	vst v0  }
0x81: {  	[tilespmem:$0x4E50] =	vst v0  }
0x82: {  	[tilespmem:$0x4E60] =	vst v0  }
0x83: {  	[tilespmem:$0x4E70] =	vst v0  }
0x84: {  	[tilespmem:$0x4E80] =	vst v0  }
0x85: {  	[tilespmem:$0x4E90] =	vst v0  }
0x86: {  	[tilespmem:$0x4EA0] =	vst v0  }
0x87: {  	[tilespmem:$0x4EB0] =	vst v0  }
0x88: {  	[tilespmem:$0x4EC0] =	vst v0  }
0x89: {  	[tilespmem:$0x4ED0] =	vst v0  }
0x8a: {  	[tilespmem:$0x4EE0] =	vst v0  }
0x8b: {  	[tilespmem:$0x4EF0] =	vst v0  }
0x8c: {  	[tilespmem:$0x4F00] =	vst v0  }
0x8d: {  	[tilespmem:$0x4F10] =	vst v0  }
0x8e: {  	[tilespmem:$0x4F20] =	vst v0  }
0x8f: {  	[tilespmem:$0x4F30] =	vst v0  }
0x90: {  	[tilespmem:$0x4F40] =	vst v0  }
0x91: {  	[tilespmem:$0x4F50] =	vst v0  }
0x92: {  	[tilespmem:$0x4F60] =	vst v0  }
0x93: {  	[tilespmem:$0x4F70] =	vst v0  }
0x94: {  	[tilespmem:$0x4F80] =	vst v0  }
0x95: {  	[tilespmem:$0x4F90] =	vst v0  }
0x96: {  	[tilespmem:$0x4FA0] =	vst v0  }
0x97: {  	[tilespmem:$0x4FB0] =	vst v0  }
0x98: {  	[tilespmem:$0x4FC0] =	vst v0  }
0x99: {  	[tilespmem:$0x4FD0] =	vst v0  }
0x9a: {  	[tilespmem:$0x4FE0] =	vst v0  }
0x9b: {  	[tilespmem:$0x4FF0] =	vst v0  }
0x9c: {  	[tilespmem:$0x5000] =	vst v0  }
0x9d: {  	[tilespmem:$0x5010] =	vst v0  }
0x9e: {  	[tilespmem:$0x5020] =	vst v0  }
0x9f: {  	[tilespmem:$0x5030] =	vst v0  }
0xa0: {  	[tilespmem:$0x5040] =	vst v0  }
0xa1: {  	[tilespmem:$0x5050] =	vst v0  }
0xa2: {  	[tilespmem:$0x5060] =	vst v0  }
0xa3: {  	[tilespmem:$0x5070] =	vst v0  }
0xa4: {  	[tilespmem:$0x5080] =	vst v0  }
0xa5: {  	[tilespmem:$0x5090] =	vst v0  }
0xa6: {  	[tilespmem:$0x50A0] =	vst v0  }
0xa7: {  	[tilespmem:$0x50B0] =	vst v0  }
0xa8: {  	[tilespmem:$0x50C0] =	vst v0  }
0xa9: {  	[tilespmem:$0x50D0] =	vst v0  }
0xaa: {  	[tilespmem:$0x50E0] =	vst v0  }
0xab: {  	[tilespmem:$0x50F0] =	vst v0  }
0xac: {  	[tilespmem:$0x5100] =	vst v0  }
0xad: {  	[tilespmem:$0x5110] =	vst v0  }
0xae: {  	[tilespmem:$0x5120] =	vst v0  }
0xaf: {  	[tilespmem:$0x5130] =	vst v0  }
0xb0: {  	[tilespmem:$0x5140] =	vst v0  }
0xb1: {  	[tilespmem:$0x5150] =	vst v0  }
0xb2: {  	[tilespmem:$0x5160] =	vst v0  }
0xb3: {  	[tilespmem:$0x5170] =	vst v0  }
0xb4: {  	[tilespmem:$0x5180] =	vst v0  }
0xb5: {  	[tilespmem:$0x5190] =	vst v0  }
0xb6: {  	[tilespmem:$0x51A0] =	vst v0  }
0xb7: {  	[tilespmem:$0x51B0] =	vst v0  }
0xb8: {  	[tilespmem:$0x51C0] =	vst v0  }
0xb9: {  	[tilespmem:$0x51D0] =	vst v0  }
0xba: {  	[tilespmem:$0x51E0] =	vst v0  }
0xbb: {  	[tilespmem:$0x51F0] =	vst v0  }
0xbc: {  	[spmem:s5] =	stream.linear.scatter [tilespmem:s0], [sflag:$0x2], $0x900, $0x38;
	[tilespmem:$0x1BA00] =	vst v63  }
0xbd: {  	_ =	swait.ge [sflag:s3], $0x900  }
0xbe: {  	[sflag:s3] =	ssyncset.done $0x0  }
0xbf: {  	s10 =	rddreg [dreg:$0x4];
	[sflag:s3] =	ssyncadd.s32 $0xFFFFF700  }
0xc0: {  	[spmem:s10] =	stream.linear.scatter [tilespmem:s0], [sflag:$0x2], $0x900, $0x38;
	[tilespmem:$0x1BA00] =	vst v63  }
0xc1: {  	_ =	swait.ge [sflag:s3], $0x900  }
0xc2: {  	[sflag:s3] =	ssyncset.done $0x0  }
0xc3: {  	s12 =	rddreg [dreg:$0x5];
	[sflag:s3] =	ssyncadd.s32 $0xFFFFF700  }
0xc4: {  	[spmem:s12] =	stream.linear.scatter [tilespmem:s0], [sflag:$0x2], $0x900, $0x38;
	[tilespmem:$0x1BA00] =	vst v63  }
0xc5: {  	_ =	swait.ge [sflag:s3], $0x900  }
0xc6: {  	[sflag:s3] =	ssyncset.done $0x0  }
0xc7: {  	s13 =	rddreg [dreg:$0x6];
	[sflag:s3] =	ssyncadd.s32 $0xFFFFF700  }
0xc8: {  	[spmem:s13] =	stream.linear.scatter [tilespmem:s0], [sflag:$0x2], $0x900, $0x38;
	[tilespmem:$0x1BA00] =	vst v63  }
0xc9: {  	_ =	swait.ge [sflag:s3], $0x900  }
0xca: {  	[sflag:s3] =	ssyncset.done $0x0  }
0xcb: {  	s14 =	rddreg [dreg:$0x7];
	[sflag:s3] =	ssyncadd.s32 $0xFFFFF700  }
0xcc: {  	[spmem:s14] =	stream.linear.scatter [tilespmem:s0], [sflag:$0x2], $0x900, $0x38;
	[tilespmem:$0x1BA00] =	vst v63  }
0xcd: {  	_ =	swait.ge [sflag:s3], $0x900  }
0xce: {  	[sflag:s3] =	ssyncset.done $0x0  }
0xcf: {  	s11 =	rddreg [dreg:$0xd];
	[sflag:s3] =	ssyncadd.s32 $0xFFFFF700  }
0xd0: {  	[spmem:s11] =	stream.linear.scatter [tilespmem:s0], [sflag:$0x2], $0x900, $0x38;
	[tilespmem:$0x1BA00] =	vst v63  }
0xd1: {  	_ =	swait.ge [sflag:s3], $0x900  }
0xd2: {  	[sflag:s3] =	ssyncset.done $0x0  }
0xd3: {  	s12 =	rddreg [dreg:$0xe];
	[sflag:s3] =	ssyncadd.s32 $0xFFFFF700  }
0xd4: {  	[spmem:s12] =	stream.linear.scatter [tilespmem:s0], [sflag:$0x2], $0x900, $0x38;
	[tilespmem:$0x1BA00] =	vst v63  }
0xd5: {  	_ =	swait.ge [sflag:s3], $0x900  }
0xd6: {  	[sflag:s3] =	ssyncset.done $0x0  }
0xd7: {  	s13 =	rddreg [dreg:$0xf];
	[sflag:s3] =	ssyncadd.s32 $0xFFFFF700  }
0xd8: {  	[spmem:s13] =	stream.linear.scatter [tilespmem:s0], [sflag:$0x2], $0x900, $0x38;
	[tilespmem:$0x1BA00] =	vst v63  }
0xd9: {  	_ =	swait.ge [sflag:s3], $0x900  }
0xda: {  	[sflag:s3] =	ssyncset.done $0x0  }
0xdb: {  	[sflag:s3] =	ssyncadd.s32 $0xFFFFF700  }
0xdc: {  	[spmem:s19] =	stream.linear.scatter [tilespmem:s0], [sflag:$0x2], $0x900, $0x38;
	[tilespmem:$0x1BA00] =	vst v63  }
0xdd: {  	_ =	swait.ge [sflag:s3], $0x900  }
0xde: {  	[sflag:s3] =	ssyncset.done $0x0  }
0xdf: {  	s14 =	rddreg [dreg:$0x10];
	[sflag:s3] =	ssyncadd.s32 $0xFFFFF700  }
0xe0: {  	[spmem:s14] =	stream.linear.scatter [tilespmem:s0], [sflag:$0x2], $0x900, $0x38;
	[tilespmem:$0x1BA00] =	vst v63  }
0xe1: {  	_ =	swait.ge [sflag:s3], $0x900  }
0xe2: {  	[sflag:s3] =	ssyncset.done $0x0  }
0xe3: {  	s11 =	rddreg [dreg:$0x11];
	[sflag:s3] =	ssyncadd.s32 $0xFFFFF700  }
0xe4: {  	[spmem:s11] =	stream.linear.scatter [tilespmem:s0], [sflag:$0x2], $0x900, $0x38;
	[tilespmem:$0x1BA00] =	vst v63  }
0xe5: {  	_ =	swait.ge [sflag:s3], $0x900  }
0xe6: {  	[sflag:s3] =	ssyncset.done $0x0  }
0xe7: {  	s12 =	rddreg [dreg:$0x12];
	[sflag:s3] =	ssyncadd.s32 $0xFFFFF700  }
0xe8: {  	[spmem:s12] =	stream.linear.scatter [tilespmem:s0], [sflag:$0x2], $0x900, $0x38;
	[tilespmem:$0x1BA00] =	vst v63  }
0xe9: {  	_ =	swait.ge [sflag:s3], $0x900  }
0xea: {  	[sflag:s3] =	ssyncset.done $0x0  }
0xeb: {  	s13 =	rddreg [dreg:$0x13];
	[sflag:s3] =	ssyncadd.s32 $0xFFFFF700  }
0xec: {  	[spmem:s13] =	stream.linear.scatter [tilespmem:s0], [sflag:$0x2], $0x900, $0x38;
	[tilespmem:$0x1BA00] =	vst v63  }
0xed: {  	_ =	swait.ge [sflag:s3], $0x900  }
0xee: {  	[sflag:s3] =	ssyncset.done $0x0  }
0xef: {  	s14 =	rddreg [dreg:$0x14];
	[sflag:s3] =	ssyncadd.s32 $0xFFFFF700  }
0xf0: {  	[spmem:s14] =	stream.linear.scatter [tilespmem:s0], [sflag:$0x2], $0x900, $0x38;
	[tilespmem:$0x1BA00] =	vst v63  }
0xf1: {  	_ =	swait.ge [sflag:s3], $0x900  }
0xf2: {  	[sflag:s3] =	ssyncset.done $0x0  }
0xf3: {  	s11 =	rddreg [dreg:$0x15];
	[sflag:s3] =	ssyncadd.s32 $0xFFFFF700  }
0xf4: {  	[spmem:s11] =	stream.linear.scatter [tilespmem:s0], [sflag:$0x2], $0x900, $0x38;
	[tilespmem:$0x1BA00] =	vst v63  }
0xf5: {  	_ =	swait.ge [sflag:s3], $0x900  }
0xf6: {  	[sflag:s3] =	ssyncset.done $0x0  }
0xf7: {  	s12 =	rddreg [dreg:$0x16];
	[sflag:s3] =	ssyncadd.s32 $0xFFFFF700  }
0xf8: {  	[spmem:s12] =	stream.linear.scatter [tilespmem:s0], [sflag:$0x2], $0x900, $0x38;
	[tilespmem:$0x1BA00] =	vst v63  }
0xf9: {  	_ =	swait.ge [sflag:s3], $0x900  }
0xfa: {  	[sflag:s3] =	ssyncset.done $0x0  }
0xfb: {  	[sflag:s3] =	ssyncadd.s32 $0xFFFFF700  }
0xfc: {  	[spmem:s20] =	stream.linear.scatter [tilespmem:s0], [sflag:$0x2], $0x900, $0x38;
	[tilespmem:$0x1BA00] =	vst v63  }
0xfd: {  	_ =	swait.ge [sflag:s3], $0x900  }
0xfe: {  	[sflag:s3] =	ssyncset.done $0x0  }
0xff: {  	s13 =	rddreg [dreg:$0x17];
	[sflag:s3] =	ssyncadd.s32 $0xFFFFF700  }
0x100: {  	[spmem:s13] =	stream.linear.scatter [tilespmem:s0], [sflag:$0x2], $0x900, $0x38;
	[tilespmem:$0x1BA00] =	vst v63  }
0x101: {  	_ =	swait.ge [sflag:s3], $0x900  }
0x102: {  	[sflag:s3] =	ssyncset.done $0x0  }
0x103: {  	s14 =	rddreg [dreg:$0x18];
	[sflag:s3] =	ssyncadd.s32 $0xFFFFF700  }
0x104: {  	[spmem:s14] =	stream.linear.scatter [tilespmem:s0], [sflag:$0x2], $0x900, $0x38;
	[tilespmem:$0x1BA00] =	vst v63  }
0x105: {  	_ =	swait.ge [sflag:s3], $0x900  }
0x106: {  	[sflag:s3] =	ssyncset.done $0x0  }
0x107: {  	s11 =	rddreg [dreg:$0x19];
	[sflag:s3] =	ssyncadd.s32 $0xFFFFF700  }
0x108: {  	[spmem:s11] =	stream.linear.scatter [tilespmem:s0], [sflag:$0x2], $0x900, $0x38;
	[tilespmem:$0x1BA00] =	vst v63  }
0x109: {  	_ =	swait.ge [sflag:s3], $0x900  }
0x10a: {  	[sflag:s3] =	ssyncset.done $0x0  }
0x10b: {  	s12 =	rddreg [dreg:$0x1a];
	[sflag:s3] =	ssyncadd.s32 $0xFFFFF700  }
0x10c: {  	[spmem:s12] =	stream.linear.scatter [tilespmem:s0], [sflag:$0x2], $0x900, $0x38;
	[tilespmem:$0x1BA00] =	vst v63  }
0x10d: {  	_ =	swait.ge [sflag:s3], $0x900  }
0x10e: {  	[sflag:s3] =	ssyncset.done $0x0  }
0x10f: {  	s13 =	rddreg [dreg:$0x1b];
	[sflag:s3] =	ssyncadd.s32 $0xFFFFF700  }
0x110: {  	[spmem:s13] =	stream.linear.scatter [tilespmem:s0], [sflag:$0x2], $0x900, $0x38;
	[tilespmem:$0x1BA00] =	vst v63  }
0x111: {  	_ =	swait.ge [sflag:s3], $0x900  }
0x112: {  	[sflag:s3] =	ssyncset.done $0x0  }
0x113: {  	s14 =	rddreg [dreg:$0x1c];
	[sflag:s3] =	ssyncadd.s32 $0xFFFFF700  }
0x114: {  	[spmem:s14] =	stream.linear.scatter [tilespmem:s0], [sflag:$0x2], $0x900, $0x38;
	[tilespmem:$0x1BA00] =	vst v63  }
0x115: {  	_ =	swait.ge [sflag:s3], $0x900  }
0x116: {  	[sflag:s3] =	ssyncset.done $0x0  }
0x117: {  	s11 =	rddreg [dreg:$0x1d];
	[sflag:s3] =	ssyncadd.s32 $0xFFFFF700  }
0x118: {  	[spmem:s11] =	stream.linear.scatter [tilespmem:s0], [sflag:$0x2], $0x900, $0x38;
	[tilespmem:$0x1BA00] =	vst v63  }
0x119: {  	_ =	swait.ge [sflag:s3], $0x900  }
0x11a: {  	[sflag:s3] =	ssyncset.done $0x0  }
0x11b: {  	[sflag:s3] =	ssyncadd.s32 $0xFFFFF700  }
0x11c: {  	[spmem:s21] =	stream.linear.scatter [tilespmem:s0], [sflag:$0x2], $0x900, $0x38;
	[tilespmem:$0x1BA00] =	vst v63  }
0x11d: {  	_ =	swait.ge [sflag:s3], $0x900  }
0x11e: {  	[sflag:s3] =	ssyncset.done $0x0  }
0x11f: {  	s12 =	rddreg [dreg:$0x1e];
	[sflag:s3] =	ssyncadd.s32 $0xFFFFF700  }
0x120: {  	[spmem:s12] =	stream.linear.scatter [tilespmem:s0], [sflag:$0x2], $0x900, $0x38;
	[tilespmem:$0x1BA00] =	vst v63  }
0x121: {  	_ =	swait.ge [sflag:s3], $0x900  }
0x122: {  	[sflag:s3] =	ssyncset.done $0x0  }
0x123: {  	s13 =	rddreg [dreg:$0x1f];
	[sflag:s3] =	ssyncadd.s32 $0xFFFFF700  }
0x124: {  	[spmem:s13] =	stream.linear.scatter [tilespmem:s0], [sflag:$0x2], $0x900, $0x38;
	[tilespmem:$0x1BA00] =	vst v63  }
0x125: {  	_ =	swait.ge [sflag:s3], $0x900  }
0x126: {  	s14 =	sld [smem:$0x7FB]  }
0x127: {  	[sflag:s3] =	ssyncset.done $0x0  }
0x128: {  	[sflag:s3] =	ssyncadd.s32 $0xFFFFF700  }
0x129: {  	[spmem:s14] =	stream.linear.scatter [tilespmem:s0], [sflag:$0x2], $0x900, $0x38;
	[tilespmem:$0x1BA00] =	vst v63  }
0x12a: {  	_ =	swait.ge [sflag:s3], $0x900  }
0x12b: {  	s11 =	sld [smem:$0x7FC]  }
0x12c: {  	[sflag:s3] =	ssyncset.done $0x0  }
0x12d: {  	[sflag:s3] =	ssyncadd.s32 $0xFFFFF700  }
0x12e: {  	[spmem:s11] =	stream.linear.scatter [tilespmem:s0], [sflag:$0x2], $0x900, $0x38;
	[tilespmem:$0x1BA00] =	vst v63  }
0x12f: {  	_ =	swait.ge [sflag:s3], $0x900  }
0x130: {  	s12 =	sld [smem:$0x7FD]  }
0x131: {  	[sflag:s3] =	ssyncset.done $0x0  }
0x132: {  	[sflag:s3] =	ssyncadd.s32 $0xFFFFF700  }
0x133: {  	[spmem:s12] =	stream.linear.scatter [tilespmem:s0], [sflag:$0x2], $0x900, $0x38;
	[tilespmem:$0x1BA00] =	vst v63  }
0x134: {  	_ =	swait.ge [sflag:s3], $0x900  }
0x135: {  	[sflag:s3] =	ssyncset.done $0x0  }
0x136: {  	[sflag:s3] =	ssyncadd.s32 $0xFFFFF700  }
0x137: {  	[spmem:s15] =	stream.linear.scatter [tilespmem:s0], [sflag:$0x2], $0x900, $0x38;
	[tilespmem:$0x1BA00] =	vst v63  }
0x138: {  	_ =	swait.ge [sflag:s3], $0x900  }
0x139: {  	[sflag:s3] =	ssyncset.done $0x0  }
0x13a: {  	[sflag:s3] =	ssyncadd.s32 $0xFFFFF700  }
0x13b: {  	[spmem:s16] =	stream.linear.scatter [tilespmem:s0], [sflag:$0x2], $0x900, $0x38;
	[tilespmem:$0x1BA00] =	vst v63  }
0x13c: {  	_ =	swait.ge [sflag:s3], $0x900  }
0x13d: {  	[sflag:s3] =	ssyncset.done $0x0  }
0x13e: {  	[sflag:s3] =	ssyncadd.s32 $0xFFFFF700  }
0x13f: {  	[spmem:s22] =	stream.linear.scatter [tilespmem:s0], [sflag:$0x2], $0x900, $0x38;
	[tilespmem:$0x1BA00] =	vst v63  }
0x140: {  	_ =	swait.ge [sflag:s3], $0x900  }
0x141: {  	[sflag:s3] =	ssyncset.done $0x0  }
0x142: {  	[sflag:s3] =	ssyncadd.s32 $0xFFFFF700  }
0x143: {  	[spmem:s18] =	stream.linear.scatter [tilespmem:s0], [sflag:$0x2], $0x900, $0x38;
	[tilespmem:$0x1BA00] =	vst v63  }
0x144: {  	_ =	swait.ge [sflag:s3], $0x900  }
0x145: {  	[sflag:s3] =	ssyncset.done $0x0  }
0x146: {  	[sflag:s3] =	ssyncadd.s32 $0xFFFFF700  }
0x147: {  	[spmem:s23] =	stream.linear.scatter [tilespmem:s0], [sflag:$0x2], $0x900, $0x38;
	[tilespmem:$0x1BA00] =	vst v63  }
0x148: {  	_ =	swait.ge [sflag:s3], $0x900  }
0x149: {  	[sflag:s3] =	ssyncset.done $0x0  }
0x14a: {  	[sflag:s3] =	ssyncadd.s32 $0xFFFFF700  }
0x14b: {  	[spmem:s24] =	stream.linear.scatter [tilespmem:s0], [sflag:$0x2], $0x900, $0x38;
	[tilespmem:$0x1BA00] =	vst v63  }
0x14c: {  	_ =	swait.ge [sflag:s3], $0x900  }
0x14d: {  	[sflag:s3] =	ssyncset.done $0x0  }
0x14e: {  	[sflag:s3] =	ssyncadd.s32 $0xFFFFF700  }
0x14f: {  	[spmem:s25] =	stream.linear.scatter [tilespmem:s0], [sflag:$0x2], $0x900, $0x38;
	[tilespmem:$0x1BA00] =	vst v63  }
0x150: {  	_ =	swait.ge [sflag:s3], $0x900  }
0x151: {  	[sflag:s3] =	ssyncset.done $0x0  }
0x152: {  	[sflag:s3] =	ssyncadd.s32 $0xFFFFF700  }
0x153: {  	[spmem:s26] =	stream.linear.scatter [tilespmem:s0], [sflag:$0x2], $0x900, $0x38;
	[tilespmem:$0x1BA00] =	vst v63  }
0x154: {  	_ =	swait.ge [sflag:s3], $0x900  }
0x155: {  	[sflag:s3] =	ssyncset.done $0x0  }
0x156: {  	[sflag:s3] =	ssyncadd.s32 $0xFFFFF700  }
0x157: {  	[spmem:s28] =	stream.linear.scatter [tilespmem:s0], [sflag:$0x2], $0x900, $0x38;
	[tilespmem:$0x1BA00] =	vst v63  }
0x158: {  	_ =	swait.ge [sflag:s3], $0x900  }
0x159: {  	[sflag:s3] =	ssyncset.done $0x0  }
0x15a: {  	[sflag:s3] =	ssyncadd.s32 $0xFFFFF700  }
0x15b: {  	[spmem:s29] =	stream.linear.scatter [tilespmem:s0], [sflag:$0x2], $0x900, $0x38;
	[tilespmem:$0x1BA00] =	vst v63  }
0x15c: {  	_ =	swait.ge [sflag:s3], $0x900  }
0x15d: {  	[sflag:s3] =	ssyncset.done $0x0  }
0x15e: {  	[sflag:s3] =	ssyncadd.s32 $0xFFFFF700  }
0x15f: {  	s13 =	sadd.s32 $0x0, s17;
	[bflag:$0x0] =	sbarrier.arrive $0xFFFF  }
0x160: {  	[tilespmem:s2], [sflag:$0x2] =	stream.linear.gather [hbm4b:s13+s2], $0x80, $0x38;
	[tilespmem:$0x1BA00] =	vst v63  }
0x161: {  	_ =	swait.ge [sflag:s3], $0x80  }
0x162: {  	[sflag:s3] =	ssyncset.done $0x0  }
0x163: {  	s14 =	sadd.s32 $0x0, s31;
	[sflag:s3] =	ssyncadd.s32 $0xFFFFFF80  }
0x164: {  	[tilespmem:s6], [sflag:$0x2] =	stream.linear.gather [hbm4b:s14+s2], $0x80, $0x38;
	[tilespmem:$0x1BA00] =	vst v63  }
0x165: {  	_ =	swait.ge [sflag:s3], $0x80  }
0x166: {  	[sflag:s3] =	ssyncset.done $0x0  }
0x167: {  	[sflag:s3] =	ssyncadd.s32 $0xFFFFFF80  }
0x168: {  	[tilespmem:s7], [sflag:$0x1] =	stream.indirect.gather [hbm4b:s4+s6], $0x90, s2, s6, $0xb8;
	[tilespmem:$0x1BA00] =	vst v63  }
0x169: {  	_ =	swait.ge [sflag:s8], $0x4800  }
0x16a: {  	[sflag:s8] =	ssyncset.done $0x0  }
0x16b: {  	[sflag:s8] =	ssyncadd.s32 $0xFFFFB800  }
0x16c: {  	[spmem:s1] =	stream.indirect.scatter.add.f32 [tilespmem:s7], [sflag:$0x2], $0x90, s6, s6, $0xb8;
	[tilespmem:$0x1BA00] =	vst v63  }
0x16d: {  	_ =	swait.ge [sflag:s3], $0x4800  }
0x16e: {  	s10 =	simm.s32 $0x10;
	s11 =	simm.s32 $0x20;
	[sflag:s3] =	ssyncset.done $0x0  }
.LBB2_2:
0x16f: {  	s12 =	sadd.s32 s10, s17  }
0x170: {  	[sflag:s3] =	ssyncadd.s32 $0xFFFFB800;
	s13 =	smov.u32 s11;
	s14 =	sadd.s32 $0x10, s11  }
0x171: {  	[tilespmem:s2], [sflag:$0x2] =	stream.linear.gather [hbm4b:s12+s2], $0x80, $0x38;
	[tilespmem:$0x1BA00] =	vst v63  }
0x172: {  	p0 =	sne.s32 s11, $0x4E0;
	_ =	swait.ge [sflag:s3], $0x80  }
0x173: {  	[sflag:s3] =	ssyncset.done $0x0  }
0x174: {  	s11 =	sadd.s32 s10, s31;
	s10 =	smov.u32 s13;
	[sflag:s3] =	ssyncadd.s32 $0xFFFFFF80  }
0x175: {  	[tilespmem:s6], [sflag:$0x2] =	stream.linear.gather [hbm4b:s11+s2], $0x80, $0x38;
	[tilespmem:$0x1BA00] =	vst v63  }
0x176: {  	_ =	swait.ge [sflag:s3], $0x80  }
0x177: {  	[sflag:s3] =	ssyncset.done $0x0  }
0x178: {  	[sflag:s3] =	ssyncadd.s32 $0xFFFFFF80  }
0x179: {  	[tilespmem:s7], [sflag:$0x1] =	stream.indirect.gather [hbm4b:s4+s6], $0x90, s2, s6, $0xb8;
	[tilespmem:$0x1BA00] =	vst v63  }
0x17a: {  	_ =	swait.ge [sflag:s8], $0x4800  }
.Ltmp0:
0x17b: {  	[sflag:s8] =	ssyncset.done $0x0;
	(pc) =	sbr.rel @p0 .LBB2_2-.Ltmp0, $4  }
0x17c: {  	[sflag:s8] =	ssyncadd.s32 $0xFFFFB800  }
0x17d: {  	[spmem:s1] =	stream.indirect.scatter.add.f32 [tilespmem:s7], [sflag:$0x2], $0x90, s6, s6, $0xb8;
	[tilespmem:$0x1BA00] =	vst v63  }
0x17e: {  	_ =	swait.ge [sflag:s3], $0x4800  }
0x17f: {  	s11 =	smov.u32 s14;
	[sflag:s3] =	ssyncset.done $0x0  }
0x180: {  	s11 =	sadd.s32 s10, s17;
	[sflag:s3] =	ssyncadd.s32 $0xFFFFB800  }
0x181: {  	[tilespmem:s2], [sflag:$0x2] =	stream.linear.gather [hbm4b:s11+s2], $0x80, $0x38;
	[tilespmem:$0x1BA00] =	vst v63  }
0x182: {  	_ =	swait.ge [sflag:s3], $0x80  }
0x183: {  	[sflag:s3] =	ssyncset.done $0x0  }
0x184: {  	s13 =	sadd.s32 s10, s31;
	[sflag:s3] =	ssyncadd.s32 $0xFFFFFF80  }
0x185: {  	[tilespmem:s6], [sflag:$0x2] =	stream.linear.gather [hbm4b:s13+s2], $0x80, $0x38;
	[tilespmem:$0x1BA00] =	vst v63  }
0x186: {  	_ =	swait.ge [sflag:s3], $0x80  }
0x187: {  	[sflag:s3] =	ssyncset.done $0x0  }
0x188: {  	[sflag:s3] =	ssyncadd.s32 $0xFFFFFF80  }
0x189: {  	[tilespmem:s7], [sflag:$0x1] =	stream.indirect.gather [hbm4b:s4+s6], $0x90, s2, s6, $0xb8;
	[tilespmem:$0x1BA00] =	vst v63  }
0x18a: {  	_ =	swait.ge [sflag:s8], $0x4800  }
0x18b: {  	[sflag:s8] =	ssyncset.done $0x0  }
0x18c: {  	[sflag:s8] =	ssyncadd.s32 $0xFFFFB800  }
0x18d: {  	[spmem:s1] =	stream.indirect.scatter.add.f32 [tilespmem:s7], [sflag:$0x2], $0x90, s6, s6, $0xb8;
	[tilespmem:$0x1BA00] =	vst v63  }
0x18e: {  	_ =	swait.ge [sflag:s3], $0x4800  }
0x18f: {  	[sflag:s3] =	ssyncset.done $0x0  }
0x190: {  	[sflag:s3] =	ssyncadd.s32 $0xFFFFB800  }
0x191: {  	[bflag:$0x0] =	sbarrier.arrive $0xFFFF  }
0x192: {  	[tilespmem:s7], [sflag:$0x2] =	stream.linear.gather [spmem:s5], $0x4800, $0x38;
	[tilespmem:$0x1BA00] =	vst v63  }
0x193: {  	_ =	swait.ge [sflag:s3], $0x4800  }
0x194: {  	[sflag:s3] =	ssyncset.done $0x0  }
0x195: {  	s14 =	rddreg [dreg:$0x8];
	[sflag:s3] =	ssyncadd.s32 $0xFFFFB800  }
0x196: {  	[hbm4b:s14+s2] =	stream.linear.scatter [tilespmem:s7], [sflag:$0x2], $0x4800, $0x38;
	[tilespmem:$0x1BA00] =	vst v63  }
0x197: {  	_ =	swait.ge [sflag:s3], $0x4800  }
0x198: {  	[sflag:s3] =	ssyncset.done $0x0  }
0x199: {  	[sflag:s3] =	ssyncadd.s32 $0xFFFFB800  }
0x19a: {  	[tilespmem:s7], [sflag:$0x2] =	stream.linear.gather [spmem:s19], $0x4800, $0x38;
	[tilespmem:$0x1BA00] =	vst v63  }
0x19b: {  	_ =	swait.ge [sflag:s3], $0x4800  }
0x19c: {  	[sflag:s3] =	ssyncset.done $0x0  }
0x19d: {  	s11 =	rddreg [dreg:$0x9];
	[sflag:s3] =	ssyncadd.s32 $0xFFFFB800  }
0x19e: {  	[hbm4b:s11+s2] =	stream.linear.scatter [tilespmem:s7], [sflag:$0x2], $0x4800, $0x38;
	[tilespmem:$0x1BA00] =	vst v63  }
0x19f: {  	_ =	swait.ge [sflag:s3], $0x4800  }
0x1a0: {  	[sflag:s3] =	ssyncset.done $0x0  }
0x1a1: {  	[sflag:s3] =	ssyncadd.s32 $0xFFFFB800  }
0x1a2: {  	[tilespmem:s7], [sflag:$0x2] =	stream.linear.gather [spmem:s20], $0x4800, $0x38;
	[tilespmem:$0x1BA00] =	vst v63  }
0x1a3: {  	_ =	swait.ge [sflag:s3], $0x4800  }
0x1a4: {  	[sflag:s3] =	ssyncset.done $0x0  }
0x1a5: {  	s12 =	rddreg [dreg:$0xa];
	[sflag:s3] =	ssyncadd.s32 $0xFFFFB800  }
0x1a6: {  	[hbm4b:s12+s2] =	stream.linear.scatter [tilespmem:s7], [sflag:$0x2], $0x4800, $0x38;
	[tilespmem:$0x1BA00] =	vst v63  }
0x1a7: {  	_ =	swait.ge [sflag:s3], $0x4800  }
0x1a8: {  	[sflag:s3] =	ssyncset.done $0x0  }
0x1a9: {  	[sflag:s3] =	ssyncadd.s32 $0xFFFFB800  }
0x1aa: {  	[tilespmem:s7], [sflag:$0x2] =	stream.linear.gather [spmem:s21], $0x4800, $0x38;
	[tilespmem:$0x1BA00] =	vst v63  }
0x1ab: {  	_ =	swait.ge [sflag:s3], $0x4800  }
0x1ac: {  	[sflag:s3] =	ssyncset.done $0x0  }
0x1ad: {  	s13 =	rddreg [dreg:$0xb];
	[sflag:s3] =	ssyncadd.s32 $0xFFFFB800  }
0x1ae: {  	[hbm4b:s13+s2] =	stream.linear.scatter [tilespmem:s7], [sflag:$0x2], $0x4800, $0x38;
	[tilespmem:$0x1BA00] =	vst v63  }
0x1af: {  	_ =	swait.ge [sflag:s3], $0x4800  }
0x1b0: {  	[sflag:s3] =	ssyncset.done $0x0  }
0x1b1: {  	[sflag:s3] =	ssyncadd.s32 $0xFFFFB800  }
0x1b2: {  	[tilespmem:s7], [sflag:$0x2] =	stream.linear.gather [spmem:s22], $0x4800, $0x38;
	[tilespmem:$0x1BA00] =	vst v63  }
0x1b3: {  	s9 =	sadd.s32 $0x1, s9;
	_ =	swait.ge [sflag:s3], $0x4800  }
0x1b4: {  	p0 =	sne.s32 s9, s30;
	[sflag:s3] =	ssyncset.done $0x0  }
.Ltmp1:
0x1b5: {  	s14 =	rddreg [dreg:$0xc];
	[sflag:s3] =	ssyncadd.s32 $0xFFFFB800;
	(pc) =	sbr.rel @p0 .LBB2_1-.Ltmp1, $4  }
0x1b6: {  	[hbm4b:s14+s2] =	stream.linear.scatter [tilespmem:s7], [sflag:$0x2], $0x4800, $0x38;
	[tilespmem:$0x1BA00] =	vst v63  }
0x1b7: {  	_ =	swait.ge [sflag:s3], $0x4800  }
0x1b8: {  	[sflag:s3] =	ssyncset.done $0x0  }
0x1b9: {  	[sflag:s3] =	ssyncadd.s32 $0xFFFFB800  }
0x1ba: {  	_ =	sfence.sel $0x180000  }
0x1bb: {  	[bflag:$0x0] =	sbarrier.arrive $0xFFFF  }
0x1bc: {  	_ =	strace $0x9000004A  }
0x1bd: {  	s0 =	stileid.u32;
	[bflag:$0x2] =	sbarrier.arrive $0xFFFF  }
0x1be: {  	p0 =	sne.s32 s0, $0x0;
	s0 =	rddreg [dreg:$0x3]  }
0x1bf: {  	s0 =	sadd.s32 @!p0 $0x100000, s0  }
0x1c0: {  	[sflag:s0] =	ssyncadd.tile.s32 @!p0 $0x1;
	_ =	shalt  }
.Lfunc_end2:
_tile_overlayer_lowered:
.L_overlay_start_2:
0x1c1: {  	(tag) =	ssettag $0x2  }
0x1c2: {  	s0 =	rddreg [dreg:$0x0];
	s2 =	stileid.u32  }
0x1c3: {  	s1 =	rddreg [dreg:$0x1];
	p0 =	sne.s32 s2, $0x0  }
0x1c4: {  	s3 =	rddreg [dreg:$0x2];
	[bflag:$0x3] =	sbarrier.arrive $0xFFFF;
	s2 =	simm.s32 @!p0 $0x1C02  }
0x1c5: {  	[timem:s3], [sflag:s2] =	dma.local @!p0 [hbm:s0], s1  }
0x1c6: {  	s0 =	simm.s32 @!p0 $0x2  }
0x1c7: {  	_ =	swait.ge @!p0 [sflag:s0], s1  }
0x1c8: {  	s1 =	ssub.s32 @!p0 $0x0, s1;
	[sflag:s0] =	ssyncset.done @!p0 $0x0  }
0x1c9: {  	[sflag:s0] =	ssyncadd.s32 @!p0 s1  }
0x1ca: {  	[bflag:$0x3] =	sbarrier.arrive $0xFFFF  }
0x1cb: {  	_ =	shalt  }

</sc_bundles>
